<compile_context>
chip_gen: v7x
topology: tpu7x:2x2x1
jax: 0.10.2.dev20260603
libtpu: 0.0.44.dev20260713+nightly
codegen_flags: <defaults>
</compile_context>

<pallas_src>
import functools

import jax
import jax.numpy as jnp
from jax import lax
from jax.experimental import pallas as pl
from jax.experimental.pallas import tpu as pltpu
from jax.experimental.pallas import tpu_sc as plsc

BATCH = 16384
HIST = 20
EMBED_DIM = 16
NC = 2
NS = 16
NW = NC * NS
VPW = BATCH // NW
CHUNK_V = 128
CHUNK_ROWS = CHUNK_V * HIST
N_CHUNKS = VPW // CHUNK_V
SEG_COLS = 128
SEG_ROWS = BATCH // SEG_COLS
RPW = VPW // SEG_COLS

_mesh = plsc.VectorSubcoreMesh(core_axis_name="c", subcore_axis_name="s")

_GATHER_DNUMS = lax.GatherDimensionNumbers(
    offset_dims=(), collapsed_slice_dims=(0,), start_index_map=(0,))


def _lane_gather(x, idx):
    return lax.gather(
        x, idx[:, None], _GATHER_DNUMS, (1,),
        mode=lax.GatherScatterMode.PROMISE_IN_BOUNDS)


def _tree_sum(vals):
    while len(vals) > 1:
        nxt = [a + b for a, b in zip(vals[::2], vals[1::2])]
        if len(vals) % 2:
            nxt.append(vals[-1])
        vals = nxt
    return vals[0]


@functools.partial(
    pl.kernel,
    out_type=jax.ShapeDtypeStruct((BATCH, EMBED_DIM), jnp.float32),
    mesh=_mesh,
    scratch_types=[
        pltpu.VMEM((HIST * RPW, SEG_COLS), jnp.int32),
        pltpu.VMEM((CHUNK_ROWS, EMBED_DIM), jnp.float32),
        pltpu.VMEM((CHUNK_ROWS, EMBED_DIM), jnp.float32),
        pltpu.VMEM((VPW, EMBED_DIM), jnp.float32),
        pltpu.SemaphoreType.DMA,
        pltpu.SemaphoreType.DMA,
    ],
    compiler_params=pltpu.CompilerParams(use_tc_tiling_on_sc=False),
)
def _sc_encode(segt_hbm, table_hbm, out_hbm, idx_v, rows_a, rows_b,
               out_v, sem_a, sem_b):
    wid = lax.axis_index("s") * NC + lax.axis_index("c")

    stage = []
    for l in range(HIST):
        cp = pltpu.make_async_copy(
            segt_hbm.at[pl.ds(l * SEG_ROWS + wid * RPW, RPW), :],
            idx_v.at[pl.ds(l * RPW, RPW), :],
            sem_a,
        )
        cp.start()
        stage.append(cp)
    for cp in stage:
        cp.wait()

    bufs = (rows_a, rows_b)
    sems = (sem_a, sem_b)

    def fire(c):
        buf, sem = bufs[c % 2], sems[c % 2]
        cps = []
        for l in range(HIST):
            cp = pltpu.make_async_copy(
                table_hbm.at[idx_v.at[l * RPW + c]],
                buf.at[pl.ds(l * CHUNK_V, CHUNK_V)],
                sem,
            )
            cp.start()
            cps.append(cp)
        return cps

    pending = fire(0)
    for c in range(N_CHUNKS):
        buf = bufs[c % 2]
        drain = pending
        if c + 1 < N_CHUNKS:
            pending = fire(c + 1)
        for cp in drain:
            cp.wait()

        lanes = lax.iota(jnp.int32, 16)

        def voxel_body(v, _, buf=buf, c=c, lanes=lanes):
            acc = _tree_sum([buf[l * CHUNK_V + v] for l in range(HIST)])
            ssv = acc * acc
            for k in (1, 2, 4, 8):
                ssv = ssv + _lane_gather(ssv, lanes ^ k)
            bits = lax.bitcast_convert_type(ssv, jnp.int32)
            bits = jnp.int32(0x5F3759DF) - (bits >> 1)
            y = lax.bitcast_convert_type(bits, jnp.float32)
            half = ssv * 0.5
            for _i in range(3):
                y = y * (1.5 - half * y * y)
            out_v[c * CHUNK_V + v] = acc * y
            return 0

        lax.fori_loop(0, CHUNK_V, voxel_body, 0)

    pltpu.sync_copy(out_v, out_hbm.at[pl.ds(wid * VPW, VPW)])


def kernel(segment_lists, weight):
    seg_t = segment_lists.astype(jnp.int32).T.reshape(HIST * SEG_ROWS,
                                                      SEG_COLS)
    return _sc_encode(seg_t, weight)

# --- scband reference (transcript-rebuilt; emitter-appended) ---
"""Pipeline reference for scband-segment-idencoder-46737834115412 (READ-ONLY COPY).

The authoritative reference and input builder live on the scoring server;
editing this copy changes nothing except your own understanding.
"""

import jax, jax.numpy as jnp
import numpy as np

MAX_SEGMENTS = 100000
EMBED_DIM = 16
BATCH = 16384
HIST = 20

def setup_inputs(seed: int = 0) -> dict:
    key = jax.random.key(seed)
    k1, k2 = jax.random.split(key)
    segment_lists = jax.random.randint(k1, (BATCH, HIST), 0, MAX_SEGMENTS, dtype=jnp.int64 if jax.config.jax_enable_x64 else jnp.int32)
    # learned embedding table, init normal(0, 0.5) per module init
    weight = 0.5 * jax.random.normal(k2, (MAX_SEGMENTS, EMBED_DIM), dtype=jnp.float32)
    return {"segment_lists": segment_lists, "weight": weight}

def reference(segment_lists, weight):
    # Each voxel: gather its segment embeddings, mean-pool, then L2 normalize.
    # segment_lists: int[B, L] (dense equivalent of the list-of-lists input,
    # every voxel has L valid segment IDs)
    seg_embs = jnp.take(weight, segment_lists, axis=0)  # [B, L, D]
    voxel_emb = seg_embs.mean(axis=1)                    # [B, D]
    norm = jnp.linalg.norm(voxel_emb, ord=2, axis=1, keepdims=True)
    normalized = voxel_emb / jnp.maximum(norm, 1e-12)    # F.normalize semantics
    return normalized

if __name__ == "__main__":
    import jax
    _d = setup_inputs()
    print(jax.jit(kernel)(*tuple(_d.values())))

</pallas_src>

<mosaic_0001>
#map = affine_map<(d0, d1) -> (0, 0)>
module attributes {stable_mosaic.version = 14 : i64} {
  func.func @_sc_encode(%arg0: i32, %arg1: i32, %arg2: memref<2560x128xi32, #tpu.memory_space<hbm>>, %arg3: memref<100000x16xf32, #tpu.memory_space<hbm>>, %arg4: memref<16384x16xf32, #tpu.memory_space<hbm>>, %arg5: memref<80x128xi32, #tpu.memory_space<vmem>>, %arg6: memref<2560x16xf32, #tpu.memory_space<vmem>>, %arg7: memref<2560x16xf32, #tpu.memory_space<vmem>>, %arg8: memref<512x16xf32, #tpu.memory_space<vmem>>, %arg9: memref<!tpu.dma_semaphore, #tpu.memory_space<semaphore_mem>>, %arg10: memref<!tpu.dma_semaphore, #tpu.memory_space<semaphore_mem>>) attributes {dimension_semantics = [#tpu.dimension_semantics<core_parallel>, #tpu.dimension_semantics<subcore_parallel>], iteration_bounds = array<i64: 2, 16>, scalar_prefetch = 0 : i64, scratch_operands = 6 : i64, tpu.core_type = #tpu.core_type<sc_vector_subcore>, window_params = [{transform_indices = #map}, {transform_indices = #map}, {transform_indices = #map}]} {
    %mul3A = arith.constant 2 : i32
    %mul3A_0 = arith.muli %arg1, %mul3A : i32
    %add3A = arith.addi %mul3A_0, %arg0 : i32
    %mul3A_1 = arith.constant 4 : i32
    %mul3A_2 = arith.muli %add3A, %mul3A_1 : i32
    %add3A_3 = arith.constant 0 : i32
    %add3A_4 = arith.addi %add3A_3, %mul3A_2 : i32
    %dma_start3A = arith.constant 0 : i32
    %dma_start3A_5 = arith.constant 0 : i32
    %dma_start3A_6 = tpu.memref_slice %arg5[%dma_start3A, %dma_start3A_5] : memref<80x128xi32, #tpu.memory_space<vmem>> -> memref<4x128xi32, #tpu.memory_space<vmem>>
    %dma_start3A_7 = arith.constant 0 : i32
    %dma_start3A_8 = tpu.memref_slice %arg2[%add3A_4, %dma_start3A_7] : memref<2560x128xi32, #tpu.memory_space<hbm>> -> memref<4x128xi32, #tpu.memory_space<hbm>>
    %dma_start3A_9 = arith.constant 0 : i32
    %dma_start3A_10 = arith.constant 0 : i32
    %dma_start3A_11 = tpu.memref_slice %arg5[%dma_start3A_9, %dma_start3A_10] : memref<80x128xi32, #tpu.memory_space<vmem>> -> memref<4x128xi32, #tpu.memory_space<vmem>>
    %dma_start3A_12 = arith.constant 0 : i32
    %dma_start3A_13 = tpu.memref_slice %arg2[%add3A_4, %dma_start3A_12] : memref<2560x128xi32, #tpu.memory_space<hbm>> -> memref<4x128xi32, #tpu.memory_space<hbm>>
    tpu.enqueue_dma source(%dma_start3A_13 : memref<4x128xi32, #tpu.memory_space<hbm>>) target(%dma_start3A_11 : memref<4x128xi32, #tpu.memory_space<vmem>>) target_semaphore(%arg9 : memref<!tpu.dma_semaphore, #tpu.memory_space<semaphore_mem>>)
    %mul3A_14 = arith.constant 4 : i32
    %mul3A_15 = arith.muli %add3A, %mul3A_14 : i32
    %add3A_16 = arith.constant 128 : i32
    %add3A_17 = arith.addi %add3A_16, %mul3A_15 : i32
    %dma_start3A_18 = arith.constant 4 : i32
    %dma_start3A_19 = arith.constant 0 : i32
    %dma_start3A_20 = tpu.memref_slice %arg5[%dma_start3A_18, %dma_start3A_19] : memref<80x128xi32, #tpu.memory_space<vmem>> -> memref<4x128xi32, #tpu.memory_space<vmem>>
    %dma_start3A_21 = arith.constant 0 : i32
    %dma_start3A_22 = tpu.memref_slice %arg2[%add3A_17, %dma_start3A_21] : memref<2560x128xi32, #tpu.memory_space<hbm>> -> memref<4x128xi32, #tpu.memory_space<hbm>>
    %dma_start3A_23 = arith.constant 4 : i32
    %dma_start3A_24 = arith.constant 0 : i32
    %dma_start3A_25 = tpu.memref_slice %arg5[%dma_start3A_23, %dma_start3A_24] : memref<80x128xi32, #tpu.memory_space<vmem>> -> memref<4x128xi32, #tpu.memory_space<vmem>>
    %dma_start3A_26 = arith.constant 0 : i32
    %dma_start3A_27 = tpu.memref_slice %arg2[%add3A_17, %dma_start3A_26] : memref<2560x128xi32, #tpu.memory_space<hbm>> -> memref<4x128xi32, #tpu.memory_space<hbm>>
    tpu.enqueue_dma source(%dma_start3A_27 : memref<4x128xi32, #tpu.memory_space<hbm>>) target(%dma_start3A_25 : memref<4x128xi32, #tpu.memory_space<vmem>>) target_semaphore(%arg9 : memref<!tpu.dma_semaphore, #tpu.memory_space<semaphore_mem>>)
    %mul3A_28 = arith.constant 4 : i32
    %mul3A_29 = arith.muli %add3A, %mul3A_28 : i32
    %add3A_30 = arith.constant 256 : i32
    %add3A_31 = arith.addi %add3A_30, %mul3A_29 : i32
    %dma_start3A_32 = arith.constant 8 : i32
    %dma_start3A_33 = arith.constant 0 : i32
    %dma_start3A_34 = tpu.memref_slice %arg5[%dma_start3A_32, %dma_start3A_33] : memref<80x128xi32, #tpu.memory_space<vmem>> -> memref<4x128xi32, #tpu.memory_space<vmem>>
    %dma_start3A_35 = arith.constant 0 : i32
    %dma_start3A_36 = tpu.memref_slice %arg2[%add3A_31, %dma_start3A_35] : memref<2560x128xi32, #tpu.memory_space<hbm>> -> memref<4x128xi32, #tpu.memory_space<hbm>>
    %dma_start3A_37 = arith.constant 8 : i32
    %dma_start3A_38 = arith.constant 0 : i32
    %dma_start3A_39 = tpu.memref_slice %arg5[%dma_start3A_37, %dma_start3A_38] : memref<80x128xi32, #tpu.memory_space<vmem>> -> memref<4x128xi32, #tpu.memory_space<vmem>>
    %dma_start3A_40 = arith.constant 0 : i32
    %dma_start3A_41 = tpu.memref_slice %arg2[%add3A_31, %dma_start3A_40] : memref<2560x128xi32, #tpu.memory_space<hbm>> -> memref<4x128xi32, #tpu.memory_space<hbm>>
    tpu.enqueue_dma source(%dma_start3A_41 : memref<4x128xi32, #tpu.memory_space<hbm>>) target(%dma_start3A_39 : memref<4x128xi32, #tpu.memory_space<vmem>>) target_semaphore(%arg9 : memref<!tpu.dma_semaphore, #tpu.memory_space<semaphore_mem>>)
    %mul3A_42 = arith.constant 4 : i32
    %mul3A_43 = arith.muli %add3A, %mul3A_42 : i32
    %add3A_44 = arith.constant 384 : i32
    %add3A_45 = arith.addi %add3A_44, %mul3A_43 : i32
    %dma_start3A_46 = arith.constant 12 : i32
    %dma_start3A_47 = arith.constant 0 : i32
    %dma_start3A_48 = tpu.memref_slice %arg5[%dma_start3A_46, %dma_start3A_47] : memref<80x128xi32, #tpu.memory_space<vmem>> -> memref<4x128xi32, #tpu.memory_space<vmem>>
    %dma_start3A_49 = arith.constant 0 : i32
    %dma_start3A_50 = tpu.memref_slice %arg2[%add3A_45, %dma_start3A_49] : memref<2560x128xi32, #tpu.memory_space<hbm>> -> memref<4x128xi32, #tpu.memory_space<hbm>>
    %dma_start3A_51 = arith.constant 12 : i32
    %dma_start3A_52 = arith.constant 0 : i32
    %dma_start3A_53 = tpu.memref_slice %arg5[%dma_start3A_51, %dma_start3A_52] : memref<80x128xi32, #tpu.memory_space<vmem>> -> memref<4x128xi32, #tpu.memory_space<vmem>>
    %dma_start3A_54 = arith.constant 0 : i32
    %dma_start3A_55 = tpu.memref_slice %arg2[%add3A_45, %dma_start3A_54] : memref<2560x128xi32, #tpu.memory_space<hbm>> -> memref<4x128xi32, #tpu.memory_space<hbm>>
    tpu.enqueue_dma source(%dma_start3A_55 : memref<4x128xi32, #tpu.memory_space<hbm>>) target(%dma_start3A_53 : memref<4x128xi32, #tpu.memory_space<vmem>>) target_semaphore(%arg9 : memref<!tpu.dma_semaphore, #tpu.memory_space<semaphore_mem>>)
    %mul3A_56 = arith.constant 4 : i32
    %mul3A_57 = arith.muli %add3A, %mul3A_56 : i32
    %add3A_58 = arith.constant 512 : i32
    %add3A_59 = arith.addi %add3A_58, %mul3A_57 : i32
    %dma_start3A_60 = arith.constant 16 : i32
    %dma_start3A_61 = arith.constant 0 : i32
    %dma_start3A_62 = tpu.memref_slice %arg5[%dma_start3A_60, %dma_start3A_61] : memref<80x128xi32, #tpu.memory_space<vmem>> -> memref<4x128xi32, #tpu.memory_space<vmem>>
    %dma_start3A_63 = arith.constant 0 : i32
    %dma_start3A_64 = tpu.memref_slice %arg2[%add3A_59, %dma_start3A_63] : memref<2560x128xi32, #tpu.memory_space<hbm>> -> memref<4x128xi32, #tpu.memory_space<hbm>>
    %dma_start3A_65 = arith.constant 16 : i32
    %dma_start3A_66 = arith.constant 0 : i32
    %dma_start3A_67 = tpu.memref_slice %arg5[%dma_start3A_65, %dma_start3A_66] : memref<80x128xi32, #tpu.memory_space<vmem>> -> memref<4x128xi32, #tpu.memory_space<vmem>>
    %dma_start3A_68 = arith.constant 0 : i32
    %dma_start3A_69 = tpu.memref_slice %arg2[%add3A_59, %dma_start3A_68] : memref<2560x128xi32, #tpu.memory_space<hbm>> -> memref<4x128xi32, #tpu.memory_space<hbm>>
    tpu.enqueue_dma source(%dma_start3A_69 : memref<4x128xi32, #tpu.memory_space<hbm>>) target(%dma_start3A_67 : memref<4x128xi32, #tpu.memory_space<vmem>>) target_semaphore(%arg9 : memref<!tpu.dma_semaphore, #tpu.memory_space<semaphore_mem>>)
    %mul3A_70 = arith.constant 4 : i32
    %mul3A_71 = arith.muli %add3A, %mul3A_70 : i32
    %add3A_72 = arith.constant 640 : i32
    %add3A_73 = arith.addi %add3A_72, %mul3A_71 : i32
    %dma_start3A_74 = arith.constant 20 : i32
    %dma_start3A_75 = arith.constant 0 : i32
    %dma_start3A_76 = tpu.memref_slice %arg5[%dma_start3A_74, %dma_start3A_75] : memref<80x128xi32, #tpu.memory_space<vmem>> -> memref<4x128xi32, #tpu.memory_space<vmem>>
    %dma_start3A_77 = arith.constant 0 : i32
    %dma_start3A_78 = tpu.memref_slice %arg2[%add3A_73, %dma_start3A_77] : memref<2560x128xi32, #tpu.memory_space<hbm>> -> memref<4x128xi32, #tpu.memory_space<hbm>>
    %dma_start3A_79 = arith.constant 20 : i32
    %dma_start3A_80 = arith.constant 0 : i32
    %dma_start3A_81 = tpu.memref_slice %arg5[%dma_start3A_79, %dma_start3A_80] : memref<80x128xi32, #tpu.memory_space<vmem>> -> memref<4x128xi32, #tpu.memory_space<vmem>>
    %dma_start3A_82 = arith.constant 0 : i32
    %dma_start3A_83 = tpu.memref_slice %arg2[%add3A_73, %dma_start3A_82] : memref<2560x128xi32, #tpu.memory_space<hbm>> -> memref<4x128xi32, #tpu.memory_space<hbm>>
    tpu.enqueue_dma source(%dma_start3A_83 : memref<4x128xi32, #tpu.memory_space<hbm>>) target(%dma_start3A_81 : memref<4x128xi32, #tpu.memory_space<vmem>>) target_semaphore(%arg9 : memref<!tpu.dma_semaphore, #tpu.memory_space<semaphore_mem>>)
    %mul3A_84 = arith.constant 4 : i32
    %mul3A_85 = arith.muli %add3A, %mul3A_84 : i32
    %add3A_86 = arith.constant 768 : i32
    %add3A_87 = arith.addi %add3A_86, %mul3A_85 : i32
    %dma_start3A_88 = arith.constant 24 : i32
    %dma_start3A_89 = arith.constant 0 : i32
    %dma_start3A_90 = tpu.memref_slice %arg5[%dma_start3A_88, %dma_start3A_89] : memref<80x128xi32, #tpu.memory_space<vmem>> -> memref<4x128xi32, #tpu.memory_space<vmem>>
    %dma_start3A_91 = arith.constant 0 : i32
    %dma_start3A_92 = tpu.memref_slice %arg2[%add3A_87, %dma_start3A_91] : memref<2560x128xi32, #tpu.memory_space<hbm>> -> memref<4x128xi32, #tpu.memory_space<hbm>>
    %dma_start3A_93 = arith.constant 24 : i32
    %dma_start3A_94 = arith.constant 0 : i32
    %dma_start3A_95 = tpu.memref_slice %arg5[%dma_start3A_93, %dma_start3A_94] : memref<80x128xi32, #tpu.memory_space<vmem>> -> memref<4x128xi32, #tpu.memory_space<vmem>>
    %dma_start3A_96 = arith.constant 0 : i32
    %dma_start3A_97 = tpu.memref_slice %arg2[%add3A_87, %dma_start3A_96] : memref<2560x128xi32, #tpu.memory_space<hbm>> -> memref<4x128xi32, #tpu.memory_space<hbm>>
    tpu.enqueue_dma source(%dma_start3A_97 : memref<4x128xi32, #tpu.memory_space<hbm>>) target(%dma_start3A_95 : memref<4x128xi32, #tpu.memory_space<vmem>>) target_semaphore(%arg9 : memref<!tpu.dma_semaphore, #tpu.memory_space<semaphore_mem>>)
    %mul3A_98 = arith.constant 4 : i32
    %mul3A_99 = arith.muli %add3A, %mul3A_98 : i32
    %add3A_100 = arith.constant 896 : i32
    %add3A_101 = arith.addi %add3A_100, %mul3A_99 : i32
    %dma_start3A_102 = arith.constant 28 : i32
    %dma_start3A_103 = arith.constant 0 : i32
    %dma_start3A_104 = tpu.memref_slice %arg5[%dma_start3A_102, %dma_start3A_103] : memref<80x128xi32, #tpu.memory_space<vmem>> -> memref<4x128xi32, #tpu.memory_space<vmem>>
    %dma_start3A_105 = arith.constant 0 : i32
    %dma_start3A_106 = tpu.memref_slice %arg2[%add3A_101, %dma_start3A_105] : memref<2560x128xi32, #tpu.memory_space<hbm>> -> memref<4x128xi32, #tpu.memory_space<hbm>>
    %dma_start3A_107 = arith.constant 28 : i32
    %dma_start3A_108 = arith.constant 0 : i32
    %dma_start3A_109 = tpu.memref_slice %arg5[%dma_start3A_107, %dma_start3A_108] : memref<80x128xi32, #tpu.memory_space<vmem>> -> memref<4x128xi32, #tpu.memory_space<vmem>>
    %dma_start3A_110 = arith.constant 0 : i32
    %dma_start3A_111 = tpu.memref_slice %arg2[%add3A_101, %dma_start3A_110] : memref<2560x128xi32, #tpu.memory_space<hbm>> -> memref<4x128xi32, #tpu.memory_space<hbm>>
    tpu.enqueue_dma source(%dma_start3A_111 : memref<4x128xi32, #tpu.memory_space<hbm>>) target(%dma_start3A_109 : memref<4x128xi32, #tpu.memory_space<vmem>>) target_semaphore(%arg9 : memref<!tpu.dma_semaphore, #tpu.memory_space<semaphore_mem>>)
    %mul3A_112 = arith.constant 4 : i32
    %mul3A_113 = arith.muli %add3A, %mul3A_112 : i32
    %add3A_114 = arith.constant 1024 : i32
    %add3A_115 = arith.addi %add3A_114, %mul3A_113 : i32
    %dma_start3A_116 = arith.constant 32 : i32
    %dma_start3A_117 = arith.constant 0 : i32
    %dma_start3A_118 = tpu.memref_slice %arg5[%dma_start3A_116, %dma_start3A_117] : memref<80x128xi32, #tpu.memory_space<vmem>> -> memref<4x128xi32, #tpu.memory_space<vmem>>
    %dma_start3A_119 = arith.constant 0 : i32
    %dma_start3A_120 = tpu.memref_slice %arg2[%add3A_115, %dma_start3A_119] : memref<2560x128xi32, #tpu.memory_space<hbm>> -> memref<4x128xi32, #tpu.memory_space<hbm>>
    %dma_start3A_121 = arith.constant 32 : i32
    %dma_start3A_122 = arith.constant 0 : i32
    %dma_start3A_123 = tpu.memref_slice %arg5[%dma_start3A_121, %dma_start3A_122] : memref<80x128xi32, #tpu.memory_space<vmem>> -> memref<4x128xi32, #tpu.memory_space<vmem>>
    %dma_start3A_124 = arith.constant 0 : i32
    %dma_start3A_125 = tpu.memref_slice %arg2[%add3A_115, %dma_start3A_124] : memref<2560x128xi32, #tpu.memory_space<hbm>> -> memref<4x128xi32, #tpu.memory_space<hbm>>
    tpu.enqueue_dma source(%dma_start3A_125 : memref<4x128xi32, #tpu.memory_space<hbm>>) target(%dma_start3A_123 : memref<4x128xi32, #tpu.memory_space<vmem>>) target_semaphore(%arg9 : memref<!tpu.dma_semaphore, #tpu.memory_space<semaphore_mem>>)
    %mul3A_126 = arith.constant 4 : i32
    %mul3A_127 = arith.muli %add3A, %mul3A_126 : i32
    %add3A_128 = arith.constant 1152 : i32
    %add3A_129 = arith.addi %add3A_128, %mul3A_127 : i32
    %dma_start3A_130 = arith.constant 36 : i32
    %dma_start3A_131 = arith.constant 0 : i32
    %dma_start3A_132 = tpu.memref_slice %arg5[%dma_start3A_130, %dma_start3A_131] : memref<80x128xi32, #tpu.memory_space<vmem>> -> memref<4x128xi32, #tpu.memory_space<vmem>>
    %dma_start3A_133 = arith.constant 0 : i32
    %dma_start3A_134 = tpu.memref_slice %arg2[%add3A_129, %dma_start3A_133] : memref<2560x128xi32, #tpu.memory_space<hbm>> -> memref<4x128xi32, #tpu.memory_space<hbm>>
    %dma_start3A_135 = arith.constant 36 : i32
    %dma_start3A_136 = arith.constant 0 : i32
    %dma_start3A_137 = tpu.memref_slice %arg5[%dma_start3A_135, %dma_start3A_136] : memref<80x128xi32, #tpu.memory_space<vmem>> -> memref<4x128xi32, #tpu.memory_space<vmem>>
    %dma_start3A_138 = arith.constant 0 : i32
    %dma_start3A_139 = tpu.memref_slice %arg2[%add3A_129, %dma_start3A_138] : memref<2560x128xi32, #tpu.memory_space<hbm>> -> memref<4x128xi32, #tpu.memory_space<hbm>>
    tpu.enqueue_dma source(%dma_start3A_139 : memref<4x128xi32, #tpu.memory_space<hbm>>) target(%dma_start3A_137 : memref<4x128xi32, #tpu.memory_space<vmem>>) target_semaphore(%arg9 : memref<!tpu.dma_semaphore, #tpu.memory_space<semaphore_mem>>)
    %mul3A_140 = arith.constant 4 : i32
    %mul3A_141 = arith.muli %add3A, %mul3A_140 : i32
    %add3A_142 = arith.constant 1280 : i32
    %add3A_143 = arith.addi %add3A_142, %mul3A_141 : i32
    %dma_start3A_144 = arith.constant 40 : i32
    %dma_start3A_145 = arith.constant 0 : i32
    %dma_start3A_146 = tpu.memref_slice %arg5[%dma_start3A_144, %dma_start3A_145] : memref<80x128xi32, #tpu.memory_space<vmem>> -> memref<4x128xi32, #tpu.memory_space<vmem>>
    %dma_start3A_147 = arith.constant 0 : i32
    %dma_start3A_148 = tpu.memref_slice %arg2[%add3A_143, %dma_start3A_147] : memref<2560x128xi32, #tpu.memory_space<hbm>> -> memref<4x128xi32, #tpu.memory_space<hbm>>
    %dma_start3A_149 = arith.constant 40 : i32
    %dma_start3A_150 = arith.constant 0 : i32
    %dma_start3A_151 = tpu.memref_slice %arg5[%dma_start3A_149, %dma_start3A_150] : memref<80x128xi32, #tpu.memory_space<vmem>> -> memref<4x128xi32, #tpu.memory_space<vmem>>
    %dma_start3A_152 = arith.constant 0 : i32
    %dma_start3A_153 = tpu.memref_slice %arg2[%add3A_143, %dma_start3A_152] : memref<2560x128xi32, #tpu.memory_space<hbm>> -> memref<4x128xi32, #tpu.memory_space<hbm>>
    tpu.enqueue_dma source(%dma_start3A_153 : memref<4x128xi32, #tpu.memory_space<hbm>>) target(%dma_start3A_151 : memref<4x128xi32, #tpu.memory_space<vmem>>) target_semaphore(%arg9 : memref<!tpu.dma_semaphore, #tpu.memory_space<semaphore_mem>>)
    %mul3A_154 = arith.constant 4 : i32
    %mul3A_155 = arith.muli %add3A, %mul3A_154 : i32
    %add3A_156 = arith.constant 1408 : i32
    %add3A_157 = arith.addi %add3A_156, %mul3A_155 : i32
    %dma_start3A_158 = arith.constant 44 : i32
    %dma_start3A_159 = arith.constant 0 : i32
    %dma_start3A_160 = tpu.memref_slice %arg5[%dma_start3A_158, %dma_start3A_159] : memref<80x128xi32, #tpu.memory_space<vmem>> -> memref<4x128xi32, #tpu.memory_space<vmem>>
    %dma_start3A_161 = arith.constant 0 : i32
    %dma_start3A_162 = tpu.memref_slice %arg2[%add3A_157, %dma_start3A_161] : memref<2560x128xi32, #tpu.memory_space<hbm>> -> memref<4x128xi32, #tpu.memory_space<hbm>>
    %dma_start3A_163 = arith.constant 44 : i32
    %dma_start3A_164 = arith.constant 0 : i32
    %dma_start3A_165 = tpu.memref_slice %arg5[%dma_start3A_163, %dma_start3A_164] : memref<80x128xi32, #tpu.memory_space<vmem>> -> memref<4x128xi32, #tpu.memory_space<vmem>>
    %dma_start3A_166 = arith.constant 0 : i32
    %dma_start3A_167 = tpu.memref_slice %arg2[%add3A_157, %dma_start3A_166] : memref<2560x128xi32, #tpu.memory_space<hbm>> -> memref<4x128xi32, #tpu.memory_space<hbm>>
    tpu.enqueue_dma source(%dma_start3A_167 : memref<4x128xi32, #tpu.memory_space<hbm>>) target(%dma_start3A_165 : memref<4x128xi32, #tpu.memory_space<vmem>>) target_semaphore(%arg9 : memref<!tpu.dma_semaphore, #tpu.memory_space<semaphore_mem>>)
    %mul3A_168 = arith.constant 4 : i32
    %mul3A_169 = arith.muli %add3A, %mul3A_168 : i32
    %add3A_170 = arith.constant 1536 : i32
    %add3A_171 = arith.addi %add3A_170, %mul3A_169 : i32
    %dma_start3A_172 = arith.constant 48 : i32
    %dma_start3A_173 = arith.constant 0 : i32
    %dma_start3A_174 = tpu.memref_slice %arg5[%dma_start3A_172, %dma_start3A_173] : memref<80x128xi32, #tpu.memory_space<vmem>> -> memref<4x128xi32, #tpu.memory_space<vmem>>
    %dma_start3A_175 = arith.constant 0 : i32
    %dma_start3A_176 = tpu.memref_slice %arg2[%add3A_171, %dma_start3A_175] : memref<2560x128xi32, #tpu.memory_space<hbm>> -> memref<4x128xi32, #tpu.memory_space<hbm>>
    %dma_start3A_177 = arith.constant 48 : i32
    %dma_start3A_178 = arith.constant 0 : i32
    %dma_start3A_179 = tpu.memref_slice %arg5[%dma_start3A_177, %dma_start3A_178] : memref<80x128xi32, #tpu.memory_space<vmem>> -> memref<4x128xi32, #tpu.memory_space<vmem>>
    %dma_start3A_180 = arith.constant 0 : i32
    %dma_start3A_181 = tpu.memref_slice %arg2[%add3A_171, %dma_start3A_180] : memref<2560x128xi32, #tpu.memory_space<hbm>> -> memref<4x128xi32, #tpu.memory_space<hbm>>
    tpu.enqueue_dma source(%dma_start3A_181 : memref<4x128xi32, #tpu.memory_space<hbm>>) target(%dma_start3A_179 : memref<4x128xi32, #tpu.memory_space<vmem>>) target_semaphore(%arg9 : memref<!tpu.dma_semaphore, #tpu.memory_space<semaphore_mem>>)
    %mul3A_182 = arith.constant 4 : i32
    %mul3A_183 = arith.muli %add3A, %mul3A_182 : i32
    %add3A_184 = arith.constant 1664 : i32
    %add3A_185 = arith.addi %add3A_184, %mul3A_183 : i32
    %dma_start3A_186 = arith.constant 52 : i32
    %dma_start3A_187 = arith.constant 0 : i32
    %dma_start3A_188 = tpu.memref_slice %arg5[%dma_start3A_186, %dma_start3A_187] : memref<80x128xi32, #tpu.memory_space<vmem>> -> memref<4x128xi32, #tpu.memory_space<vmem>>
    %dma_start3A_189 = arith.constant 0 : i32
    %dma_start3A_190 = tpu.memref_slice %arg2[%add3A_185, %dma_start3A_189] : memref<2560x128xi32, #tpu.memory_space<hbm>> -> memref<4x128xi32, #tpu.memory_space<hbm>>
    %dma_start3A_191 = arith.constant 52 : i32
    %dma_start3A_192 = arith.constant 0 : i32
    %dma_start3A_193 = tpu.memref_slice %arg5[%dma_start3A_191, %dma_start3A_192] : memref<80x128xi32, #tpu.memory_space<vmem>> -> memref<4x128xi32, #tpu.memory_space<vmem>>
    %dma_start3A_194 = arith.constant 0 : i32
    %dma_start3A_195 = tpu.memref_slice %arg2[%add3A_185, %dma_start3A_194] : memref<2560x128xi32, #tpu.memory_space<hbm>> -> memref<4x128xi32, #tpu.memory_space<hbm>>
    tpu.enqueue_dma source(%dma_start3A_195 : memref<4x128xi32, #tpu.memory_space<hbm>>) target(%dma_start3A_193 : memref<4x128xi32, #tpu.memory_space<vmem>>) target_semaphore(%arg9 : memref<!tpu.dma_semaphore, #tpu.memory_space<semaphore_mem>>)
    %mul3A_196 = arith.constant 4 : i32
    %mul3A_197 = arith.muli %add3A, %mul3A_196 : i32
    %add3A_198 = arith.constant 1792 : i32
    %add3A_199 = arith.addi %add3A_198, %mul3A_197 : i32
    %dma_start3A_200 = arith.constant 56 : i32
    %dma_start3A_201 = arith.constant 0 : i32
    %dma_start3A_202 = tpu.memref_slice %arg5[%dma_start3A_200, %dma_start3A_201] : memref<80x128xi32, #tpu.memory_space<vmem>> -> memref<4x128xi32, #tpu.memory_space<vmem>>
    %dma_start3A_203 = arith.constant 0 : i32
    %dma_start3A_204 = tpu.memref_slice %arg2[%add3A_199, %dma_start3A_203] : memref<2560x128xi32, #tpu.memory_space<hbm>> -> memref<4x128xi32, #tpu.memory_space<hbm>>
    %dma_start3A_205 = arith.constant 56 : i32
    %dma_start3A_206 = arith.constant 0 : i32
    %dma_start3A_207 = tpu.memref_slice %arg5[%dma_start3A_205, %dma_start3A_206] : memref<80x128xi32, #tpu.memory_space<vmem>> -> memref<4x128xi32, #tpu.memory_space<vmem>>
    %dma_start3A_208 = arith.constant 0 : i32
    %dma_start3A_209 = tpu.memref_slice %arg2[%add3A_199, %dma_start3A_208] : memref<2560x128xi32, #tpu.memory_space<hbm>> -> memref<4x128xi32, #tpu.memory_space<hbm>>
    tpu.enqueue_dma source(%dma_start3A_209 : memref<4x128xi32, #tpu.memory_space<hbm>>) target(%dma_start3A_207 : memref<4x128xi32, #tpu.memory_space<vmem>>) target_semaphore(%arg9 : memref<!tpu.dma_semaphore, #tpu.memory_space<semaphore_mem>>)
    %mul3A_210 = arith.constant 4 : i32
    %mul3A_211 = arith.muli %add3A, %mul3A_210 : i32
    %add3A_212 = arith.constant 1920 : i32
    %add3A_213 = arith.addi %add3A_212, %mul3A_211 : i32
    %dma_start3A_214 = arith.constant 60 : i32
    %dma_start3A_215 = arith.constant 0 : i32
    %dma_start3A_216 = tpu.memref_slice %arg5[%dma_start3A_214, %dma_start3A_215] : memref<80x128xi32, #tpu.memory_space<vmem>> -> memref<4x128xi32, #tpu.memory_space<vmem>>
    %dma_start3A_217 = arith.constant 0 : i32
    %dma_start3A_218 = tpu.memref_slice %arg2[%add3A_213, %dma_start3A_217] : memref<2560x128xi32, #tpu.memory_space<hbm>> -> memref<4x128xi32, #tpu.memory_space<hbm>>
    %dma_start3A_219 = arith.constant 60 : i32
    %dma_start3A_220 = arith.constant 0 : i32
    %dma_start3A_221 = tpu.memref_slice %arg5[%dma_start3A_219, %dma_start3A_220] : memref<80x128xi32, #tpu.memory_space<vmem>> -> memref<4x128xi32, #tpu.memory_space<vmem>>
    %dma_start3A_222 = arith.constant 0 : i32
    %dma_start3A_223 = tpu.memref_slice %arg2[%add3A_213, %dma_start3A_222] : memref<2560x128xi32, #tpu.memory_space<hbm>> -> memref<4x128xi32, #tpu.memory_space<hbm>>
    tpu.enqueue_dma source(%dma_start3A_223 : memref<4x128xi32, #tpu.memory_space<hbm>>) target(%dma_start3A_221 : memref<4x128xi32, #tpu.memory_space<vmem>>) target_semaphore(%arg9 : memref<!tpu.dma_semaphore, #tpu.memory_space<semaphore_mem>>)
    %mul3A_224 = arith.constant 4 : i32
    %mul3A_225 = arith.muli %add3A, %mul3A_224 : i32
    %add3A_226 = arith.constant 2048 : i32
    %add3A_227 = arith.addi %add3A_226, %mul3A_225 : i32
    %dma_start3A_228 = arith.constant 64 : i32
    %dma_start3A_229 = arith.constant 0 : i32
    %dma_start3A_230 = tpu.memref_slice %arg5[%dma_start3A_228, %dma_start3A_229] : memref<80x128xi32, #tpu.memory_space<vmem>> -> memref<4x128xi32, #tpu.memory_space<vmem>>
    %dma_start3A_231 = arith.constant 0 : i32
    %dma_start3A_232 = tpu.memref_slice %arg2[%add3A_227, %dma_start3A_231] : memref<2560x128xi32, #tpu.memory_space<hbm>> -> memref<4x128xi32, #tpu.memory_space<hbm>>
    %dma_start3A_233 = arith.constant 64 : i32
    %dma_start3A_234 = arith.constant 0 : i32
    %dma_start3A_235 = tpu.memref_slice %arg5[%dma_start3A_233, %dma_start3A_234] : memref<80x128xi32, #tpu.memory_space<vmem>> -> memref<4x128xi32, #tpu.memory_space<vmem>>
    %dma_start3A_236 = arith.constant 0 : i32
    %dma_start3A_237 = tpu.memref_slice %arg2[%add3A_227, %dma_start3A_236] : memref<2560x128xi32, #tpu.memory_space<hbm>> -> memref<4x128xi32, #tpu.memory_space<hbm>>
    tpu.enqueue_dma source(%dma_start3A_237 : memref<4x128xi32, #tpu.memory_space<hbm>>) target(%dma_start3A_235 : memref<4x128xi32, #tpu.memory_space<vmem>>) target_semaphore(%arg9 : memref<!tpu.dma_semaphore, #tpu.memory_space<semaphore_mem>>)
    %mul3A_238 = arith.constant 4 : i32
    %mul3A_239 = arith.muli %add3A, %mul3A_238 : i32
    %add3A_240 = arith.constant 2176 : i32
    %add3A_241 = arith.addi %add3A_240, %mul3A_239 : i32
    %dma_start3A_242 = arith.constant 68 : i32
    %dma_start3A_243 = arith.constant 0 : i32
    %dma_start3A_244 = tpu.memref_slice %arg5[%dma_start3A_242, %dma_start3A_243] : memref<80x128xi32, #tpu.memory_space<vmem>> -> memref<4x128xi32, #tpu.memory_space<vmem>>
    %dma_start3A_245 = arith.constant 0 : i32
    %dma_start3A_246 = tpu.memref_slice %arg2[%add3A_241, %dma_start3A_245] : memref<2560x128xi32, #tpu.memory_space<hbm>> -> memref<4x128xi32, #tpu.memory_space<hbm>>
    %dma_start3A_247 = arith.constant 68 : i32
    %dma_start3A_248 = arith.constant 0 : i32
    %dma_start3A_249 = tpu.memref_slice %arg5[%dma_start3A_247, %dma_start3A_248] : memref<80x128xi32, #tpu.memory_space<vmem>> -> memref<4x128xi32, #tpu.memory_space<vmem>>
    %dma_start3A_250 = arith.constant 0 : i32
    %dma_start3A_251 = tpu.memref_slice %arg2[%add3A_241, %dma_start3A_250] : memref<2560x128xi32, #tpu.memory_space<hbm>> -> memref<4x128xi32, #tpu.memory_space<hbm>>
    tpu.enqueue_dma source(%dma_start3A_251 : memref<4x128xi32, #tpu.memory_space<hbm>>) target(%dma_start3A_249 : memref<4x128xi32, #tpu.memory_space<vmem>>) target_semaphore(%arg9 : memref<!tpu.dma_semaphore, #tpu.memory_space<semaphore_mem>>)
    %mul3A_252 = arith.constant 4 : i32
    %mul3A_253 = arith.muli %add3A, %mul3A_252 : i32
    %add3A_254 = arith.constant 2304 : i32
    %add3A_255 = arith.addi %add3A_254, %mul3A_253 : i32
    %dma_start3A_256 = arith.constant 72 : i32
    %dma_start3A_257 = arith.constant 0 : i32
    %dma_start3A_258 = tpu.memref_slice %arg5[%dma_start3A_256, %dma_start3A_257] : memref<80x128xi32, #tpu.memory_space<vmem>> -> memref<4x128xi32, #tpu.memory_space<vmem>>
    %dma_start3A_259 = arith.constant 0 : i32
    %dma_start3A_260 = tpu.memref_slice %arg2[%add3A_255, %dma_start3A_259] : memref<2560x128xi32, #tpu.memory_space<hbm>> -> memref<4x128xi32, #tpu.memory_space<hbm>>
    %dma_start3A_261 = arith.constant 72 : i32
    %dma_start3A_262 = arith.constant 0 : i32
    %dma_start3A_263 = tpu.memref_slice %arg5[%dma_start3A_261, %dma_start3A_262] : memref<80x128xi32, #tpu.memory_space<vmem>> -> memref<4x128xi32, #tpu.memory_space<vmem>>
    %dma_start3A_264 = arith.constant 0 : i32
    %dma_start3A_265 = tpu.memref_slice %arg2[%add3A_255, %dma_start3A_264] : memref<2560x128xi32, #tpu.memory_space<hbm>> -> memref<4x128xi32, #tpu.memory_space<hbm>>
    tpu.enqueue_dma source(%dma_start3A_265 : memref<4x128xi32, #tpu.memory_space<hbm>>) target(%dma_start3A_263 : memref<4x128xi32, #tpu.memory_space<vmem>>) target_semaphore(%arg9 : memref<!tpu.dma_semaphore, #tpu.memory_space<semaphore_mem>>)
    %mul3A_266 = arith.constant 4 : i32
    %mul3A_267 = arith.muli %add3A, %mul3A_266 : i32
    %add3A_268 = arith.constant 2432 : i32
    %add3A_269 = arith.addi %add3A_268, %mul3A_267 : i32
    %dma_start3A_270 = arith.constant 76 : i32
    %dma_start3A_271 = arith.constant 0 : i32
    %dma_start3A_272 = tpu.memref_slice %arg5[%dma_start3A_270, %dma_start3A_271] : memref<80x128xi32, #tpu.memory_space<vmem>> -> memref<4x128xi32, #tpu.memory_space<vmem>>
    %dma_start3A_273 = arith.constant 0 : i32
    %dma_start3A_274 = tpu.memref_slice %arg2[%add3A_269, %dma_start3A_273] : memref<2560x128xi32, #tpu.memory_space<hbm>> -> memref<4x128xi32, #tpu.memory_space<hbm>>
    %dma_start3A_275 = arith.constant 76 : i32
    %dma_start3A_276 = arith.constant 0 : i32
    %dma_start3A_277 = tpu.memref_slice %arg5[%dma_start3A_275, %dma_start3A_276] : memref<80x128xi32, #tpu.memory_space<vmem>> -> memref<4x128xi32, #tpu.memory_space<vmem>>
    %dma_start3A_278 = arith.constant 0 : i32
    %dma_start3A_279 = tpu.memref_slice %arg2[%add3A_269, %dma_start3A_278] : memref<2560x128xi32, #tpu.memory_space<hbm>> -> memref<4x128xi32, #tpu.memory_space<hbm>>
    tpu.enqueue_dma source(%dma_start3A_279 : memref<4x128xi32, #tpu.memory_space<hbm>>) target(%dma_start3A_277 : memref<4x128xi32, #tpu.memory_space<vmem>>) target_semaphore(%arg9 : memref<!tpu.dma_semaphore, #tpu.memory_space<semaphore_mem>>)
    %dma_wait3A = arith.constant 0 : i32
    %dma_wait3A_280 = arith.constant 0 : i32
    %dma_wait3A_281 = tpu.memref_slice %arg5[%dma_wait3A, %dma_wait3A_280] : memref<80x128xi32, #tpu.memory_space<vmem>> -> memref<4x128xi32, #tpu.memory_space<vmem>>
    %dma_wait3A_282 = arith.constant 0 : i32
    %dma_wait3A_283 = tpu.memref_slice %arg2[%add3A_4, %dma_wait3A_282] : memref<2560x128xi32, #tpu.memory_space<hbm>> -> memref<4x128xi32, #tpu.memory_space<hbm>>
    %dma_wait3A_284 = arith.constant 0 : i32
    %dma_wait3A_285 = arith.constant 0 : i32
    %dma_wait3A_286 = tpu.memref_slice %arg5[%dma_wait3A_284, %dma_wait3A_285] : memref<80x128xi32, #tpu.memory_space<vmem>> -> memref<4x128xi32, #tpu.memory_space<vmem>>
    %dma_wait3A_287 = arith.constant 0 : i32
    %dma_wait3A_288 = tpu.memref_slice %arg2[%add3A_4, %dma_wait3A_287] : memref<2560x128xi32, #tpu.memory_space<hbm>> -> memref<4x128xi32, #tpu.memory_space<hbm>>
    tpu.wait_dma2 semaphore(%arg9 : memref<!tpu.dma_semaphore, #tpu.memory_space<semaphore_mem>>) src(%dma_wait3A_288 : memref<4x128xi32, #tpu.memory_space<hbm>>) dst(%dma_wait3A_286 : memref<4x128xi32, #tpu.memory_space<vmem>>)
    %dma_wait3A_289 = arith.constant 4 : i32
    %dma_wait3A_290 = arith.constant 0 : i32
    %dma_wait3A_291 = tpu.memref_slice %arg5[%dma_wait3A_289, %dma_wait3A_290] : memref<80x128xi32, #tpu.memory_space<vmem>> -> memref<4x128xi32, #tpu.memory_space<vmem>>
    %dma_wait3A_292 = arith.constant 0 : i32
    %dma_wait3A_293 = tpu.memref_slice %arg2[%add3A_17, %dma_wait3A_292] : memref<2560x128xi32, #tpu.memory_space<hbm>> -> memref<4x128xi32, #tpu.memory_space<hbm>>
    %dma_wait3A_294 = arith.constant 4 : i32
    %dma_wait3A_295 = arith.constant 0 : i32
    %dma_wait3A_296 = tpu.memref_slice %arg5[%dma_wait3A_294, %dma_wait3A_295] : memref<80x128xi32, #tpu.memory_space<vmem>> -> memref<4x128xi32, #tpu.memory_space<vmem>>
    %dma_wait3A_297 = arith.constant 0 : i32
    %dma_wait3A_298 = tpu.memref_slice %arg2[%add3A_17, %dma_wait3A_297] : memref<2560x128xi32, #tpu.memory_space<hbm>> -> memref<4x128xi32, #tpu.memory_space<hbm>>
    tpu.wait_dma2 semaphore(%arg9 : memref<!tpu.dma_semaphore, #tpu.memory_space<semaphore_mem>>) src(%dma_wait3A_298 : memref<4x128xi32, #tpu.memory_space<hbm>>) dst(%dma_wait3A_296 : memref<4x128xi32, #tpu.memory_space<vmem>>)
    %dma_wait3A_299 = arith.constant 8 : i32
    %dma_wait3A_300 = arith.constant 0 : i32
    %dma_wait3A_301 = tpu.memref_slice %arg5[%dma_wait3A_299, %dma_wait3A_300] : memref<80x128xi32, #tpu.memory_space<vmem>> -> memref<4x128xi32, #tpu.memory_space<vmem>>
    %dma_wait3A_302 = arith.constant 0 : i32
    %dma_wait3A_303 = tpu.memref_slice %arg2[%add3A_31, %dma_wait3A_302] : memref<2560x128xi32, #tpu.memory_space<hbm>> -> memref<4x128xi32, #tpu.memory_space<hbm>>
    %dma_wait3A_304 = arith.constant 8 : i32
    %dma_wait3A_305 = arith.constant 0 : i32
    %dma_wait3A_306 = tpu.memref_slice %arg5[%dma_wait3A_304, %dma_wait3A_305] : memref<80x128xi32, #tpu.memory_space<vmem>> -> memref<4x128xi32, #tpu.memory_space<vmem>>
    %dma_wait3A_307 = arith.constant 0 : i32
    %dma_wait3A_308 = tpu.memref_slice %arg2[%add3A_31, %dma_wait3A_307] : memref<2560x128xi32, #tpu.memory_space<hbm>> -> memref<4x128xi32, #tpu.memory_space<hbm>>
    tpu.wait_dma2 semaphore(%arg9 : memref<!tpu.dma_semaphore, #tpu.memory_space<semaphore_mem>>) src(%dma_wait3A_308 : memref<4x128xi32, #tpu.memory_space<hbm>>) dst(%dma_wait3A_306 : memref<4x128xi32, #tpu.memory_space<vmem>>)
    %dma_wait3A_309 = arith.constant 12 : i32
    %dma_wait3A_310 = arith.constant 0 : i32
    %dma_wait3A_311 = tpu.memref_slice %arg5[%dma_wait3A_309, %dma_wait3A_310] : memref<80x128xi32, #tpu.memory_space<vmem>> -> memref<4x128xi32, #tpu.memory_space<vmem>>
    %dma_wait3A_312 = arith.constant 0 : i32
    %dma_wait3A_313 = tpu.memref_slice %arg2[%add3A_45, %dma_wait3A_312] : memref<2560x128xi32, #tpu.memory_space<hbm>> -> memref<4x128xi32, #tpu.memory_space<hbm>>
    %dma_wait3A_314 = arith.constant 12 : i32
    %dma_wait3A_315 = arith.constant 0 : i32
    %dma_wait3A_316 = tpu.memref_slice %arg5[%dma_wait3A_314, %dma_wait3A_315] : memref<80x128xi32, #tpu.memory_space<vmem>> -> memref<4x128xi32, #tpu.memory_space<vmem>>
    %dma_wait3A_317 = arith.constant 0 : i32
    %dma_wait3A_318 = tpu.memref_slice %arg2[%add3A_45, %dma_wait3A_317] : memref<2560x128xi32, #tpu.memory_space<hbm>> -> memref<4x128xi32, #tpu.memory_space<hbm>>
    tpu.wait_dma2 semaphore(%arg9 : memref<!tpu.dma_semaphore, #tpu.memory_space<semaphore_mem>>) src(%dma_wait3A_318 : memref<4x128xi32, #tpu.memory_space<hbm>>) dst(%dma_wait3A_316 : memref<4x128xi32, #tpu.memory_space<vmem>>)
    %dma_wait3A_319 = arith.constant 16 : i32
    %dma_wait3A_320 = arith.constant 0 : i32
    %dma_wait3A_321 = tpu.memref_slice %arg5[%dma_wait3A_319, %dma_wait3A_320] : memref<80x128xi32, #tpu.memory_space<vmem>> -> memref<4x128xi32, #tpu.memory_space<vmem>>
    %dma_wait3A_322 = arith.constant 0 : i32
    %dma_wait3A_323 = tpu.memref_slice %arg2[%add3A_59, %dma_wait3A_322] : memref<2560x128xi32, #tpu.memory_space<hbm>> -> memref<4x128xi32, #tpu.memory_space<hbm>>
    %dma_wait3A_324 = arith.constant 16 : i32
    %dma_wait3A_325 = arith.constant 0 : i32
    %dma_wait3A_326 = tpu.memref_slice %arg5[%dma_wait3A_324, %dma_wait3A_325] : memref<80x128xi32, #tpu.memory_space<vmem>> -> memref<4x128xi32, #tpu.memory_space<vmem>>
    %dma_wait3A_327 = arith.constant 0 : i32
    %dma_wait3A_328 = tpu.memref_slice %arg2[%add3A_59, %dma_wait3A_327] : memref<2560x128xi32, #tpu.memory_space<hbm>> -> memref<4x128xi32, #tpu.memory_space<hbm>>
    tpu.wait_dma2 semaphore(%arg9 : memref<!tpu.dma_semaphore, #tpu.memory_space<semaphore_mem>>) src(%dma_wait3A_328 : memref<4x128xi32, #tpu.memory_space<hbm>>) dst(%dma_wait3A_326 : memref<4x128xi32, #tpu.memory_space<vmem>>)
    %dma_wait3A_329 = arith.constant 20 : i32
    %dma_wait3A_330 = arith.constant 0 : i32
    %dma_wait3A_331 = tpu.memref_slice %arg5[%dma_wait3A_329, %dma_wait3A_330] : memref<80x128xi32, #tpu.memory_space<vmem>> -> memref<4x128xi32, #tpu.memory_space<vmem>>
    %dma_wait3A_332 = arith.constant 0 : i32
    %dma_wait3A_333 = tpu.memref_slice %arg2[%add3A_73, %dma_wait3A_332] : memref<2560x128xi32, #tpu.memory_space<hbm>> -> memref<4x128xi32, #tpu.memory_space<hbm>>
    %dma_wait3A_334 = arith.constant 20 : i32
    %dma_wait3A_335 = arith.constant 0 : i32
    %dma_wait3A_336 = tpu.memref_slice %arg5[%dma_wait3A_334, %dma_wait3A_335] : memref<80x128xi32, #tpu.memory_space<vmem>> -> memref<4x128xi32, #tpu.memory_space<vmem>>
    %dma_wait3A_337 = arith.constant 0 : i32
    %dma_wait3A_338 = tpu.memref_slice %arg2[%add3A_73, %dma_wait3A_337] : memref<2560x128xi32, #tpu.memory_space<hbm>> -> memref<4x128xi32, #tpu.memory_space<hbm>>
    tpu.wait_dma2 semaphore(%arg9 : memref<!tpu.dma_semaphore, #tpu.memory_space<semaphore_mem>>) src(%dma_wait3A_338 : memref<4x128xi32, #tpu.memory_space<hbm>>) dst(%dma_wait3A_336 : memref<4x128xi32, #tpu.memory_space<vmem>>)
    %dma_wait3A_339 = arith.constant 24 : i32
    %dma_wait3A_340 = arith.constant 0 : i32
    %dma_wait3A_341 = tpu.memref_slice %arg5[%dma_wait3A_339, %dma_wait3A_340] : memref<80x128xi32, #tpu.memory_space<vmem>> -> memref<4x128xi32, #tpu.memory_space<vmem>>
    %dma_wait3A_342 = arith.constant 0 : i32
    %dma_wait3A_343 = tpu.memref_slice %arg2[%add3A_87, %dma_wait3A_342] : memref<2560x128xi32, #tpu.memory_space<hbm>> -> memref<4x128xi32, #tpu.memory_space<hbm>>
    %dma_wait3A_344 = arith.constant 24 : i32
    %dma_wait3A_345 = arith.constant 0 : i32
    %dma_wait3A_346 = tpu.memref_slice %arg5[%dma_wait3A_344, %dma_wait3A_345] : memref<80x128xi32, #tpu.memory_space<vmem>> -> memref<4x128xi32, #tpu.memory_space<vmem>>
    %dma_wait3A_347 = arith.constant 0 : i32
    %dma_wait3A_348 = tpu.memref_slice %arg2[%add3A_87, %dma_wait3A_347] : memref<2560x128xi32, #tpu.memory_space<hbm>> -> memref<4x128xi32, #tpu.memory_space<hbm>>
    tpu.wait_dma2 semaphore(%arg9 : memref<!tpu.dma_semaphore, #tpu.memory_space<semaphore_mem>>) src(%dma_wait3A_348 : memref<4x128xi32, #tpu.memory_space<hbm>>) dst(%dma_wait3A_346 : memref<4x128xi32, #tpu.memory_space<vmem>>)
    %dma_wait3A_349 = arith.constant 28 : i32
    %dma_wait3A_350 = arith.constant 0 : i32
    %dma_wait3A_351 = tpu.memref_slice %arg5[%dma_wait3A_349, %dma_wait3A_350] : memref<80x128xi32, #tpu.memory_space<vmem>> -> memref<4x128xi32, #tpu.memory_space<vmem>>
    %dma_wait3A_352 = arith.constant 0 : i32
    %dma_wait3A_353 = tpu.memref_slice %arg2[%add3A_101, %dma_wait3A_352] : memref<2560x128xi32, #tpu.memory_space<hbm>> -> memref<4x128xi32, #tpu.memory_space<hbm>>
    %dma_wait3A_354 = arith.constant 28 : i32
    %dma_wait3A_355 = arith.constant 0 : i32
    %dma_wait3A_356 = tpu.memref_slice %arg5[%dma_wait3A_354, %dma_wait3A_355] : memref<80x128xi32, #tpu.memory_space<vmem>> -> memref<4x128xi32, #tpu.memory_space<vmem>>
    %dma_wait3A_357 = arith.constant 0 : i32
    %dma_wait3A_358 = tpu.memref_slice %arg2[%add3A_101, %dma_wait3A_357] : memref<2560x128xi32, #tpu.memory_space<hbm>> -> memref<4x128xi32, #tpu.memory_space<hbm>>
    tpu.wait_dma2 semaphore(%arg9 : memref<!tpu.dma_semaphore, #tpu.memory_space<semaphore_mem>>) src(%dma_wait3A_358 : memref<4x128xi32, #tpu.memory_space<hbm>>) dst(%dma_wait3A_356 : memref<4x128xi32, #tpu.memory_space<vmem>>)
    %dma_wait3A_359 = arith.constant 32 : i32
    %dma_wait3A_360 = arith.constant 0 : i32
    %dma_wait3A_361 = tpu.memref_slice %arg5[%dma_wait3A_359, %dma_wait3A_360] : memref<80x128xi32, #tpu.memory_space<vmem>> -> memref<4x128xi32, #tpu.memory_space<vmem>>
    %dma_wait3A_362 = arith.constant 0 : i32
    %dma_wait3A_363 = tpu.memref_slice %arg2[%add3A_115, %dma_wait3A_362] : memref<2560x128xi32, #tpu.memory_space<hbm>> -> memref<4x128xi32, #tpu.memory_space<hbm>>
    %dma_wait3A_364 = arith.constant 32 : i32
    %dma_wait3A_365 = arith.constant 0 : i32
    %dma_wait3A_366 = tpu.memref_slice %arg5[%dma_wait3A_364, %dma_wait3A_365] : memref<80x128xi32, #tpu.memory_space<vmem>> -> memref<4x128xi32, #tpu.memory_space<vmem>>
    %dma_wait3A_367 = arith.constant 0 : i32
    %dma_wait3A_368 = tpu.memref_slice %arg2[%add3A_115, %dma_wait3A_367] : memref<2560x128xi32, #tpu.memory_space<hbm>> -> memref<4x128xi32, #tpu.memory_space<hbm>>
    tpu.wait_dma2 semaphore(%arg9 : memref<!tpu.dma_semaphore, #tpu.memory_space<semaphore_mem>>) src(%dma_wait3A_368 : memref<4x128xi32, #tpu.memory_space<hbm>>) dst(%dma_wait3A_366 : memref<4x128xi32, #tpu.memory_space<vmem>>)
    %dma_wait3A_369 = arith.constant 36 : i32
    %dma_wait3A_370 = arith.constant 0 : i32
    %dma_wait3A_371 = tpu.memref_slice %arg5[%dma_wait3A_369, %dma_wait3A_370] : memref<80x128xi32, #tpu.memory_space<vmem>> -> memref<4x128xi32, #tpu.memory_space<vmem>>
    %dma_wait3A_372 = arith.constant 0 : i32
    %dma_wait3A_373 = tpu.memref_slice %arg2[%add3A_129, %dma_wait3A_372] : memref<2560x128xi32, #tpu.memory_space<hbm>> -> memref<4x128xi32, #tpu.memory_space<hbm>>
    %dma_wait3A_374 = arith.constant 36 : i32
    %dma_wait3A_375 = arith.constant 0 : i32
    %dma_wait3A_376 = tpu.memref_slice %arg5[%dma_wait3A_374, %dma_wait3A_375] : memref<80x128xi32, #tpu.memory_space<vmem>> -> memref<4x128xi32, #tpu.memory_space<vmem>>
    %dma_wait3A_377 = arith.constant 0 : i32
    %dma_wait3A_378 = tpu.memref_slice %arg2[%add3A_129, %dma_wait3A_377] : memref<2560x128xi32, #tpu.memory_space<hbm>> -> memref<4x128xi32, #tpu.memory_space<hbm>>
    tpu.wait_dma2 semaphore(%arg9 : memref<!tpu.dma_semaphore, #tpu.memory_space<semaphore_mem>>) src(%dma_wait3A_378 : memref<4x128xi32, #tpu.memory_space<hbm>>) dst(%dma_wait3A_376 : memref<4x128xi32, #tpu.memory_space<vmem>>)
    %dma_wait3A_379 = arith.constant 40 : i32
    %dma_wait3A_380 = arith.constant 0 : i32
    %dma_wait3A_381 = tpu.memref_slice %arg5[%dma_wait3A_379, %dma_wait3A_380] : memref<80x128xi32, #tpu.memory_space<vmem>> -> memref<4x128xi32, #tpu.memory_space<vmem>>
    %dma_wait3A_382 = arith.constant 0 : i32
    %dma_wait3A_383 = tpu.memref_slice %arg2[%add3A_143, %dma_wait3A_382] : memref<2560x128xi32, #tpu.memory_space<hbm>> -> memref<4x128xi32, #tpu.memory_space<hbm>>
    %dma_wait3A_384 = arith.constant 40 : i32
    %dma_wait3A_385 = arith.constant 0 : i32
    %dma_wait3A_386 = tpu.memref_slice %arg5[%dma_wait3A_384, %dma_wait3A_385] : memref<80x128xi32, #tpu.memory_space<vmem>> -> memref<4x128xi32, #tpu.memory_space<vmem>>
    %dma_wait3A_387 = arith.constant 0 : i32
    %dma_wait3A_388 = tpu.memref_slice %arg2[%add3A_143, %dma_wait3A_387] : memref<2560x128xi32, #tpu.memory_space<hbm>> -> memref<4x128xi32, #tpu.memory_space<hbm>>
    tpu.wait_dma2 semaphore(%arg9 : memref<!tpu.dma_semaphore, #tpu.memory_space<semaphore_mem>>) src(%dma_wait3A_388 : memref<4x128xi32, #tpu.memory_space<hbm>>) dst(%dma_wait3A_386 : memref<4x128xi32, #tpu.memory_space<vmem>>)
    %dma_wait3A_389 = arith.constant 44 : i32
    %dma_wait3A_390 = arith.constant 0 : i32
    %dma_wait3A_391 = tpu.memref_slice %arg5[%dma_wait3A_389, %dma_wait3A_390] : memref<80x128xi32, #tpu.memory_space<vmem>> -> memref<4x128xi32, #tpu.memory_space<vmem>>
    %dma_wait3A_392 = arith.constant 0 : i32
    %dma_wait3A_393 = tpu.memref_slice %arg2[%add3A_157, %dma_wait3A_392] : memref<2560x128xi32, #tpu.memory_space<hbm>> -> memref<4x128xi32, #tpu.memory_space<hbm>>
    %dma_wait3A_394 = arith.constant 44 : i32
    %dma_wait3A_395 = arith.constant 0 : i32
    %dma_wait3A_396 = tpu.memref_slice %arg5[%dma_wait3A_394, %dma_wait3A_395] : memref<80x128xi32, #tpu.memory_space<vmem>> -> memref<4x128xi32, #tpu.memory_space<vmem>>
    %dma_wait3A_397 = arith.constant 0 : i32
    %dma_wait3A_398 = tpu.memref_slice %arg2[%add3A_157, %dma_wait3A_397] : memref<2560x128xi32, #tpu.memory_space<hbm>> -> memref<4x128xi32, #tpu.memory_space<hbm>>
    tpu.wait_dma2 semaphore(%arg9 : memref<!tpu.dma_semaphore, #tpu.memory_space<semaphore_mem>>) src(%dma_wait3A_398 : memref<4x128xi32, #tpu.memory_space<hbm>>) dst(%dma_wait3A_396 : memref<4x128xi32, #tpu.memory_space<vmem>>)
    %dma_wait3A_399 = arith.constant 48 : i32
    %dma_wait3A_400 = arith.constant 0 : i32
    %dma_wait3A_401 = tpu.memref_slice %arg5[%dma_wait3A_399, %dma_wait3A_400] : memref<80x128xi32, #tpu.memory_space<vmem>> -> memref<4x128xi32, #tpu.memory_space<vmem>>
    %dma_wait3A_402 = arith.constant 0 : i32
    %dma_wait3A_403 = tpu.memref_slice %arg2[%add3A_171, %dma_wait3A_402] : memref<2560x128xi32, #tpu.memory_space<hbm>> -> memref<4x128xi32, #tpu.memory_space<hbm>>
    %dma_wait3A_404 = arith.constant 48 : i32
    %dma_wait3A_405 = arith.constant 0 : i32
    %dma_wait3A_406 = tpu.memref_slice %arg5[%dma_wait3A_404, %dma_wait3A_405] : memref<80x128xi32, #tpu.memory_space<vmem>> -> memref<4x128xi32, #tpu.memory_space<vmem>>
    %dma_wait3A_407 = arith.constant 0 : i32
    %dma_wait3A_408 = tpu.memref_slice %arg2[%add3A_171, %dma_wait3A_407] : memref<2560x128xi32, #tpu.memory_space<hbm>> -> memref<4x128xi32, #tpu.memory_space<hbm>>
    tpu.wait_dma2 semaphore(%arg9 : memref<!tpu.dma_semaphore, #tpu.memory_space<semaphore_mem>>) src(%dma_wait3A_408 : memref<4x128xi32, #tpu.memory_space<hbm>>) dst(%dma_wait3A_406 : memref<4x128xi32, #tpu.memory_space<vmem>>)
    %dma_wait3A_409 = arith.constant 52 : i32
    %dma_wait3A_410 = arith.constant 0 : i32
    %dma_wait3A_411 = tpu.memref_slice %arg5[%dma_wait3A_409, %dma_wait3A_410] : memref<80x128xi32, #tpu.memory_space<vmem>> -> memref<4x128xi32, #tpu.memory_space<vmem>>
    %dma_wait3A_412 = arith.constant 0 : i32
    %dma_wait3A_413 = tpu.memref_slice %arg2[%add3A_185, %dma_wait3A_412] : memref<2560x128xi32, #tpu.memory_space<hbm>> -> memref<4x128xi32, #tpu.memory_space<hbm>>
    %dma_wait3A_414 = arith.constant 52 : i32
    %dma_wait3A_415 = arith.constant 0 : i32
    %dma_wait3A_416 = tpu.memref_slice %arg5[%dma_wait3A_414, %dma_wait3A_415] : memref<80x128xi32, #tpu.memory_space<vmem>> -> memref<4x128xi32, #tpu.memory_space<vmem>>
    %dma_wait3A_417 = arith.constant 0 : i32
    %dma_wait3A_418 = tpu.memref_slice %arg2[%add3A_185, %dma_wait3A_417] : memref<2560x128xi32, #tpu.memory_space<hbm>> -> memref<4x128xi32, #tpu.memory_space<hbm>>
    tpu.wait_dma2 semaphore(%arg9 : memref<!tpu.dma_semaphore, #tpu.memory_space<semaphore_mem>>) src(%dma_wait3A_418 : memref<4x128xi32, #tpu.memory_space<hbm>>) dst(%dma_wait3A_416 : memref<4x128xi32, #tpu.memory_space<vmem>>)
    %dma_wait3A_419 = arith.constant 56 : i32
    %dma_wait3A_420 = arith.constant 0 : i32
    %dma_wait3A_421 = tpu.memref_slice %arg5[%dma_wait3A_419, %dma_wait3A_420] : memref<80x128xi32, #tpu.memory_space<vmem>> -> memref<4x128xi32, #tpu.memory_space<vmem>>
    %dma_wait3A_422 = arith.constant 0 : i32
    %dma_wait3A_423 = tpu.memref_slice %arg2[%add3A_199, %dma_wait3A_422] : memref<2560x128xi32, #tpu.memory_space<hbm>> -> memref<4x128xi32, #tpu.memory_space<hbm>>
    %dma_wait3A_424 = arith.constant 56 : i32
    %dma_wait3A_425 = arith.constant 0 : i32
    %dma_wait3A_426 = tpu.memref_slice %arg5[%dma_wait3A_424, %dma_wait3A_425] : memref<80x128xi32, #tpu.memory_space<vmem>> -> memref<4x128xi32, #tpu.memory_space<vmem>>
    %dma_wait3A_427 = arith.constant 0 : i32
    %dma_wait3A_428 = tpu.memref_slice %arg2[%add3A_199, %dma_wait3A_427] : memref<2560x128xi32, #tpu.memory_space<hbm>> -> memref<4x128xi32, #tpu.memory_space<hbm>>
    tpu.wait_dma2 semaphore(%arg9 : memref<!tpu.dma_semaphore, #tpu.memory_space<semaphore_mem>>) src(%dma_wait3A_428 : memref<4x128xi32, #tpu.memory_space<hbm>>) dst(%dma_wait3A_426 : memref<4x128xi32, #tpu.memory_space<vmem>>)
    %dma_wait3A_429 = arith.constant 60 : i32
    %dma_wait3A_430 = arith.constant 0 : i32
    %dma_wait3A_431 = tpu.memref_slice %arg5[%dma_wait3A_429, %dma_wait3A_430] : memref<80x128xi32, #tpu.memory_space<vmem>> -> memref<4x128xi32, #tpu.memory_space<vmem>>
    %dma_wait3A_432 = arith.constant 0 : i32
    %dma_wait3A_433 = tpu.memref_slice %arg2[%add3A_213, %dma_wait3A_432] : memref<2560x128xi32, #tpu.memory_space<hbm>> -> memref<4x128xi32, #tpu.memory_space<hbm>>
    %dma_wait3A_434 = arith.constant 60 : i32
    %dma_wait3A_435 = arith.constant 0 : i32
    %dma_wait3A_436 = tpu.memref_slice %arg5[%dma_wait3A_434, %dma_wait3A_435] : memref<80x128xi32, #tpu.memory_space<vmem>> -> memref<4x128xi32, #tpu.memory_space<vmem>>
    %dma_wait3A_437 = arith.constant 0 : i32
    %dma_wait3A_438 = tpu.memref_slice %arg2[%add3A_213, %dma_wait3A_437] : memref<2560x128xi32, #tpu.memory_space<hbm>> -> memref<4x128xi32, #tpu.memory_space<hbm>>
    tpu.wait_dma2 semaphore(%arg9 : memref<!tpu.dma_semaphore, #tpu.memory_space<semaphore_mem>>) src(%dma_wait3A_438 : memref<4x128xi32, #tpu.memory_space<hbm>>) dst(%dma_wait3A_436 : memref<4x128xi32, #tpu.memory_space<vmem>>)
    %dma_wait3A_439 = arith.constant 64 : i32
    %dma_wait3A_440 = arith.constant 0 : i32
    %dma_wait3A_441 = tpu.memref_slice %arg5[%dma_wait3A_439, %dma_wait3A_440] : memref<80x128xi32, #tpu.memory_space<vmem>> -> memref<4x128xi32, #tpu.memory_space<vmem>>
    %dma_wait3A_442 = arith.constant 0 : i32
    %dma_wait3A_443 = tpu.memref_slice %arg2[%add3A_227, %dma_wait3A_442] : memref<2560x128xi32, #tpu.memory_space<hbm>> -> memref<4x128xi32, #tpu.memory_space<hbm>>
    %dma_wait3A_444 = arith.constant 64 : i32
    %dma_wait3A_445 = arith.constant 0 : i32
    %dma_wait3A_446 = tpu.memref_slice %arg5[%dma_wait3A_444, %dma_wait3A_445] : memref<80x128xi32, #tpu.memory_space<vmem>> -> memref<4x128xi32, #tpu.memory_space<vmem>>
    %dma_wait3A_447 = arith.constant 0 : i32
    %dma_wait3A_448 = tpu.memref_slice %arg2[%add3A_227, %dma_wait3A_447] : memref<2560x128xi32, #tpu.memory_space<hbm>> -> memref<4x128xi32, #tpu.memory_space<hbm>>
    tpu.wait_dma2 semaphore(%arg9 : memref<!tpu.dma_semaphore, #tpu.memory_space<semaphore_mem>>) src(%dma_wait3A_448 : memref<4x128xi32, #tpu.memory_space<hbm>>) dst(%dma_wait3A_446 : memref<4x128xi32, #tpu.memory_space<vmem>>)
    %dma_wait3A_449 = arith.constant 68 : i32
    %dma_wait3A_450 = arith.constant 0 : i32
    %dma_wait3A_451 = tpu.memref_slice %arg5[%dma_wait3A_449, %dma_wait3A_450] : memref<80x128xi32, #tpu.memory_space<vmem>> -> memref<4x128xi32, #tpu.memory_space<vmem>>
    %dma_wait3A_452 = arith.constant 0 : i32
    %dma_wait3A_453 = tpu.memref_slice %arg2[%add3A_241, %dma_wait3A_452] : memref<2560x128xi32, #tpu.memory_space<hbm>> -> memref<4x128xi32, #tpu.memory_space<hbm>>
    %dma_wait3A_454 = arith.constant 68 : i32
    %dma_wait3A_455 = arith.constant 0 : i32
    %dma_wait3A_456 = tpu.memref_slice %arg5[%dma_wait3A_454, %dma_wait3A_455] : memref<80x128xi32, #tpu.memory_space<vmem>> -> memref<4x128xi32, #tpu.memory_space<vmem>>
    %dma_wait3A_457 = arith.constant 0 : i32
    %dma_wait3A_458 = tpu.memref_slice %arg2[%add3A_241, %dma_wait3A_457] : memref<2560x128xi32, #tpu.memory_space<hbm>> -> memref<4x128xi32, #tpu.memory_space<hbm>>
    tpu.wait_dma2 semaphore(%arg9 : memref<!tpu.dma_semaphore, #tpu.memory_space<semaphore_mem>>) src(%dma_wait3A_458 : memref<4x128xi32, #tpu.memory_space<hbm>>) dst(%dma_wait3A_456 : memref<4x128xi32, #tpu.memory_space<vmem>>)
    %dma_wait3A_459 = arith.constant 72 : i32
    %dma_wait3A_460 = arith.constant 0 : i32
    %dma_wait3A_461 = tpu.memref_slice %arg5[%dma_wait3A_459, %dma_wait3A_460] : memref<80x128xi32, #tpu.memory_space<vmem>> -> memref<4x128xi32, #tpu.memory_space<vmem>>
    %dma_wait3A_462 = arith.constant 0 : i32
    %dma_wait3A_463 = tpu.memref_slice %arg2[%add3A_255, %dma_wait3A_462] : memref<2560x128xi32, #tpu.memory_space<hbm>> -> memref<4x128xi32, #tpu.memory_space<hbm>>
    %dma_wait3A_464 = arith.constant 72 : i32
    %dma_wait3A_465 = arith.constant 0 : i32
    %dma_wait3A_466 = tpu.memref_slice %arg5[%dma_wait3A_464, %dma_wait3A_465] : memref<80x128xi32, #tpu.memory_space<vmem>> -> memref<4x128xi32, #tpu.memory_space<vmem>>
    %dma_wait3A_467 = arith.constant 0 : i32
    %dma_wait3A_468 = tpu.memref_slice %arg2[%add3A_255, %dma_wait3A_467] : memref<2560x128xi32, #tpu.memory_space<hbm>> -> memref<4x128xi32, #tpu.memory_space<hbm>>
    tpu.wait_dma2 semaphore(%arg9 : memref<!tpu.dma_semaphore, #tpu.memory_space<semaphore_mem>>) src(%dma_wait3A_468 : memref<4x128xi32, #tpu.memory_space<hbm>>) dst(%dma_wait3A_466 : memref<4x128xi32, #tpu.memory_space<vmem>>)
    %dma_wait3A_469 = arith.constant 76 : i32
    %dma_wait3A_470 = arith.constant 0 : i32
    %dma_wait3A_471 = tpu.memref_slice %arg5[%dma_wait3A_469, %dma_wait3A_470] : memref<80x128xi32, #tpu.memory_space<vmem>> -> memref<4x128xi32, #tpu.memory_space<vmem>>
    %dma_wait3A_472 = arith.constant 0 : i32
    %dma_wait3A_473 = tpu.memref_slice %arg2[%add3A_269, %dma_wait3A_472] : memref<2560x128xi32, #tpu.memory_space<hbm>> -> memref<4x128xi32, #tpu.memory_space<hbm>>
    %dma_wait3A_474 = arith.constant 76 : i32
    %dma_wait3A_475 = arith.constant 0 : i32
    %dma_wait3A_476 = tpu.memref_slice %arg5[%dma_wait3A_474, %dma_wait3A_475] : memref<80x128xi32, #tpu.memory_space<vmem>> -> memref<4x128xi32, #tpu.memory_space<vmem>>
    %dma_wait3A_477 = arith.constant 0 : i32
    %dma_wait3A_478 = tpu.memref_slice %arg2[%add3A_269, %dma_wait3A_477] : memref<2560x128xi32, #tpu.memory_space<hbm>> -> memref<4x128xi32, #tpu.memory_space<hbm>>
    tpu.wait_dma2 semaphore(%arg9 : memref<!tpu.dma_semaphore, #tpu.memory_space<semaphore_mem>>) src(%dma_wait3A_478 : memref<4x128xi32, #tpu.memory_space<hbm>>) dst(%dma_wait3A_476 : memref<4x128xi32, #tpu.memory_space<vmem>>)
    %dma_start3A_479 = arith.constant 0 : i32
    %dma_start3A_480 = arith.constant 0 : i32
    %dma_start3A_481 = arith.constant 0 : i32
    %dma_start3A_482 = tpu.memref_slice %arg6[%dma_start3A_480, %dma_start3A_481] : memref<2560x16xf32, #tpu.memory_space<vmem>> -> memref<128x16xf32, #tpu.memory_space<vmem>>
    %dma_start3A_483 = arith.constant 0 : i32
    %dma_start3A_484 = tpu.memref_slice %arg5[%dma_start3A_479, %dma_start3A_483] : memref<80x128xi32, #tpu.memory_space<vmem>> -> memref<1x128xi32, #tpu.memory_space<vmem>>
    %dma_start3A_485 = tpu.memref_squeeze %dma_start3A_484 : memref<1x128xi32, #tpu.memory_space<vmem>> -> memref<128xi32, #tpu.memory_space<vmem>>
    %dma_start3A_486 = arith.constant 0 : i32
    %dma_start3A_487 = arith.constant 0 : i32
    %dma_start3A_488 = tpu.memref_slice %arg3[%dma_start3A_486, %dma_start3A_487] : memref<100000x16xf32, #tpu.memory_space<hbm>> -> memref<100000x16xf32, #tpu.memory_space<hbm>>
    tpu.enqueue_indirect_dma source(%dma_start3A_488 : memref<100000x16xf32, #tpu.memory_space<hbm>>) target(%dma_start3A_482 : memref<128x16xf32, #tpu.memory_space<vmem>>) offsets(%dma_start3A_485 : memref<128xi32, #tpu.memory_space<vmem>>) semaphore(%arg9 : memref<!tpu.dma_semaphore, #tpu.memory_space<semaphore_mem>>)
    %dma_start3A_489 = arith.constant 4 : i32
    %dma_start3A_490 = arith.constant 128 : i32
    %dma_start3A_491 = arith.constant 0 : i32
    %dma_start3A_492 = tpu.memref_slice %arg6[%dma_start3A_490, %dma_start3A_491] : memref<2560x16xf32, #tpu.memory_space<vmem>> -> memref<128x16xf32, #tpu.memory_space<vmem>>
    %dma_start3A_493 = arith.constant 0 : i32
    %dma_start3A_494 = tpu.memref_slice %arg5[%dma_start3A_489, %dma_start3A_493] : memref<80x128xi32, #tpu.memory_space<vmem>> -> memref<1x128xi32, #tpu.memory_space<vmem>>
    %dma_start3A_495 = tpu.memref_squeeze %dma_start3A_494 : memref<1x128xi32, #tpu.memory_space<vmem>> -> memref<128xi32, #tpu.memory_space<vmem>>
    %dma_start3A_496 = arith.constant 0 : i32
    %dma_start3A_497 = arith.constant 0 : i32
    %dma_start3A_498 = tpu.memref_slice %arg3[%dma_start3A_496, %dma_start3A_497] : memref<100000x16xf32, #tpu.memory_space<hbm>> -> memref<100000x16xf32, #tpu.memory_space<hbm>>
    tpu.enqueue_indirect_dma source(%dma_start3A_498 : memref<100000x16xf32, #tpu.memory_space<hbm>>) target(%dma_start3A_492 : memref<128x16xf32, #tpu.memory_space<vmem>>) offsets(%dma_start3A_495 : memref<128xi32, #tpu.memory_space<vmem>>) semaphore(%arg9 : memref<!tpu.dma_semaphore, #tpu.memory_space<semaphore_mem>>)
    %dma_start3A_499 = arith.constant 8 : i32
    %dma_start3A_500 = arith.constant 256 : i32
    %dma_start3A_501 = arith.constant 0 : i32
    %dma_start3A_502 = tpu.memref_slice %arg6[%dma_start3A_500, %dma_start3A_501] : memref<2560x16xf32, #tpu.memory_space<vmem>> -> memref<128x16xf32, #tpu.memory_space<vmem>>
    %dma_start3A_503 = arith.constant 0 : i32
    %dma_start3A_504 = tpu.memref_slice %arg5[%dma_start3A_499, %dma_start3A_503] : memref<80x128xi32, #tpu.memory_space<vmem>> -> memref<1x128xi32, #tpu.memory_space<vmem>>
    %dma_start3A_505 = tpu.memref_squeeze %dma_start3A_504 : memref<1x128xi32, #tpu.memory_space<vmem>> -> memref<128xi32, #tpu.memory_space<vmem>>
    %dma_start3A_506 = arith.constant 0 : i32
    %dma_start3A_507 = arith.constant 0 : i32
    %dma_start3A_508 = tpu.memref_slice %arg3[%dma_start3A_506, %dma_start3A_507] : memref<100000x16xf32, #tpu.memory_space<hbm>> -> memref<100000x16xf32, #tpu.memory_space<hbm>>
    tpu.enqueue_indirect_dma source(%dma_start3A_508 : memref<100000x16xf32, #tpu.memory_space<hbm>>) target(%dma_start3A_502 : memref<128x16xf32, #tpu.memory_space<vmem>>) offsets(%dma_start3A_505 : memref<128xi32, #tpu.memory_space<vmem>>) semaphore(%arg9 : memref<!tpu.dma_semaphore, #tpu.memory_space<semaphore_mem>>)
    %dma_start3A_509 = arith.constant 12 : i32
    %dma_start3A_510 = arith.constant 384 : i32
    %dma_start3A_511 = arith.constant 0 : i32
    %dma_start3A_512 = tpu.memref_slice %arg6[%dma_start3A_510, %dma_start3A_511] : memref<2560x16xf32, #tpu.memory_space<vmem>> -> memref<128x16xf32, #tpu.memory_space<vmem>>
    %dma_start3A_513 = arith.constant 0 : i32
    %dma_start3A_514 = tpu.memref_slice %arg5[%dma_start3A_509, %dma_start3A_513] : memref<80x128xi32, #tpu.memory_space<vmem>> -> memref<1x128xi32, #tpu.memory_space<vmem>>
    %dma_start3A_515 = tpu.memref_squeeze %dma_start3A_514 : memref<1x128xi32, #tpu.memory_space<vmem>> -> memref<128xi32, #tpu.memory_space<vmem>>
    %dma_start3A_516 = arith.constant 0 : i32
    %dma_start3A_517 = arith.constant 0 : i32
    %dma_start3A_518 = tpu.memref_slice %arg3[%dma_start3A_516, %dma_start3A_517] : memref<100000x16xf32, #tpu.memory_space<hbm>> -> memref<100000x16xf32, #tpu.memory_space<hbm>>
    tpu.enqueue_indirect_dma source(%dma_start3A_518 : memref<100000x16xf32, #tpu.memory_space<hbm>>) target(%dma_start3A_512 : memref<128x16xf32, #tpu.memory_space<vmem>>) offsets(%dma_start3A_515 : memref<128xi32, #tpu.memory_space<vmem>>) semaphore(%arg9 : memref<!tpu.dma_semaphore, #tpu.memory_space<semaphore_mem>>)
    %dma_start3A_519 = arith.constant 16 : i32
    %dma_start3A_520 = arith.constant 512 : i32
    %dma_start3A_521 = arith.constant 0 : i32
    %dma_start3A_522 = tpu.memref_slice %arg6[%dma_start3A_520, %dma_start3A_521] : memref<2560x16xf32, #tpu.memory_space<vmem>> -> memref<128x16xf32, #tpu.memory_space<vmem>>
    %dma_start3A_523 = arith.constant 0 : i32
    %dma_start3A_524 = tpu.memref_slice %arg5[%dma_start3A_519, %dma_start3A_523] : memref<80x128xi32, #tpu.memory_space<vmem>> -> memref<1x128xi32, #tpu.memory_space<vmem>>
    %dma_start3A_525 = tpu.memref_squeeze %dma_start3A_524 : memref<1x128xi32, #tpu.memory_space<vmem>> -> memref<128xi32, #tpu.memory_space<vmem>>
    %dma_start3A_526 = arith.constant 0 : i32
    %dma_start3A_527 = arith.constant 0 : i32
    %dma_start3A_528 = tpu.memref_slice %arg3[%dma_start3A_526, %dma_start3A_527] : memref<100000x16xf32, #tpu.memory_space<hbm>> -> memref<100000x16xf32, #tpu.memory_space<hbm>>
    tpu.enqueue_indirect_dma source(%dma_start3A_528 : memref<100000x16xf32, #tpu.memory_space<hbm>>) target(%dma_start3A_522 : memref<128x16xf32, #tpu.memory_space<vmem>>) offsets(%dma_start3A_525 : memref<128xi32, #tpu.memory_space<vmem>>) semaphore(%arg9 : memref<!tpu.dma_semaphore, #tpu.memory_space<semaphore_mem>>)
    %dma_start3A_529 = arith.constant 20 : i32
    %dma_start3A_530 = arith.constant 640 : i32
    %dma_start3A_531 = arith.constant 0 : i32
    %dma_start3A_532 = tpu.memref_slice %arg6[%dma_start3A_530, %dma_start3A_531] : memref<2560x16xf32, #tpu.memory_space<vmem>> -> memref<128x16xf32, #tpu.memory_space<vmem>>
    %dma_start3A_533 = arith.constant 0 : i32
    %dma_start3A_534 = tpu.memref_slice %arg5[%dma_start3A_529, %dma_start3A_533] : memref<80x128xi32, #tpu.memory_space<vmem>> -> memref<1x128xi32, #tpu.memory_space<vmem>>
    %dma_start3A_535 = tpu.memref_squeeze %dma_start3A_534 : memref<1x128xi32, #tpu.memory_space<vmem>> -> memref<128xi32, #tpu.memory_space<vmem>>
    %dma_start3A_536 = arith.constant 0 : i32
    %dma_start3A_537 = arith.constant 0 : i32
    %dma_start3A_538 = tpu.memref_slice %arg3[%dma_start3A_536, %dma_start3A_537] : memref<100000x16xf32, #tpu.memory_space<hbm>> -> memref<100000x16xf32, #tpu.memory_space<hbm>>
    tpu.enqueue_indirect_dma source(%dma_start3A_538 : memref<100000x16xf32, #tpu.memory_space<hbm>>) target(%dma_start3A_532 : memref<128x16xf32, #tpu.memory_space<vmem>>) offsets(%dma_start3A_535 : memref<128xi32, #tpu.memory_space<vmem>>) semaphore(%arg9 : memref<!tpu.dma_semaphore, #tpu.memory_space<semaphore_mem>>)
    %dma_start3A_539 = arith.constant 24 : i32
    %dma_start3A_540 = arith.constant 768 : i32
    %dma_start3A_541 = arith.constant 0 : i32
    %dma_start3A_542 = tpu.memref_slice %arg6[%dma_start3A_540, %dma_start3A_541] : memref<2560x16xf32, #tpu.memory_space<vmem>> -> memref<128x16xf32, #tpu.memory_space<vmem>>
    %dma_start3A_543 = arith.constant 0 : i32
    %dma_start3A_544 = tpu.memref_slice %arg5[%dma_start3A_539, %dma_start3A_543] : memref<80x128xi32, #tpu.memory_space<vmem>> -> memref<1x128xi32, #tpu.memory_space<vmem>>
    %dma_start3A_545 = tpu.memref_squeeze %dma_start3A_544 : memref<1x128xi32, #tpu.memory_space<vmem>> -> memref<128xi32, #tpu.memory_space<vmem>>
    %dma_start3A_546 = arith.constant 0 : i32
    %dma_start3A_547 = arith.constant 0 : i32
    %dma_start3A_548 = tpu.memref_slice %arg3[%dma_start3A_546, %dma_start3A_547] : memref<100000x16xf32, #tpu.memory_space<hbm>> -> memref<100000x16xf32, #tpu.memory_space<hbm>>
    tpu.enqueue_indirect_dma source(%dma_start3A_548 : memref<100000x16xf32, #tpu.memory_space<hbm>>) target(%dma_start3A_542 : memref<128x16xf32, #tpu.memory_space<vmem>>) offsets(%dma_start3A_545 : memref<128xi32, #tpu.memory_space<vmem>>) semaphore(%arg9 : memref<!tpu.dma_semaphore, #tpu.memory_space<semaphore_mem>>)
    %dma_start3A_549 = arith.constant 28 : i32
    %dma_start3A_550 = arith.constant 896 : i32
    %dma_start3A_551 = arith.constant 0 : i32
    %dma_start3A_552 = tpu.memref_slice %arg6[%dma_start3A_550, %dma_start3A_551] : memref<2560x16xf32, #tpu.memory_space<vmem>> -> memref<128x16xf32, #tpu.memory_space<vmem>>
    %dma_start3A_553 = arith.constant 0 : i32
    %dma_start3A_554 = tpu.memref_slice %arg5[%dma_start3A_549, %dma_start3A_553] : memref<80x128xi32, #tpu.memory_space<vmem>> -> memref<1x128xi32, #tpu.memory_space<vmem>>
    %dma_start3A_555 = tpu.memref_squeeze %dma_start3A_554 : memref<1x128xi32, #tpu.memory_space<vmem>> -> memref<128xi32, #tpu.memory_space<vmem>>
    %dma_start3A_556 = arith.constant 0 : i32
    %dma_start3A_557 = arith.constant 0 : i32
    %dma_start3A_558 = tpu.memref_slice %arg3[%dma_start3A_556, %dma_start3A_557] : memref<100000x16xf32, #tpu.memory_space<hbm>> -> memref<100000x16xf32, #tpu.memory_space<hbm>>
    tpu.enqueue_indirect_dma source(%dma_start3A_558 : memref<100000x16xf32, #tpu.memory_space<hbm>>) target(%dma_start3A_552 : memref<128x16xf32, #tpu.memory_space<vmem>>) offsets(%dma_start3A_555 : memref<128xi32, #tpu.memory_space<vmem>>) semaphore(%arg9 : memref<!tpu.dma_semaphore, #tpu.memory_space<semaphore_mem>>)
    %dma_start3A_559 = arith.constant 32 : i32
    %dma_start3A_560 = arith.constant 1024 : i32
    %dma_start3A_561 = arith.constant 0 : i32
    %dma_start3A_562 = tpu.memref_slice %arg6[%dma_start3A_560, %dma_start3A_561] : memref<2560x16xf32, #tpu.memory_space<vmem>> -> memref<128x16xf32, #tpu.memory_space<vmem>>
    %dma_start3A_563 = arith.constant 0 : i32
    %dma_start3A_564 = tpu.memref_slice %arg5[%dma_start3A_559, %dma_start3A_563] : memref<80x128xi32, #tpu.memory_space<vmem>> -> memref<1x128xi32, #tpu.memory_space<vmem>>
    %dma_start3A_565 = tpu.memref_squeeze %dma_start3A_564 : memref<1x128xi32, #tpu.memory_space<vmem>> -> memref<128xi32, #tpu.memory_space<vmem>>
    %dma_start3A_566 = arith.constant 0 : i32
    %dma_start3A_567 = arith.constant 0 : i32
    %dma_start3A_568 = tpu.memref_slice %arg3[%dma_start3A_566, %dma_start3A_567] : memref<100000x16xf32, #tpu.memory_space<hbm>> -> memref<100000x16xf32, #tpu.memory_space<hbm>>
    tpu.enqueue_indirect_dma source(%dma_start3A_568 : memref<100000x16xf32, #tpu.memory_space<hbm>>) target(%dma_start3A_562 : memref<128x16xf32, #tpu.memory_space<vmem>>) offsets(%dma_start3A_565 : memref<128xi32, #tpu.memory_space<vmem>>) semaphore(%arg9 : memref<!tpu.dma_semaphore, #tpu.memory_space<semaphore_mem>>)
    %dma_start3A_569 = arith.constant 36 : i32
    %dma_start3A_570 = arith.constant 1152 : i32
    %dma_start3A_571 = arith.constant 0 : i32
    %dma_start3A_572 = tpu.memref_slice %arg6[%dma_start3A_570, %dma_start3A_571] : memref<2560x16xf32, #tpu.memory_space<vmem>> -> memref<128x16xf32, #tpu.memory_space<vmem>>
    %dma_start3A_573 = arith.constant 0 : i32
    %dma_start3A_574 = tpu.memref_slice %arg5[%dma_start3A_569, %dma_start3A_573] : memref<80x128xi32, #tpu.memory_space<vmem>> -> memref<1x128xi32, #tpu.memory_space<vmem>>
    %dma_start3A_575 = tpu.memref_squeeze %dma_start3A_574 : memref<1x128xi32, #tpu.memory_space<vmem>> -> memref<128xi32, #tpu.memory_space<vmem>>
    %dma_start3A_576 = arith.constant 0 : i32
    %dma_start3A_577 = arith.constant 0 : i32
    %dma_start3A_578 = tpu.memref_slice %arg3[%dma_start3A_576, %dma_start3A_577] : memref<100000x16xf32, #tpu.memory_space<hbm>> -> memref<100000x16xf32, #tpu.memory_space<hbm>>
    tpu.enqueue_indirect_dma source(%dma_start3A_578 : memref<100000x16xf32, #tpu.memory_space<hbm>>) target(%dma_start3A_572 : memref<128x16xf32, #tpu.memory_space<vmem>>) offsets(%dma_start3A_575 : memref<128xi32, #tpu.memory_space<vmem>>) semaphore(%arg9 : memref<!tpu.dma_semaphore, #tpu.memory_space<semaphore_mem>>)
    %dma_start3A_579 = arith.constant 40 : i32
    %dma_start3A_580 = arith.constant 1280 : i32
    %dma_start3A_581 = arith.constant 0 : i32
    %dma_start3A_582 = tpu.memref_slice %arg6[%dma_start3A_580, %dma_start3A_581] : memref<2560x16xf32, #tpu.memory_space<vmem>> -> memref<128x16xf32, #tpu.memory_space<vmem>>
    %dma_start3A_583 = arith.constant 0 : i32
    %dma_start3A_584 = tpu.memref_slice %arg5[%dma_start3A_579, %dma_start3A_583] : memref<80x128xi32, #tpu.memory_space<vmem>> -> memref<1x128xi32, #tpu.memory_space<vmem>>
    %dma_start3A_585 = tpu.memref_squeeze %dma_start3A_584 : memref<1x128xi32, #tpu.memory_space<vmem>> -> memref<128xi32, #tpu.memory_space<vmem>>
    %dma_start3A_586 = arith.constant 0 : i32
    %dma_start3A_587 = arith.constant 0 : i32
    %dma_start3A_588 = tpu.memref_slice %arg3[%dma_start3A_586, %dma_start3A_587] : memref<100000x16xf32, #tpu.memory_space<hbm>> -> memref<100000x16xf32, #tpu.memory_space<hbm>>
    tpu.enqueue_indirect_dma source(%dma_start3A_588 : memref<100000x16xf32, #tpu.memory_space<hbm>>) target(%dma_start3A_582 : memref<128x16xf32, #tpu.memory_space<vmem>>) offsets(%dma_start3A_585 : memref<128xi32, #tpu.memory_space<vmem>>) semaphore(%arg9 : memref<!tpu.dma_semaphore, #tpu.memory_space<semaphore_mem>>)
    %dma_start3A_589 = arith.constant 44 : i32
    %dma_start3A_590 = arith.constant 1408 : i32
    %dma_start3A_591 = arith.constant 0 : i32
    %dma_start3A_592 = tpu.memref_slice %arg6[%dma_start3A_590, %dma_start3A_591] : memref<2560x16xf32, #tpu.memory_space<vmem>> -> memref<128x16xf32, #tpu.memory_space<vmem>>
    %dma_start3A_593 = arith.constant 0 : i32
    %dma_start3A_594 = tpu.memref_slice %arg5[%dma_start3A_589, %dma_start3A_593] : memref<80x128xi32, #tpu.memory_space<vmem>> -> memref<1x128xi32, #tpu.memory_space<vmem>>
    %dma_start3A_595 = tpu.memref_squeeze %dma_start3A_594 : memref<1x128xi32, #tpu.memory_space<vmem>> -> memref<128xi32, #tpu.memory_space<vmem>>
    %dma_start3A_596 = arith.constant 0 : i32
    %dma_start3A_597 = arith.constant 0 : i32
    %dma_start3A_598 = tpu.memref_slice %arg3[%dma_start3A_596, %dma_start3A_597] : memref<100000x16xf32, #tpu.memory_space<hbm>> -> memref<100000x16xf32, #tpu.memory_space<hbm>>
    tpu.enqueue_indirect_dma source(%dma_start3A_598 : memref<100000x16xf32, #tpu.memory_space<hbm>>) target(%dma_start3A_592 : memref<128x16xf32, #tpu.memory_space<vmem>>) offsets(%dma_start3A_595 : memref<128xi32, #tpu.memory_space<vmem>>) semaphore(%arg9 : memref<!tpu.dma_semaphore, #tpu.memory_space<semaphore_mem>>)
    %dma_start3A_599 = arith.constant 48 : i32
    %dma_start3A_600 = arith.constant 1536 : i32
    %dma_start3A_601 = arith.constant 0 : i32
    %dma_start3A_602 = tpu.memref_slice %arg6[%dma_start3A_600, %dma_start3A_601] : memref<2560x16xf32, #tpu.memory_space<vmem>> -> memref<128x16xf32, #tpu.memory_space<vmem>>
    %dma_start3A_603 = arith.constant 0 : i32
    %dma_start3A_604 = tpu.memref_slice %arg5[%dma_start3A_599, %dma_start3A_603] : memref<80x128xi32, #tpu.memory_space<vmem>> -> memref<1x128xi32, #tpu.memory_space<vmem>>
    %dma_start3A_605 = tpu.memref_squeeze %dma_start3A_604 : memref<1x128xi32, #tpu.memory_space<vmem>> -> memref<128xi32, #tpu.memory_space<vmem>>
    %dma_start3A_606 = arith.constant 0 : i32
    %dma_start3A_607 = arith.constant 0 : i32
    %dma_start3A_608 = tpu.memref_slice %arg3[%dma_start3A_606, %dma_start3A_607] : memref<100000x16xf32, #tpu.memory_space<hbm>> -> memref<100000x16xf32, #tpu.memory_space<hbm>>
    tpu.enqueue_indirect_dma source(%dma_start3A_608 : memref<100000x16xf32, #tpu.memory_space<hbm>>) target(%dma_start3A_602 : memref<128x16xf32, #tpu.memory_space<vmem>>) offsets(%dma_start3A_605 : memref<128xi32, #tpu.memory_space<vmem>>) semaphore(%arg9 : memref<!tpu.dma_semaphore, #tpu.memory_space<semaphore_mem>>)
    %dma_start3A_609 = arith.constant 52 : i32
    %dma_start3A_610 = arith.constant 1664 : i32
    %dma_start3A_611 = arith.constant 0 : i32
    %dma_start3A_612 = tpu.memref_slice %arg6[%dma_start3A_610, %dma_start3A_611] : memref<2560x16xf32, #tpu.memory_space<vmem>> -> memref<128x16xf32, #tpu.memory_space<vmem>>
    %dma_start3A_613 = arith.constant 0 : i32
    %dma_start3A_614 = tpu.memref_slice %arg5[%dma_start3A_609, %dma_start3A_613] : memref<80x128xi32, #tpu.memory_space<vmem>> -> memref<1x128xi32, #tpu.memory_space<vmem>>
    %dma_start3A_615 = tpu.memref_squeeze %dma_start3A_614 : memref<1x128xi32, #tpu.memory_space<vmem>> -> memref<128xi32, #tpu.memory_space<vmem>>
    %dma_start3A_616 = arith.constant 0 : i32
    %dma_start3A_617 = arith.constant 0 : i32
    %dma_start3A_618 = tpu.memref_slice %arg3[%dma_start3A_616, %dma_start3A_617] : memref<100000x16xf32, #tpu.memory_space<hbm>> -> memref<100000x16xf32, #tpu.memory_space<hbm>>
    tpu.enqueue_indirect_dma source(%dma_start3A_618 : memref<100000x16xf32, #tpu.memory_space<hbm>>) target(%dma_start3A_612 : memref<128x16xf32, #tpu.memory_space<vmem>>) offsets(%dma_start3A_615 : memref<128xi32, #tpu.memory_space<vmem>>) semaphore(%arg9 : memref<!tpu.dma_semaphore, #tpu.memory_space<semaphore_mem>>)
    %dma_start3A_619 = arith.constant 56 : i32
    %dma_start3A_620 = arith.constant 1792 : i32
    %dma_start3A_621 = arith.constant 0 : i32
    %dma_start3A_622 = tpu.memref_slice %arg6[%dma_start3A_620, %dma_start3A_621] : memref<2560x16xf32, #tpu.memory_space<vmem>> -> memref<128x16xf32, #tpu.memory_space<vmem>>
    %dma_start3A_623 = arith.constant 0 : i32
    %dma_start3A_624 = tpu.memref_slice %arg5[%dma_start3A_619, %dma_start3A_623] : memref<80x128xi32, #tpu.memory_space<vmem>> -> memref<1x128xi32, #tpu.memory_space<vmem>>
    %dma_start3A_625 = tpu.memref_squeeze %dma_start3A_624 : memref<1x128xi32, #tpu.memory_space<vmem>> -> memref<128xi32, #tpu.memory_space<vmem>>
    %dma_start3A_626 = arith.constant 0 : i32
    %dma_start3A_627 = arith.constant 0 : i32
    %dma_start3A_628 = tpu.memref_slice %arg3[%dma_start3A_626, %dma_start3A_627] : memref<100000x16xf32, #tpu.memory_space<hbm>> -> memref<100000x16xf32, #tpu.memory_space<hbm>>
    tpu.enqueue_indirect_dma source(%dma_start3A_628 : memref<100000x16xf32, #tpu.memory_space<hbm>>) target(%dma_start3A_622 : memref<128x16xf32, #tpu.memory_space<vmem>>) offsets(%dma_start3A_625 : memref<128xi32, #tpu.memory_space<vmem>>) semaphore(%arg9 : memref<!tpu.dma_semaphore, #tpu.memory_space<semaphore_mem>>)
    %dma_start3A_629 = arith.constant 60 : i32
    %dma_start3A_630 = arith.constant 1920 : i32
    %dma_start3A_631 = arith.constant 0 : i32
    %dma_start3A_632 = tpu.memref_slice %arg6[%dma_start3A_630, %dma_start3A_631] : memref<2560x16xf32, #tpu.memory_space<vmem>> -> memref<128x16xf32, #tpu.memory_space<vmem>>
    %dma_start3A_633 = arith.constant 0 : i32
    %dma_start3A_634 = tpu.memref_slice %arg5[%dma_start3A_629, %dma_start3A_633] : memref<80x128xi32, #tpu.memory_space<vmem>> -> memref<1x128xi32, #tpu.memory_space<vmem>>
    %dma_start3A_635 = tpu.memref_squeeze %dma_start3A_634 : memref<1x128xi32, #tpu.memory_space<vmem>> -> memref<128xi32, #tpu.memory_space<vmem>>
    %dma_start3A_636 = arith.constant 0 : i32
    %dma_start3A_637 = arith.constant 0 : i32
    %dma_start3A_638 = tpu.memref_slice %arg3[%dma_start3A_636, %dma_start3A_637] : memref<100000x16xf32, #tpu.memory_space<hbm>> -> memref<100000x16xf32, #tpu.memory_space<hbm>>
    tpu.enqueue_indirect_dma source(%dma_start3A_638 : memref<100000x16xf32, #tpu.memory_space<hbm>>) target(%dma_start3A_632 : memref<128x16xf32, #tpu.memory_space<vmem>>) offsets(%dma_start3A_635 : memref<128xi32, #tpu.memory_space<vmem>>) semaphore(%arg9 : memref<!tpu.dma_semaphore, #tpu.memory_space<semaphore_mem>>)
    %dma_start3A_639 = arith.constant 64 : i32
    %dma_start3A_640 = arith.constant 2048 : i32
    %dma_start3A_641 = arith.constant 0 : i32
    %dma_start3A_642 = tpu.memref_slice %arg6[%dma_start3A_640, %dma_start3A_641] : memref<2560x16xf32, #tpu.memory_space<vmem>> -> memref<128x16xf32, #tpu.memory_space<vmem>>
    %dma_start3A_643 = arith.constant 0 : i32
    %dma_start3A_644 = tpu.memref_slice %arg5[%dma_start3A_639, %dma_start3A_643] : memref<80x128xi32, #tpu.memory_space<vmem>> -> memref<1x128xi32, #tpu.memory_space<vmem>>
    %dma_start3A_645 = tpu.memref_squeeze %dma_start3A_644 : memref<1x128xi32, #tpu.memory_space<vmem>> -> memref<128xi32, #tpu.memory_space<vmem>>
    %dma_start3A_646 = arith.constant 0 : i32
    %dma_start3A_647 = arith.constant 0 : i32
    %dma_start3A_648 = tpu.memref_slice %arg3[%dma_start3A_646, %dma_start3A_647] : memref<100000x16xf32, #tpu.memory_space<hbm>> -> memref<100000x16xf32, #tpu.memory_space<hbm>>
    tpu.enqueue_indirect_dma source(%dma_start3A_648 : memref<100000x16xf32, #tpu.memory_space<hbm>>) target(%dma_start3A_642 : memref<128x16xf32, #tpu.memory_space<vmem>>) offsets(%dma_start3A_645 : memref<128xi32, #tpu.memory_space<vmem>>) semaphore(%arg9 : memref<!tpu.dma_semaphore, #tpu.memory_space<semaphore_mem>>)
    %dma_start3A_649 = arith.constant 68 : i32
    %dma_start3A_650 = arith.constant 2176 : i32
    %dma_start3A_651 = arith.constant 0 : i32
    %dma_start3A_652 = tpu.memref_slice %arg6[%dma_start3A_650, %dma_start3A_651] : memref<2560x16xf32, #tpu.memory_space<vmem>> -> memref<128x16xf32, #tpu.memory_space<vmem>>
    %dma_start3A_653 = arith.constant 0 : i32
    %dma_start3A_654 = tpu.memref_slice %arg5[%dma_start3A_649, %dma_start3A_653] : memref<80x128xi32, #tpu.memory_space<vmem>> -> memref<1x128xi32, #tpu.memory_space<vmem>>
    %dma_start3A_655 = tpu.memref_squeeze %dma_start3A_654 : memref<1x128xi32, #tpu.memory_space<vmem>> -> memref<128xi32, #tpu.memory_space<vmem>>
    %dma_start3A_656 = arith.constant 0 : i32
    %dma_start3A_657 = arith.constant 0 : i32
    %dma_start3A_658 = tpu.memref_slice %arg3[%dma_start3A_656, %dma_start3A_657] : memref<100000x16xf32, #tpu.memory_space<hbm>> -> memref<100000x16xf32, #tpu.memory_space<hbm>>
    tpu.enqueue_indirect_dma source(%dma_start3A_658 : memref<100000x16xf32, #tpu.memory_space<hbm>>) target(%dma_start3A_652 : memref<128x16xf32, #tpu.memory_space<vmem>>) offsets(%dma_start3A_655 : memref<128xi32, #tpu.memory_space<vmem>>) semaphore(%arg9 : memref<!tpu.dma_semaphore, #tpu.memory_space<semaphore_mem>>)
    %dma_start3A_659 = arith.constant 72 : i32
    %dma_start3A_660 = arith.constant 2304 : i32
    %dma_start3A_661 = arith.constant 0 : i32
    %dma_start3A_662 = tpu.memref_slice %arg6[%dma_start3A_660, %dma_start3A_661] : memref<2560x16xf32, #tpu.memory_space<vmem>> -> memref<128x16xf32, #tpu.memory_space<vmem>>
    %dma_start3A_663 = arith.constant 0 : i32
    %dma_start3A_664 = tpu.memref_slice %arg5[%dma_start3A_659, %dma_start3A_663] : memref<80x128xi32, #tpu.memory_space<vmem>> -> memref<1x128xi32, #tpu.memory_space<vmem>>
    %dma_start3A_665 = tpu.memref_squeeze %dma_start3A_664 : memref<1x128xi32, #tpu.memory_space<vmem>> -> memref<128xi32, #tpu.memory_space<vmem>>
    %dma_start3A_666 = arith.constant 0 : i32
    %dma_start3A_667 = arith.constant 0 : i32
    %dma_start3A_668 = tpu.memref_slice %arg3[%dma_start3A_666, %dma_start3A_667] : memref<100000x16xf32, #tpu.memory_space<hbm>> -> memref<100000x16xf32, #tpu.memory_space<hbm>>
    tpu.enqueue_indirect_dma source(%dma_start3A_668 : memref<100000x16xf32, #tpu.memory_space<hbm>>) target(%dma_start3A_662 : memref<128x16xf32, #tpu.memory_space<vmem>>) offsets(%dma_start3A_665 : memref<128xi32, #tpu.memory_space<vmem>>) semaphore(%arg9 : memref<!tpu.dma_semaphore, #tpu.memory_space<semaphore_mem>>)
    %dma_start3A_669 = arith.constant 76 : i32
    %dma_start3A_670 = arith.constant 2432 : i32
    %dma_start3A_671 = arith.constant 0 : i32
    %dma_start3A_672 = tpu.memref_slice %arg6[%dma_start3A_670, %dma_start3A_671] : memref<2560x16xf32, #tpu.memory_space<vmem>> -> memref<128x16xf32, #tpu.memory_space<vmem>>
    %dma_start3A_673 = arith.constant 0 : i32
    %dma_start3A_674 = tpu.memref_slice %arg5[%dma_start3A_669, %dma_start3A_673] : memref<80x128xi32, #tpu.memory_space<vmem>> -> memref<1x128xi32, #tpu.memory_space<vmem>>
    %dma_start3A_675 = tpu.memref_squeeze %dma_start3A_674 : memref<1x128xi32, #tpu.memory_space<vmem>> -> memref<128xi32, #tpu.memory_space<vmem>>
    %dma_start3A_676 = arith.constant 0 : i32
    %dma_start3A_677 = arith.constant 0 : i32
    %dma_start3A_678 = tpu.memref_slice %arg3[%dma_start3A_676, %dma_start3A_677] : memref<100000x16xf32, #tpu.memory_space<hbm>> -> memref<100000x16xf32, #tpu.memory_space<hbm>>
    tpu.enqueue_indirect_dma source(%dma_start3A_678 : memref<100000x16xf32, #tpu.memory_space<hbm>>) target(%dma_start3A_672 : memref<128x16xf32, #tpu.memory_space<vmem>>) offsets(%dma_start3A_675 : memref<128xi32, #tpu.memory_space<vmem>>) semaphore(%arg9 : memref<!tpu.dma_semaphore, #tpu.memory_space<semaphore_mem>>)
    %dma_start3A_679 = arith.constant 1 : i32
    %dma_start3A_680 = arith.constant 0 : i32
    %dma_start3A_681 = arith.constant 0 : i32
    %dma_start3A_682 = tpu.memref_slice %arg7[%dma_start3A_680, %dma_start3A_681] : memref<2560x16xf32, #tpu.memory_space<vmem>> -> memref<128x16xf32, #tpu.memory_space<vmem>>
    %dma_start3A_683 = arith.constant 0 : i32
    %dma_start3A_684 = tpu.memref_slice %arg5[%dma_start3A_679, %dma_start3A_683] : memref<80x128xi32, #tpu.memory_space<vmem>> -> memref<1x128xi32, #tpu.memory_space<vmem>>
    %dma_start3A_685 = tpu.memref_squeeze %dma_start3A_684 : memref<1x128xi32, #tpu.memory_space<vmem>> -> memref<128xi32, #tpu.memory_space<vmem>>
    %dma_start3A_686 = arith.constant 0 : i32
    %dma_start3A_687 = arith.constant 0 : i32
    %dma_start3A_688 = tpu.memref_slice %arg3[%dma_start3A_686, %dma_start3A_687] : memref<100000x16xf32, #tpu.memory_space<hbm>> -> memref<100000x16xf32, #tpu.memory_space<hbm>>
    tpu.enqueue_indirect_dma source(%dma_start3A_688 : memref<100000x16xf32, #tpu.memory_space<hbm>>) target(%dma_start3A_682 : memref<128x16xf32, #tpu.memory_space<vmem>>) offsets(%dma_start3A_685 : memref<128xi32, #tpu.memory_space<vmem>>) semaphore(%arg10 : memref<!tpu.dma_semaphore, #tpu.memory_space<semaphore_mem>>)
    %dma_start3A_689 = arith.constant 5 : i32
    %dma_start3A_690 = arith.constant 128 : i32
    %dma_start3A_691 = arith.constant 0 : i32
    %dma_start3A_692 = tpu.memref_slice %arg7[%dma_start3A_690, %dma_start3A_691] : memref<2560x16xf32, #tpu.memory_space<vmem>> -> memref<128x16xf32, #tpu.memory_space<vmem>>
    %dma_start3A_693 = arith.constant 0 : i32
    %dma_start3A_694 = tpu.memref_slice %arg5[%dma_start3A_689, %dma_start3A_693] : memref<80x128xi32, #tpu.memory_space<vmem>> -> memref<1x128xi32, #tpu.memory_space<vmem>>
    %dma_start3A_695 = tpu.memref_squeeze %dma_start3A_694 : memref<1x128xi32, #tpu.memory_space<vmem>> -> memref<128xi32, #tpu.memory_space<vmem>>
    %dma_start3A_696 = arith.constant 0 : i32
    %dma_start3A_697 = arith.constant 0 : i32
    %dma_start3A_698 = tpu.memref_slice %arg3[%dma_start3A_696, %dma_start3A_697] : memref<100000x16xf32, #tpu.memory_space<hbm>> -> memref<100000x16xf32, #tpu.memory_space<hbm>>
    tpu.enqueue_indirect_dma source(%dma_start3A_698 : memref<100000x16xf32, #tpu.memory_space<hbm>>) target(%dma_start3A_692 : memref<128x16xf32, #tpu.memory_space<vmem>>) offsets(%dma_start3A_695 : memref<128xi32, #tpu.memory_space<vmem>>) semaphore(%arg10 : memref<!tpu.dma_semaphore, #tpu.memory_space<semaphore_mem>>)
    %dma_start3A_699 = arith.constant 9 : i32
    %dma_start3A_700 = arith.constant 256 : i32
    %dma_start3A_701 = arith.constant 0 : i32
    %dma_start3A_702 = tpu.memref_slice %arg7[%dma_start3A_700, %dma_start3A_701] : memref<2560x16xf32, #tpu.memory_space<vmem>> -> memref<128x16xf32, #tpu.memory_space<vmem>>
    %dma_start3A_703 = arith.constant 0 : i32
    %dma_start3A_704 = tpu.memref_slice %arg5[%dma_start3A_699, %dma_start3A_703] : memref<80x128xi32, #tpu.memory_space<vmem>> -> memref<1x128xi32, #tpu.memory_space<vmem>>
    %dma_start3A_705 = tpu.memref_squeeze %dma_start3A_704 : memref<1x128xi32, #tpu.memory_space<vmem>> -> memref<128xi32, #tpu.memory_space<vmem>>
    %dma_start3A_706 = arith.constant 0 : i32
    %dma_start3A_707 = arith.constant 0 : i32
    %dma_start3A_708 = tpu.memref_slice %arg3[%dma_start3A_706, %dma_start3A_707] : memref<100000x16xf32, #tpu.memory_space<hbm>> -> memref<100000x16xf32, #tpu.memory_space<hbm>>
    tpu.enqueue_indirect_dma source(%dma_start3A_708 : memref<100000x16xf32, #tpu.memory_space<hbm>>) target(%dma_start3A_702 : memref<128x16xf32, #tpu.memory_space<vmem>>) offsets(%dma_start3A_705 : memref<128xi32, #tpu.memory_space<vmem>>) semaphore(%arg10 : memref<!tpu.dma_semaphore, #tpu.memory_space<semaphore_mem>>)
    %dma_start3A_709 = arith.constant 13 : i32
    %dma_start3A_710 = arith.constant 384 : i32
    %dma_start3A_711 = arith.constant 0 : i32
    %dma_start3A_712 = tpu.memref_slice %arg7[%dma_start3A_710, %dma_start3A_711] : memref<2560x16xf32, #tpu.memory_space<vmem>> -> memref<128x16xf32, #tpu.memory_space<vmem>>
    %dma_start3A_713 = arith.constant 0 : i32
    %dma_start3A_714 = tpu.memref_slice %arg5[%dma_start3A_709, %dma_start3A_713] : memref<80x128xi32, #tpu.memory_space<vmem>> -> memref<1x128xi32, #tpu.memory_space<vmem>>
    %dma_start3A_715 = tpu.memref_squeeze %dma_start3A_714 : memref<1x128xi32, #tpu.memory_space<vmem>> -> memref<128xi32, #tpu.memory_space<vmem>>
    %dma_start3A_716 = arith.constant 0 : i32
    %dma_start3A_717 = arith.constant 0 : i32
    %dma_start3A_718 = tpu.memref_slice %arg3[%dma_start3A_716, %dma_start3A_717] : memref<100000x16xf32, #tpu.memory_space<hbm>> -> memref<100000x16xf32, #tpu.memory_space<hbm>>
    tpu.enqueue_indirect_dma source(%dma_start3A_718 : memref<100000x16xf32, #tpu.memory_space<hbm>>) target(%dma_start3A_712 : memref<128x16xf32, #tpu.memory_space<vmem>>) offsets(%dma_start3A_715 : memref<128xi32, #tpu.memory_space<vmem>>) semaphore(%arg10 : memref<!tpu.dma_semaphore, #tpu.memory_space<semaphore_mem>>)
    %dma_start3A_719 = arith.constant 17 : i32
    %dma_start3A_720 = arith.constant 512 : i32
    %dma_start3A_721 = arith.constant 0 : i32
    %dma_start3A_722 = tpu.memref_slice %arg7[%dma_start3A_720, %dma_start3A_721] : memref<2560x16xf32, #tpu.memory_space<vmem>> -> memref<128x16xf32, #tpu.memory_space<vmem>>
    %dma_start3A_723 = arith.constant 0 : i32
    %dma_start3A_724 = tpu.memref_slice %arg5[%dma_start3A_719, %dma_start3A_723] : memref<80x128xi32, #tpu.memory_space<vmem>> -> memref<1x128xi32, #tpu.memory_space<vmem>>
    %dma_start3A_725 = tpu.memref_squeeze %dma_start3A_724 : memref<1x128xi32, #tpu.memory_space<vmem>> -> memref<128xi32, #tpu.memory_space<vmem>>
    %dma_start3A_726 = arith.constant 0 : i32
    %dma_start3A_727 = arith.constant 0 : i32
    %dma_start3A_728 = tpu.memref_slice %arg3[%dma_start3A_726, %dma_start3A_727] : memref<100000x16xf32, #tpu.memory_space<hbm>> -> memref<100000x16xf32, #tpu.memory_space<hbm>>
    tpu.enqueue_indirect_dma source(%dma_start3A_728 : memref<100000x16xf32, #tpu.memory_space<hbm>>) target(%dma_start3A_722 : memref<128x16xf32, #tpu.memory_space<vmem>>) offsets(%dma_start3A_725 : memref<128xi32, #tpu.memory_space<vmem>>) semaphore(%arg10 : memref<!tpu.dma_semaphore, #tpu.memory_space<semaphore_mem>>)
    %dma_start3A_729 = arith.constant 21 : i32
    %dma_start3A_730 = arith.constant 640 : i32
    %dma_start3A_731 = arith.constant 0 : i32
    %dma_start3A_732 = tpu.memref_slice %arg7[%dma_start3A_730, %dma_start3A_731] : memref<2560x16xf32, #tpu.memory_space<vmem>> -> memref<128x16xf32, #tpu.memory_space<vmem>>
    %dma_start3A_733 = arith.constant 0 : i32
    %dma_start3A_734 = tpu.memref_slice %arg5[%dma_start3A_729, %dma_start3A_733] : memref<80x128xi32, #tpu.memory_space<vmem>> -> memref<1x128xi32, #tpu.memory_space<vmem>>
    %dma_start3A_735 = tpu.memref_squeeze %dma_start3A_734 : memref<1x128xi32, #tpu.memory_space<vmem>> -> memref<128xi32, #tpu.memory_space<vmem>>
    %dma_start3A_736 = arith.constant 0 : i32
    %dma_start3A_737 = arith.constant 0 : i32
    %dma_start3A_738 = tpu.memref_slice %arg3[%dma_start3A_736, %dma_start3A_737] : memref<100000x16xf32, #tpu.memory_space<hbm>> -> memref<100000x16xf32, #tpu.memory_space<hbm>>
    tpu.enqueue_indirect_dma source(%dma_start3A_738 : memref<100000x16xf32, #tpu.memory_space<hbm>>) target(%dma_start3A_732 : memref<128x16xf32, #tpu.memory_space<vmem>>) offsets(%dma_start3A_735 : memref<128xi32, #tpu.memory_space<vmem>>) semaphore(%arg10 : memref<!tpu.dma_semaphore, #tpu.memory_space<semaphore_mem>>)
    %dma_start3A_739 = arith.constant 25 : i32
    %dma_start3A_740 = arith.constant 768 : i32
    %dma_start3A_741 = arith.constant 0 : i32
    %dma_start3A_742 = tpu.memref_slice %arg7[%dma_start3A_740, %dma_start3A_741] : memref<2560x16xf32, #tpu.memory_space<vmem>> -> memref<128x16xf32, #tpu.memory_space<vmem>>
    %dma_start3A_743 = arith.constant 0 : i32
    %dma_start3A_744 = tpu.memref_slice %arg5[%dma_start3A_739, %dma_start3A_743] : memref<80x128xi32, #tpu.memory_space<vmem>> -> memref<1x128xi32, #tpu.memory_space<vmem>>
    %dma_start3A_745 = tpu.memref_squeeze %dma_start3A_744 : memref<1x128xi32, #tpu.memory_space<vmem>> -> memref<128xi32, #tpu.memory_space<vmem>>
    %dma_start3A_746 = arith.constant 0 : i32
    %dma_start3A_747 = arith.constant 0 : i32
    %dma_start3A_748 = tpu.memref_slice %arg3[%dma_start3A_746, %dma_start3A_747] : memref<100000x16xf32, #tpu.memory_space<hbm>> -> memref<100000x16xf32, #tpu.memory_space<hbm>>
    tpu.enqueue_indirect_dma source(%dma_start3A_748 : memref<100000x16xf32, #tpu.memory_space<hbm>>) target(%dma_start3A_742 : memref<128x16xf32, #tpu.memory_space<vmem>>) offsets(%dma_start3A_745 : memref<128xi32, #tpu.memory_space<vmem>>) semaphore(%arg10 : memref<!tpu.dma_semaphore, #tpu.memory_space<semaphore_mem>>)
    %dma_start3A_749 = arith.constant 29 : i32
    %dma_start3A_750 = arith.constant 896 : i32
    %dma_start3A_751 = arith.constant 0 : i32
    %dma_start3A_752 = tpu.memref_slice %arg7[%dma_start3A_750, %dma_start3A_751] : memref<2560x16xf32, #tpu.memory_space<vmem>> -> memref<128x16xf32, #tpu.memory_space<vmem>>
    %dma_start3A_753 = arith.constant 0 : i32
    %dma_start3A_754 = tpu.memref_slice %arg5[%dma_start3A_749, %dma_start3A_753] : memref<80x128xi32, #tpu.memory_space<vmem>> -> memref<1x128xi32, #tpu.memory_space<vmem>>
    %dma_start3A_755 = tpu.memref_squeeze %dma_start3A_754 : memref<1x128xi32, #tpu.memory_space<vmem>> -> memref<128xi32, #tpu.memory_space<vmem>>
    %dma_start3A_756 = arith.constant 0 : i32
    %dma_start3A_757 = arith.constant 0 : i32
    %dma_start3A_758 = tpu.memref_slice %arg3[%dma_start3A_756, %dma_start3A_757] : memref<100000x16xf32, #tpu.memory_space<hbm>> -> memref<100000x16xf32, #tpu.memory_space<hbm>>
    tpu.enqueue_indirect_dma source(%dma_start3A_758 : memref<100000x16xf32, #tpu.memory_space<hbm>>) target(%dma_start3A_752 : memref<128x16xf32, #tpu.memory_space<vmem>>) offsets(%dma_start3A_755 : memref<128xi32, #tpu.memory_space<vmem>>) semaphore(%arg10 : memref<!tpu.dma_semaphore, #tpu.memory_space<semaphore_mem>>)
    %dma_start3A_759 = arith.constant 33 : i32
    %dma_start3A_760 = arith.constant 1024 : i32
    %dma_start3A_761 = arith.constant 0 : i32
    %dma_start3A_762 = tpu.memref_slice %arg7[%dma_start3A_760, %dma_start3A_761] : memref<2560x16xf32, #tpu.memory_space<vmem>> -> memref<128x16xf32, #tpu.memory_space<vmem>>
    %dma_start3A_763 = arith.constant 0 : i32
    %dma_start3A_764 = tpu.memref_slice %arg5[%dma_start3A_759, %dma_start3A_763] : memref<80x128xi32, #tpu.memory_space<vmem>> -> memref<1x128xi32, #tpu.memory_space<vmem>>
    %dma_start3A_765 = tpu.memref_squeeze %dma_start3A_764 : memref<1x128xi32, #tpu.memory_space<vmem>> -> memref<128xi32, #tpu.memory_space<vmem>>
    %dma_start3A_766 = arith.constant 0 : i32
    %dma_start3A_767 = arith.constant 0 : i32
    %dma_start3A_768 = tpu.memref_slice %arg3[%dma_start3A_766, %dma_start3A_767] : memref<100000x16xf32, #tpu.memory_space<hbm>> -> memref<100000x16xf32, #tpu.memory_space<hbm>>
    tpu.enqueue_indirect_dma source(%dma_start3A_768 : memref<100000x16xf32, #tpu.memory_space<hbm>>) target(%dma_start3A_762 : memref<128x16xf32, #tpu.memory_space<vmem>>) offsets(%dma_start3A_765 : memref<128xi32, #tpu.memory_space<vmem>>) semaphore(%arg10 : memref<!tpu.dma_semaphore, #tpu.memory_space<semaphore_mem>>)
    %dma_start3A_769 = arith.constant 37 : i32
    %dma_start3A_770 = arith.constant 1152 : i32
    %dma_start3A_771 = arith.constant 0 : i32
    %dma_start3A_772 = tpu.memref_slice %arg7[%dma_start3A_770, %dma_start3A_771] : memref<2560x16xf32, #tpu.memory_space<vmem>> -> memref<128x16xf32, #tpu.memory_space<vmem>>
    %dma_start3A_773 = arith.constant 0 : i32
    %dma_start3A_774 = tpu.memref_slice %arg5[%dma_start3A_769, %dma_start3A_773] : memref<80x128xi32, #tpu.memory_space<vmem>> -> memref<1x128xi32, #tpu.memory_space<vmem>>
    %dma_start3A_775 = tpu.memref_squeeze %dma_start3A_774 : memref<1x128xi32, #tpu.memory_space<vmem>> -> memref<128xi32, #tpu.memory_space<vmem>>
    %dma_start3A_776 = arith.constant 0 : i32
    %dma_start3A_777 = arith.constant 0 : i32
    %dma_start3A_778 = tpu.memref_slice %arg3[%dma_start3A_776, %dma_start3A_777] : memref<100000x16xf32, #tpu.memory_space<hbm>> -> memref<100000x16xf32, #tpu.memory_space<hbm>>
    tpu.enqueue_indirect_dma source(%dma_start3A_778 : memref<100000x16xf32, #tpu.memory_space<hbm>>) target(%dma_start3A_772 : memref<128x16xf32, #tpu.memory_space<vmem>>) offsets(%dma_start3A_775 : memref<128xi32, #tpu.memory_space<vmem>>) semaphore(%arg10 : memref<!tpu.dma_semaphore, #tpu.memory_space<semaphore_mem>>)
    %dma_start3A_779 = arith.constant 41 : i32
    %dma_start3A_780 = arith.constant 1280 : i32
    %dma_start3A_781 = arith.constant 0 : i32
    %dma_start3A_782 = tpu.memref_slice %arg7[%dma_start3A_780, %dma_start3A_781] : memref<2560x16xf32, #tpu.memory_space<vmem>> -> memref<128x16xf32, #tpu.memory_space<vmem>>
    %dma_start3A_783 = arith.constant 0 : i32
    %dma_start3A_784 = tpu.memref_slice %arg5[%dma_start3A_779, %dma_start3A_783] : memref<80x128xi32, #tpu.memory_space<vmem>> -> memref<1x128xi32, #tpu.memory_space<vmem>>
    %dma_start3A_785 = tpu.memref_squeeze %dma_start3A_784 : memref<1x128xi32, #tpu.memory_space<vmem>> -> memref<128xi32, #tpu.memory_space<vmem>>
    %dma_start3A_786 = arith.constant 0 : i32
    %dma_start3A_787 = arith.constant 0 : i32
    %dma_start3A_788 = tpu.memref_slice %arg3[%dma_start3A_786, %dma_start3A_787] : memref<100000x16xf32, #tpu.memory_space<hbm>> -> memref<100000x16xf32, #tpu.memory_space<hbm>>
    tpu.enqueue_indirect_dma source(%dma_start3A_788 : memref<100000x16xf32, #tpu.memory_space<hbm>>) target(%dma_start3A_782 : memref<128x16xf32, #tpu.memory_space<vmem>>) offsets(%dma_start3A_785 : memref<128xi32, #tpu.memory_space<vmem>>) semaphore(%arg10 : memref<!tpu.dma_semaphore, #tpu.memory_space<semaphore_mem>>)
    %dma_start3A_789 = arith.constant 45 : i32
    %dma_start3A_790 = arith.constant 1408 : i32
    %dma_start3A_791 = arith.constant 0 : i32
    %dma_start3A_792 = tpu.memref_slice %arg7[%dma_start3A_790, %dma_start3A_791] : memref<2560x16xf32, #tpu.memory_space<vmem>> -> memref<128x16xf32, #tpu.memory_space<vmem>>
    %dma_start3A_793 = arith.constant 0 : i32
    %dma_start3A_794 = tpu.memref_slice %arg5[%dma_start3A_789, %dma_start3A_793] : memref<80x128xi32, #tpu.memory_space<vmem>> -> memref<1x128xi32, #tpu.memory_space<vmem>>
    %dma_start3A_795 = tpu.memref_squeeze %dma_start3A_794 : memref<1x128xi32, #tpu.memory_space<vmem>> -> memref<128xi32, #tpu.memory_space<vmem>>
    %dma_start3A_796 = arith.constant 0 : i32
    %dma_start3A_797 = arith.constant 0 : i32
    %dma_start3A_798 = tpu.memref_slice %arg3[%dma_start3A_796, %dma_start3A_797] : memref<100000x16xf32, #tpu.memory_space<hbm>> -> memref<100000x16xf32, #tpu.memory_space<hbm>>
    tpu.enqueue_indirect_dma source(%dma_start3A_798 : memref<100000x16xf32, #tpu.memory_space<hbm>>) target(%dma_start3A_792 : memref<128x16xf32, #tpu.memory_space<vmem>>) offsets(%dma_start3A_795 : memref<128xi32, #tpu.memory_space<vmem>>) semaphore(%arg10 : memref<!tpu.dma_semaphore, #tpu.memory_space<semaphore_mem>>)
    %dma_start3A_799 = arith.constant 49 : i32
    %dma_start3A_800 = arith.constant 1536 : i32
    %dma_start3A_801 = arith.constant 0 : i32
    %dma_start3A_802 = tpu.memref_slice %arg7[%dma_start3A_800, %dma_start3A_801] : memref<2560x16xf32, #tpu.memory_space<vmem>> -> memref<128x16xf32, #tpu.memory_space<vmem>>
    %dma_start3A_803 = arith.constant 0 : i32
    %dma_start3A_804 = tpu.memref_slice %arg5[%dma_start3A_799, %dma_start3A_803] : memref<80x128xi32, #tpu.memory_space<vmem>> -> memref<1x128xi32, #tpu.memory_space<vmem>>
    %dma_start3A_805 = tpu.memref_squeeze %dma_start3A_804 : memref<1x128xi32, #tpu.memory_space<vmem>> -> memref<128xi32, #tpu.memory_space<vmem>>
    %dma_start3A_806 = arith.constant 0 : i32
    %dma_start3A_807 = arith.constant 0 : i32
    %dma_start3A_808 = tpu.memref_slice %arg3[%dma_start3A_806, %dma_start3A_807] : memref<100000x16xf32, #tpu.memory_space<hbm>> -> memref<100000x16xf32, #tpu.memory_space<hbm>>
    tpu.enqueue_indirect_dma source(%dma_start3A_808 : memref<100000x16xf32, #tpu.memory_space<hbm>>) target(%dma_start3A_802 : memref<128x16xf32, #tpu.memory_space<vmem>>) offsets(%dma_start3A_805 : memref<128xi32, #tpu.memory_space<vmem>>) semaphore(%arg10 : memref<!tpu.dma_semaphore, #tpu.memory_space<semaphore_mem>>)
    %dma_start3A_809 = arith.constant 53 : i32
    %dma_start3A_810 = arith.constant 1664 : i32
    %dma_start3A_811 = arith.constant 0 : i32
    %dma_start3A_812 = tpu.memref_slice %arg7[%dma_start3A_810, %dma_start3A_811] : memref<2560x16xf32, #tpu.memory_space<vmem>> -> memref<128x16xf32, #tpu.memory_space<vmem>>
    %dma_start3A_813 = arith.constant 0 : i32
    %dma_start3A_814 = tpu.memref_slice %arg5[%dma_start3A_809, %dma_start3A_813] : memref<80x128xi32, #tpu.memory_space<vmem>> -> memref<1x128xi32, #tpu.memory_space<vmem>>
    %dma_start3A_815 = tpu.memref_squeeze %dma_start3A_814 : memref<1x128xi32, #tpu.memory_space<vmem>> -> memref<128xi32, #tpu.memory_space<vmem>>
    %dma_start3A_816 = arith.constant 0 : i32
    %dma_start3A_817 = arith.constant 0 : i32
    %dma_start3A_818 = tpu.memref_slice %arg3[%dma_start3A_816, %dma_start3A_817] : memref<100000x16xf32, #tpu.memory_space<hbm>> -> memref<100000x16xf32, #tpu.memory_space<hbm>>
    tpu.enqueue_indirect_dma source(%dma_start3A_818 : memref<100000x16xf32, #tpu.memory_space<hbm>>) target(%dma_start3A_812 : memref<128x16xf32, #tpu.memory_space<vmem>>) offsets(%dma_start3A_815 : memref<128xi32, #tpu.memory_space<vmem>>) semaphore(%arg10 : memref<!tpu.dma_semaphore, #tpu.memory_space<semaphore_mem>>)
    %dma_start3A_819 = arith.constant 57 : i32
    %dma_start3A_820 = arith.constant 1792 : i32
    %dma_start3A_821 = arith.constant 0 : i32
    %dma_start3A_822 = tpu.memref_slice %arg7[%dma_start3A_820, %dma_start3A_821] : memref<2560x16xf32, #tpu.memory_space<vmem>> -> memref<128x16xf32, #tpu.memory_space<vmem>>
    %dma_start3A_823 = arith.constant 0 : i32
    %dma_start3A_824 = tpu.memref_slice %arg5[%dma_start3A_819, %dma_start3A_823] : memref<80x128xi32, #tpu.memory_space<vmem>> -> memref<1x128xi32, #tpu.memory_space<vmem>>
    %dma_start3A_825 = tpu.memref_squeeze %dma_start3A_824 : memref<1x128xi32, #tpu.memory_space<vmem>> -> memref<128xi32, #tpu.memory_space<vmem>>
    %dma_start3A_826 = arith.constant 0 : i32
    %dma_start3A_827 = arith.constant 0 : i32
    %dma_start3A_828 = tpu.memref_slice %arg3[%dma_start3A_826, %dma_start3A_827] : memref<100000x16xf32, #tpu.memory_space<hbm>> -> memref<100000x16xf32, #tpu.memory_space<hbm>>
    tpu.enqueue_indirect_dma source(%dma_start3A_828 : memref<100000x16xf32, #tpu.memory_space<hbm>>) target(%dma_start3A_822 : memref<128x16xf32, #tpu.memory_space<vmem>>) offsets(%dma_start3A_825 : memref<128xi32, #tpu.memory_space<vmem>>) semaphore(%arg10 : memref<!tpu.dma_semaphore, #tpu.memory_space<semaphore_mem>>)
    %dma_start3A_829 = arith.constant 61 : i32
    %dma_start3A_830 = arith.constant 1920 : i32
    %dma_start3A_831 = arith.constant 0 : i32
    %dma_start3A_832 = tpu.memref_slice %arg7[%dma_start3A_830, %dma_start3A_831] : memref<2560x16xf32, #tpu.memory_space<vmem>> -> memref<128x16xf32, #tpu.memory_space<vmem>>
    %dma_start3A_833 = arith.constant 0 : i32
    %dma_start3A_834 = tpu.memref_slice %arg5[%dma_start3A_829, %dma_start3A_833] : memref<80x128xi32, #tpu.memory_space<vmem>> -> memref<1x128xi32, #tpu.memory_space<vmem>>
    %dma_start3A_835 = tpu.memref_squeeze %dma_start3A_834 : memref<1x128xi32, #tpu.memory_space<vmem>> -> memref<128xi32, #tpu.memory_space<vmem>>
    %dma_start3A_836 = arith.constant 0 : i32
    %dma_start3A_837 = arith.constant 0 : i32
    %dma_start3A_838 = tpu.memref_slice %arg3[%dma_start3A_836, %dma_start3A_837] : memref<100000x16xf32, #tpu.memory_space<hbm>> -> memref<100000x16xf32, #tpu.memory_space<hbm>>
    tpu.enqueue_indirect_dma source(%dma_start3A_838 : memref<100000x16xf32, #tpu.memory_space<hbm>>) target(%dma_start3A_832 : memref<128x16xf32, #tpu.memory_space<vmem>>) offsets(%dma_start3A_835 : memref<128xi32, #tpu.memory_space<vmem>>) semaphore(%arg10 : memref<!tpu.dma_semaphore, #tpu.memory_space<semaphore_mem>>)
    %dma_start3A_839 = arith.constant 65 : i32
    %dma_start3A_840 = arith.constant 2048 : i32
    %dma_start3A_841 = arith.constant 0 : i32
    %dma_start3A_842 = tpu.memref_slice %arg7[%dma_start3A_840, %dma_start3A_841] : memref<2560x16xf32, #tpu.memory_space<vmem>> -> memref<128x16xf32, #tpu.memory_space<vmem>>
    %dma_start3A_843 = arith.constant 0 : i32
    %dma_start3A_844 = tpu.memref_slice %arg5[%dma_start3A_839, %dma_start3A_843] : memref<80x128xi32, #tpu.memory_space<vmem>> -> memref<1x128xi32, #tpu.memory_space<vmem>>
    %dma_start3A_845 = tpu.memref_squeeze %dma_start3A_844 : memref<1x128xi32, #tpu.memory_space<vmem>> -> memref<128xi32, #tpu.memory_space<vmem>>
    %dma_start3A_846 = arith.constant 0 : i32
    %dma_start3A_847 = arith.constant 0 : i32
    %dma_start3A_848 = tpu.memref_slice %arg3[%dma_start3A_846, %dma_start3A_847] : memref<100000x16xf32, #tpu.memory_space<hbm>> -> memref<100000x16xf32, #tpu.memory_space<hbm>>
    tpu.enqueue_indirect_dma source(%dma_start3A_848 : memref<100000x16xf32, #tpu.memory_space<hbm>>) target(%dma_start3A_842 : memref<128x16xf32, #tpu.memory_space<vmem>>) offsets(%dma_start3A_845 : memref<128xi32, #tpu.memory_space<vmem>>) semaphore(%arg10 : memref<!tpu.dma_semaphore, #tpu.memory_space<semaphore_mem>>)
    %dma_start3A_849 = arith.constant 69 : i32
    %dma_start3A_850 = arith.constant 2176 : i32
    %dma_start3A_851 = arith.constant 0 : i32
    %dma_start3A_852 = tpu.memref_slice %arg7[%dma_start3A_850, %dma_start3A_851] : memref<2560x16xf32, #tpu.memory_space<vmem>> -> memref<128x16xf32, #tpu.memory_space<vmem>>
    %dma_start3A_853 = arith.constant 0 : i32
    %dma_start3A_854 = tpu.memref_slice %arg5[%dma_start3A_849, %dma_start3A_853] : memref<80x128xi32, #tpu.memory_space<vmem>> -> memref<1x128xi32, #tpu.memory_space<vmem>>
    %dma_start3A_855 = tpu.memref_squeeze %dma_start3A_854 : memref<1x128xi32, #tpu.memory_space<vmem>> -> memref<128xi32, #tpu.memory_space<vmem>>
    %dma_start3A_856 = arith.constant 0 : i32
    %dma_start3A_857 = arith.constant 0 : i32
    %dma_start3A_858 = tpu.memref_slice %arg3[%dma_start3A_856, %dma_start3A_857] : memref<100000x16xf32, #tpu.memory_space<hbm>> -> memref<100000x16xf32, #tpu.memory_space<hbm>>
    tpu.enqueue_indirect_dma source(%dma_start3A_858 : memref<100000x16xf32, #tpu.memory_space<hbm>>) target(%dma_start3A_852 : memref<128x16xf32, #tpu.memory_space<vmem>>) offsets(%dma_start3A_855 : memref<128xi32, #tpu.memory_space<vmem>>) semaphore(%arg10 : memref<!tpu.dma_semaphore, #tpu.memory_space<semaphore_mem>>)
    %dma_start3A_859 = arith.constant 73 : i32
    %dma_start3A_860 = arith.constant 2304 : i32
    %dma_start3A_861 = arith.constant 0 : i32
    %dma_start3A_862 = tpu.memref_slice %arg7[%dma_start3A_860, %dma_start3A_861] : memref<2560x16xf32, #tpu.memory_space<vmem>> -> memref<128x16xf32, #tpu.memory_space<vmem>>
    %dma_start3A_863 = arith.constant 0 : i32
    %dma_start3A_864 = tpu.memref_slice %arg5[%dma_start3A_859, %dma_start3A_863] : memref<80x128xi32, #tpu.memory_space<vmem>> -> memref<1x128xi32, #tpu.memory_space<vmem>>
    %dma_start3A_865 = tpu.memref_squeeze %dma_start3A_864 : memref<1x128xi32, #tpu.memory_space<vmem>> -> memref<128xi32, #tpu.memory_space<vmem>>
    %dma_start3A_866 = arith.constant 0 : i32
    %dma_start3A_867 = arith.constant 0 : i32
    %dma_start3A_868 = tpu.memref_slice %arg3[%dma_start3A_866, %dma_start3A_867] : memref<100000x16xf32, #tpu.memory_space<hbm>> -> memref<100000x16xf32, #tpu.memory_space<hbm>>
    tpu.enqueue_indirect_dma source(%dma_start3A_868 : memref<100000x16xf32, #tpu.memory_space<hbm>>) target(%dma_start3A_862 : memref<128x16xf32, #tpu.memory_space<vmem>>) offsets(%dma_start3A_865 : memref<128xi32, #tpu.memory_space<vmem>>) semaphore(%arg10 : memref<!tpu.dma_semaphore, #tpu.memory_space<semaphore_mem>>)
    %dma_start3A_869 = arith.constant 77 : i32
    %dma_start3A_870 = arith.constant 2432 : i32
    %dma_start3A_871 = arith.constant 0 : i32
    %dma_start3A_872 = tpu.memref_slice %arg7[%dma_start3A_870, %dma_start3A_871] : memref<2560x16xf32, #tpu.memory_space<vmem>> -> memref<128x16xf32, #tpu.memory_space<vmem>>
    %dma_start3A_873 = arith.constant 0 : i32
    %dma_start3A_874 = tpu.memref_slice %arg5[%dma_start3A_869, %dma_start3A_873] : memref<80x128xi32, #tpu.memory_space<vmem>> -> memref<1x128xi32, #tpu.memory_space<vmem>>
    %dma_start3A_875 = tpu.memref_squeeze %dma_start3A_874 : memref<1x128xi32, #tpu.memory_space<vmem>> -> memref<128xi32, #tpu.memory_space<vmem>>
    %dma_start3A_876 = arith.constant 0 : i32
    %dma_start3A_877 = arith.constant 0 : i32
    %dma_start3A_878 = tpu.memref_slice %arg3[%dma_start3A_876, %dma_start3A_877] : memref<100000x16xf32, #tpu.memory_space<hbm>> -> memref<100000x16xf32, #tpu.memory_space<hbm>>
    tpu.enqueue_indirect_dma source(%dma_start3A_878 : memref<100000x16xf32, #tpu.memory_space<hbm>>) target(%dma_start3A_872 : memref<128x16xf32, #tpu.memory_space<vmem>>) offsets(%dma_start3A_875 : memref<128xi32, #tpu.memory_space<vmem>>) semaphore(%arg10 : memref<!tpu.dma_semaphore, #tpu.memory_space<semaphore_mem>>)
    %dma_wait3A_879 = arith.constant 0 : i32
    %dma_wait3A_880 = arith.constant 0 : i32
    %dma_wait3A_881 = arith.constant 0 : i32
    %dma_wait3A_882 = tpu.memref_slice %arg6[%dma_wait3A_880, %dma_wait3A_881] : memref<2560x16xf32, #tpu.memory_space<vmem>> -> memref<128x16xf32, #tpu.memory_space<vmem>>
    %dma_wait3A_883 = arith.constant 0 : i32
    %dma_wait3A_884 = tpu.memref_slice %arg5[%dma_wait3A_879, %dma_wait3A_883] : memref<80x128xi32, #tpu.memory_space<vmem>> -> memref<1x128xi32, #tpu.memory_space<vmem>>
    %dma_wait3A_885 = tpu.memref_squeeze %dma_wait3A_884 : memref<1x128xi32, #tpu.memory_space<vmem>> -> memref<128xi32, #tpu.memory_space<vmem>>
    %dma_wait3A_886 = arith.constant 0 : i32
    %dma_wait3A_887 = arith.constant 0 : i32
    %dma_wait3A_888 = tpu.memref_slice %arg3[%dma_wait3A_886, %dma_wait3A_887] : memref<100000x16xf32, #tpu.memory_space<hbm>> -> memref<100000x16xf32, #tpu.memory_space<hbm>>
    tpu.wait_indirect_dma semaphore(%arg9 : memref<!tpu.dma_semaphore, #tpu.memory_space<semaphore_mem>>) src(%dma_wait3A_888 : memref<100000x16xf32, #tpu.memory_space<hbm>>) dst(%dma_wait3A_882 : memref<128x16xf32, #tpu.memory_space<vmem>>)
    %dma_wait3A_889 = arith.constant 4 : i32
    %dma_wait3A_890 = arith.constant 128 : i32
    %dma_wait3A_891 = arith.constant 0 : i32
    %dma_wait3A_892 = tpu.memref_slice %arg6[%dma_wait3A_890, %dma_wait3A_891] : memref<2560x16xf32, #tpu.memory_space<vmem>> -> memref<128x16xf32, #tpu.memory_space<vmem>>
    %dma_wait3A_893 = arith.constant 0 : i32
    %dma_wait3A_894 = tpu.memref_slice %arg5[%dma_wait3A_889, %dma_wait3A_893] : memref<80x128xi32, #tpu.memory_space<vmem>> -> memref<1x128xi32, #tpu.memory_space<vmem>>
    %dma_wait3A_895 = tpu.memref_squeeze %dma_wait3A_894 : memref<1x128xi32, #tpu.memory_space<vmem>> -> memref<128xi32, #tpu.memory_space<vmem>>
    %dma_wait3A_896 = arith.constant 0 : i32
    %dma_wait3A_897 = arith.constant 0 : i32
    %dma_wait3A_898 = tpu.memref_slice %arg3[%dma_wait3A_896, %dma_wait3A_897] : memref<100000x16xf32, #tpu.memory_space<hbm>> -> memref<100000x16xf32, #tpu.memory_space<hbm>>
    tpu.wait_indirect_dma semaphore(%arg9 : memref<!tpu.dma_semaphore, #tpu.memory_space<semaphore_mem>>) src(%dma_wait3A_898 : memref<100000x16xf32, #tpu.memory_space<hbm>>) dst(%dma_wait3A_892 : memref<128x16xf32, #tpu.memory_space<vmem>>)
    %dma_wait3A_899 = arith.constant 8 : i32
    %dma_wait3A_900 = arith.constant 256 : i32
    %dma_wait3A_901 = arith.constant 0 : i32
    %dma_wait3A_902 = tpu.memref_slice %arg6[%dma_wait3A_900, %dma_wait3A_901] : memref<2560x16xf32, #tpu.memory_space<vmem>> -> memref<128x16xf32, #tpu.memory_space<vmem>>
    %dma_wait3A_903 = arith.constant 0 : i32
    %dma_wait3A_904 = tpu.memref_slice %arg5[%dma_wait3A_899, %dma_wait3A_903] : memref<80x128xi32, #tpu.memory_space<vmem>> -> memref<1x128xi32, #tpu.memory_space<vmem>>
    %dma_wait3A_905 = tpu.memref_squeeze %dma_wait3A_904 : memref<1x128xi32, #tpu.memory_space<vmem>> -> memref<128xi32, #tpu.memory_space<vmem>>
    %dma_wait3A_906 = arith.constant 0 : i32
    %dma_wait3A_907 = arith.constant 0 : i32
    %dma_wait3A_908 = tpu.memref_slice %arg3[%dma_wait3A_906, %dma_wait3A_907] : memref<100000x16xf32, #tpu.memory_space<hbm>> -> memref<100000x16xf32, #tpu.memory_space<hbm>>
    tpu.wait_indirect_dma semaphore(%arg9 : memref<!tpu.dma_semaphore, #tpu.memory_space<semaphore_mem>>) src(%dma_wait3A_908 : memref<100000x16xf32, #tpu.memory_space<hbm>>) dst(%dma_wait3A_902 : memref<128x16xf32, #tpu.memory_space<vmem>>)
    %dma_wait3A_909 = arith.constant 12 : i32
    %dma_wait3A_910 = arith.constant 384 : i32
    %dma_wait3A_911 = arith.constant 0 : i32
    %dma_wait3A_912 = tpu.memref_slice %arg6[%dma_wait3A_910, %dma_wait3A_911] : memref<2560x16xf32, #tpu.memory_space<vmem>> -> memref<128x16xf32, #tpu.memory_space<vmem>>
    %dma_wait3A_913 = arith.constant 0 : i32
    %dma_wait3A_914 = tpu.memref_slice %arg5[%dma_wait3A_909, %dma_wait3A_913] : memref<80x128xi32, #tpu.memory_space<vmem>> -> memref<1x128xi32, #tpu.memory_space<vmem>>
    %dma_wait3A_915 = tpu.memref_squeeze %dma_wait3A_914 : memref<1x128xi32, #tpu.memory_space<vmem>> -> memref<128xi32, #tpu.memory_space<vmem>>
    %dma_wait3A_916 = arith.constant 0 : i32
    %dma_wait3A_917 = arith.constant 0 : i32
    %dma_wait3A_918 = tpu.memref_slice %arg3[%dma_wait3A_916, %dma_wait3A_917] : memref<100000x16xf32, #tpu.memory_space<hbm>> -> memref<100000x16xf32, #tpu.memory_space<hbm>>
    tpu.wait_indirect_dma semaphore(%arg9 : memref<!tpu.dma_semaphore, #tpu.memory_space<semaphore_mem>>) src(%dma_wait3A_918 : memref<100000x16xf32, #tpu.memory_space<hbm>>) dst(%dma_wait3A_912 : memref<128x16xf32, #tpu.memory_space<vmem>>)
    %dma_wait3A_919 = arith.constant 16 : i32
    %dma_wait3A_920 = arith.constant 512 : i32
    %dma_wait3A_921 = arith.constant 0 : i32
    %dma_wait3A_922 = tpu.memref_slice %arg6[%dma_wait3A_920, %dma_wait3A_921] : memref<2560x16xf32, #tpu.memory_space<vmem>> -> memref<128x16xf32, #tpu.memory_space<vmem>>
    %dma_wait3A_923 = arith.constant 0 : i32
    %dma_wait3A_924 = tpu.memref_slice %arg5[%dma_wait3A_919, %dma_wait3A_923] : memref<80x128xi32, #tpu.memory_space<vmem>> -> memref<1x128xi32, #tpu.memory_space<vmem>>
    %dma_wait3A_925 = tpu.memref_squeeze %dma_wait3A_924 : memref<1x128xi32, #tpu.memory_space<vmem>> -> memref<128xi32, #tpu.memory_space<vmem>>
    %dma_wait3A_926 = arith.constant 0 : i32
    %dma_wait3A_927 = arith.constant 0 : i32
    %dma_wait3A_928 = tpu.memref_slice %arg3[%dma_wait3A_926, %dma_wait3A_927] : memref<100000x16xf32, #tpu.memory_space<hbm>> -> memref<100000x16xf32, #tpu.memory_space<hbm>>
    tpu.wait_indirect_dma semaphore(%arg9 : memref<!tpu.dma_semaphore, #tpu.memory_space<semaphore_mem>>) src(%dma_wait3A_928 : memref<100000x16xf32, #tpu.memory_space<hbm>>) dst(%dma_wait3A_922 : memref<128x16xf32, #tpu.memory_space<vmem>>)
    %dma_wait3A_929 = arith.constant 20 : i32
    %dma_wait3A_930 = arith.constant 640 : i32
    %dma_wait3A_931 = arith.constant 0 : i32
    %dma_wait3A_932 = tpu.memref_slice %arg6[%dma_wait3A_930, %dma_wait3A_931] : memref<2560x16xf32, #tpu.memory_space<vmem>> -> memref<128x16xf32, #tpu.memory_space<vmem>>
    %dma_wait3A_933 = arith.constant 0 : i32
    %dma_wait3A_934 = tpu.memref_slice %arg5[%dma_wait3A_929, %dma_wait3A_933] : memref<80x128xi32, #tpu.memory_space<vmem>> -> memref<1x128xi32, #tpu.memory_space<vmem>>
    %dma_wait3A_935 = tpu.memref_squeeze %dma_wait3A_934 : memref<1x128xi32, #tpu.memory_space<vmem>> -> memref<128xi32, #tpu.memory_space<vmem>>
    %dma_wait3A_936 = arith.constant 0 : i32
    %dma_wait3A_937 = arith.constant 0 : i32
    %dma_wait3A_938 = tpu.memref_slice %arg3[%dma_wait3A_936, %dma_wait3A_937] : memref<100000x16xf32, #tpu.memory_space<hbm>> -> memref<100000x16xf32, #tpu.memory_space<hbm>>
    tpu.wait_indirect_dma semaphore(%arg9 : memref<!tpu.dma_semaphore, #tpu.memory_space<semaphore_mem>>) src(%dma_wait3A_938 : memref<100000x16xf32, #tpu.memory_space<hbm>>) dst(%dma_wait3A_932 : memref<128x16xf32, #tpu.memory_space<vmem>>)
    %dma_wait3A_939 = arith.constant 24 : i32
    %dma_wait3A_940 = arith.constant 768 : i32
    %dma_wait3A_941 = arith.constant 0 : i32
    %dma_wait3A_942 = tpu.memref_slice %arg6[%dma_wait3A_940, %dma_wait3A_941] : memref<2560x16xf32, #tpu.memory_space<vmem>> -> memref<128x16xf32, #tpu.memory_space<vmem>>
    %dma_wait3A_943 = arith.constant 0 : i32
    %dma_wait3A_944 = tpu.memref_slice %arg5[%dma_wait3A_939, %dma_wait3A_943] : memref<80x128xi32, #tpu.memory_space<vmem>> -> memref<1x128xi32, #tpu.memory_space<vmem>>
    %dma_wait3A_945 = tpu.memref_squeeze %dma_wait3A_944 : memref<1x128xi32, #tpu.memory_space<vmem>> -> memref<128xi32, #tpu.memory_space<vmem>>
    %dma_wait3A_946 = arith.constant 0 : i32
    %dma_wait3A_947 = arith.constant 0 : i32
    %dma_wait3A_948 = tpu.memref_slice %arg3[%dma_wait3A_946, %dma_wait3A_947] : memref<100000x16xf32, #tpu.memory_space<hbm>> -> memref<100000x16xf32, #tpu.memory_space<hbm>>
    tpu.wait_indirect_dma semaphore(%arg9 : memref<!tpu.dma_semaphore, #tpu.memory_space<semaphore_mem>>) src(%dma_wait3A_948 : memref<100000x16xf32, #tpu.memory_space<hbm>>) dst(%dma_wait3A_942 : memref<128x16xf32, #tpu.memory_space<vmem>>)
    %dma_wait3A_949 = arith.constant 28 : i32
    %dma_wait3A_950 = arith.constant 896 : i32
    %dma_wait3A_951 = arith.constant 0 : i32
    %dma_wait3A_952 = tpu.memref_slice %arg6[%dma_wait3A_950, %dma_wait3A_951] : memref<2560x16xf32, #tpu.memory_space<vmem>> -> memref<128x16xf32, #tpu.memory_space<vmem>>
    %dma_wait3A_953 = arith.constant 0 : i32
    %dma_wait3A_954 = tpu.memref_slice %arg5[%dma_wait3A_949, %dma_wait3A_953] : memref<80x128xi32, #tpu.memory_space<vmem>> -> memref<1x128xi32, #tpu.memory_space<vmem>>
    %dma_wait3A_955 = tpu.memref_squeeze %dma_wait3A_954 : memref<1x128xi32, #tpu.memory_space<vmem>> -> memref<128xi32, #tpu.memory_space<vmem>>
    %dma_wait3A_956 = arith.constant 0 : i32
    %dma_wait3A_957 = arith.constant 0 : i32
    %dma_wait3A_958 = tpu.memref_slice %arg3[%dma_wait3A_956, %dma_wait3A_957] : memref<100000x16xf32, #tpu.memory_space<hbm>> -> memref<100000x16xf32, #tpu.memory_space<hbm>>
    tpu.wait_indirect_dma semaphore(%arg9 : memref<!tpu.dma_semaphore, #tpu.memory_space<semaphore_mem>>) src(%dma_wait3A_958 : memref<100000x16xf32, #tpu.memory_space<hbm>>) dst(%dma_wait3A_952 : memref<128x16xf32, #tpu.memory_space<vmem>>)
    %dma_wait3A_959 = arith.constant 32 : i32
    %dma_wait3A_960 = arith.constant 1024 : i32
    %dma_wait3A_961 = arith.constant 0 : i32
    %dma_wait3A_962 = tpu.memref_slice %arg6[%dma_wait3A_960, %dma_wait3A_961] : memref<2560x16xf32, #tpu.memory_space<vmem>> -> memref<128x16xf32, #tpu.memory_space<vmem>>
    %dma_wait3A_963 = arith.constant 0 : i32
    %dma_wait3A_964 = tpu.memref_slice %arg5[%dma_wait3A_959, %dma_wait3A_963] : memref<80x128xi32, #tpu.memory_space<vmem>> -> memref<1x128xi32, #tpu.memory_space<vmem>>
    %dma_wait3A_965 = tpu.memref_squeeze %dma_wait3A_964 : memref<1x128xi32, #tpu.memory_space<vmem>> -> memref<128xi32, #tpu.memory_space<vmem>>
    %dma_wait3A_966 = arith.constant 0 : i32
    %dma_wait3A_967 = arith.constant 0 : i32
    %dma_wait3A_968 = tpu.memref_slice %arg3[%dma_wait3A_966, %dma_wait3A_967] : memref<100000x16xf32, #tpu.memory_space<hbm>> -> memref<100000x16xf32, #tpu.memory_space<hbm>>
    tpu.wait_indirect_dma semaphore(%arg9 : memref<!tpu.dma_semaphore, #tpu.memory_space<semaphore_mem>>) src(%dma_wait3A_968 : memref<100000x16xf32, #tpu.memory_space<hbm>>) dst(%dma_wait3A_962 : memref<128x16xf32, #tpu.memory_space<vmem>>)
    %dma_wait3A_969 = arith.constant 36 : i32
    %dma_wait3A_970 = arith.constant 1152 : i32
    %dma_wait3A_971 = arith.constant 0 : i32
    %dma_wait3A_972 = tpu.memref_slice %arg6[%dma_wait3A_970, %dma_wait3A_971] : memref<2560x16xf32, #tpu.memory_space<vmem>> -> memref<128x16xf32, #tpu.memory_space<vmem>>
    %dma_wait3A_973 = arith.constant 0 : i32
    %dma_wait3A_974 = tpu.memref_slice %arg5[%dma_wait3A_969, %dma_wait3A_973] : memref<80x128xi32, #tpu.memory_space<vmem>> -> memref<1x128xi32, #tpu.memory_space<vmem>>
    %dma_wait3A_975 = tpu.memref_squeeze %dma_wait3A_974 : memref<1x128xi32, #tpu.memory_space<vmem>> -> memref<128xi32, #tpu.memory_space<vmem>>
    %dma_wait3A_976 = arith.constant 0 : i32
    %dma_wait3A_977 = arith.constant 0 : i32
    %dma_wait3A_978 = tpu.memref_slice %arg3[%dma_wait3A_976, %dma_wait3A_977] : memref<100000x16xf32, #tpu.memory_space<hbm>> -> memref<100000x16xf32, #tpu.memory_space<hbm>>
    tpu.wait_indirect_dma semaphore(%arg9 : memref<!tpu.dma_semaphore, #tpu.memory_space<semaphore_mem>>) src(%dma_wait3A_978 : memref<100000x16xf32, #tpu.memory_space<hbm>>) dst(%dma_wait3A_972 : memref<128x16xf32, #tpu.memory_space<vmem>>)
    %dma_wait3A_979 = arith.constant 40 : i32
    %dma_wait3A_980 = arith.constant 1280 : i32
    %dma_wait3A_981 = arith.constant 0 : i32
    %dma_wait3A_982 = tpu.memref_slice %arg6[%dma_wait3A_980, %dma_wait3A_981] : memref<2560x16xf32, #tpu.memory_space<vmem>> -> memref<128x16xf32, #tpu.memory_space<vmem>>
    %dma_wait3A_983 = arith.constant 0 : i32
    %dma_wait3A_984 = tpu.memref_slice %arg5[%dma_wait3A_979, %dma_wait3A_983] : memref<80x128xi32, #tpu.memory_space<vmem>> -> memref<1x128xi32, #tpu.memory_space<vmem>>
    %dma_wait3A_985 = tpu.memref_squeeze %dma_wait3A_984 : memref<1x128xi32, #tpu.memory_space<vmem>> -> memref<128xi32, #tpu.memory_space<vmem>>
    %dma_wait3A_986 = arith.constant 0 : i32
    %dma_wait3A_987 = arith.constant 0 : i32
    %dma_wait3A_988 = tpu.memref_slice %arg3[%dma_wait3A_986, %dma_wait3A_987] : memref<100000x16xf32, #tpu.memory_space<hbm>> -> memref<100000x16xf32, #tpu.memory_space<hbm>>
    tpu.wait_indirect_dma semaphore(%arg9 : memref<!tpu.dma_semaphore, #tpu.memory_space<semaphore_mem>>) src(%dma_wait3A_988 : memref<100000x16xf32, #tpu.memory_space<hbm>>) dst(%dma_wait3A_982 : memref<128x16xf32, #tpu.memory_space<vmem>>)
    %dma_wait3A_989 = arith.constant 44 : i32
    %dma_wait3A_990 = arith.constant 1408 : i32
    %dma_wait3A_991 = arith.constant 0 : i32
    %dma_wait3A_992 = tpu.memref_slice %arg6[%dma_wait3A_990, %dma_wait3A_991] : memref<2560x16xf32, #tpu.memory_space<vmem>> -> memref<128x16xf32, #tpu.memory_space<vmem>>
    %dma_wait3A_993 = arith.constant 0 : i32
    %dma_wait3A_994 = tpu.memref_slice %arg5[%dma_wait3A_989, %dma_wait3A_993] : memref<80x128xi32, #tpu.memory_space<vmem>> -> memref<1x128xi32, #tpu.memory_space<vmem>>
    %dma_wait3A_995 = tpu.memref_squeeze %dma_wait3A_994 : memref<1x128xi32, #tpu.memory_space<vmem>> -> memref<128xi32, #tpu.memory_space<vmem>>
    %dma_wait3A_996 = arith.constant 0 : i32
    %dma_wait3A_997 = arith.constant 0 : i32
    %dma_wait3A_998 = tpu.memref_slice %arg3[%dma_wait3A_996, %dma_wait3A_997] : memref<100000x16xf32, #tpu.memory_space<hbm>> -> memref<100000x16xf32, #tpu.memory_space<hbm>>
    tpu.wait_indirect_dma semaphore(%arg9 : memref<!tpu.dma_semaphore, #tpu.memory_space<semaphore_mem>>) src(%dma_wait3A_998 : memref<100000x16xf32, #tpu.memory_space<hbm>>) dst(%dma_wait3A_992 : memref<128x16xf32, #tpu.memory_space<vmem>>)
    %dma_wait3A_999 = arith.constant 48 : i32
    %dma_wait3A_1000 = arith.constant 1536 : i32
    %dma_wait3A_1001 = arith.constant 0 : i32
    %dma_wait3A_1002 = tpu.memref_slice %arg6[%dma_wait3A_1000, %dma_wait3A_1001] : memref<2560x16xf32, #tpu.memory_space<vmem>> -> memref<128x16xf32, #tpu.memory_space<vmem>>
    %dma_wait3A_1003 = arith.constant 0 : i32
    %dma_wait3A_1004 = tpu.memref_slice %arg5[%dma_wait3A_999, %dma_wait3A_1003] : memref<80x128xi32, #tpu.memory_space<vmem>> -> memref<1x128xi32, #tpu.memory_space<vmem>>
    %dma_wait3A_1005 = tpu.memref_squeeze %dma_wait3A_1004 : memref<1x128xi32, #tpu.memory_space<vmem>> -> memref<128xi32, #tpu.memory_space<vmem>>
    %dma_wait3A_1006 = arith.constant 0 : i32
    %dma_wait3A_1007 = arith.constant 0 : i32
    %dma_wait3A_1008 = tpu.memref_slice %arg3[%dma_wait3A_1006, %dma_wait3A_1007] : memref<100000x16xf32, #tpu.memory_space<hbm>> -> memref<100000x16xf32, #tpu.memory_space<hbm>>
    tpu.wait_indirect_dma semaphore(%arg9 : memref<!tpu.dma_semaphore, #tpu.memory_space<semaphore_mem>>) src(%dma_wait3A_1008 : memref<100000x16xf32, #tpu.memory_space<hbm>>) dst(%dma_wait3A_1002 : memref<128x16xf32, #tpu.memory_space<vmem>>)
    %dma_wait3A_1009 = arith.constant 52 : i32
    %dma_wait3A_1010 = arith.constant 1664 : i32
    %dma_wait3A_1011 = arith.constant 0 : i32
    %dma_wait3A_1012 = tpu.memref_slice %arg6[%dma_wait3A_1010, %dma_wait3A_1011] : memref<2560x16xf32, #tpu.memory_space<vmem>> -> memref<128x16xf32, #tpu.memory_space<vmem>>
    %dma_wait3A_1013 = arith.constant 0 : i32
    %dma_wait3A_1014 = tpu.memref_slice %arg5[%dma_wait3A_1009, %dma_wait3A_1013] : memref<80x128xi32, #tpu.memory_space<vmem>> -> memref<1x128xi32, #tpu.memory_space<vmem>>
    %dma_wait3A_1015 = tpu.memref_squeeze %dma_wait3A_1014 : memref<1x128xi32, #tpu.memory_space<vmem>> -> memref<128xi32, #tpu.memory_space<vmem>>
    %dma_wait3A_1016 = arith.constant 0 : i32
    %dma_wait3A_1017 = arith.constant 0 : i32
    %dma_wait3A_1018 = tpu.memref_slice %arg3[%dma_wait3A_1016, %dma_wait3A_1017] : memref<100000x16xf32, #tpu.memory_space<hbm>> -> memref<100000x16xf32, #tpu.memory_space<hbm>>
    tpu.wait_indirect_dma semaphore(%arg9 : memref<!tpu.dma_semaphore, #tpu.memory_space<semaphore_mem>>) src(%dma_wait3A_1018 : memref<100000x16xf32, #tpu.memory_space<hbm>>) dst(%dma_wait3A_1012 : memref<128x16xf32, #tpu.memory_space<vmem>>)
    %dma_wait3A_1019 = arith.constant 56 : i32
    %dma_wait3A_1020 = arith.constant 1792 : i32
    %dma_wait3A_1021 = arith.constant 0 : i32
    %dma_wait3A_1022 = tpu.memref_slice %arg6[%dma_wait3A_1020, %dma_wait3A_1021] : memref<2560x16xf32, #tpu.memory_space<vmem>> -> memref<128x16xf32, #tpu.memory_space<vmem>>
    %dma_wait3A_1023 = arith.constant 0 : i32
    %dma_wait3A_1024 = tpu.memref_slice %arg5[%dma_wait3A_1019, %dma_wait3A_1023] : memref<80x128xi32, #tpu.memory_space<vmem>> -> memref<1x128xi32, #tpu.memory_space<vmem>>
    %dma_wait3A_1025 = tpu.memref_squeeze %dma_wait3A_1024 : memref<1x128xi32, #tpu.memory_space<vmem>> -> memref<128xi32, #tpu.memory_space<vmem>>
    %dma_wait3A_1026 = arith.constant 0 : i32
    %dma_wait3A_1027 = arith.constant 0 : i32
    %dma_wait3A_1028 = tpu.memref_slice %arg3[%dma_wait3A_1026, %dma_wait3A_1027] : memref<100000x16xf32, #tpu.memory_space<hbm>> -> memref<100000x16xf32, #tpu.memory_space<hbm>>
    tpu.wait_indirect_dma semaphore(%arg9 : memref<!tpu.dma_semaphore, #tpu.memory_space<semaphore_mem>>) src(%dma_wait3A_1028 : memref<100000x16xf32, #tpu.memory_space<hbm>>) dst(%dma_wait3A_1022 : memref<128x16xf32, #tpu.memory_space<vmem>>)
    %dma_wait3A_1029 = arith.constant 60 : i32
    %dma_wait3A_1030 = arith.constant 1920 : i32
    %dma_wait3A_1031 = arith.constant 0 : i32
    %dma_wait3A_1032 = tpu.memref_slice %arg6[%dma_wait3A_1030, %dma_wait3A_1031] : memref<2560x16xf32, #tpu.memory_space<vmem>> -> memref<128x16xf32, #tpu.memory_space<vmem>>
    %dma_wait3A_1033 = arith.constant 0 : i32
    %dma_wait3A_1034 = tpu.memref_slice %arg5[%dma_wait3A_1029, %dma_wait3A_1033] : memref<80x128xi32, #tpu.memory_space<vmem>> -> memref<1x128xi32, #tpu.memory_space<vmem>>
    %dma_wait3A_1035 = tpu.memref_squeeze %dma_wait3A_1034 : memref<1x128xi32, #tpu.memory_space<vmem>> -> memref<128xi32, #tpu.memory_space<vmem>>
    %dma_wait3A_1036 = arith.constant 0 : i32
    %dma_wait3A_1037 = arith.constant 0 : i32
    %dma_wait3A_1038 = tpu.memref_slice %arg3[%dma_wait3A_1036, %dma_wait3A_1037] : memref<100000x16xf32, #tpu.memory_space<hbm>> -> memref<100000x16xf32, #tpu.memory_space<hbm>>
    tpu.wait_indirect_dma semaphore(%arg9 : memref<!tpu.dma_semaphore, #tpu.memory_space<semaphore_mem>>) src(%dma_wait3A_1038 : memref<100000x16xf32, #tpu.memory_space<hbm>>) dst(%dma_wait3A_1032 : memref<128x16xf32, #tpu.memory_space<vmem>>)
    %dma_wait3A_1039 = arith.constant 64 : i32
    %dma_wait3A_1040 = arith.constant 2048 : i32
    %dma_wait3A_1041 = arith.constant 0 : i32
    %dma_wait3A_1042 = tpu.memref_slice %arg6[%dma_wait3A_1040, %dma_wait3A_1041] : memref<2560x16xf32, #tpu.memory_space<vmem>> -> memref<128x16xf32, #tpu.memory_space<vmem>>
    %dma_wait3A_1043 = arith.constant 0 : i32
    %dma_wait3A_1044 = tpu.memref_slice %arg5[%dma_wait3A_1039, %dma_wait3A_1043] : memref<80x128xi32, #tpu.memory_space<vmem>> -> memref<1x128xi32, #tpu.memory_space<vmem>>
    %dma_wait3A_1045 = tpu.memref_squeeze %dma_wait3A_1044 : memref<1x128xi32, #tpu.memory_space<vmem>> -> memref<128xi32, #tpu.memory_space<vmem>>
    %dma_wait3A_1046 = arith.constant 0 : i32
    %dma_wait3A_1047 = arith.constant 0 : i32
    %dma_wait3A_1048 = tpu.memref_slice %arg3[%dma_wait3A_1046, %dma_wait3A_1047] : memref<100000x16xf32, #tpu.memory_space<hbm>> -> memref<100000x16xf32, #tpu.memory_space<hbm>>
    tpu.wait_indirect_dma semaphore(%arg9 : memref<!tpu.dma_semaphore, #tpu.memory_space<semaphore_mem>>) src(%dma_wait3A_1048 : memref<100000x16xf32, #tpu.memory_space<hbm>>) dst(%dma_wait3A_1042 : memref<128x16xf32, #tpu.memory_space<vmem>>)
    %dma_wait3A_1049 = arith.constant 68 : i32
    %dma_wait3A_1050 = arith.constant 2176 : i32
    %dma_wait3A_1051 = arith.constant 0 : i32
    %dma_wait3A_1052 = tpu.memref_slice %arg6[%dma_wait3A_1050, %dma_wait3A_1051] : memref<2560x16xf32, #tpu.memory_space<vmem>> -> memref<128x16xf32, #tpu.memory_space<vmem>>
    %dma_wait3A_1053 = arith.constant 0 : i32
    %dma_wait3A_1054 = tpu.memref_slice %arg5[%dma_wait3A_1049, %dma_wait3A_1053] : memref<80x128xi32, #tpu.memory_space<vmem>> -> memref<1x128xi32, #tpu.memory_space<vmem>>
    %dma_wait3A_1055 = tpu.memref_squeeze %dma_wait3A_1054 : memref<1x128xi32, #tpu.memory_space<vmem>> -> memref<128xi32, #tpu.memory_space<vmem>>
    %dma_wait3A_1056 = arith.constant 0 : i32
    %dma_wait3A_1057 = arith.constant 0 : i32
    %dma_wait3A_1058 = tpu.memref_slice %arg3[%dma_wait3A_1056, %dma_wait3A_1057] : memref<100000x16xf32, #tpu.memory_space<hbm>> -> memref<100000x16xf32, #tpu.memory_space<hbm>>
    tpu.wait_indirect_dma semaphore(%arg9 : memref<!tpu.dma_semaphore, #tpu.memory_space<semaphore_mem>>) src(%dma_wait3A_1058 : memref<100000x16xf32, #tpu.memory_space<hbm>>) dst(%dma_wait3A_1052 : memref<128x16xf32, #tpu.memory_space<vmem>>)
    %dma_wait3A_1059 = arith.constant 72 : i32
    %dma_wait3A_1060 = arith.constant 2304 : i32
    %dma_wait3A_1061 = arith.constant 0 : i32
    %dma_wait3A_1062 = tpu.memref_slice %arg6[%dma_wait3A_1060, %dma_wait3A_1061] : memref<2560x16xf32, #tpu.memory_space<vmem>> -> memref<128x16xf32, #tpu.memory_space<vmem>>
    %dma_wait3A_1063 = arith.constant 0 : i32
    %dma_wait3A_1064 = tpu.memref_slice %arg5[%dma_wait3A_1059, %dma_wait3A_1063] : memref<80x128xi32, #tpu.memory_space<vmem>> -> memref<1x128xi32, #tpu.memory_space<vmem>>
    %dma_wait3A_1065 = tpu.memref_squeeze %dma_wait3A_1064 : memref<1x128xi32, #tpu.memory_space<vmem>> -> memref<128xi32, #tpu.memory_space<vmem>>
    %dma_wait3A_1066 = arith.constant 0 : i32
    %dma_wait3A_1067 = arith.constant 0 : i32
    %dma_wait3A_1068 = tpu.memref_slice %arg3[%dma_wait3A_1066, %dma_wait3A_1067] : memref<100000x16xf32, #tpu.memory_space<hbm>> -> memref<100000x16xf32, #tpu.memory_space<hbm>>
    tpu.wait_indirect_dma semaphore(%arg9 : memref<!tpu.dma_semaphore, #tpu.memory_space<semaphore_mem>>) src(%dma_wait3A_1068 : memref<100000x16xf32, #tpu.memory_space<hbm>>) dst(%dma_wait3A_1062 : memref<128x16xf32, #tpu.memory_space<vmem>>)
    %dma_wait3A_1069 = arith.constant 76 : i32
    %dma_wait3A_1070 = arith.constant 2432 : i32
    %dma_wait3A_1071 = arith.constant 0 : i32
    %dma_wait3A_1072 = tpu.memref_slice %arg6[%dma_wait3A_1070, %dma_wait3A_1071] : memref<2560x16xf32, #tpu.memory_space<vmem>> -> memref<128x16xf32, #tpu.memory_space<vmem>>
    %dma_wait3A_1073 = arith.constant 0 : i32
    %dma_wait3A_1074 = tpu.memref_slice %arg5[%dma_wait3A_1069, %dma_wait3A_1073] : memref<80x128xi32, #tpu.memory_space<vmem>> -> memref<1x128xi32, #tpu.memory_space<vmem>>
    %dma_wait3A_1075 = tpu.memref_squeeze %dma_wait3A_1074 : memref<1x128xi32, #tpu.memory_space<vmem>> -> memref<128xi32, #tpu.memory_space<vmem>>
    %dma_wait3A_1076 = arith.constant 0 : i32
    %dma_wait3A_1077 = arith.constant 0 : i32
    %dma_wait3A_1078 = tpu.memref_slice %arg3[%dma_wait3A_1076, %dma_wait3A_1077] : memref<100000x16xf32, #tpu.memory_space<hbm>> -> memref<100000x16xf32, #tpu.memory_space<hbm>>
    tpu.wait_indirect_dma semaphore(%arg9 : memref<!tpu.dma_semaphore, #tpu.memory_space<semaphore_mem>>) src(%dma_wait3A_1078 : memref<100000x16xf32, #tpu.memory_space<hbm>>) dst(%dma_wait3A_1072 : memref<128x16xf32, #tpu.memory_space<vmem>>)
    %iota3A = tpu.iota {dimensions = array<i32: 0>} : vector<16xi32>
    %scan3A = arith.constant 0 : i32
    %scan3A_1079 = arith.constant 0 : i32
    %scan3A_1080 = arith.constant 128 : i32
    %scan3A_1081 = arith.addi %scan3A_1079, %scan3A_1080 : i32
    %scan3A_1082 = arith.constant 1 : i32
    %scan3A_1083 = scf.for %scan3A_2111 = %scan3A_1079 to %scan3A_1081 step %scan3A_1082 iter_args(%scan3A_2112 = %scan3A) -> (i32)  : i32 {
      %add3A_2113 = arith.constant 0 : i32
      %add3A_2114 = arith.addi %add3A_2113, %scan3A_2111 : i32
      %get3A = arith.index_cast %add3A_2114 : i32 to index
      %get3A_2115 = arith.constant 0 : index
      %get3A_2116 = tpu.vector_load %arg6[%get3A, %get3A_2115] {strides = array<i32>} : memref<2560x16xf32, #tpu.memory_space<vmem>>, vector<1x16xf32>,
      %get3A_2117 = vector.shape_cast %get3A_2116 : vector<1x16xf32> to vector<16xf32>
      %add3A_2118 = arith.constant 128 : i32
      %add3A_2119 = arith.addi %add3A_2118, %scan3A_2111 : i32
      %get3A_2120 = arith.index_cast %add3A_2119 : i32 to index
      %get3A_2121 = arith.constant 0 : index
      %get3A_2122 = tpu.vector_load %arg6[%get3A_2120, %get3A_2121] {strides = array<i32>} : memref<2560x16xf32, #tpu.memory_space<vmem>>, vector<1x16xf32>,
      %get3A_2123 = vector.shape_cast %get3A_2122 : vector<1x16xf32> to vector<16xf32>
      %add3A_2124 = arith.constant 256 : i32
      %add3A_2125 = arith.addi %add3A_2124, %scan3A_2111 : i32
      %get3A_2126 = arith.index_cast %add3A_2125 : i32 to index
      %get3A_2127 = arith.constant 0 : index
      %get3A_2128 = tpu.vector_load %arg6[%get3A_2126, %get3A_2127] {strides = array<i32>} : memref<2560x16xf32, #tpu.memory_space<vmem>>, vector<1x16xf32>,
      %get3A_2129 = vector.shape_cast %get3A_2128 : vector<1x16xf32> to vector<16xf32>
      %add3A_2130 = arith.constant 384 : i32
      %add3A_2131 = arith.addi %add3A_2130, %scan3A_2111 : i32
      %get3A_2132 = arith.index_cast %add3A_2131 : i32 to index
      %get3A_2133 = arith.constant 0 : index
      %get3A_2134 = tpu.vector_load %arg6[%get3A_2132, %get3A_2133] {strides = array<i32>} : memref<2560x16xf32, #tpu.memory_space<vmem>>, vector<1x16xf32>,
      %get3A_2135 = vector.shape_cast %get3A_2134 : vector<1x16xf32> to vector<16xf32>
      %add3A_2136 = arith.constant 512 : i32
      %add3A_2137 = arith.addi %add3A_2136, %scan3A_2111 : i32
      %get3A_2138 = arith.index_cast %add3A_2137 : i32 to index
      %get3A_2139 = arith.constant 0 : index
      %get3A_2140 = tpu.vector_load %arg6[%get3A_2138, %get3A_2139] {strides = array<i32>} : memref<2560x16xf32, #tpu.memory_space<vmem>>, vector<1x16xf32>,
      %get3A_2141 = vector.shape_cast %get3A_2140 : vector<1x16xf32> to vector<16xf32>
      %add3A_2142 = arith.constant 640 : i32
      %add3A_2143 = arith.addi %add3A_2142, %scan3A_2111 : i32
      %get3A_2144 = arith.index_cast %add3A_2143 : i32 to index
      %get3A_2145 = arith.constant 0 : index
      %get3A_2146 = tpu.vector_load %arg6[%get3A_2144, %get3A_2145] {strides = array<i32>} : memref<2560x16xf32, #tpu.memory_space<vmem>>, vector<1x16xf32>,
      %get3A_2147 = vector.shape_cast %get3A_2146 : vector<1x16xf32> to vector<16xf32>
      %add3A_2148 = arith.constant 768 : i32
      %add3A_2149 = arith.addi %add3A_2148, %scan3A_2111 : i32
      %get3A_2150 = arith.index_cast %add3A_2149 : i32 to index
      %get3A_2151 = arith.constant 0 : index
      %get3A_2152 = tpu.vector_load %arg6[%get3A_2150, %get3A_2151] {strides = array<i32>} : memref<2560x16xf32, #tpu.memory_space<vmem>>, vector<1x16xf32>,
      %get3A_2153 = vector.shape_cast %get3A_2152 : vector<1x16xf32> to vector<16xf32>
      %add3A_2154 = arith.constant 896 : i32
      %add3A_2155 = arith.addi %add3A_2154, %scan3A_2111 : i32
      %get3A_2156 = arith.index_cast %add3A_2155 : i32 to index
      %get3A_2157 = arith.constant 0 : index
      %get3A_2158 = tpu.vector_load %arg6[%get3A_2156, %get3A_2157] {strides = array<i32>} : memref<2560x16xf32, #tpu.memory_space<vmem>>, vector<1x16xf32>,
      %get3A_2159 = vector.shape_cast %get3A_2158 : vector<1x16xf32> to vector<16xf32>
      %add3A_2160 = arith.constant 1024 : i32
      %add3A_2161 = arith.addi %add3A_2160, %scan3A_2111 : i32
      %get3A_2162 = arith.index_cast %add3A_2161 : i32 to index
      %get3A_2163 = arith.constant 0 : index
      %get3A_2164 = tpu.vector_load %arg6[%get3A_2162, %get3A_2163] {strides = array<i32>} : memref<2560x16xf32, #tpu.memory_space<vmem>>, vector<1x16xf32>,
      %get3A_2165 = vector.shape_cast %get3A_2164 : vector<1x16xf32> to vector<16xf32>
      %add3A_2166 = arith.constant 1152 : i32
      %add3A_2167 = arith.addi %add3A_2166, %scan3A_2111 : i32
      %get3A_2168 = arith.index_cast %add3A_2167 : i32 to index
      %get3A_2169 = arith.constant 0 : index
      %get3A_2170 = tpu.vector_load %arg6[%get3A_2168, %get3A_2169] {strides = array<i32>} : memref<2560x16xf32, #tpu.memory_space<vmem>>, vector<1x16xf32>,
      %get3A_2171 = vector.shape_cast %get3A_2170 : vector<1x16xf32> to vector<16xf32>
      %add3A_2172 = arith.constant 1280 : i32
      %add3A_2173 = arith.addi %add3A_2172, %scan3A_2111 : i32
      %get3A_2174 = arith.index_cast %add3A_2173 : i32 to index
      %get3A_2175 = arith.constant 0 : index
      %get3A_2176 = tpu.vector_load %arg6[%get3A_2174, %get3A_2175] {strides = array<i32>} : memref<2560x16xf32, #tpu.memory_space<vmem>>, vector<1x16xf32>,
      %get3A_2177 = vector.shape_cast %get3A_2176 : vector<1x16xf32> to vector<16xf32>
      %add3A_2178 = arith.constant 1408 : i32
      %add3A_2179 = arith.addi %add3A_2178, %scan3A_2111 : i32
      %get3A_2180 = arith.index_cast %add3A_2179 : i32 to index
      %get3A_2181 = arith.constant 0 : index
      %get3A_2182 = tpu.vector_load %arg6[%get3A_2180, %get3A_2181] {strides = array<i32>} : memref<2560x16xf32, #tpu.memory_space<vmem>>, vector<1x16xf32>,
      %get3A_2183 = vector.shape_cast %get3A_2182 : vector<1x16xf32> to vector<16xf32>
      %add3A_2184 = arith.constant 1536 : i32
      %add3A_2185 = arith.addi %add3A_2184, %scan3A_2111 : i32
      %get3A_2186 = arith.index_cast %add3A_2185 : i32 to index
      %get3A_2187 = arith.constant 0 : index
      %get3A_2188 = tpu.vector_load %arg6[%get3A_2186, %get3A_2187] {strides = array<i32>} : memref<2560x16xf32, #tpu.memory_space<vmem>>, vector<1x16xf32>,
      %get3A_2189 = vector.shape_cast %get3A_2188 : vector<1x16xf32> to vector<16xf32>
      %add3A_2190 = arith.constant 1664 : i32
      %add3A_2191 = arith.addi %add3A_2190, %scan3A_2111 : i32
      %get3A_2192 = arith.index_cast %add3A_2191 : i32 to index
      %get3A_2193 = arith.constant 0 : index
      %get3A_2194 = tpu.vector_load %arg6[%get3A_2192, %get3A_2193] {strides = array<i32>} : memref<2560x16xf32, #tpu.memory_space<vmem>>, vector<1x16xf32>,
      %get3A_2195 = vector.shape_cast %get3A_2194 : vector<1x16xf32> to vector<16xf32>
      %add3A_2196 = arith.constant 1792 : i32
      %add3A_2197 = arith.addi %add3A_2196, %scan3A_2111 : i32
      %get3A_2198 = arith.index_cast %add3A_2197 : i32 to index
      %get3A_2199 = arith.constant 0 : index
      %get3A_2200 = tpu.vector_load %arg6[%get3A_2198, %get3A_2199] {strides = array<i32>} : memref<2560x16xf32, #tpu.memory_space<vmem>>, vector<1x16xf32>,
      %get3A_2201 = vector.shape_cast %get3A_2200 : vector<1x16xf32> to vector<16xf32>
      %add3A_2202 = arith.constant 1920 : i32
      %add3A_2203 = arith.addi %add3A_2202, %scan3A_2111 : i32
      %get3A_2204 = arith.index_cast %add3A_2203 : i32 to index
      %get3A_2205 = arith.constant 0 : index
      %get3A_2206 = tpu.vector_load %arg6[%get3A_2204, %get3A_2205] {strides = array<i32>} : memref<2560x16xf32, #tpu.memory_space<vmem>>, vector<1x16xf32>,
      %get3A_2207 = vector.shape_cast %get3A_2206 : vector<1x16xf32> to vector<16xf32>
      %add3A_2208 = arith.constant 2048 : i32
      %add3A_2209 = arith.addi %add3A_2208, %scan3A_2111 : i32
      %get3A_2210 = arith.index_cast %add3A_2209 : i32 to index
      %get3A_2211 = arith.constant 0 : index
      %get3A_2212 = tpu.vector_load %arg6[%get3A_2210, %get3A_2211] {strides = array<i32>} : memref<2560x16xf32, #tpu.memory_space<vmem>>, vector<1x16xf32>,
      %get3A_2213 = vector.shape_cast %get3A_2212 : vector<1x16xf32> to vector<16xf32>
      %add3A_2214 = arith.constant 2176 : i32
      %add3A_2215 = arith.addi %add3A_2214, %scan3A_2111 : i32
      %get3A_2216 = arith.index_cast %add3A_2215 : i32 to index
      %get3A_2217 = arith.constant 0 : index
      %get3A_2218 = tpu.vector_load %arg6[%get3A_2216, %get3A_2217] {strides = array<i32>} : memref<2560x16xf32, #tpu.memory_space<vmem>>, vector<1x16xf32>,
      %get3A_2219 = vector.shape_cast %get3A_2218 : vector<1x16xf32> to vector<16xf32>
      %add3A_2220 = arith.constant 2304 : i32
      %add3A_2221 = arith.addi %add3A_2220, %scan3A_2111 : i32
      %get3A_2222 = arith.index_cast %add3A_2221 : i32 to index
      %get3A_2223 = arith.constant 0 : index
      %get3A_2224 = tpu.vector_load %arg6[%get3A_2222, %get3A_2223] {strides = array<i32>} : memref<2560x16xf32, #tpu.memory_space<vmem>>, vector<1x16xf32>,
      %get3A_2225 = vector.shape_cast %get3A_2224 : vector<1x16xf32> to vector<16xf32>
      %add3A_2226 = arith.constant 2432 : i32
      %add3A_2227 = arith.addi %add3A_2226, %scan3A_2111 : i32
      %get3A_2228 = arith.index_cast %add3A_2227 : i32 to index
      %get3A_2229 = arith.constant 0 : index
      %get3A_2230 = tpu.vector_load %arg6[%get3A_2228, %get3A_2229] {strides = array<i32>} : memref<2560x16xf32, #tpu.memory_space<vmem>>, vector<1x16xf32>,
      %get3A_2231 = vector.shape_cast %get3A_2230 : vector<1x16xf32> to vector<16xf32>
      %add3A_2232 = arith.addf %get3A_2117, %get3A_2123 : vector<16xf32>
      %add3A_2233 = arith.addf %get3A_2129, %get3A_2135 : vector<16xf32>
      %add3A_2234 = arith.addf %get3A_2141, %get3A_2147 : vector<16xf32>
      %add3A_2235 = arith.addf %get3A_2153, %get3A_2159 : vector<16xf32>
      %add3A_2236 = arith.addf %get3A_2165, %get3A_2171 : vector<16xf32>
      %add3A_2237 = arith.addf %get3A_2177, %get3A_2183 : vector<16xf32>
      %add3A_2238 = arith.addf %get3A_2189, %get3A_2195 : vector<16xf32>
      %add3A_2239 = arith.addf %get3A_2201, %get3A_2207 : vector<16xf32>
      %add3A_2240 = arith.addf %get3A_2213, %get3A_2219 : vector<16xf32>
      %add3A_2241 = arith.addf %get3A_2225, %get3A_2231 : vector<16xf32>
      %add3A_2242 = arith.addf %add3A_2232, %add3A_2233 : vector<16xf32>
      %add3A_2243 = arith.addf %add3A_2234, %add3A_2235 : vector<16xf32>
      %add3A_2244 = arith.addf %add3A_2236, %add3A_2237 : vector<16xf32>
      %add3A_2245 = arith.addf %add3A_2238, %add3A_2239 : vector<16xf32>
      %add3A_2246 = arith.addf %add3A_2240, %add3A_2241 : vector<16xf32>
      %add3A_2247 = arith.addf %add3A_2242, %add3A_2243 : vector<16xf32>
      %add3A_2248 = arith.addf %add3A_2244, %add3A_2245 : vector<16xf32>
      %add3A_2249 = arith.addf %add3A_2247, %add3A_2248 : vector<16xf32>
      %add3A_2250 = arith.addf %add3A_2249, %add3A_2246 : vector<16xf32>
      %mul3A_2251 = arith.mulf %add3A_2250, %add3A_2250 : vector<16xf32>
      %xor3A = arith.constant 1 : i32
      %xor3A_2252 = vector.broadcast %xor3A : i32 to vector<16xi32>
      %xor3A_2253 = arith.xori %iota3A, %xor3A_2252 : vector<16xi32>
      %broadcast_in_dim3A = vector.shape_cast %xor3A_2253 : vector<16xi32> to vector<16x1xi32>
      %gather3A = vector.shape_cast %broadcast_in_dim3A : vector<16x1xi32> to vector<16xi32>
      %gather3A_2254 = tpu.dynamic_gather %mul3A_2251[%gather3A] in [0] : vector<16xf32>, vector<16xi32> -> vector<16xf32>
      %add3A_2255 = arith.addf %mul3A_2251, %gather3A_2254 : vector<16xf32>
      %xor3A_2256 = arith.constant 2 : i32
      %xor3A_2257 = vector.broadcast %xor3A_2256 : i32 to vector<16xi32>
      %xor3A_2258 = arith.xori %iota3A, %xor3A_2257 : vector<16xi32>
      %broadcast_in_dim3A_2259 = vector.shape_cast %xor3A_2258 : vector<16xi32> to vector<16x1xi32>
      %gather3A_2260 = vector.shape_cast %broadcast_in_dim3A_2259 : vector<16x1xi32> to vector<16xi32>
      %gather3A_2261 = tpu.dynamic_gather %add3A_2255[%gather3A_2260] in [0] : vector<16xf32>, vector<16xi32> -> vector<16xf32>
      %add3A_2262 = arith.addf %add3A_2255, %gather3A_2261 : vector<16xf32>
      %xor3A_2263 = arith.constant 4 : i32
      %xor3A_2264 = vector.broadcast %xor3A_2263 : i32 to vector<16xi32>
      %xor3A_2265 = arith.xori %iota3A, %xor3A_2264 : vector<16xi32>
      %broadcast_in_dim3A_2266 = vector.shape_cast %xor3A_2265 : vector<16xi32> to vector<16x1xi32>
      %gather3A_2267 = vector.shape_cast %broadcast_in_dim3A_2266 : vector<16x1xi32> to vector<16xi32>
      %gather3A_2268 = tpu.dynamic_gather %add3A_2262[%gather3A_2267] in [0] : vector<16xf32>, vector<16xi32> -> vector<16xf32>
      %add3A_2269 = arith.addf %add3A_2262, %gather3A_2268 : vector<16xf32>
      %xor3A_2270 = arith.constant 8 : i32
      %xor3A_2271 = vector.broadcast %xor3A_2270 : i32 to vector<16xi32>
      %xor3A_2272 = arith.xori %iota3A, %xor3A_2271 : vector<16xi32>
      %broadcast_in_dim3A_2273 = vector.shape_cast %xor3A_2272 : vector<16xi32> to vector<16x1xi32>
      %gather3A_2274 = vector.shape_cast %broadcast_in_dim3A_2273 : vector<16x1xi32> to vector<16xi32>
      %gather3A_2275 = tpu.dynamic_gather %add3A_2269[%gather3A_2274] in [0] : vector<16xf32>, vector<16xi32> -> vector<16xf32>
      %add3A_2276 = arith.addf %add3A_2269, %gather3A_2275 : vector<16xf32>
      %bitcast_convert_type3A = tpu.bitcast %add3A_2276 : vector<16xf32> -> vector<16xi32>
      %shift_right_arithmetic3A = arith.constant 1 : i32
      %shift_right_arithmetic3A_2277 = vector.broadcast %shift_right_arithmetic3A : i32 to vector<16xi32>
      %shift_right_arithmetic3A_2278 = arith.shrsi %bitcast_convert_type3A, %shift_right_arithmetic3A_2277 : vector<16xi32>
      %sub3A = arith.constant 1597463007 : i32
      %sub3A_2279 = vector.broadcast %sub3A : i32 to vector<16xi32>
      %sub3A_2280 = arith.subi %sub3A_2279, %shift_right_arithmetic3A_2278 : vector<16xi32>
      %bitcast_convert_type3A_2281 = tpu.bitcast %sub3A_2280 : vector<16xi32> -> vector<16xf32>
      %mul3A_2282 = arith.constant 5.000000e-01 : f32
      %mul3A_2283 = vector.broadcast %mul3A_2282 : f32 to vector<16xf32>
      %mul3A_2284 = arith.mulf %add3A_2276, %mul3A_2283 : vector<16xf32>
      %mul3A_2285 = arith.mulf %mul3A_2284, %bitcast_convert_type3A_2281 : vector<16xf32>
      %mul3A_2286 = arith.mulf %mul3A_2285, %bitcast_convert_type3A_2281 : vector<16xf32>
      %sub3A_2287 = arith.constant 1.500000e+00 : f32
      %sub3A_2288 = vector.broadcast %sub3A_2287 : f32 to vector<16xf32>
      %sub3A_2289 = arith.subf %sub3A_2288, %mul3A_2286 : vector<16xf32>
      %mul3A_2290 = arith.mulf %bitcast_convert_type3A_2281, %sub3A_2289 : vector<16xf32>
      %mul3A_2291 = arith.mulf %mul3A_2284, %mul3A_2290 : vector<16xf32>
      %mul3A_2292 = arith.mulf %mul3A_2291, %mul3A_2290 : vector<16xf32>
      %sub3A_2293 = arith.constant 1.500000e+00 : f32
      %sub3A_2294 = vector.broadcast %sub3A_2293 : f32 to vector<16xf32>
      %sub3A_2295 = arith.subf %sub3A_2294, %mul3A_2292 : vector<16xf32>
      %mul3A_2296 = arith.mulf %mul3A_2290, %sub3A_2295 : vector<16xf32>
      %mul3A_2297 = arith.mulf %mul3A_2284, %mul3A_2296 : vector<16xf32>
      %mul3A_2298 = arith.mulf %mul3A_2297, %mul3A_2296 : vector<16xf32>
      %sub3A_2299 = arith.constant 1.500000e+00 : f32
      %sub3A_2300 = vector.broadcast %sub3A_2299 : f32 to vector<16xf32>
      %sub3A_2301 = arith.subf %sub3A_2300, %mul3A_2298 : vector<16xf32>
      %mul3A_2302 = arith.mulf %mul3A_2296, %sub3A_2301 : vector<16xf32>
      %mul3A_2303 = arith.mulf %add3A_2250, %mul3A_2302 : vector<16xf32>
      %add3A_2304 = arith.constant 0 : i32
      %add3A_2305 = arith.addi %add3A_2304, %scan3A_2111 : i32
      %swap3A = arith.index_cast %add3A_2305 : i32 to index
      %swap3A_2306 = arith.constant 0 : index
      %swap3A_2307 = tpu.vector_load %arg8[%swap3A, %swap3A_2306] {strides = array<i32>} : memref<512x16xf32, #tpu.memory_space<vmem>>, vector<1x16xf32>,
      %swap3A_2308 = vector.shape_cast %swap3A_2307 : vector<1x16xf32> to vector<16xf32>
      %swap3A_2309 = vector.shape_cast %mul3A_2303 : vector<16xf32> to vector<1x16xf32>
      tpu.vector_store %arg8[%swap3A, %swap3A_2306], %swap3A_2309 {strides = array<i32>} : memref<512x16xf32, #tpu.memory_space<vmem>>, vector<1x16xf32>,
      %scan3A_2310 = arith.constant 0 : i32
      scf.yield %scan3A_2310 : i32
    }
    %scan3A_1084 = arith.constant 128 : i32
    %dma_start3A_1085 = arith.constant 2 : i32
    %dma_start3A_1086 = arith.constant 0 : i32
    %dma_start3A_1087 = arith.constant 0 : i32
    %dma_start3A_1088 = tpu.memref_slice %arg6[%dma_start3A_1086, %dma_start3A_1087] : memref<2560x16xf32, #tpu.memory_space<vmem>> -> memref<128x16xf32, #tpu.memory_space<vmem>>
    %dma_start3A_1089 = arith.constant 0 : i32
    %dma_start3A_1090 = tpu.memref_slice %arg5[%dma_start3A_1085, %dma_start3A_1089] : memref<80x128xi32, #tpu.memory_space<vmem>> -> memref<1x128xi32, #tpu.memory_space<vmem>>
    %dma_start3A_1091 = tpu.memref_squeeze %dma_start3A_1090 : memref<1x128xi32, #tpu.memory_space<vmem>> -> memref<128xi32, #tpu.memory_space<vmem>>
    %dma_start3A_1092 = arith.constant 0 : i32
    %dma_start3A_1093 = arith.constant 0 : i32
    %dma_start3A_1094 = tpu.memref_slice %arg3[%dma_start3A_1092, %dma_start3A_1093] : memref<100000x16xf32, #tpu.memory_space<hbm>> -> memref<100000x16xf32, #tpu.memory_space<hbm>>
    tpu.enqueue_indirect_dma source(%dma_start3A_1094 : memref<100000x16xf32, #tpu.memory_space<hbm>>) target(%dma_start3A_1088 : memref<128x16xf32, #tpu.memory_space<vmem>>) offsets(%dma_start3A_1091 : memref<128xi32, #tpu.memory_space<vmem>>) semaphore(%arg9 : memref<!tpu.dma_semaphore, #tpu.memory_space<semaphore_mem>>)
    %dma_start3A_1095 = arith.constant 6 : i32
    %dma_start3A_1096 = arith.constant 128 : i32
    %dma_start3A_1097 = arith.constant 0 : i32
    %dma_start3A_1098 = tpu.memref_slice %arg6[%dma_start3A_1096, %dma_start3A_1097] : memref<2560x16xf32, #tpu.memory_space<vmem>> -> memref<128x16xf32, #tpu.memory_space<vmem>>
    %dma_start3A_1099 = arith.constant 0 : i32
    %dma_start3A_1100 = tpu.memref_slice %arg5[%dma_start3A_1095, %dma_start3A_1099] : memref<80x128xi32, #tpu.memory_space<vmem>> -> memref<1x128xi32, #tpu.memory_space<vmem>>
    %dma_start3A_1101 = tpu.memref_squeeze %dma_start3A_1100 : memref<1x128xi32, #tpu.memory_space<vmem>> -> memref<128xi32, #tpu.memory_space<vmem>>
    %dma_start3A_1102 = arith.constant 0 : i32
    %dma_start3A_1103 = arith.constant 0 : i32
    %dma_start3A_1104 = tpu.memref_slice %arg3[%dma_start3A_1102, %dma_start3A_1103] : memref<100000x16xf32, #tpu.memory_space<hbm>> -> memref<100000x16xf32, #tpu.memory_space<hbm>>
    tpu.enqueue_indirect_dma source(%dma_start3A_1104 : memref<100000x16xf32, #tpu.memory_space<hbm>>) target(%dma_start3A_1098 : memref<128x16xf32, #tpu.memory_space<vmem>>) offsets(%dma_start3A_1101 : memref<128xi32, #tpu.memory_space<vmem>>) semaphore(%arg9 : memref<!tpu.dma_semaphore, #tpu.memory_space<semaphore_mem>>)
    %dma_start3A_1105 = arith.constant 10 : i32
    %dma_start3A_1106 = arith.constant 256 : i32
    %dma_start3A_1107 = arith.constant 0 : i32
    %dma_start3A_1108 = tpu.memref_slice %arg6[%dma_start3A_1106, %dma_start3A_1107] : memref<2560x16xf32, #tpu.memory_space<vmem>> -> memref<128x16xf32, #tpu.memory_space<vmem>>
    %dma_start3A_1109 = arith.constant 0 : i32
    %dma_start3A_1110 = tpu.memref_slice %arg5[%dma_start3A_1105, %dma_start3A_1109] : memref<80x128xi32, #tpu.memory_space<vmem>> -> memref<1x128xi32, #tpu.memory_space<vmem>>
    %dma_start3A_1111 = tpu.memref_squeeze %dma_start3A_1110 : memref<1x128xi32, #tpu.memory_space<vmem>> -> memref<128xi32, #tpu.memory_space<vmem>>
    %dma_start3A_1112 = arith.constant 0 : i32
    %dma_start3A_1113 = arith.constant 0 : i32
    %dma_start3A_1114 = tpu.memref_slice %arg3[%dma_start3A_1112, %dma_start3A_1113] : memref<100000x16xf32, #tpu.memory_space<hbm>> -> memref<100000x16xf32, #tpu.memory_space<hbm>>
    tpu.enqueue_indirect_dma source(%dma_start3A_1114 : memref<100000x16xf32, #tpu.memory_space<hbm>>) target(%dma_start3A_1108 : memref<128x16xf32, #tpu.memory_space<vmem>>) offsets(%dma_start3A_1111 : memref<128xi32, #tpu.memory_space<vmem>>) semaphore(%arg9 : memref<!tpu.dma_semaphore, #tpu.memory_space<semaphore_mem>>)
    %dma_start3A_1115 = arith.constant 14 : i32
    %dma_start3A_1116 = arith.constant 384 : i32
    %dma_start3A_1117 = arith.constant 0 : i32
    %dma_start3A_1118 = tpu.memref_slice %arg6[%dma_start3A_1116, %dma_start3A_1117] : memref<2560x16xf32, #tpu.memory_space<vmem>> -> memref<128x16xf32, #tpu.memory_space<vmem>>
    %dma_start3A_1119 = arith.constant 0 : i32
    %dma_start3A_1120 = tpu.memref_slice %arg5[%dma_start3A_1115, %dma_start3A_1119] : memref<80x128xi32, #tpu.memory_space<vmem>> -> memref<1x128xi32, #tpu.memory_space<vmem>>
    %dma_start3A_1121 = tpu.memref_squeeze %dma_start3A_1120 : memref<1x128xi32, #tpu.memory_space<vmem>> -> memref<128xi32, #tpu.memory_space<vmem>>
    %dma_start3A_1122 = arith.constant 0 : i32
    %dma_start3A_1123 = arith.constant 0 : i32
    %dma_start3A_1124 = tpu.memref_slice %arg3[%dma_start3A_1122, %dma_start3A_1123] : memref<100000x16xf32, #tpu.memory_space<hbm>> -> memref<100000x16xf32, #tpu.memory_space<hbm>>
    tpu.enqueue_indirect_dma source(%dma_start3A_1124 : memref<100000x16xf32, #tpu.memory_space<hbm>>) target(%dma_start3A_1118 : memref<128x16xf32, #tpu.memory_space<vmem>>) offsets(%dma_start3A_1121 : memref<128xi32, #tpu.memory_space<vmem>>) semaphore(%arg9 : memref<!tpu.dma_semaphore, #tpu.memory_space<semaphore_mem>>)
    %dma_start3A_1125 = arith.constant 18 : i32
    %dma_start3A_1126 = arith.constant 512 : i32
    %dma_start3A_1127 = arith.constant 0 : i32
    %dma_start3A_1128 = tpu.memref_slice %arg6[%dma_start3A_1126, %dma_start3A_1127] : memref<2560x16xf32, #tpu.memory_space<vmem>> -> memref<128x16xf32, #tpu.memory_space<vmem>>
    %dma_start3A_1129 = arith.constant 0 : i32
    %dma_start3A_1130 = tpu.memref_slice %arg5[%dma_start3A_1125, %dma_start3A_1129] : memref<80x128xi32, #tpu.memory_space<vmem>> -> memref<1x128xi32, #tpu.memory_space<vmem>>
    %dma_start3A_1131 = tpu.memref_squeeze %dma_start3A_1130 : memref<1x128xi32, #tpu.memory_space<vmem>> -> memref<128xi32, #tpu.memory_space<vmem>>
    %dma_start3A_1132 = arith.constant 0 : i32
    %dma_start3A_1133 = arith.constant 0 : i32
    %dma_start3A_1134 = tpu.memref_slice %arg3[%dma_start3A_1132, %dma_start3A_1133] : memref<100000x16xf32, #tpu.memory_space<hbm>> -> memref<100000x16xf32, #tpu.memory_space<hbm>>
    tpu.enqueue_indirect_dma source(%dma_start3A_1134 : memref<100000x16xf32, #tpu.memory_space<hbm>>) target(%dma_start3A_1128 : memref<128x16xf32, #tpu.memory_space<vmem>>) offsets(%dma_start3A_1131 : memref<128xi32, #tpu.memory_space<vmem>>) semaphore(%arg9 : memref<!tpu.dma_semaphore, #tpu.memory_space<semaphore_mem>>)
    %dma_start3A_1135 = arith.constant 22 : i32
    %dma_start3A_1136 = arith.constant 640 : i32
    %dma_start3A_1137 = arith.constant 0 : i32
    %dma_start3A_1138 = tpu.memref_slice %arg6[%dma_start3A_1136, %dma_start3A_1137] : memref<2560x16xf32, #tpu.memory_space<vmem>> -> memref<128x16xf32, #tpu.memory_space<vmem>>
    %dma_start3A_1139 = arith.constant 0 : i32
    %dma_start3A_1140 = tpu.memref_slice %arg5[%dma_start3A_1135, %dma_start3A_1139] : memref<80x128xi32, #tpu.memory_space<vmem>> -> memref<1x128xi32, #tpu.memory_space<vmem>>
    %dma_start3A_1141 = tpu.memref_squeeze %dma_start3A_1140 : memref<1x128xi32, #tpu.memory_space<vmem>> -> memref<128xi32, #tpu.memory_space<vmem>>
    %dma_start3A_1142 = arith.constant 0 : i32
    %dma_start3A_1143 = arith.constant 0 : i32
    %dma_start3A_1144 = tpu.memref_slice %arg3[%dma_start3A_1142, %dma_start3A_1143] : memref<100000x16xf32, #tpu.memory_space<hbm>> -> memref<100000x16xf32, #tpu.memory_space<hbm>>
    tpu.enqueue_indirect_dma source(%dma_start3A_1144 : memref<100000x16xf32, #tpu.memory_space<hbm>>) target(%dma_start3A_1138 : memref<128x16xf32, #tpu.memory_space<vmem>>) offsets(%dma_start3A_1141 : memref<128xi32, #tpu.memory_space<vmem>>) semaphore(%arg9 : memref<!tpu.dma_semaphore, #tpu.memory_space<semaphore_mem>>)
    %dma_start3A_1145 = arith.constant 26 : i32
    %dma_start3A_1146 = arith.constant 768 : i32
    %dma_start3A_1147 = arith.constant 0 : i32
    %dma_start3A_1148 = tpu.memref_slice %arg6[%dma_start3A_1146, %dma_start3A_1147] : memref<2560x16xf32, #tpu.memory_space<vmem>> -> memref<128x16xf32, #tpu.memory_space<vmem>>
    %dma_start3A_1149 = arith.constant 0 : i32
    %dma_start3A_1150 = tpu.memref_slice %arg5[%dma_start3A_1145, %dma_start3A_1149] : memref<80x128xi32, #tpu.memory_space<vmem>> -> memref<1x128xi32, #tpu.memory_space<vmem>>
    %dma_start3A_1151 = tpu.memref_squeeze %dma_start3A_1150 : memref<1x128xi32, #tpu.memory_space<vmem>> -> memref<128xi32, #tpu.memory_space<vmem>>
    %dma_start3A_1152 = arith.constant 0 : i32
    %dma_start3A_1153 = arith.constant 0 : i32
    %dma_start3A_1154 = tpu.memref_slice %arg3[%dma_start3A_1152, %dma_start3A_1153] : memref<100000x16xf32, #tpu.memory_space<hbm>> -> memref<100000x16xf32, #tpu.memory_space<hbm>>
    tpu.enqueue_indirect_dma source(%dma_start3A_1154 : memref<100000x16xf32, #tpu.memory_space<hbm>>) target(%dma_start3A_1148 : memref<128x16xf32, #tpu.memory_space<vmem>>) offsets(%dma_start3A_1151 : memref<128xi32, #tpu.memory_space<vmem>>) semaphore(%arg9 : memref<!tpu.dma_semaphore, #tpu.memory_space<semaphore_mem>>)
    %dma_start3A_1155 = arith.constant 30 : i32
    %dma_start3A_1156 = arith.constant 896 : i32
    %dma_start3A_1157 = arith.constant 0 : i32
    %dma_start3A_1158 = tpu.memref_slice %arg6[%dma_start3A_1156, %dma_start3A_1157] : memref<2560x16xf32, #tpu.memory_space<vmem>> -> memref<128x16xf32, #tpu.memory_space<vmem>>
    %dma_start3A_1159 = arith.constant 0 : i32
    %dma_start3A_1160 = tpu.memref_slice %arg5[%dma_start3A_1155, %dma_start3A_1159] : memref<80x128xi32, #tpu.memory_space<vmem>> -> memref<1x128xi32, #tpu.memory_space<vmem>>
    %dma_start3A_1161 = tpu.memref_squeeze %dma_start3A_1160 : memref<1x128xi32, #tpu.memory_space<vmem>> -> memref<128xi32, #tpu.memory_space<vmem>>
    %dma_start3A_1162 = arith.constant 0 : i32
    %dma_start3A_1163 = arith.constant 0 : i32
    %dma_start3A_1164 = tpu.memref_slice %arg3[%dma_start3A_1162, %dma_start3A_1163] : memref<100000x16xf32, #tpu.memory_space<hbm>> -> memref<100000x16xf32, #tpu.memory_space<hbm>>
    tpu.enqueue_indirect_dma source(%dma_start3A_1164 : memref<100000x16xf32, #tpu.memory_space<hbm>>) target(%dma_start3A_1158 : memref<128x16xf32, #tpu.memory_space<vmem>>) offsets(%dma_start3A_1161 : memref<128xi32, #tpu.memory_space<vmem>>) semaphore(%arg9 : memref<!tpu.dma_semaphore, #tpu.memory_space<semaphore_mem>>)
    %dma_start3A_1165 = arith.constant 34 : i32
    %dma_start3A_1166 = arith.constant 1024 : i32
    %dma_start3A_1167 = arith.constant 0 : i32
    %dma_start3A_1168 = tpu.memref_slice %arg6[%dma_start3A_1166, %dma_start3A_1167] : memref<2560x16xf32, #tpu.memory_space<vmem>> -> memref<128x16xf32, #tpu.memory_space<vmem>>
    %dma_start3A_1169 = arith.constant 0 : i32
    %dma_start3A_1170 = tpu.memref_slice %arg5[%dma_start3A_1165, %dma_start3A_1169] : memref<80x128xi32, #tpu.memory_space<vmem>> -> memref<1x128xi32, #tpu.memory_space<vmem>>
    %dma_start3A_1171 = tpu.memref_squeeze %dma_start3A_1170 : memref<1x128xi32, #tpu.memory_space<vmem>> -> memref<128xi32, #tpu.memory_space<vmem>>
    %dma_start3A_1172 = arith.constant 0 : i32
    %dma_start3A_1173 = arith.constant 0 : i32
    %dma_start3A_1174 = tpu.memref_slice %arg3[%dma_start3A_1172, %dma_start3A_1173] : memref<100000x16xf32, #tpu.memory_space<hbm>> -> memref<100000x16xf32, #tpu.memory_space<hbm>>
    tpu.enqueue_indirect_dma source(%dma_start3A_1174 : memref<100000x16xf32, #tpu.memory_space<hbm>>) target(%dma_start3A_1168 : memref<128x16xf32, #tpu.memory_space<vmem>>) offsets(%dma_start3A_1171 : memref<128xi32, #tpu.memory_space<vmem>>) semaphore(%arg9 : memref<!tpu.dma_semaphore, #tpu.memory_space<semaphore_mem>>)
    %dma_start3A_1175 = arith.constant 38 : i32
    %dma_start3A_1176 = arith.constant 1152 : i32
    %dma_start3A_1177 = arith.constant 0 : i32
    %dma_start3A_1178 = tpu.memref_slice %arg6[%dma_start3A_1176, %dma_start3A_1177] : memref<2560x16xf32, #tpu.memory_space<vmem>> -> memref<128x16xf32, #tpu.memory_space<vmem>>
    %dma_start3A_1179 = arith.constant 0 : i32
    %dma_start3A_1180 = tpu.memref_slice %arg5[%dma_start3A_1175, %dma_start3A_1179] : memref<80x128xi32, #tpu.memory_space<vmem>> -> memref<1x128xi32, #tpu.memory_space<vmem>>
    %dma_start3A_1181 = tpu.memref_squeeze %dma_start3A_1180 : memref<1x128xi32, #tpu.memory_space<vmem>> -> memref<128xi32, #tpu.memory_space<vmem>>
    %dma_start3A_1182 = arith.constant 0 : i32
    %dma_start3A_1183 = arith.constant 0 : i32
    %dma_start3A_1184 = tpu.memref_slice %arg3[%dma_start3A_1182, %dma_start3A_1183] : memref<100000x16xf32, #tpu.memory_space<hbm>> -> memref<100000x16xf32, #tpu.memory_space<hbm>>
    tpu.enqueue_indirect_dma source(%dma_start3A_1184 : memref<100000x16xf32, #tpu.memory_space<hbm>>) target(%dma_start3A_1178 : memref<128x16xf32, #tpu.memory_space<vmem>>) offsets(%dma_start3A_1181 : memref<128xi32, #tpu.memory_space<vmem>>) semaphore(%arg9 : memref<!tpu.dma_semaphore, #tpu.memory_space<semaphore_mem>>)
    %dma_start3A_1185 = arith.constant 42 : i32
    %dma_start3A_1186 = arith.constant 1280 : i32
    %dma_start3A_1187 = arith.constant 0 : i32
    %dma_start3A_1188 = tpu.memref_slice %arg6[%dma_start3A_1186, %dma_start3A_1187] : memref<2560x16xf32, #tpu.memory_space<vmem>> -> memref<128x16xf32, #tpu.memory_space<vmem>>
    %dma_start3A_1189 = arith.constant 0 : i32
    %dma_start3A_1190 = tpu.memref_slice %arg5[%dma_start3A_1185, %dma_start3A_1189] : memref<80x128xi32, #tpu.memory_space<vmem>> -> memref<1x128xi32, #tpu.memory_space<vmem>>
    %dma_start3A_1191 = tpu.memref_squeeze %dma_start3A_1190 : memref<1x128xi32, #tpu.memory_space<vmem>> -> memref<128xi32, #tpu.memory_space<vmem>>
    %dma_start3A_1192 = arith.constant 0 : i32
    %dma_start3A_1193 = arith.constant 0 : i32
    %dma_start3A_1194 = tpu.memref_slice %arg3[%dma_start3A_1192, %dma_start3A_1193] : memref<100000x16xf32, #tpu.memory_space<hbm>> -> memref<100000x16xf32, #tpu.memory_space<hbm>>
    tpu.enqueue_indirect_dma source(%dma_start3A_1194 : memref<100000x16xf32, #tpu.memory_space<hbm>>) target(%dma_start3A_1188 : memref<128x16xf32, #tpu.memory_space<vmem>>) offsets(%dma_start3A_1191 : memref<128xi32, #tpu.memory_space<vmem>>) semaphore(%arg9 : memref<!tpu.dma_semaphore, #tpu.memory_space<semaphore_mem>>)
    %dma_start3A_1195 = arith.constant 46 : i32
    %dma_start3A_1196 = arith.constant 1408 : i32
    %dma_start3A_1197 = arith.constant 0 : i32
    %dma_start3A_1198 = tpu.memref_slice %arg6[%dma_start3A_1196, %dma_start3A_1197] : memref<2560x16xf32, #tpu.memory_space<vmem>> -> memref<128x16xf32, #tpu.memory_space<vmem>>
    %dma_start3A_1199 = arith.constant 0 : i32
    %dma_start3A_1200 = tpu.memref_slice %arg5[%dma_start3A_1195, %dma_start3A_1199] : memref<80x128xi32, #tpu.memory_space<vmem>> -> memref<1x128xi32, #tpu.memory_space<vmem>>
    %dma_start3A_1201 = tpu.memref_squeeze %dma_start3A_1200 : memref<1x128xi32, #tpu.memory_space<vmem>> -> memref<128xi32, #tpu.memory_space<vmem>>
    %dma_start3A_1202 = arith.constant 0 : i32
    %dma_start3A_1203 = arith.constant 0 : i32
    %dma_start3A_1204 = tpu.memref_slice %arg3[%dma_start3A_1202, %dma_start3A_1203] : memref<100000x16xf32, #tpu.memory_space<hbm>> -> memref<100000x16xf32, #tpu.memory_space<hbm>>
    tpu.enqueue_indirect_dma source(%dma_start3A_1204 : memref<100000x16xf32, #tpu.memory_space<hbm>>) target(%dma_start3A_1198 : memref<128x16xf32, #tpu.memory_space<vmem>>) offsets(%dma_start3A_1201 : memref<128xi32, #tpu.memory_space<vmem>>) semaphore(%arg9 : memref<!tpu.dma_semaphore, #tpu.memory_space<semaphore_mem>>)
    %dma_start3A_1205 = arith.constant 50 : i32
    %dma_start3A_1206 = arith.constant 1536 : i32
    %dma_start3A_1207 = arith.constant 0 : i32
    %dma_start3A_1208 = tpu.memref_slice %arg6[%dma_start3A_1206, %dma_start3A_1207] : memref<2560x16xf32, #tpu.memory_space<vmem>> -> memref<128x16xf32, #tpu.memory_space<vmem>>
    %dma_start3A_1209 = arith.constant 0 : i32
    %dma_start3A_1210 = tpu.memref_slice %arg5[%dma_start3A_1205, %dma_start3A_1209] : memref<80x128xi32, #tpu.memory_space<vmem>> -> memref<1x128xi32, #tpu.memory_space<vmem>>
    %dma_start3A_1211 = tpu.memref_squeeze %dma_start3A_1210 : memref<1x128xi32, #tpu.memory_space<vmem>> -> memref<128xi32, #tpu.memory_space<vmem>>
    %dma_start3A_1212 = arith.constant 0 : i32
    %dma_start3A_1213 = arith.constant 0 : i32
    %dma_start3A_1214 = tpu.memref_slice %arg3[%dma_start3A_1212, %dma_start3A_1213] : memref<100000x16xf32, #tpu.memory_space<hbm>> -> memref<100000x16xf32, #tpu.memory_space<hbm>>
    tpu.enqueue_indirect_dma source(%dma_start3A_1214 : memref<100000x16xf32, #tpu.memory_space<hbm>>) target(%dma_start3A_1208 : memref<128x16xf32, #tpu.memory_space<vmem>>) offsets(%dma_start3A_1211 : memref<128xi32, #tpu.memory_space<vmem>>) semaphore(%arg9 : memref<!tpu.dma_semaphore, #tpu.memory_space<semaphore_mem>>)
    %dma_start3A_1215 = arith.constant 54 : i32
    %dma_start3A_1216 = arith.constant 1664 : i32
    %dma_start3A_1217 = arith.constant 0 : i32
    %dma_start3A_1218 = tpu.memref_slice %arg6[%dma_start3A_1216, %dma_start3A_1217] : memref<2560x16xf32, #tpu.memory_space<vmem>> -> memref<128x16xf32, #tpu.memory_space<vmem>>
    %dma_start3A_1219 = arith.constant 0 : i32
    %dma_start3A_1220 = tpu.memref_slice %arg5[%dma_start3A_1215, %dma_start3A_1219] : memref<80x128xi32, #tpu.memory_space<vmem>> -> memref<1x128xi32, #tpu.memory_space<vmem>>
    %dma_start3A_1221 = tpu.memref_squeeze %dma_start3A_1220 : memref<1x128xi32, #tpu.memory_space<vmem>> -> memref<128xi32, #tpu.memory_space<vmem>>
    %dma_start3A_1222 = arith.constant 0 : i32
    %dma_start3A_1223 = arith.constant 0 : i32
    %dma_start3A_1224 = tpu.memref_slice %arg3[%dma_start3A_1222, %dma_start3A_1223] : memref<100000x16xf32, #tpu.memory_space<hbm>> -> memref<100000x16xf32, #tpu.memory_space<hbm>>
    tpu.enqueue_indirect_dma source(%dma_start3A_1224 : memref<100000x16xf32, #tpu.memory_space<hbm>>) target(%dma_start3A_1218 : memref<128x16xf32, #tpu.memory_space<vmem>>) offsets(%dma_start3A_1221 : memref<128xi32, #tpu.memory_space<vmem>>) semaphore(%arg9 : memref<!tpu.dma_semaphore, #tpu.memory_space<semaphore_mem>>)
    %dma_start3A_1225 = arith.constant 58 : i32
    %dma_start3A_1226 = arith.constant 1792 : i32
    %dma_start3A_1227 = arith.constant 0 : i32
    %dma_start3A_1228 = tpu.memref_slice %arg6[%dma_start3A_1226, %dma_start3A_1227] : memref<2560x16xf32, #tpu.memory_space<vmem>> -> memref<128x16xf32, #tpu.memory_space<vmem>>
    %dma_start3A_1229 = arith.constant 0 : i32
    %dma_start3A_1230 = tpu.memref_slice %arg5[%dma_start3A_1225, %dma_start3A_1229] : memref<80x128xi32, #tpu.memory_space<vmem>> -> memref<1x128xi32, #tpu.memory_space<vmem>>
    %dma_start3A_1231 = tpu.memref_squeeze %dma_start3A_1230 : memref<1x128xi32, #tpu.memory_space<vmem>> -> memref<128xi32, #tpu.memory_space<vmem>>
    %dma_start3A_1232 = arith.constant 0 : i32
    %dma_start3A_1233 = arith.constant 0 : i32
    %dma_start3A_1234 = tpu.memref_slice %arg3[%dma_start3A_1232, %dma_start3A_1233] : memref<100000x16xf32, #tpu.memory_space<hbm>> -> memref<100000x16xf32, #tpu.memory_space<hbm>>
    tpu.enqueue_indirect_dma source(%dma_start3A_1234 : memref<100000x16xf32, #tpu.memory_space<hbm>>) target(%dma_start3A_1228 : memref<128x16xf32, #tpu.memory_space<vmem>>) offsets(%dma_start3A_1231 : memref<128xi32, #tpu.memory_space<vmem>>) semaphore(%arg9 : memref<!tpu.dma_semaphore, #tpu.memory_space<semaphore_mem>>)
    %dma_start3A_1235 = arith.constant 62 : i32
    %dma_start3A_1236 = arith.constant 1920 : i32
    %dma_start3A_1237 = arith.constant 0 : i32
    %dma_start3A_1238 = tpu.memref_slice %arg6[%dma_start3A_1236, %dma_start3A_1237] : memref<2560x16xf32, #tpu.memory_space<vmem>> -> memref<128x16xf32, #tpu.memory_space<vmem>>
    %dma_start3A_1239 = arith.constant 0 : i32
    %dma_start3A_1240 = tpu.memref_slice %arg5[%dma_start3A_1235, %dma_start3A_1239] : memref<80x128xi32, #tpu.memory_space<vmem>> -> memref<1x128xi32, #tpu.memory_space<vmem>>
    %dma_start3A_1241 = tpu.memref_squeeze %dma_start3A_1240 : memref<1x128xi32, #tpu.memory_space<vmem>> -> memref<128xi32, #tpu.memory_space<vmem>>
    %dma_start3A_1242 = arith.constant 0 : i32
    %dma_start3A_1243 = arith.constant 0 : i32
    %dma_start3A_1244 = tpu.memref_slice %arg3[%dma_start3A_1242, %dma_start3A_1243] : memref<100000x16xf32, #tpu.memory_space<hbm>> -> memref<100000x16xf32, #tpu.memory_space<hbm>>
    tpu.enqueue_indirect_dma source(%dma_start3A_1244 : memref<100000x16xf32, #tpu.memory_space<hbm>>) target(%dma_start3A_1238 : memref<128x16xf32, #tpu.memory_space<vmem>>) offsets(%dma_start3A_1241 : memref<128xi32, #tpu.memory_space<vmem>>) semaphore(%arg9 : memref<!tpu.dma_semaphore, #tpu.memory_space<semaphore_mem>>)
    %dma_start3A_1245 = arith.constant 66 : i32
    %dma_start3A_1246 = arith.constant 2048 : i32
    %dma_start3A_1247 = arith.constant 0 : i32
    %dma_start3A_1248 = tpu.memref_slice %arg6[%dma_start3A_1246, %dma_start3A_1247] : memref<2560x16xf32, #tpu.memory_space<vmem>> -> memref<128x16xf32, #tpu.memory_space<vmem>>
    %dma_start3A_1249 = arith.constant 0 : i32
    %dma_start3A_1250 = tpu.memref_slice %arg5[%dma_start3A_1245, %dma_start3A_1249] : memref<80x128xi32, #tpu.memory_space<vmem>> -> memref<1x128xi32, #tpu.memory_space<vmem>>
    %dma_start3A_1251 = tpu.memref_squeeze %dma_start3A_1250 : memref<1x128xi32, #tpu.memory_space<vmem>> -> memref<128xi32, #tpu.memory_space<vmem>>
    %dma_start3A_1252 = arith.constant 0 : i32
    %dma_start3A_1253 = arith.constant 0 : i32
    %dma_start3A_1254 = tpu.memref_slice %arg3[%dma_start3A_1252, %dma_start3A_1253] : memref<100000x16xf32, #tpu.memory_space<hbm>> -> memref<100000x16xf32, #tpu.memory_space<hbm>>
    tpu.enqueue_indirect_dma source(%dma_start3A_1254 : memref<100000x16xf32, #tpu.memory_space<hbm>>) target(%dma_start3A_1248 : memref<128x16xf32, #tpu.memory_space<vmem>>) offsets(%dma_start3A_1251 : memref<128xi32, #tpu.memory_space<vmem>>) semaphore(%arg9 : memref<!tpu.dma_semaphore, #tpu.memory_space<semaphore_mem>>)
    %dma_start3A_1255 = arith.constant 70 : i32
    %dma_start3A_1256 = arith.constant 2176 : i32
    %dma_start3A_1257 = arith.constant 0 : i32
    %dma_start3A_1258 = tpu.memref_slice %arg6[%dma_start3A_1256, %dma_start3A_1257] : memref<2560x16xf32, #tpu.memory_space<vmem>> -> memref<128x16xf32, #tpu.memory_space<vmem>>
    %dma_start3A_1259 = arith.constant 0 : i32
    %dma_start3A_1260 = tpu.memref_slice %arg5[%dma_start3A_1255, %dma_start3A_1259] : memref<80x128xi32, #tpu.memory_space<vmem>> -> memref<1x128xi32, #tpu.memory_space<vmem>>
    %dma_start3A_1261 = tpu.memref_squeeze %dma_start3A_1260 : memref<1x128xi32, #tpu.memory_space<vmem>> -> memref<128xi32, #tpu.memory_space<vmem>>
    %dma_start3A_1262 = arith.constant 0 : i32
    %dma_start3A_1263 = arith.constant 0 : i32
    %dma_start3A_1264 = tpu.memref_slice %arg3[%dma_start3A_1262, %dma_start3A_1263] : memref<100000x16xf32, #tpu.memory_space<hbm>> -> memref<100000x16xf32, #tpu.memory_space<hbm>>
    tpu.enqueue_indirect_dma source(%dma_start3A_1264 : memref<100000x16xf32, #tpu.memory_space<hbm>>) target(%dma_start3A_1258 : memref<128x16xf32, #tpu.memory_space<vmem>>) offsets(%dma_start3A_1261 : memref<128xi32, #tpu.memory_space<vmem>>) semaphore(%arg9 : memref<!tpu.dma_semaphore, #tpu.memory_space<semaphore_mem>>)
    %dma_start3A_1265 = arith.constant 74 : i32
    %dma_start3A_1266 = arith.constant 2304 : i32
    %dma_start3A_1267 = arith.constant 0 : i32
    %dma_start3A_1268 = tpu.memref_slice %arg6[%dma_start3A_1266, %dma_start3A_1267] : memref<2560x16xf32, #tpu.memory_space<vmem>> -> memref<128x16xf32, #tpu.memory_space<vmem>>
    %dma_start3A_1269 = arith.constant 0 : i32
    %dma_start3A_1270 = tpu.memref_slice %arg5[%dma_start3A_1265, %dma_start3A_1269] : memref<80x128xi32, #tpu.memory_space<vmem>> -> memref<1x128xi32, #tpu.memory_space<vmem>>
    %dma_start3A_1271 = tpu.memref_squeeze %dma_start3A_1270 : memref<1x128xi32, #tpu.memory_space<vmem>> -> memref<128xi32, #tpu.memory_space<vmem>>
    %dma_start3A_1272 = arith.constant 0 : i32
    %dma_start3A_1273 = arith.constant 0 : i32
    %dma_start3A_1274 = tpu.memref_slice %arg3[%dma_start3A_1272, %dma_start3A_1273] : memref<100000x16xf32, #tpu.memory_space<hbm>> -> memref<100000x16xf32, #tpu.memory_space<hbm>>
    tpu.enqueue_indirect_dma source(%dma_start3A_1274 : memref<100000x16xf32, #tpu.memory_space<hbm>>) target(%dma_start3A_1268 : memref<128x16xf32, #tpu.memory_space<vmem>>) offsets(%dma_start3A_1271 : memref<128xi32, #tpu.memory_space<vmem>>) semaphore(%arg9 : memref<!tpu.dma_semaphore, #tpu.memory_space<semaphore_mem>>)
    %dma_start3A_1275 = arith.constant 78 : i32
    %dma_start3A_1276 = arith.constant 2432 : i32
    %dma_start3A_1277 = arith.constant 0 : i32
    %dma_start3A_1278 = tpu.memref_slice %arg6[%dma_start3A_1276, %dma_start3A_1277] : memref<2560x16xf32, #tpu.memory_space<vmem>> -> memref<128x16xf32, #tpu.memory_space<vmem>>
    %dma_start3A_1279 = arith.constant 0 : i32
    %dma_start3A_1280 = tpu.memref_slice %arg5[%dma_start3A_1275, %dma_start3A_1279] : memref<80x128xi32, #tpu.memory_space<vmem>> -> memref<1x128xi32, #tpu.memory_space<vmem>>
    %dma_start3A_1281 = tpu.memref_squeeze %dma_start3A_1280 : memref<1x128xi32, #tpu.memory_space<vmem>> -> memref<128xi32, #tpu.memory_space<vmem>>
    %dma_start3A_1282 = arith.constant 0 : i32
    %dma_start3A_1283 = arith.constant 0 : i32
    %dma_start3A_1284 = tpu.memref_slice %arg3[%dma_start3A_1282, %dma_start3A_1283] : memref<100000x16xf32, #tpu.memory_space<hbm>> -> memref<100000x16xf32, #tpu.memory_space<hbm>>
    tpu.enqueue_indirect_dma source(%dma_start3A_1284 : memref<100000x16xf32, #tpu.memory_space<hbm>>) target(%dma_start3A_1278 : memref<128x16xf32, #tpu.memory_space<vmem>>) offsets(%dma_start3A_1281 : memref<128xi32, #tpu.memory_space<vmem>>) semaphore(%arg9 : memref<!tpu.dma_semaphore, #tpu.memory_space<semaphore_mem>>)
    %dma_wait3A_1285 = arith.constant 1 : i32
    %dma_wait3A_1286 = arith.constant 0 : i32
    %dma_wait3A_1287 = arith.constant 0 : i32
    %dma_wait3A_1288 = tpu.memref_slice %arg7[%dma_wait3A_1286, %dma_wait3A_1287] : memref<2560x16xf32, #tpu.memory_space<vmem>> -> memref<128x16xf32, #tpu.memory_space<vmem>>
    %dma_wait3A_1289 = arith.constant 0 : i32
    %dma_wait3A_1290 = tpu.memref_slice %arg5[%dma_wait3A_1285, %dma_wait3A_1289] : memref<80x128xi32, #tpu.memory_space<vmem>> -> memref<1x128xi32, #tpu.memory_space<vmem>>
    %dma_wait3A_1291 = tpu.memref_squeeze %dma_wait3A_1290 : memref<1x128xi32, #tpu.memory_space<vmem>> -> memref<128xi32, #tpu.memory_space<vmem>>
    %dma_wait3A_1292 = arith.constant 0 : i32
    %dma_wait3A_1293 = arith.constant 0 : i32
    %dma_wait3A_1294 = tpu.memref_slice %arg3[%dma_wait3A_1292, %dma_wait3A_1293] : memref<100000x16xf32, #tpu.memory_space<hbm>> -> memref<100000x16xf32, #tpu.memory_space<hbm>>
    tpu.wait_indirect_dma semaphore(%arg10 : memref<!tpu.dma_semaphore, #tpu.memory_space<semaphore_mem>>) src(%dma_wait3A_1294 : memref<100000x16xf32, #tpu.memory_space<hbm>>) dst(%dma_wait3A_1288 : memref<128x16xf32, #tpu.memory_space<vmem>>)
    %dma_wait3A_1295 = arith.constant 5 : i32
    %dma_wait3A_1296 = arith.constant 128 : i32
    %dma_wait3A_1297 = arith.constant 0 : i32
    %dma_wait3A_1298 = tpu.memref_slice %arg7[%dma_wait3A_1296, %dma_wait3A_1297] : memref<2560x16xf32, #tpu.memory_space<vmem>> -> memref<128x16xf32, #tpu.memory_space<vmem>>
    %dma_wait3A_1299 = arith.constant 0 : i32
    %dma_wait3A_1300 = tpu.memref_slice %arg5[%dma_wait3A_1295, %dma_wait3A_1299] : memref<80x128xi32, #tpu.memory_space<vmem>> -> memref<1x128xi32, #tpu.memory_space<vmem>>
    %dma_wait3A_1301 = tpu.memref_squeeze %dma_wait3A_1300 : memref<1x128xi32, #tpu.memory_space<vmem>> -> memref<128xi32, #tpu.memory_space<vmem>>
    %dma_wait3A_1302 = arith.constant 0 : i32
    %dma_wait3A_1303 = arith.constant 0 : i32
    %dma_wait3A_1304 = tpu.memref_slice %arg3[%dma_wait3A_1302, %dma_wait3A_1303] : memref<100000x16xf32, #tpu.memory_space<hbm>> -> memref<100000x16xf32, #tpu.memory_space<hbm>>
    tpu.wait_indirect_dma semaphore(%arg10 : memref<!tpu.dma_semaphore, #tpu.memory_space<semaphore_mem>>) src(%dma_wait3A_1304 : memref<100000x16xf32, #tpu.memory_space<hbm>>) dst(%dma_wait3A_1298 : memref<128x16xf32, #tpu.memory_space<vmem>>)
    %dma_wait3A_1305 = arith.constant 9 : i32
    %dma_wait3A_1306 = arith.constant 256 : i32
    %dma_wait3A_1307 = arith.constant 0 : i32
    %dma_wait3A_1308 = tpu.memref_slice %arg7[%dma_wait3A_1306, %dma_wait3A_1307] : memref<2560x16xf32, #tpu.memory_space<vmem>> -> memref<128x16xf32, #tpu.memory_space<vmem>>
    %dma_wait3A_1309 = arith.constant 0 : i32
    %dma_wait3A_1310 = tpu.memref_slice %arg5[%dma_wait3A_1305, %dma_wait3A_1309] : memref<80x128xi32, #tpu.memory_space<vmem>> -> memref<1x128xi32, #tpu.memory_space<vmem>>
    %dma_wait3A_1311 = tpu.memref_squeeze %dma_wait3A_1310 : memref<1x128xi32, #tpu.memory_space<vmem>> -> memref<128xi32, #tpu.memory_space<vmem>>
    %dma_wait3A_1312 = arith.constant 0 : i32
    %dma_wait3A_1313 = arith.constant 0 : i32
    %dma_wait3A_1314 = tpu.memref_slice %arg3[%dma_wait3A_1312, %dma_wait3A_1313] : memref<100000x16xf32, #tpu.memory_space<hbm>> -> memref<100000x16xf32, #tpu.memory_space<hbm>>
    tpu.wait_indirect_dma semaphore(%arg10 : memref<!tpu.dma_semaphore, #tpu.memory_space<semaphore_mem>>) src(%dma_wait3A_1314 : memref<100000x16xf32, #tpu.memory_space<hbm>>) dst(%dma_wait3A_1308 : memref<128x16xf32, #tpu.memory_space<vmem>>)
    %dma_wait3A_1315 = arith.constant 13 : i32
    %dma_wait3A_1316 = arith.constant 384 : i32
    %dma_wait3A_1317 = arith.constant 0 : i32
    %dma_wait3A_1318 = tpu.memref_slice %arg7[%dma_wait3A_1316, %dma_wait3A_1317] : memref<2560x16xf32, #tpu.memory_space<vmem>> -> memref<128x16xf32, #tpu.memory_space<vmem>>
    %dma_wait3A_1319 = arith.constant 0 : i32
    %dma_wait3A_1320 = tpu.memref_slice %arg5[%dma_wait3A_1315, %dma_wait3A_1319] : memref<80x128xi32, #tpu.memory_space<vmem>> -> memref<1x128xi32, #tpu.memory_space<vmem>>
    %dma_wait3A_1321 = tpu.memref_squeeze %dma_wait3A_1320 : memref<1x128xi32, #tpu.memory_space<vmem>> -> memref<128xi32, #tpu.memory_space<vmem>>
    %dma_wait3A_1322 = arith.constant 0 : i32
    %dma_wait3A_1323 = arith.constant 0 : i32
    %dma_wait3A_1324 = tpu.memref_slice %arg3[%dma_wait3A_1322, %dma_wait3A_1323] : memref<100000x16xf32, #tpu.memory_space<hbm>> -> memref<100000x16xf32, #tpu.memory_space<hbm>>
    tpu.wait_indirect_dma semaphore(%arg10 : memref<!tpu.dma_semaphore, #tpu.memory_space<semaphore_mem>>) src(%dma_wait3A_1324 : memref<100000x16xf32, #tpu.memory_space<hbm>>) dst(%dma_wait3A_1318 : memref<128x16xf32, #tpu.memory_space<vmem>>)
    %dma_wait3A_1325 = arith.constant 17 : i32
    %dma_wait3A_1326 = arith.constant 512 : i32
    %dma_wait3A_1327 = arith.constant 0 : i32
    %dma_wait3A_1328 = tpu.memref_slice %arg7[%dma_wait3A_1326, %dma_wait3A_1327] : memref<2560x16xf32, #tpu.memory_space<vmem>> -> memref<128x16xf32, #tpu.memory_space<vmem>>
    %dma_wait3A_1329 = arith.constant 0 : i32
    %dma_wait3A_1330 = tpu.memref_slice %arg5[%dma_wait3A_1325, %dma_wait3A_1329] : memref<80x128xi32, #tpu.memory_space<vmem>> -> memref<1x128xi32, #tpu.memory_space<vmem>>
    %dma_wait3A_1331 = tpu.memref_squeeze %dma_wait3A_1330 : memref<1x128xi32, #tpu.memory_space<vmem>> -> memref<128xi32, #tpu.memory_space<vmem>>
    %dma_wait3A_1332 = arith.constant 0 : i32
    %dma_wait3A_1333 = arith.constant 0 : i32
    %dma_wait3A_1334 = tpu.memref_slice %arg3[%dma_wait3A_1332, %dma_wait3A_1333] : memref<100000x16xf32, #tpu.memory_space<hbm>> -> memref<100000x16xf32, #tpu.memory_space<hbm>>
    tpu.wait_indirect_dma semaphore(%arg10 : memref<!tpu.dma_semaphore, #tpu.memory_space<semaphore_mem>>) src(%dma_wait3A_1334 : memref<100000x16xf32, #tpu.memory_space<hbm>>) dst(%dma_wait3A_1328 : memref<128x16xf32, #tpu.memory_space<vmem>>)
    %dma_wait3A_1335 = arith.constant 21 : i32
    %dma_wait3A_1336 = arith.constant 640 : i32
    %dma_wait3A_1337 = arith.constant 0 : i32
    %dma_wait3A_1338 = tpu.memref_slice %arg7[%dma_wait3A_1336, %dma_wait3A_1337] : memref<2560x16xf32, #tpu.memory_space<vmem>> -> memref<128x16xf32, #tpu.memory_space<vmem>>
    %dma_wait3A_1339 = arith.constant 0 : i32
    %dma_wait3A_1340 = tpu.memref_slice %arg5[%dma_wait3A_1335, %dma_wait3A_1339] : memref<80x128xi32, #tpu.memory_space<vmem>> -> memref<1x128xi32, #tpu.memory_space<vmem>>
    %dma_wait3A_1341 = tpu.memref_squeeze %dma_wait3A_1340 : memref<1x128xi32, #tpu.memory_space<vmem>> -> memref<128xi32, #tpu.memory_space<vmem>>
    %dma_wait3A_1342 = arith.constant 0 : i32
    %dma_wait3A_1343 = arith.constant 0 : i32
    %dma_wait3A_1344 = tpu.memref_slice %arg3[%dma_wait3A_1342, %dma_wait3A_1343] : memref<100000x16xf32, #tpu.memory_space<hbm>> -> memref<100000x16xf32, #tpu.memory_space<hbm>>
    tpu.wait_indirect_dma semaphore(%arg10 : memref<!tpu.dma_semaphore, #tpu.memory_space<semaphore_mem>>) src(%dma_wait3A_1344 : memref<100000x16xf32, #tpu.memory_space<hbm>>) dst(%dma_wait3A_1338 : memref<128x16xf32, #tpu.memory_space<vmem>>)
    %dma_wait3A_1345 = arith.constant 25 : i32
    %dma_wait3A_1346 = arith.constant 768 : i32
    %dma_wait3A_1347 = arith.constant 0 : i32
    %dma_wait3A_1348 = tpu.memref_slice %arg7[%dma_wait3A_1346, %dma_wait3A_1347] : memref<2560x16xf32, #tpu.memory_space<vmem>> -> memref<128x16xf32, #tpu.memory_space<vmem>>
    %dma_wait3A_1349 = arith.constant 0 : i32
    %dma_wait3A_1350 = tpu.memref_slice %arg5[%dma_wait3A_1345, %dma_wait3A_1349] : memref<80x128xi32, #tpu.memory_space<vmem>> -> memref<1x128xi32, #tpu.memory_space<vmem>>
    %dma_wait3A_1351 = tpu.memref_squeeze %dma_wait3A_1350 : memref<1x128xi32, #tpu.memory_space<vmem>> -> memref<128xi32, #tpu.memory_space<vmem>>
    %dma_wait3A_1352 = arith.constant 0 : i32
    %dma_wait3A_1353 = arith.constant 0 : i32
    %dma_wait3A_1354 = tpu.memref_slice %arg3[%dma_wait3A_1352, %dma_wait3A_1353] : memref<100000x16xf32, #tpu.memory_space<hbm>> -> memref<100000x16xf32, #tpu.memory_space<hbm>>
    tpu.wait_indirect_dma semaphore(%arg10 : memref<!tpu.dma_semaphore, #tpu.memory_space<semaphore_mem>>) src(%dma_wait3A_1354 : memref<100000x16xf32, #tpu.memory_space<hbm>>) dst(%dma_wait3A_1348 : memref<128x16xf32, #tpu.memory_space<vmem>>)
    %dma_wait3A_1355 = arith.constant 29 : i32
    %dma_wait3A_1356 = arith.constant 896 : i32
    %dma_wait3A_1357 = arith.constant 0 : i32
    %dma_wait3A_1358 = tpu.memref_slice %arg7[%dma_wait3A_1356, %dma_wait3A_1357] : memref<2560x16xf32, #tpu.memory_space<vmem>> -> memref<128x16xf32, #tpu.memory_space<vmem>>
    %dma_wait3A_1359 = arith.constant 0 : i32
    %dma_wait3A_1360 = tpu.memref_slice %arg5[%dma_wait3A_1355, %dma_wait3A_1359] : memref<80x128xi32, #tpu.memory_space<vmem>> -> memref<1x128xi32, #tpu.memory_space<vmem>>
    %dma_wait3A_1361 = tpu.memref_squeeze %dma_wait3A_1360 : memref<1x128xi32, #tpu.memory_space<vmem>> -> memref<128xi32, #tpu.memory_space<vmem>>
    %dma_wait3A_1362 = arith.constant 0 : i32
    %dma_wait3A_1363 = arith.constant 0 : i32
    %dma_wait3A_1364 = tpu.memref_slice %arg3[%dma_wait3A_1362, %dma_wait3A_1363] : memref<100000x16xf32, #tpu.memory_space<hbm>> -> memref<100000x16xf32, #tpu.memory_space<hbm>>
    tpu.wait_indirect_dma semaphore(%arg10 : memref<!tpu.dma_semaphore, #tpu.memory_space<semaphore_mem>>) src(%dma_wait3A_1364 : memref<100000x16xf32, #tpu.memory_space<hbm>>) dst(%dma_wait3A_1358 : memref<128x16xf32, #tpu.memory_space<vmem>>)
    %dma_wait3A_1365 = arith.constant 33 : i32
    %dma_wait3A_1366 = arith.constant 1024 : i32
    %dma_wait3A_1367 = arith.constant 0 : i32
    %dma_wait3A_1368 = tpu.memref_slice %arg7[%dma_wait3A_1366, %dma_wait3A_1367] : memref<2560x16xf32, #tpu.memory_space<vmem>> -> memref<128x16xf32, #tpu.memory_space<vmem>>
    %dma_wait3A_1369 = arith.constant 0 : i32
    %dma_wait3A_1370 = tpu.memref_slice %arg5[%dma_wait3A_1365, %dma_wait3A_1369] : memref<80x128xi32, #tpu.memory_space<vmem>> -> memref<1x128xi32, #tpu.memory_space<vmem>>
    %dma_wait3A_1371 = tpu.memref_squeeze %dma_wait3A_1370 : memref<1x128xi32, #tpu.memory_space<vmem>> -> memref<128xi32, #tpu.memory_space<vmem>>
    %dma_wait3A_1372 = arith.constant 0 : i32
    %dma_wait3A_1373 = arith.constant 0 : i32
    %dma_wait3A_1374 = tpu.memref_slice %arg3[%dma_wait3A_1372, %dma_wait3A_1373] : memref<100000x16xf32, #tpu.memory_space<hbm>> -> memref<100000x16xf32, #tpu.memory_space<hbm>>
    tpu.wait_indirect_dma semaphore(%arg10 : memref<!tpu.dma_semaphore, #tpu.memory_space<semaphore_mem>>) src(%dma_wait3A_1374 : memref<100000x16xf32, #tpu.memory_space<hbm>>) dst(%dma_wait3A_1368 : memref<128x16xf32, #tpu.memory_space<vmem>>)
    %dma_wait3A_1375 = arith.constant 37 : i32
    %dma_wait3A_1376 = arith.constant 1152 : i32
    %dma_wait3A_1377 = arith.constant 0 : i32
    %dma_wait3A_1378 = tpu.memref_slice %arg7[%dma_wait3A_1376, %dma_wait3A_1377] : memref<2560x16xf32, #tpu.memory_space<vmem>> -> memref<128x16xf32, #tpu.memory_space<vmem>>
    %dma_wait3A_1379 = arith.constant 0 : i32
    %dma_wait3A_1380 = tpu.memref_slice %arg5[%dma_wait3A_1375, %dma_wait3A_1379] : memref<80x128xi32, #tpu.memory_space<vmem>> -> memref<1x128xi32, #tpu.memory_space<vmem>>
    %dma_wait3A_1381 = tpu.memref_squeeze %dma_wait3A_1380 : memref<1x128xi32, #tpu.memory_space<vmem>> -> memref<128xi32, #tpu.memory_space<vmem>>
    %dma_wait3A_1382 = arith.constant 0 : i32
    %dma_wait3A_1383 = arith.constant 0 : i32
    %dma_wait3A_1384 = tpu.memref_slice %arg3[%dma_wait3A_1382, %dma_wait3A_1383] : memref<100000x16xf32, #tpu.memory_space<hbm>> -> memref<100000x16xf32, #tpu.memory_space<hbm>>
    tpu.wait_indirect_dma semaphore(%arg10 : memref<!tpu.dma_semaphore, #tpu.memory_space<semaphore_mem>>) src(%dma_wait3A_1384 : memref<100000x16xf32, #tpu.memory_space<hbm>>) dst(%dma_wait3A_1378 : memref<128x16xf32, #tpu.memory_space<vmem>>)
    %dma_wait3A_1385 = arith.constant 41 : i32
    %dma_wait3A_1386 = arith.constant 1280 : i32
    %dma_wait3A_1387 = arith.constant 0 : i32
    %dma_wait3A_1388 = tpu.memref_slice %arg7[%dma_wait3A_1386, %dma_wait3A_1387] : memref<2560x16xf32, #tpu.memory_space<vmem>> -> memref<128x16xf32, #tpu.memory_space<vmem>>
    %dma_wait3A_1389 = arith.constant 0 : i32
    %dma_wait3A_1390 = tpu.memref_slice %arg5[%dma_wait3A_1385, %dma_wait3A_1389] : memref<80x128xi32, #tpu.memory_space<vmem>> -> memref<1x128xi32, #tpu.memory_space<vmem>>
    %dma_wait3A_1391 = tpu.memref_squeeze %dma_wait3A_1390 : memref<1x128xi32, #tpu.memory_space<vmem>> -> memref<128xi32, #tpu.memory_space<vmem>>
    %dma_wait3A_1392 = arith.constant 0 : i32
    %dma_wait3A_1393 = arith.constant 0 : i32
    %dma_wait3A_1394 = tpu.memref_slice %arg3[%dma_wait3A_1392, %dma_wait3A_1393] : memref<100000x16xf32, #tpu.memory_space<hbm>> -> memref<100000x16xf32, #tpu.memory_space<hbm>>
    tpu.wait_indirect_dma semaphore(%arg10 : memref<!tpu.dma_semaphore, #tpu.memory_space<semaphore_mem>>) src(%dma_wait3A_1394 : memref<100000x16xf32, #tpu.memory_space<hbm>>) dst(%dma_wait3A_1388 : memref<128x16xf32, #tpu.memory_space<vmem>>)
    %dma_wait3A_1395 = arith.constant 45 : i32
    %dma_wait3A_1396 = arith.constant 1408 : i32
    %dma_wait3A_1397 = arith.constant 0 : i32
    %dma_wait3A_1398 = tpu.memref_slice %arg7[%dma_wait3A_1396, %dma_wait3A_1397] : memref<2560x16xf32, #tpu.memory_space<vmem>> -> memref<128x16xf32, #tpu.memory_space<vmem>>
    %dma_wait3A_1399 = arith.constant 0 : i32
    %dma_wait3A_1400 = tpu.memref_slice %arg5[%dma_wait3A_1395, %dma_wait3A_1399] : memref<80x128xi32, #tpu.memory_space<vmem>> -> memref<1x128xi32, #tpu.memory_space<vmem>>
    %dma_wait3A_1401 = tpu.memref_squeeze %dma_wait3A_1400 : memref<1x128xi32, #tpu.memory_space<vmem>> -> memref<128xi32, #tpu.memory_space<vmem>>
    %dma_wait3A_1402 = arith.constant 0 : i32
    %dma_wait3A_1403 = arith.constant 0 : i32
    %dma_wait3A_1404 = tpu.memref_slice %arg3[%dma_wait3A_1402, %dma_wait3A_1403] : memref<100000x16xf32, #tpu.memory_space<hbm>> -> memref<100000x16xf32, #tpu.memory_space<hbm>>
    tpu.wait_indirect_dma semaphore(%arg10 : memref<!tpu.dma_semaphore, #tpu.memory_space<semaphore_mem>>) src(%dma_wait3A_1404 : memref<100000x16xf32, #tpu.memory_space<hbm>>) dst(%dma_wait3A_1398 : memref<128x16xf32, #tpu.memory_space<vmem>>)
    %dma_wait3A_1405 = arith.constant 49 : i32
    %dma_wait3A_1406 = arith.constant 1536 : i32
    %dma_wait3A_1407 = arith.constant 0 : i32
    %dma_wait3A_1408 = tpu.memref_slice %arg7[%dma_wait3A_1406, %dma_wait3A_1407] : memref<2560x16xf32, #tpu.memory_space<vmem>> -> memref<128x16xf32, #tpu.memory_space<vmem>>
    %dma_wait3A_1409 = arith.constant 0 : i32
    %dma_wait3A_1410 = tpu.memref_slice %arg5[%dma_wait3A_1405, %dma_wait3A_1409] : memref<80x128xi32, #tpu.memory_space<vmem>> -> memref<1x128xi32, #tpu.memory_space<vmem>>
    %dma_wait3A_1411 = tpu.memref_squeeze %dma_wait3A_1410 : memref<1x128xi32, #tpu.memory_space<vmem>> -> memref<128xi32, #tpu.memory_space<vmem>>
    %dma_wait3A_1412 = arith.constant 0 : i32
    %dma_wait3A_1413 = arith.constant 0 : i32
    %dma_wait3A_1414 = tpu.memref_slice %arg3[%dma_wait3A_1412, %dma_wait3A_1413] : memref<100000x16xf32, #tpu.memory_space<hbm>> -> memref<100000x16xf32, #tpu.memory_space<hbm>>
    tpu.wait_indirect_dma semaphore(%arg10 : memref<!tpu.dma_semaphore, #tpu.memory_space<semaphore_mem>>) src(%dma_wait3A_1414 : memref<100000x16xf32, #tpu.memory_space<hbm>>) dst(%dma_wait3A_1408 : memref<128x16xf32, #tpu.memory_space<vmem>>)
    %dma_wait3A_1415 = arith.constant 53 : i32
    %dma_wait3A_1416 = arith.constant 1664 : i32
    %dma_wait3A_1417 = arith.constant 0 : i32
    %dma_wait3A_1418 = tpu.memref_slice %arg7[%dma_wait3A_1416, %dma_wait3A_1417] : memref<2560x16xf32, #tpu.memory_space<vmem>> -> memref<128x16xf32, #tpu.memory_space<vmem>>
    %dma_wait3A_1419 = arith.constant 0 : i32
    %dma_wait3A_1420 = tpu.memref_slice %arg5[%dma_wait3A_1415, %dma_wait3A_1419] : memref<80x128xi32, #tpu.memory_space<vmem>> -> memref<1x128xi32, #tpu.memory_space<vmem>>
    %dma_wait3A_1421 = tpu.memref_squeeze %dma_wait3A_1420 : memref<1x128xi32, #tpu.memory_space<vmem>> -> memref<128xi32, #tpu.memory_space<vmem>>
    %dma_wait3A_1422 = arith.constant 0 : i32
    %dma_wait3A_1423 = arith.constant 0 : i32
    %dma_wait3A_1424 = tpu.memref_slice %arg3[%dma_wait3A_1422, %dma_wait3A_1423] : memref<100000x16xf32, #tpu.memory_space<hbm>> -> memref<100000x16xf32, #tpu.memory_space<hbm>>
    tpu.wait_indirect_dma semaphore(%arg10 : memref<!tpu.dma_semaphore, #tpu.memory_space<semaphore_mem>>) src(%dma_wait3A_1424 : memref<100000x16xf32, #tpu.memory_space<hbm>>) dst(%dma_wait3A_1418 : memref<128x16xf32, #tpu.memory_space<vmem>>)
    %dma_wait3A_1425 = arith.constant 57 : i32
    %dma_wait3A_1426 = arith.constant 1792 : i32
    %dma_wait3A_1427 = arith.constant 0 : i32
    %dma_wait3A_1428 = tpu.memref_slice %arg7[%dma_wait3A_1426, %dma_wait3A_1427] : memref<2560x16xf32, #tpu.memory_space<vmem>> -> memref<128x16xf32, #tpu.memory_space<vmem>>
    %dma_wait3A_1429 = arith.constant 0 : i32
    %dma_wait3A_1430 = tpu.memref_slice %arg5[%dma_wait3A_1425, %dma_wait3A_1429] : memref<80x128xi32, #tpu.memory_space<vmem>> -> memref<1x128xi32, #tpu.memory_space<vmem>>
    %dma_wait3A_1431 = tpu.memref_squeeze %dma_wait3A_1430 : memref<1x128xi32, #tpu.memory_space<vmem>> -> memref<128xi32, #tpu.memory_space<vmem>>
    %dma_wait3A_1432 = arith.constant 0 : i32
    %dma_wait3A_1433 = arith.constant 0 : i32
    %dma_wait3A_1434 = tpu.memref_slice %arg3[%dma_wait3A_1432, %dma_wait3A_1433] : memref<100000x16xf32, #tpu.memory_space<hbm>> -> memref<100000x16xf32, #tpu.memory_space<hbm>>
    tpu.wait_indirect_dma semaphore(%arg10 : memref<!tpu.dma_semaphore, #tpu.memory_space<semaphore_mem>>) src(%dma_wait3A_1434 : memref<100000x16xf32, #tpu.memory_space<hbm>>) dst(%dma_wait3A_1428 : memref<128x16xf32, #tpu.memory_space<vmem>>)
    %dma_wait3A_1435 = arith.constant 61 : i32
    %dma_wait3A_1436 = arith.constant 1920 : i32
    %dma_wait3A_1437 = arith.constant 0 : i32
    %dma_wait3A_1438 = tpu.memref_slice %arg7[%dma_wait3A_1436, %dma_wait3A_1437] : memref<2560x16xf32, #tpu.memory_space<vmem>> -> memref<128x16xf32, #tpu.memory_space<vmem>>
    %dma_wait3A_1439 = arith.constant 0 : i32
    %dma_wait3A_1440 = tpu.memref_slice %arg5[%dma_wait3A_1435, %dma_wait3A_1439] : memref<80x128xi32, #tpu.memory_space<vmem>> -> memref<1x128xi32, #tpu.memory_space<vmem>>
    %dma_wait3A_1441 = tpu.memref_squeeze %dma_wait3A_1440 : memref<1x128xi32, #tpu.memory_space<vmem>> -> memref<128xi32, #tpu.memory_space<vmem>>
    %dma_wait3A_1442 = arith.constant 0 : i32
    %dma_wait3A_1443 = arith.constant 0 : i32
    %dma_wait3A_1444 = tpu.memref_slice %arg3[%dma_wait3A_1442, %dma_wait3A_1443] : memref<100000x16xf32, #tpu.memory_space<hbm>> -> memref<100000x16xf32, #tpu.memory_space<hbm>>
    tpu.wait_indirect_dma semaphore(%arg10 : memref<!tpu.dma_semaphore, #tpu.memory_space<semaphore_mem>>) src(%dma_wait3A_1444 : memref<100000x16xf32, #tpu.memory_space<hbm>>) dst(%dma_wait3A_1438 : memref<128x16xf32, #tpu.memory_space<vmem>>)
    %dma_wait3A_1445 = arith.constant 65 : i32
    %dma_wait3A_1446 = arith.constant 2048 : i32
    %dma_wait3A_1447 = arith.constant 0 : i32
    %dma_wait3A_1448 = tpu.memref_slice %arg7[%dma_wait3A_1446, %dma_wait3A_1447] : memref<2560x16xf32, #tpu.memory_space<vmem>> -> memref<128x16xf32, #tpu.memory_space<vmem>>
    %dma_wait3A_1449 = arith.constant 0 : i32
    %dma_wait3A_1450 = tpu.memref_slice %arg5[%dma_wait3A_1445, %dma_wait3A_1449] : memref<80x128xi32, #tpu.memory_space<vmem>> -> memref<1x128xi32, #tpu.memory_space<vmem>>
    %dma_wait3A_1451 = tpu.memref_squeeze %dma_wait3A_1450 : memref<1x128xi32, #tpu.memory_space<vmem>> -> memref<128xi32, #tpu.memory_space<vmem>>
    %dma_wait3A_1452 = arith.constant 0 : i32
    %dma_wait3A_1453 = arith.constant 0 : i32
    %dma_wait3A_1454 = tpu.memref_slice %arg3[%dma_wait3A_1452, %dma_wait3A_1453] : memref<100000x16xf32, #tpu.memory_space<hbm>> -> memref<100000x16xf32, #tpu.memory_space<hbm>>
    tpu.wait_indirect_dma semaphore(%arg10 : memref<!tpu.dma_semaphore, #tpu.memory_space<semaphore_mem>>) src(%dma_wait3A_1454 : memref<100000x16xf32, #tpu.memory_space<hbm>>) dst(%dma_wait3A_1448 : memref<128x16xf32, #tpu.memory_space<vmem>>)
    %dma_wait3A_1455 = arith.constant 69 : i32
    %dma_wait3A_1456 = arith.constant 2176 : i32
    %dma_wait3A_1457 = arith.constant 0 : i32
    %dma_wait3A_1458 = tpu.memref_slice %arg7[%dma_wait3A_1456, %dma_wait3A_1457] : memref<2560x16xf32, #tpu.memory_space<vmem>> -> memref<128x16xf32, #tpu.memory_space<vmem>>
    %dma_wait3A_1459 = arith.constant 0 : i32
    %dma_wait3A_1460 = tpu.memref_slice %arg5[%dma_wait3A_1455, %dma_wait3A_1459] : memref<80x128xi32, #tpu.memory_space<vmem>> -> memref<1x128xi32, #tpu.memory_space<vmem>>
    %dma_wait3A_1461 = tpu.memref_squeeze %dma_wait3A_1460 : memref<1x128xi32, #tpu.memory_space<vmem>> -> memref<128xi32, #tpu.memory_space<vmem>>
    %dma_wait3A_1462 = arith.constant 0 : i32
    %dma_wait3A_1463 = arith.constant 0 : i32
    %dma_wait3A_1464 = tpu.memref_slice %arg3[%dma_wait3A_1462, %dma_wait3A_1463] : memref<100000x16xf32, #tpu.memory_space<hbm>> -> memref<100000x16xf32, #tpu.memory_space<hbm>>
    tpu.wait_indirect_dma semaphore(%arg10 : memref<!tpu.dma_semaphore, #tpu.memory_space<semaphore_mem>>) src(%dma_wait3A_1464 : memref<100000x16xf32, #tpu.memory_space<hbm>>) dst(%dma_wait3A_1458 : memref<128x16xf32, #tpu.memory_space<vmem>>)
    %dma_wait3A_1465 = arith.constant 73 : i32
    %dma_wait3A_1466 = arith.constant 2304 : i32
    %dma_wait3A_1467 = arith.constant 0 : i32
    %dma_wait3A_1468 = tpu.memref_slice %arg7[%dma_wait3A_1466, %dma_wait3A_1467] : memref<2560x16xf32, #tpu.memory_space<vmem>> -> memref<128x16xf32, #tpu.memory_space<vmem>>
    %dma_wait3A_1469 = arith.constant 0 : i32
    %dma_wait3A_1470 = tpu.memref_slice %arg5[%dma_wait3A_1465, %dma_wait3A_1469] : memref<80x128xi32, #tpu.memory_space<vmem>> -> memref<1x128xi32, #tpu.memory_space<vmem>>
    %dma_wait3A_1471 = tpu.memref_squeeze %dma_wait3A_1470 : memref<1x128xi32, #tpu.memory_space<vmem>> -> memref<128xi32, #tpu.memory_space<vmem>>
    %dma_wait3A_1472 = arith.constant 0 : i32
    %dma_wait3A_1473 = arith.constant 0 : i32
    %dma_wait3A_1474 = tpu.memref_slice %arg3[%dma_wait3A_1472, %dma_wait3A_1473] : memref<100000x16xf32, #tpu.memory_space<hbm>> -> memref<100000x16xf32, #tpu.memory_space<hbm>>
    tpu.wait_indirect_dma semaphore(%arg10 : memref<!tpu.dma_semaphore, #tpu.memory_space<semaphore_mem>>) src(%dma_wait3A_1474 : memref<100000x16xf32, #tpu.memory_space<hbm>>) dst(%dma_wait3A_1468 : memref<128x16xf32, #tpu.memory_space<vmem>>)
    %dma_wait3A_1475 = arith.constant 77 : i32
    %dma_wait3A_1476 = arith.constant 2432 : i32
    %dma_wait3A_1477 = arith.constant 0 : i32
    %dma_wait3A_1478 = tpu.memref_slice %arg7[%dma_wait3A_1476, %dma_wait3A_1477] : memref<2560x16xf32, #tpu.memory_space<vmem>> -> memref<128x16xf32, #tpu.memory_space<vmem>>
    %dma_wait3A_1479 = arith.constant 0 : i32
    %dma_wait3A_1480 = tpu.memref_slice %arg5[%dma_wait3A_1475, %dma_wait3A_1479] : memref<80x128xi32, #tpu.memory_space<vmem>> -> memref<1x128xi32, #tpu.memory_space<vmem>>
    %dma_wait3A_1481 = tpu.memref_squeeze %dma_wait3A_1480 : memref<1x128xi32, #tpu.memory_space<vmem>> -> memref<128xi32, #tpu.memory_space<vmem>>
    %dma_wait3A_1482 = arith.constant 0 : i32
    %dma_wait3A_1483 = arith.constant 0 : i32
    %dma_wait3A_1484 = tpu.memref_slice %arg3[%dma_wait3A_1482, %dma_wait3A_1483] : memref<100000x16xf32, #tpu.memory_space<hbm>> -> memref<100000x16xf32, #tpu.memory_space<hbm>>
    tpu.wait_indirect_dma semaphore(%arg10 : memref<!tpu.dma_semaphore, #tpu.memory_space<semaphore_mem>>) src(%dma_wait3A_1484 : memref<100000x16xf32, #tpu.memory_space<hbm>>) dst(%dma_wait3A_1478 : memref<128x16xf32, #tpu.memory_space<vmem>>)
    %iota3A_1485 = tpu.iota {dimensions = array<i32: 0>} : vector<16xi32>
    %scan3A_1486 = arith.constant 0 : i32
    %scan3A_1487 = arith.constant 0 : i32
    %scan3A_1488 = arith.constant 128 : i32
    %scan3A_1489 = arith.addi %scan3A_1487, %scan3A_1488 : i32
    %scan3A_1490 = arith.constant 1 : i32
    %scan3A_1491 = scf.for %scan3A_2111 = %scan3A_1487 to %scan3A_1489 step %scan3A_1490 iter_args(%scan3A_2112 = %scan3A_1486) -> (i32)  : i32 {
      %add3A_2113 = arith.constant 0 : i32
      %add3A_2114 = arith.addi %add3A_2113, %scan3A_2111 : i32
      %get3A = arith.index_cast %add3A_2114 : i32 to index
      %get3A_2115 = arith.constant 0 : index
      %get3A_2116 = tpu.vector_load %arg7[%get3A, %get3A_2115] {strides = array<i32>} : memref<2560x16xf32, #tpu.memory_space<vmem>>, vector<1x16xf32>,
      %get3A_2117 = vector.shape_cast %get3A_2116 : vector<1x16xf32> to vector<16xf32>
      %add3A_2118 = arith.constant 128 : i32
      %add3A_2119 = arith.addi %add3A_2118, %scan3A_2111 : i32
      %get3A_2120 = arith.index_cast %add3A_2119 : i32 to index
      %get3A_2121 = arith.constant 0 : index
      %get3A_2122 = tpu.vector_load %arg7[%get3A_2120, %get3A_2121] {strides = array<i32>} : memref<2560x16xf32, #tpu.memory_space<vmem>>, vector<1x16xf32>,
      %get3A_2123 = vector.shape_cast %get3A_2122 : vector<1x16xf32> to vector<16xf32>
      %add3A_2124 = arith.constant 256 : i32
      %add3A_2125 = arith.addi %add3A_2124, %scan3A_2111 : i32
      %get3A_2126 = arith.index_cast %add3A_2125 : i32 to index
      %get3A_2127 = arith.constant 0 : index
      %get3A_2128 = tpu.vector_load %arg7[%get3A_2126, %get3A_2127] {strides = array<i32>} : memref<2560x16xf32, #tpu.memory_space<vmem>>, vector<1x16xf32>,
      %get3A_2129 = vector.shape_cast %get3A_2128 : vector<1x16xf32> to vector<16xf32>
      %add3A_2130 = arith.constant 384 : i32
      %add3A_2131 = arith.addi %add3A_2130, %scan3A_2111 : i32
      %get3A_2132 = arith.index_cast %add3A_2131 : i32 to index
      %get3A_2133 = arith.constant 0 : index
      %get3A_2134 = tpu.vector_load %arg7[%get3A_2132, %get3A_2133] {strides = array<i32>} : memref<2560x16xf32, #tpu.memory_space<vmem>>, vector<1x16xf32>,
      %get3A_2135 = vector.shape_cast %get3A_2134 : vector<1x16xf32> to vector<16xf32>
      %add3A_2136 = arith.constant 512 : i32
      %add3A_2137 = arith.addi %add3A_2136, %scan3A_2111 : i32
      %get3A_2138 = arith.index_cast %add3A_2137 : i32 to index
      %get3A_2139 = arith.constant 0 : index
      %get3A_2140 = tpu.vector_load %arg7[%get3A_2138, %get3A_2139] {strides = array<i32>} : memref<2560x16xf32, #tpu.memory_space<vmem>>, vector<1x16xf32>,
      %get3A_2141 = vector.shape_cast %get3A_2140 : vector<1x16xf32> to vector<16xf32>
      %add3A_2142 = arith.constant 640 : i32
      %add3A_2143 = arith.addi %add3A_2142, %scan3A_2111 : i32
      %get3A_2144 = arith.index_cast %add3A_2143 : i32 to index
      %get3A_2145 = arith.constant 0 : index
      %get3A_2146 = tpu.vector_load %arg7[%get3A_2144, %get3A_2145] {strides = array<i32>} : memref<2560x16xf32, #tpu.memory_space<vmem>>, vector<1x16xf32>,
      %get3A_2147 = vector.shape_cast %get3A_2146 : vector<1x16xf32> to vector<16xf32>
      %add3A_2148 = arith.constant 768 : i32
      %add3A_2149 = arith.addi %add3A_2148, %scan3A_2111 : i32
      %get3A_2150 = arith.index_cast %add3A_2149 : i32 to index
      %get3A_2151 = arith.constant 0 : index
      %get3A_2152 = tpu.vector_load %arg7[%get3A_2150, %get3A_2151] {strides = array<i32>} : memref<2560x16xf32, #tpu.memory_space<vmem>>, vector<1x16xf32>,
      %get3A_2153 = vector.shape_cast %get3A_2152 : vector<1x16xf32> to vector<16xf32>
      %add3A_2154 = arith.constant 896 : i32
      %add3A_2155 = arith.addi %add3A_2154, %scan3A_2111 : i32
      %get3A_2156 = arith.index_cast %add3A_2155 : i32 to index
      %get3A_2157 = arith.constant 0 : index
      %get3A_2158 = tpu.vector_load %arg7[%get3A_2156, %get3A_2157] {strides = array<i32>} : memref<2560x16xf32, #tpu.memory_space<vmem>>, vector<1x16xf32>,
      %get3A_2159 = vector.shape_cast %get3A_2158 : vector<1x16xf32> to vector<16xf32>
      %add3A_2160 = arith.constant 1024 : i32
      %add3A_2161 = arith.addi %add3A_2160, %scan3A_2111 : i32
      %get3A_2162 = arith.index_cast %add3A_2161 : i32 to index
      %get3A_2163 = arith.constant 0 : index
      %get3A_2164 = tpu.vector_load %arg7[%get3A_2162, %get3A_2163] {strides = array<i32>} : memref<2560x16xf32, #tpu.memory_space<vmem>>, vector<1x16xf32>,
      %get3A_2165 = vector.shape_cast %get3A_2164 : vector<1x16xf32> to vector<16xf32>
      %add3A_2166 = arith.constant 1152 : i32
      %add3A_2167 = arith.addi %add3A_2166, %scan3A_2111 : i32
      %get3A_2168 = arith.index_cast %add3A_2167 : i32 to index
      %get3A_2169 = arith.constant 0 : index
      %get3A_2170 = tpu.vector_load %arg7[%get3A_2168, %get3A_2169] {strides = array<i32>} : memref<2560x16xf32, #tpu.memory_space<vmem>>, vector<1x16xf32>,
      %get3A_2171 = vector.shape_cast %get3A_2170 : vector<1x16xf32> to vector<16xf32>
      %add3A_2172 = arith.constant 1280 : i32
      %add3A_2173 = arith.addi %add3A_2172, %scan3A_2111 : i32
      %get3A_2174 = arith.index_cast %add3A_2173 : i32 to index
      %get3A_2175 = arith.constant 0 : index
      %get3A_2176 = tpu.vector_load %arg7[%get3A_2174, %get3A_2175] {strides = array<i32>} : memref<2560x16xf32, #tpu.memory_space<vmem>>, vector<1x16xf32>,
      %get3A_2177 = vector.shape_cast %get3A_2176 : vector<1x16xf32> to vector<16xf32>
      %add3A_2178 = arith.constant 1408 : i32
      %add3A_2179 = arith.addi %add3A_2178, %scan3A_2111 : i32
      %get3A_2180 = arith.index_cast %add3A_2179 : i32 to index
      %get3A_2181 = arith.constant 0 : index
      %get3A_2182 = tpu.vector_load %arg7[%get3A_2180, %get3A_2181] {strides = array<i32>} : memref<2560x16xf32, #tpu.memory_space<vmem>>, vector<1x16xf32>,
      %get3A_2183 = vector.shape_cast %get3A_2182 : vector<1x16xf32> to vector<16xf32>
      %add3A_2184 = arith.constant 1536 : i32
      %add3A_2185 = arith.addi %add3A_2184, %scan3A_2111 : i32
      %get3A_2186 = arith.index_cast %add3A_2185 : i32 to index
      %get3A_2187 = arith.constant 0 : index
      %get3A_2188 = tpu.vector_load %arg7[%get3A_2186, %get3A_2187] {strides = array<i32>} : memref<2560x16xf32, #tpu.memory_space<vmem>>, vector<1x16xf32>,
      %get3A_2189 = vector.shape_cast %get3A_2188 : vector<1x16xf32> to vector<16xf32>
      %add3A_2190 = arith.constant 1664 : i32
      %add3A_2191 = arith.addi %add3A_2190, %scan3A_2111 : i32
      %get3A_2192 = arith.index_cast %add3A_2191 : i32 to index
      %get3A_2193 = arith.constant 0 : index
      %get3A_2194 = tpu.vector_load %arg7[%get3A_2192, %get3A_2193] {strides = array<i32>} : memref<2560x16xf32, #tpu.memory_space<vmem>>, vector<1x16xf32>,
      %get3A_2195 = vector.shape_cast %get3A_2194 : vector<1x16xf32> to vector<16xf32>
      %add3A_2196 = arith.constant 1792 : i32
      %add3A_2197 = arith.addi %add3A_2196, %scan3A_2111 : i32
      %get3A_2198 = arith.index_cast %add3A_2197 : i32 to index
      %get3A_2199 = arith.constant 0 : index
      %get3A_2200 = tpu.vector_load %arg7[%get3A_2198, %get3A_2199] {strides = array<i32>} : memref<2560x16xf32, #tpu.memory_space<vmem>>, vector<1x16xf32>,
      %get3A_2201 = vector.shape_cast %get3A_2200 : vector<1x16xf32> to vector<16xf32>
      %add3A_2202 = arith.constant 1920 : i32
      %add3A_2203 = arith.addi %add3A_2202, %scan3A_2111 : i32
      %get3A_2204 = arith.index_cast %add3A_2203 : i32 to index
      %get3A_2205 = arith.constant 0 : index
      %get3A_2206 = tpu.vector_load %arg7[%get3A_2204, %get3A_2205] {strides = array<i32>} : memref<2560x16xf32, #tpu.memory_space<vmem>>, vector<1x16xf32>,
      %get3A_2207 = vector.shape_cast %get3A_2206 : vector<1x16xf32> to vector<16xf32>
      %add3A_2208 = arith.constant 2048 : i32
      %add3A_2209 = arith.addi %add3A_2208, %scan3A_2111 : i32
      %get3A_2210 = arith.index_cast %add3A_2209 : i32 to index
      %get3A_2211 = arith.constant 0 : index
      %get3A_2212 = tpu.vector_load %arg7[%get3A_2210, %get3A_2211] {strides = array<i32>} : memref<2560x16xf32, #tpu.memory_space<vmem>>, vector<1x16xf32>,
      %get3A_2213 = vector.shape_cast %get3A_2212 : vector<1x16xf32> to vector<16xf32>
      %add3A_2214 = arith.constant 2176 : i32
      %add3A_2215 = arith.addi %add3A_2214, %scan3A_2111 : i32
      %get3A_2216 = arith.index_cast %add3A_2215 : i32 to index
      %get3A_2217 = arith.constant 0 : index
      %get3A_2218 = tpu.vector_load %arg7[%get3A_2216, %get3A_2217] {strides = array<i32>} : memref<2560x16xf32, #tpu.memory_space<vmem>>, vector<1x16xf32>,
      %get3A_2219 = vector.shape_cast %get3A_2218 : vector<1x16xf32> to vector<16xf32>
      %add3A_2220 = arith.constant 2304 : i32
      %add3A_2221 = arith.addi %add3A_2220, %scan3A_2111 : i32
      %get3A_2222 = arith.index_cast %add3A_2221 : i32 to index
      %get3A_2223 = arith.constant 0 : index
      %get3A_2224 = tpu.vector_load %arg7[%get3A_2222, %get3A_2223] {strides = array<i32>} : memref<2560x16xf32, #tpu.memory_space<vmem>>, vector<1x16xf32>,
      %get3A_2225 = vector.shape_cast %get3A_2224 : vector<1x16xf32> to vector<16xf32>
      %add3A_2226 = arith.constant 2432 : i32
      %add3A_2227 = arith.addi %add3A_2226, %scan3A_2111 : i32
      %get3A_2228 = arith.index_cast %add3A_2227 : i32 to index
      %get3A_2229 = arith.constant 0 : index
      %get3A_2230 = tpu.vector_load %arg7[%get3A_2228, %get3A_2229] {strides = array<i32>} : memref<2560x16xf32, #tpu.memory_space<vmem>>, vector<1x16xf32>,
      %get3A_2231 = vector.shape_cast %get3A_2230 : vector<1x16xf32> to vector<16xf32>
      %add3A_2232 = arith.addf %get3A_2117, %get3A_2123 : vector<16xf32>
      %add3A_2233 = arith.addf %get3A_2129, %get3A_2135 : vector<16xf32>
      %add3A_2234 = arith.addf %get3A_2141, %get3A_2147 : vector<16xf32>
      %add3A_2235 = arith.addf %get3A_2153, %get3A_2159 : vector<16xf32>
      %add3A_2236 = arith.addf %get3A_2165, %get3A_2171 : vector<16xf32>
      %add3A_2237 = arith.addf %get3A_2177, %get3A_2183 : vector<16xf32>
      %add3A_2238 = arith.addf %get3A_2189, %get3A_2195 : vector<16xf32>
      %add3A_2239 = arith.addf %get3A_2201, %get3A_2207 : vector<16xf32>
      %add3A_2240 = arith.addf %get3A_2213, %get3A_2219 : vector<16xf32>
      %add3A_2241 = arith.addf %get3A_2225, %get3A_2231 : vector<16xf32>
      %add3A_2242 = arith.addf %add3A_2232, %add3A_2233 : vector<16xf32>
      %add3A_2243 = arith.addf %add3A_2234, %add3A_2235 : vector<16xf32>
      %add3A_2244 = arith.addf %add3A_2236, %add3A_2237 : vector<16xf32>
      %add3A_2245 = arith.addf %add3A_2238, %add3A_2239 : vector<16xf32>
      %add3A_2246 = arith.addf %add3A_2240, %add3A_2241 : vector<16xf32>
      %add3A_2247 = arith.addf %add3A_2242, %add3A_2243 : vector<16xf32>
      %add3A_2248 = arith.addf %add3A_2244, %add3A_2245 : vector<16xf32>
      %add3A_2249 = arith.addf %add3A_2247, %add3A_2248 : vector<16xf32>
      %add3A_2250 = arith.addf %add3A_2249, %add3A_2246 : vector<16xf32>
      %mul3A_2251 = arith.mulf %add3A_2250, %add3A_2250 : vector<16xf32>
      %xor3A = arith.constant 1 : i32
      %xor3A_2252 = vector.broadcast %xor3A : i32 to vector<16xi32>
      %xor3A_2253 = arith.xori %iota3A_1485, %xor3A_2252 : vector<16xi32>
      %broadcast_in_dim3A = vector.shape_cast %xor3A_2253 : vector<16xi32> to vector<16x1xi32>
      %gather3A = vector.shape_cast %broadcast_in_dim3A : vector<16x1xi32> to vector<16xi32>
      %gather3A_2254 = tpu.dynamic_gather %mul3A_2251[%gather3A] in [0] : vector<16xf32>, vector<16xi32> -> vector<16xf32>
      %add3A_2255 = arith.addf %mul3A_2251, %gather3A_2254 : vector<16xf32>
      %xor3A_2256 = arith.constant 2 : i32
      %xor3A_2257 = vector.broadcast %xor3A_2256 : i32 to vector<16xi32>
      %xor3A_2258 = arith.xori %iota3A_1485, %xor3A_2257 : vector<16xi32>
      %broadcast_in_dim3A_2259 = vector.shape_cast %xor3A_2258 : vector<16xi32> to vector<16x1xi32>
      %gather3A_2260 = vector.shape_cast %broadcast_in_dim3A_2259 : vector<16x1xi32> to vector<16xi32>
      %gather3A_2261 = tpu.dynamic_gather %add3A_2255[%gather3A_2260] in [0] : vector<16xf32>, vector<16xi32> -> vector<16xf32>
      %add3A_2262 = arith.addf %add3A_2255, %gather3A_2261 : vector<16xf32>
      %xor3A_2263 = arith.constant 4 : i32
      %xor3A_2264 = vector.broadcast %xor3A_2263 : i32 to vector<16xi32>
      %xor3A_2265 = arith.xori %iota3A_1485, %xor3A_2264 : vector<16xi32>
      %broadcast_in_dim3A_2266 = vector.shape_cast %xor3A_2265 : vector<16xi32> to vector<16x1xi32>
      %gather3A_2267 = vector.shape_cast %broadcast_in_dim3A_2266 : vector<16x1xi32> to vector<16xi32>
      %gather3A_2268 = tpu.dynamic_gather %add3A_2262[%gather3A_2267] in [0] : vector<16xf32>, vector<16xi32> -> vector<16xf32>
      %add3A_2269 = arith.addf %add3A_2262, %gather3A_2268 : vector<16xf32>
      %xor3A_2270 = arith.constant 8 : i32
      %xor3A_2271 = vector.broadcast %xor3A_2270 : i32 to vector<16xi32>
      %xor3A_2272 = arith.xori %iota3A_1485, %xor3A_2271 : vector<16xi32>
      %broadcast_in_dim3A_2273 = vector.shape_cast %xor3A_2272 : vector<16xi32> to vector<16x1xi32>
      %gather3A_2274 = vector.shape_cast %broadcast_in_dim3A_2273 : vector<16x1xi32> to vector<16xi32>
      %gather3A_2275 = tpu.dynamic_gather %add3A_2269[%gather3A_2274] in [0] : vector<16xf32>, vector<16xi32> -> vector<16xf32>
      %add3A_2276 = arith.addf %add3A_2269, %gather3A_2275 : vector<16xf32>
      %bitcast_convert_type3A = tpu.bitcast %add3A_2276 : vector<16xf32> -> vector<16xi32>
      %shift_right_arithmetic3A = arith.constant 1 : i32
      %shift_right_arithmetic3A_2277 = vector.broadcast %shift_right_arithmetic3A : i32 to vector<16xi32>
      %shift_right_arithmetic3A_2278 = arith.shrsi %bitcast_convert_type3A, %shift_right_arithmetic3A_2277 : vector<16xi32>
      %sub3A = arith.constant 1597463007 : i32
      %sub3A_2279 = vector.broadcast %sub3A : i32 to vector<16xi32>
      %sub3A_2280 = arith.subi %sub3A_2279, %shift_right_arithmetic3A_2278 : vector<16xi32>
      %bitcast_convert_type3A_2281 = tpu.bitcast %sub3A_2280 : vector<16xi32> -> vector<16xf32>
      %mul3A_2282 = arith.constant 5.000000e-01 : f32
      %mul3A_2283 = vector.broadcast %mul3A_2282 : f32 to vector<16xf32>
      %mul3A_2284 = arith.mulf %add3A_2276, %mul3A_2283 : vector<16xf32>
      %mul3A_2285 = arith.mulf %mul3A_2284, %bitcast_convert_type3A_2281 : vector<16xf32>
      %mul3A_2286 = arith.mulf %mul3A_2285, %bitcast_convert_type3A_2281 : vector<16xf32>
      %sub3A_2287 = arith.constant 1.500000e+00 : f32
      %sub3A_2288 = vector.broadcast %sub3A_2287 : f32 to vector<16xf32>
      %sub3A_2289 = arith.subf %sub3A_2288, %mul3A_2286 : vector<16xf32>
      %mul3A_2290 = arith.mulf %bitcast_convert_type3A_2281, %sub3A_2289 : vector<16xf32>
      %mul3A_2291 = arith.mulf %mul3A_2284, %mul3A_2290 : vector<16xf32>
      %mul3A_2292 = arith.mulf %mul3A_2291, %mul3A_2290 : vector<16xf32>
      %sub3A_2293 = arith.constant 1.500000e+00 : f32
      %sub3A_2294 = vector.broadcast %sub3A_2293 : f32 to vector<16xf32>
      %sub3A_2295 = arith.subf %sub3A_2294, %mul3A_2292 : vector<16xf32>
      %mul3A_2296 = arith.mulf %mul3A_2290, %sub3A_2295 : vector<16xf32>
      %mul3A_2297 = arith.mulf %mul3A_2284, %mul3A_2296 : vector<16xf32>
      %mul3A_2298 = arith.mulf %mul3A_2297, %mul3A_2296 : vector<16xf32>
      %sub3A_2299 = arith.constant 1.500000e+00 : f32
      %sub3A_2300 = vector.broadcast %sub3A_2299 : f32 to vector<16xf32>
      %sub3A_2301 = arith.subf %sub3A_2300, %mul3A_2298 : vector<16xf32>
      %mul3A_2302 = arith.mulf %mul3A_2296, %sub3A_2301 : vector<16xf32>
      %mul3A_2303 = arith.mulf %add3A_2250, %mul3A_2302 : vector<16xf32>
      %add3A_2304 = arith.constant 128 : i32
      %add3A_2305 = arith.addi %add3A_2304, %scan3A_2111 : i32
      %swap3A = arith.index_cast %add3A_2305 : i32 to index
      %swap3A_2306 = arith.constant 0 : index
      %swap3A_2307 = tpu.vector_load %arg8[%swap3A, %swap3A_2306] {strides = array<i32>} : memref<512x16xf32, #tpu.memory_space<vmem>>, vector<1x16xf32>,
      %swap3A_2308 = vector.shape_cast %swap3A_2307 : vector<1x16xf32> to vector<16xf32>
      %swap3A_2309 = vector.shape_cast %mul3A_2303 : vector<16xf32> to vector<1x16xf32>
      tpu.vector_store %arg8[%swap3A, %swap3A_2306], %swap3A_2309 {strides = array<i32>} : memref<512x16xf32, #tpu.memory_space<vmem>>, vector<1x16xf32>,
      %scan3A_2310 = arith.constant 0 : i32
      scf.yield %scan3A_2310 : i32
    }
    %scan3A_1492 = arith.constant 128 : i32
    %dma_start3A_1493 = arith.constant 3 : i32
    %dma_start3A_1494 = arith.constant 0 : i32
    %dma_start3A_1495 = arith.constant 0 : i32
    %dma_start3A_1496 = tpu.memref_slice %arg7[%dma_start3A_1494, %dma_start3A_1495] : memref<2560x16xf32, #tpu.memory_space<vmem>> -> memref<128x16xf32, #tpu.memory_space<vmem>>
    %dma_start3A_1497 = arith.constant 0 : i32
    %dma_start3A_1498 = tpu.memref_slice %arg5[%dma_start3A_1493, %dma_start3A_1497] : memref<80x128xi32, #tpu.memory_space<vmem>> -> memref<1x128xi32, #tpu.memory_space<vmem>>
    %dma_start3A_1499 = tpu.memref_squeeze %dma_start3A_1498 : memref<1x128xi32, #tpu.memory_space<vmem>> -> memref<128xi32, #tpu.memory_space<vmem>>
    %dma_start3A_1500 = arith.constant 0 : i32
    %dma_start3A_1501 = arith.constant 0 : i32
    %dma_start3A_1502 = tpu.memref_slice %arg3[%dma_start3A_1500, %dma_start3A_1501] : memref<100000x16xf32, #tpu.memory_space<hbm>> -> memref<100000x16xf32, #tpu.memory_space<hbm>>
    tpu.enqueue_indirect_dma source(%dma_start3A_1502 : memref<100000x16xf32, #tpu.memory_space<hbm>>) target(%dma_start3A_1496 : memref<128x16xf32, #tpu.memory_space<vmem>>) offsets(%dma_start3A_1499 : memref<128xi32, #tpu.memory_space<vmem>>) semaphore(%arg10 : memref<!tpu.dma_semaphore, #tpu.memory_space<semaphore_mem>>)
    %dma_start3A_1503 = arith.constant 7 : i32
    %dma_start3A_1504 = arith.constant 128 : i32
    %dma_start3A_1505 = arith.constant 0 : i32
    %dma_start3A_1506 = tpu.memref_slice %arg7[%dma_start3A_1504, %dma_start3A_1505] : memref<2560x16xf32, #tpu.memory_space<vmem>> -> memref<128x16xf32, #tpu.memory_space<vmem>>
    %dma_start3A_1507 = arith.constant 0 : i32
    %dma_start3A_1508 = tpu.memref_slice %arg5[%dma_start3A_1503, %dma_start3A_1507] : memref<80x128xi32, #tpu.memory_space<vmem>> -> memref<1x128xi32, #tpu.memory_space<vmem>>
    %dma_start3A_1509 = tpu.memref_squeeze %dma_start3A_1508 : memref<1x128xi32, #tpu.memory_space<vmem>> -> memref<128xi32, #tpu.memory_space<vmem>>
    %dma_start3A_1510 = arith.constant 0 : i32
    %dma_start3A_1511 = arith.constant 0 : i32
    %dma_start3A_1512 = tpu.memref_slice %arg3[%dma_start3A_1510, %dma_start3A_1511] : memref<100000x16xf32, #tpu.memory_space<hbm>> -> memref<100000x16xf32, #tpu.memory_space<hbm>>
    tpu.enqueue_indirect_dma source(%dma_start3A_1512 : memref<100000x16xf32, #tpu.memory_space<hbm>>) target(%dma_start3A_1506 : memref<128x16xf32, #tpu.memory_space<vmem>>) offsets(%dma_start3A_1509 : memref<128xi32, #tpu.memory_space<vmem>>) semaphore(%arg10 : memref<!tpu.dma_semaphore, #tpu.memory_space<semaphore_mem>>)
    %dma_start3A_1513 = arith.constant 11 : i32
    %dma_start3A_1514 = arith.constant 256 : i32
    %dma_start3A_1515 = arith.constant 0 : i32
    %dma_start3A_1516 = tpu.memref_slice %arg7[%dma_start3A_1514, %dma_start3A_1515] : memref<2560x16xf32, #tpu.memory_space<vmem>> -> memref<128x16xf32, #tpu.memory_space<vmem>>
    %dma_start3A_1517 = arith.constant 0 : i32
    %dma_start3A_1518 = tpu.memref_slice %arg5[%dma_start3A_1513, %dma_start3A_1517] : memref<80x128xi32, #tpu.memory_space<vmem>> -> memref<1x128xi32, #tpu.memory_space<vmem>>
    %dma_start3A_1519 = tpu.memref_squeeze %dma_start3A_1518 : memref<1x128xi32, #tpu.memory_space<vmem>> -> memref<128xi32, #tpu.memory_space<vmem>>
    %dma_start3A_1520 = arith.constant 0 : i32
    %dma_start3A_1521 = arith.constant 0 : i32
    %dma_start3A_1522 = tpu.memref_slice %arg3[%dma_start3A_1520, %dma_start3A_1521] : memref<100000x16xf32, #tpu.memory_space<hbm>> -> memref<100000x16xf32, #tpu.memory_space<hbm>>
    tpu.enqueue_indirect_dma source(%dma_start3A_1522 : memref<100000x16xf32, #tpu.memory_space<hbm>>) target(%dma_start3A_1516 : memref<128x16xf32, #tpu.memory_space<vmem>>) offsets(%dma_start3A_1519 : memref<128xi32, #tpu.memory_space<vmem>>) semaphore(%arg10 : memref<!tpu.dma_semaphore, #tpu.memory_space<semaphore_mem>>)
    %dma_start3A_1523 = arith.constant 15 : i32
    %dma_start3A_1524 = arith.constant 384 : i32
    %dma_start3A_1525 = arith.constant 0 : i32
    %dma_start3A_1526 = tpu.memref_slice %arg7[%dma_start3A_1524, %dma_start3A_1525] : memref<2560x16xf32, #tpu.memory_space<vmem>> -> memref<128x16xf32, #tpu.memory_space<vmem>>
    %dma_start3A_1527 = arith.constant 0 : i32
    %dma_start3A_1528 = tpu.memref_slice %arg5[%dma_start3A_1523, %dma_start3A_1527] : memref<80x128xi32, #tpu.memory_space<vmem>> -> memref<1x128xi32, #tpu.memory_space<vmem>>
    %dma_start3A_1529 = tpu.memref_squeeze %dma_start3A_1528 : memref<1x128xi32, #tpu.memory_space<vmem>> -> memref<128xi32, #tpu.memory_space<vmem>>
    %dma_start3A_1530 = arith.constant 0 : i32
    %dma_start3A_1531 = arith.constant 0 : i32
    %dma_start3A_1532 = tpu.memref_slice %arg3[%dma_start3A_1530, %dma_start3A_1531] : memref<100000x16xf32, #tpu.memory_space<hbm>> -> memref<100000x16xf32, #tpu.memory_space<hbm>>
    tpu.enqueue_indirect_dma source(%dma_start3A_1532 : memref<100000x16xf32, #tpu.memory_space<hbm>>) target(%dma_start3A_1526 : memref<128x16xf32, #tpu.memory_space<vmem>>) offsets(%dma_start3A_1529 : memref<128xi32, #tpu.memory_space<vmem>>) semaphore(%arg10 : memref<!tpu.dma_semaphore, #tpu.memory_space<semaphore_mem>>)
    %dma_start3A_1533 = arith.constant 19 : i32
    %dma_start3A_1534 = arith.constant 512 : i32
    %dma_start3A_1535 = arith.constant 0 : i32
    %dma_start3A_1536 = tpu.memref_slice %arg7[%dma_start3A_1534, %dma_start3A_1535] : memref<2560x16xf32, #tpu.memory_space<vmem>> -> memref<128x16xf32, #tpu.memory_space<vmem>>
    %dma_start3A_1537 = arith.constant 0 : i32
    %dma_start3A_1538 = tpu.memref_slice %arg5[%dma_start3A_1533, %dma_start3A_1537] : memref<80x128xi32, #tpu.memory_space<vmem>> -> memref<1x128xi32, #tpu.memory_space<vmem>>
    %dma_start3A_1539 = tpu.memref_squeeze %dma_start3A_1538 : memref<1x128xi32, #tpu.memory_space<vmem>> -> memref<128xi32, #tpu.memory_space<vmem>>
    %dma_start3A_1540 = arith.constant 0 : i32
    %dma_start3A_1541 = arith.constant 0 : i32
    %dma_start3A_1542 = tpu.memref_slice %arg3[%dma_start3A_1540, %dma_start3A_1541] : memref<100000x16xf32, #tpu.memory_space<hbm>> -> memref<100000x16xf32, #tpu.memory_space<hbm>>
    tpu.enqueue_indirect_dma source(%dma_start3A_1542 : memref<100000x16xf32, #tpu.memory_space<hbm>>) target(%dma_start3A_1536 : memref<128x16xf32, #tpu.memory_space<vmem>>) offsets(%dma_start3A_1539 : memref<128xi32, #tpu.memory_space<vmem>>) semaphore(%arg10 : memref<!tpu.dma_semaphore, #tpu.memory_space<semaphore_mem>>)
    %dma_start3A_1543 = arith.constant 23 : i32
    %dma_start3A_1544 = arith.constant 640 : i32
    %dma_start3A_1545 = arith.constant 0 : i32
    %dma_start3A_1546 = tpu.memref_slice %arg7[%dma_start3A_1544, %dma_start3A_1545] : memref<2560x16xf32, #tpu.memory_space<vmem>> -> memref<128x16xf32, #tpu.memory_space<vmem>>
    %dma_start3A_1547 = arith.constant 0 : i32
    %dma_start3A_1548 = tpu.memref_slice %arg5[%dma_start3A_1543, %dma_start3A_1547] : memref<80x128xi32, #tpu.memory_space<vmem>> -> memref<1x128xi32, #tpu.memory_space<vmem>>
    %dma_start3A_1549 = tpu.memref_squeeze %dma_start3A_1548 : memref<1x128xi32, #tpu.memory_space<vmem>> -> memref<128xi32, #tpu.memory_space<vmem>>
    %dma_start3A_1550 = arith.constant 0 : i32
    %dma_start3A_1551 = arith.constant 0 : i32
    %dma_start3A_1552 = tpu.memref_slice %arg3[%dma_start3A_1550, %dma_start3A_1551] : memref<100000x16xf32, #tpu.memory_space<hbm>> -> memref<100000x16xf32, #tpu.memory_space<hbm>>
    tpu.enqueue_indirect_dma source(%dma_start3A_1552 : memref<100000x16xf32, #tpu.memory_space<hbm>>) target(%dma_start3A_1546 : memref<128x16xf32, #tpu.memory_space<vmem>>) offsets(%dma_start3A_1549 : memref<128xi32, #tpu.memory_space<vmem>>) semaphore(%arg10 : memref<!tpu.dma_semaphore, #tpu.memory_space<semaphore_mem>>)
    %dma_start3A_1553 = arith.constant 27 : i32
    %dma_start3A_1554 = arith.constant 768 : i32
    %dma_start3A_1555 = arith.constant 0 : i32
    %dma_start3A_1556 = tpu.memref_slice %arg7[%dma_start3A_1554, %dma_start3A_1555] : memref<2560x16xf32, #tpu.memory_space<vmem>> -> memref<128x16xf32, #tpu.memory_space<vmem>>
    %dma_start3A_1557 = arith.constant 0 : i32
    %dma_start3A_1558 = tpu.memref_slice %arg5[%dma_start3A_1553, %dma_start3A_1557] : memref<80x128xi32, #tpu.memory_space<vmem>> -> memref<1x128xi32, #tpu.memory_space<vmem>>
    %dma_start3A_1559 = tpu.memref_squeeze %dma_start3A_1558 : memref<1x128xi32, #tpu.memory_space<vmem>> -> memref<128xi32, #tpu.memory_space<vmem>>
    %dma_start3A_1560 = arith.constant 0 : i32
    %dma_start3A_1561 = arith.constant 0 : i32
    %dma_start3A_1562 = tpu.memref_slice %arg3[%dma_start3A_1560, %dma_start3A_1561] : memref<100000x16xf32, #tpu.memory_space<hbm>> -> memref<100000x16xf32, #tpu.memory_space<hbm>>
    tpu.enqueue_indirect_dma source(%dma_start3A_1562 : memref<100000x16xf32, #tpu.memory_space<hbm>>) target(%dma_start3A_1556 : memref<128x16xf32, #tpu.memory_space<vmem>>) offsets(%dma_start3A_1559 : memref<128xi32, #tpu.memory_space<vmem>>) semaphore(%arg10 : memref<!tpu.dma_semaphore, #tpu.memory_space<semaphore_mem>>)
    %dma_start3A_1563 = arith.constant 31 : i32
    %dma_start3A_1564 = arith.constant 896 : i32
    %dma_start3A_1565 = arith.constant 0 : i32
    %dma_start3A_1566 = tpu.memref_slice %arg7[%dma_start3A_1564, %dma_start3A_1565] : memref<2560x16xf32, #tpu.memory_space<vmem>> -> memref<128x16xf32, #tpu.memory_space<vmem>>
    %dma_start3A_1567 = arith.constant 0 : i32
    %dma_start3A_1568 = tpu.memref_slice %arg5[%dma_start3A_1563, %dma_start3A_1567] : memref<80x128xi32, #tpu.memory_space<vmem>> -> memref<1x128xi32, #tpu.memory_space<vmem>>
    %dma_start3A_1569 = tpu.memref_squeeze %dma_start3A_1568 : memref<1x128xi32, #tpu.memory_space<vmem>> -> memref<128xi32, #tpu.memory_space<vmem>>
    %dma_start3A_1570 = arith.constant 0 : i32
    %dma_start3A_1571 = arith.constant 0 : i32
    %dma_start3A_1572 = tpu.memref_slice %arg3[%dma_start3A_1570, %dma_start3A_1571] : memref<100000x16xf32, #tpu.memory_space<hbm>> -> memref<100000x16xf32, #tpu.memory_space<hbm>>
    tpu.enqueue_indirect_dma source(%dma_start3A_1572 : memref<100000x16xf32, #tpu.memory_space<hbm>>) target(%dma_start3A_1566 : memref<128x16xf32, #tpu.memory_space<vmem>>) offsets(%dma_start3A_1569 : memref<128xi32, #tpu.memory_space<vmem>>) semaphore(%arg10 : memref<!tpu.dma_semaphore, #tpu.memory_space<semaphore_mem>>)
    %dma_start3A_1573 = arith.constant 35 : i32
    %dma_start3A_1574 = arith.constant 1024 : i32
    %dma_start3A_1575 = arith.constant 0 : i32
    %dma_start3A_1576 = tpu.memref_slice %arg7[%dma_start3A_1574, %dma_start3A_1575] : memref<2560x16xf32, #tpu.memory_space<vmem>> -> memref<128x16xf32, #tpu.memory_space<vmem>>
    %dma_start3A_1577 = arith.constant 0 : i32
    %dma_start3A_1578 = tpu.memref_slice %arg5[%dma_start3A_1573, %dma_start3A_1577] : memref<80x128xi32, #tpu.memory_space<vmem>> -> memref<1x128xi32, #tpu.memory_space<vmem>>
    %dma_start3A_1579 = tpu.memref_squeeze %dma_start3A_1578 : memref<1x128xi32, #tpu.memory_space<vmem>> -> memref<128xi32, #tpu.memory_space<vmem>>
    %dma_start3A_1580 = arith.constant 0 : i32
    %dma_start3A_1581 = arith.constant 0 : i32
    %dma_start3A_1582 = tpu.memref_slice %arg3[%dma_start3A_1580, %dma_start3A_1581] : memref<100000x16xf32, #tpu.memory_space<hbm>> -> memref<100000x16xf32, #tpu.memory_space<hbm>>
    tpu.enqueue_indirect_dma source(%dma_start3A_1582 : memref<100000x16xf32, #tpu.memory_space<hbm>>) target(%dma_start3A_1576 : memref<128x16xf32, #tpu.memory_space<vmem>>) offsets(%dma_start3A_1579 : memref<128xi32, #tpu.memory_space<vmem>>) semaphore(%arg10 : memref<!tpu.dma_semaphore, #tpu.memory_space<semaphore_mem>>)
    %dma_start3A_1583 = arith.constant 39 : i32
    %dma_start3A_1584 = arith.constant 1152 : i32
    %dma_start3A_1585 = arith.constant 0 : i32
    %dma_start3A_1586 = tpu.memref_slice %arg7[%dma_start3A_1584, %dma_start3A_1585] : memref<2560x16xf32, #tpu.memory_space<vmem>> -> memref<128x16xf32, #tpu.memory_space<vmem>>
    %dma_start3A_1587 = arith.constant 0 : i32
    %dma_start3A_1588 = tpu.memref_slice %arg5[%dma_start3A_1583, %dma_start3A_1587] : memref<80x128xi32, #tpu.memory_space<vmem>> -> memref<1x128xi32, #tpu.memory_space<vmem>>
    %dma_start3A_1589 = tpu.memref_squeeze %dma_start3A_1588 : memref<1x128xi32, #tpu.memory_space<vmem>> -> memref<128xi32, #tpu.memory_space<vmem>>
    %dma_start3A_1590 = arith.constant 0 : i32
    %dma_start3A_1591 = arith.constant 0 : i32
    %dma_start3A_1592 = tpu.memref_slice %arg3[%dma_start3A_1590, %dma_start3A_1591] : memref<100000x16xf32, #tpu.memory_space<hbm>> -> memref<100000x16xf32, #tpu.memory_space<hbm>>
    tpu.enqueue_indirect_dma source(%dma_start3A_1592 : memref<100000x16xf32, #tpu.memory_space<hbm>>) target(%dma_start3A_1586 : memref<128x16xf32, #tpu.memory_space<vmem>>) offsets(%dma_start3A_1589 : memref<128xi32, #tpu.memory_space<vmem>>) semaphore(%arg10 : memref<!tpu.dma_semaphore, #tpu.memory_space<semaphore_mem>>)
    %dma_start3A_1593 = arith.constant 43 : i32
    %dma_start3A_1594 = arith.constant 1280 : i32
    %dma_start3A_1595 = arith.constant 0 : i32
    %dma_start3A_1596 = tpu.memref_slice %arg7[%dma_start3A_1594, %dma_start3A_1595] : memref<2560x16xf32, #tpu.memory_space<vmem>> -> memref<128x16xf32, #tpu.memory_space<vmem>>
    %dma_start3A_1597 = arith.constant 0 : i32
    %dma_start3A_1598 = tpu.memref_slice %arg5[%dma_start3A_1593, %dma_start3A_1597] : memref<80x128xi32, #tpu.memory_space<vmem>> -> memref<1x128xi32, #tpu.memory_space<vmem>>
    %dma_start3A_1599 = tpu.memref_squeeze %dma_start3A_1598 : memref<1x128xi32, #tpu.memory_space<vmem>> -> memref<128xi32, #tpu.memory_space<vmem>>
    %dma_start3A_1600 = arith.constant 0 : i32
    %dma_start3A_1601 = arith.constant 0 : i32
    %dma_start3A_1602 = tpu.memref_slice %arg3[%dma_start3A_1600, %dma_start3A_1601] : memref<100000x16xf32, #tpu.memory_space<hbm>> -> memref<100000x16xf32, #tpu.memory_space<hbm>>
    tpu.enqueue_indirect_dma source(%dma_start3A_1602 : memref<100000x16xf32, #tpu.memory_space<hbm>>) target(%dma_start3A_1596 : memref<128x16xf32, #tpu.memory_space<vmem>>) offsets(%dma_start3A_1599 : memref<128xi32, #tpu.memory_space<vmem>>) semaphore(%arg10 : memref<!tpu.dma_semaphore, #tpu.memory_space<semaphore_mem>>)
    %dma_start3A_1603 = arith.constant 47 : i32
    %dma_start3A_1604 = arith.constant 1408 : i32
    %dma_start3A_1605 = arith.constant 0 : i32
    %dma_start3A_1606 = tpu.memref_slice %arg7[%dma_start3A_1604, %dma_start3A_1605] : memref<2560x16xf32, #tpu.memory_space<vmem>> -> memref<128x16xf32, #tpu.memory_space<vmem>>
    %dma_start3A_1607 = arith.constant 0 : i32
    %dma_start3A_1608 = tpu.memref_slice %arg5[%dma_start3A_1603, %dma_start3A_1607] : memref<80x128xi32, #tpu.memory_space<vmem>> -> memref<1x128xi32, #tpu.memory_space<vmem>>
    %dma_start3A_1609 = tpu.memref_squeeze %dma_start3A_1608 : memref<1x128xi32, #tpu.memory_space<vmem>> -> memref<128xi32, #tpu.memory_space<vmem>>
    %dma_start3A_1610 = arith.constant 0 : i32
    %dma_start3A_1611 = arith.constant 0 : i32
    %dma_start3A_1612 = tpu.memref_slice %arg3[%dma_start3A_1610, %dma_start3A_1611] : memref<100000x16xf32, #tpu.memory_space<hbm>> -> memref<100000x16xf32, #tpu.memory_space<hbm>>
    tpu.enqueue_indirect_dma source(%dma_start3A_1612 : memref<100000x16xf32, #tpu.memory_space<hbm>>) target(%dma_start3A_1606 : memref<128x16xf32, #tpu.memory_space<vmem>>) offsets(%dma_start3A_1609 : memref<128xi32, #tpu.memory_space<vmem>>) semaphore(%arg10 : memref<!tpu.dma_semaphore, #tpu.memory_space<semaphore_mem>>)
    %dma_start3A_1613 = arith.constant 51 : i32
    %dma_start3A_1614 = arith.constant 1536 : i32
    %dma_start3A_1615 = arith.constant 0 : i32
    %dma_start3A_1616 = tpu.memref_slice %arg7[%dma_start3A_1614, %dma_start3A_1615] : memref<2560x16xf32, #tpu.memory_space<vmem>> -> memref<128x16xf32, #tpu.memory_space<vmem>>
    %dma_start3A_1617 = arith.constant 0 : i32
    %dma_start3A_1618 = tpu.memref_slice %arg5[%dma_start3A_1613, %dma_start3A_1617] : memref<80x128xi32, #tpu.memory_space<vmem>> -> memref<1x128xi32, #tpu.memory_space<vmem>>
    %dma_start3A_1619 = tpu.memref_squeeze %dma_start3A_1618 : memref<1x128xi32, #tpu.memory_space<vmem>> -> memref<128xi32, #tpu.memory_space<vmem>>
    %dma_start3A_1620 = arith.constant 0 : i32
    %dma_start3A_1621 = arith.constant 0 : i32
    %dma_start3A_1622 = tpu.memref_slice %arg3[%dma_start3A_1620, %dma_start3A_1621] : memref<100000x16xf32, #tpu.memory_space<hbm>> -> memref<100000x16xf32, #tpu.memory_space<hbm>>
    tpu.enqueue_indirect_dma source(%dma_start3A_1622 : memref<100000x16xf32, #tpu.memory_space<hbm>>) target(%dma_start3A_1616 : memref<128x16xf32, #tpu.memory_space<vmem>>) offsets(%dma_start3A_1619 : memref<128xi32, #tpu.memory_space<vmem>>) semaphore(%arg10 : memref<!tpu.dma_semaphore, #tpu.memory_space<semaphore_mem>>)
    %dma_start3A_1623 = arith.constant 55 : i32
    %dma_start3A_1624 = arith.constant 1664 : i32
    %dma_start3A_1625 = arith.constant 0 : i32
    %dma_start3A_1626 = tpu.memref_slice %arg7[%dma_start3A_1624, %dma_start3A_1625] : memref<2560x16xf32, #tpu.memory_space<vmem>> -> memref<128x16xf32, #tpu.memory_space<vmem>>
    %dma_start3A_1627 = arith.constant 0 : i32
    %dma_start3A_1628 = tpu.memref_slice %arg5[%dma_start3A_1623, %dma_start3A_1627] : memref<80x128xi32, #tpu.memory_space<vmem>> -> memref<1x128xi32, #tpu.memory_space<vmem>>
    %dma_start3A_1629 = tpu.memref_squeeze %dma_start3A_1628 : memref<1x128xi32, #tpu.memory_space<vmem>> -> memref<128xi32, #tpu.memory_space<vmem>>
    %dma_start3A_1630 = arith.constant 0 : i32
    %dma_start3A_1631 = arith.constant 0 : i32
    %dma_start3A_1632 = tpu.memref_slice %arg3[%dma_start3A_1630, %dma_start3A_1631] : memref<100000x16xf32, #tpu.memory_space<hbm>> -> memref<100000x16xf32, #tpu.memory_space<hbm>>
    tpu.enqueue_indirect_dma source(%dma_start3A_1632 : memref<100000x16xf32, #tpu.memory_space<hbm>>) target(%dma_start3A_1626 : memref<128x16xf32, #tpu.memory_space<vmem>>) offsets(%dma_start3A_1629 : memref<128xi32, #tpu.memory_space<vmem>>) semaphore(%arg10 : memref<!tpu.dma_semaphore, #tpu.memory_space<semaphore_mem>>)
    %dma_start3A_1633 = arith.constant 59 : i32
    %dma_start3A_1634 = arith.constant 1792 : i32
    %dma_start3A_1635 = arith.constant 0 : i32
    %dma_start3A_1636 = tpu.memref_slice %arg7[%dma_start3A_1634, %dma_start3A_1635] : memref<2560x16xf32, #tpu.memory_space<vmem>> -> memref<128x16xf32, #tpu.memory_space<vmem>>
    %dma_start3A_1637 = arith.constant 0 : i32
    %dma_start3A_1638 = tpu.memref_slice %arg5[%dma_start3A_1633, %dma_start3A_1637] : memref<80x128xi32, #tpu.memory_space<vmem>> -> memref<1x128xi32, #tpu.memory_space<vmem>>
    %dma_start3A_1639 = tpu.memref_squeeze %dma_start3A_1638 : memref<1x128xi32, #tpu.memory_space<vmem>> -> memref<128xi32, #tpu.memory_space<vmem>>
    %dma_start3A_1640 = arith.constant 0 : i32
    %dma_start3A_1641 = arith.constant 0 : i32
    %dma_start3A_1642 = tpu.memref_slice %arg3[%dma_start3A_1640, %dma_start3A_1641] : memref<100000x16xf32, #tpu.memory_space<hbm>> -> memref<100000x16xf32, #tpu.memory_space<hbm>>
    tpu.enqueue_indirect_dma source(%dma_start3A_1642 : memref<100000x16xf32, #tpu.memory_space<hbm>>) target(%dma_start3A_1636 : memref<128x16xf32, #tpu.memory_space<vmem>>) offsets(%dma_start3A_1639 : memref<128xi32, #tpu.memory_space<vmem>>) semaphore(%arg10 : memref<!tpu.dma_semaphore, #tpu.memory_space<semaphore_mem>>)
    %dma_start3A_1643 = arith.constant 63 : i32
    %dma_start3A_1644 = arith.constant 1920 : i32
    %dma_start3A_1645 = arith.constant 0 : i32
    %dma_start3A_1646 = tpu.memref_slice %arg7[%dma_start3A_1644, %dma_start3A_1645] : memref<2560x16xf32, #tpu.memory_space<vmem>> -> memref<128x16xf32, #tpu.memory_space<vmem>>
    %dma_start3A_1647 = arith.constant 0 : i32
    %dma_start3A_1648 = tpu.memref_slice %arg5[%dma_start3A_1643, %dma_start3A_1647] : memref<80x128xi32, #tpu.memory_space<vmem>> -> memref<1x128xi32, #tpu.memory_space<vmem>>
    %dma_start3A_1649 = tpu.memref_squeeze %dma_start3A_1648 : memref<1x128xi32, #tpu.memory_space<vmem>> -> memref<128xi32, #tpu.memory_space<vmem>>
    %dma_start3A_1650 = arith.constant 0 : i32
    %dma_start3A_1651 = arith.constant 0 : i32
    %dma_start3A_1652 = tpu.memref_slice %arg3[%dma_start3A_1650, %dma_start3A_1651] : memref<100000x16xf32, #tpu.memory_space<hbm>> -> memref<100000x16xf32, #tpu.memory_space<hbm>>
    tpu.enqueue_indirect_dma source(%dma_start3A_1652 : memref<100000x16xf32, #tpu.memory_space<hbm>>) target(%dma_start3A_1646 : memref<128x16xf32, #tpu.memory_space<vmem>>) offsets(%dma_start3A_1649 : memref<128xi32, #tpu.memory_space<vmem>>) semaphore(%arg10 : memref<!tpu.dma_semaphore, #tpu.memory_space<semaphore_mem>>)
    %dma_start3A_1653 = arith.constant 67 : i32
    %dma_start3A_1654 = arith.constant 2048 : i32
    %dma_start3A_1655 = arith.constant 0 : i32
    %dma_start3A_1656 = tpu.memref_slice %arg7[%dma_start3A_1654, %dma_start3A_1655] : memref<2560x16xf32, #tpu.memory_space<vmem>> -> memref<128x16xf32, #tpu.memory_space<vmem>>
    %dma_start3A_1657 = arith.constant 0 : i32
    %dma_start3A_1658 = tpu.memref_slice %arg5[%dma_start3A_1653, %dma_start3A_1657] : memref<80x128xi32, #tpu.memory_space<vmem>> -> memref<1x128xi32, #tpu.memory_space<vmem>>
    %dma_start3A_1659 = tpu.memref_squeeze %dma_start3A_1658 : memref<1x128xi32, #tpu.memory_space<vmem>> -> memref<128xi32, #tpu.memory_space<vmem>>
    %dma_start3A_1660 = arith.constant 0 : i32
    %dma_start3A_1661 = arith.constant 0 : i32
    %dma_start3A_1662 = tpu.memref_slice %arg3[%dma_start3A_1660, %dma_start3A_1661] : memref<100000x16xf32, #tpu.memory_space<hbm>> -> memref<100000x16xf32, #tpu.memory_space<hbm>>
    tpu.enqueue_indirect_dma source(%dma_start3A_1662 : memref<100000x16xf32, #tpu.memory_space<hbm>>) target(%dma_start3A_1656 : memref<128x16xf32, #tpu.memory_space<vmem>>) offsets(%dma_start3A_1659 : memref<128xi32, #tpu.memory_space<vmem>>) semaphore(%arg10 : memref<!tpu.dma_semaphore, #tpu.memory_space<semaphore_mem>>)
    %dma_start3A_1663 = arith.constant 71 : i32
    %dma_start3A_1664 = arith.constant 2176 : i32
    %dma_start3A_1665 = arith.constant 0 : i32
    %dma_start3A_1666 = tpu.memref_slice %arg7[%dma_start3A_1664, %dma_start3A_1665] : memref<2560x16xf32, #tpu.memory_space<vmem>> -> memref<128x16xf32, #tpu.memory_space<vmem>>
    %dma_start3A_1667 = arith.constant 0 : i32
    %dma_start3A_1668 = tpu.memref_slice %arg5[%dma_start3A_1663, %dma_start3A_1667] : memref<80x128xi32, #tpu.memory_space<vmem>> -> memref<1x128xi32, #tpu.memory_space<vmem>>
    %dma_start3A_1669 = tpu.memref_squeeze %dma_start3A_1668 : memref<1x128xi32, #tpu.memory_space<vmem>> -> memref<128xi32, #tpu.memory_space<vmem>>
    %dma_start3A_1670 = arith.constant 0 : i32
    %dma_start3A_1671 = arith.constant 0 : i32
    %dma_start3A_1672 = tpu.memref_slice %arg3[%dma_start3A_1670, %dma_start3A_1671] : memref<100000x16xf32, #tpu.memory_space<hbm>> -> memref<100000x16xf32, #tpu.memory_space<hbm>>
    tpu.enqueue_indirect_dma source(%dma_start3A_1672 : memref<100000x16xf32, #tpu.memory_space<hbm>>) target(%dma_start3A_1666 : memref<128x16xf32, #tpu.memory_space<vmem>>) offsets(%dma_start3A_1669 : memref<128xi32, #tpu.memory_space<vmem>>) semaphore(%arg10 : memref<!tpu.dma_semaphore, #tpu.memory_space<semaphore_mem>>)
    %dma_start3A_1673 = arith.constant 75 : i32
    %dma_start3A_1674 = arith.constant 2304 : i32
    %dma_start3A_1675 = arith.constant 0 : i32
    %dma_start3A_1676 = tpu.memref_slice %arg7[%dma_start3A_1674, %dma_start3A_1675] : memref<2560x16xf32, #tpu.memory_space<vmem>> -> memref<128x16xf32, #tpu.memory_space<vmem>>
    %dma_start3A_1677 = arith.constant 0 : i32
    %dma_start3A_1678 = tpu.memref_slice %arg5[%dma_start3A_1673, %dma_start3A_1677] : memref<80x128xi32, #tpu.memory_space<vmem>> -> memref<1x128xi32, #tpu.memory_space<vmem>>
    %dma_start3A_1679 = tpu.memref_squeeze %dma_start3A_1678 : memref<1x128xi32, #tpu.memory_space<vmem>> -> memref<128xi32, #tpu.memory_space<vmem>>
    %dma_start3A_1680 = arith.constant 0 : i32
    %dma_start3A_1681 = arith.constant 0 : i32
    %dma_start3A_1682 = tpu.memref_slice %arg3[%dma_start3A_1680, %dma_start3A_1681] : memref<100000x16xf32, #tpu.memory_space<hbm>> -> memref<100000x16xf32, #tpu.memory_space<hbm>>
    tpu.enqueue_indirect_dma source(%dma_start3A_1682 : memref<100000x16xf32, #tpu.memory_space<hbm>>) target(%dma_start3A_1676 : memref<128x16xf32, #tpu.memory_space<vmem>>) offsets(%dma_start3A_1679 : memref<128xi32, #tpu.memory_space<vmem>>) semaphore(%arg10 : memref<!tpu.dma_semaphore, #tpu.memory_space<semaphore_mem>>)
    %dma_start3A_1683 = arith.constant 79 : i32
    %dma_start3A_1684 = arith.constant 2432 : i32
    %dma_start3A_1685 = arith.constant 0 : i32
    %dma_start3A_1686 = tpu.memref_slice %arg7[%dma_start3A_1684, %dma_start3A_1685] : memref<2560x16xf32, #tpu.memory_space<vmem>> -> memref<128x16xf32, #tpu.memory_space<vmem>>
    %dma_start3A_1687 = arith.constant 0 : i32
    %dma_start3A_1688 = tpu.memref_slice %arg5[%dma_start3A_1683, %dma_start3A_1687] : memref<80x128xi32, #tpu.memory_space<vmem>> -> memref<1x128xi32, #tpu.memory_space<vmem>>
    %dma_start3A_1689 = tpu.memref_squeeze %dma_start3A_1688 : memref<1x128xi32, #tpu.memory_space<vmem>> -> memref<128xi32, #tpu.memory_space<vmem>>
    %dma_start3A_1690 = arith.constant 0 : i32
    %dma_start3A_1691 = arith.constant 0 : i32
    %dma_start3A_1692 = tpu.memref_slice %arg3[%dma_start3A_1690, %dma_start3A_1691] : memref<100000x16xf32, #tpu.memory_space<hbm>> -> memref<100000x16xf32, #tpu.memory_space<hbm>>
    tpu.enqueue_indirect_dma source(%dma_start3A_1692 : memref<100000x16xf32, #tpu.memory_space<hbm>>) target(%dma_start3A_1686 : memref<128x16xf32, #tpu.memory_space<vmem>>) offsets(%dma_start3A_1689 : memref<128xi32, #tpu.memory_space<vmem>>) semaphore(%arg10 : memref<!tpu.dma_semaphore, #tpu.memory_space<semaphore_mem>>)
    %dma_wait3A_1693 = arith.constant 2 : i32
    %dma_wait3A_1694 = arith.constant 0 : i32
    %dma_wait3A_1695 = arith.constant 0 : i32
    %dma_wait3A_1696 = tpu.memref_slice %arg6[%dma_wait3A_1694, %dma_wait3A_1695] : memref<2560x16xf32, #tpu.memory_space<vmem>> -> memref<128x16xf32, #tpu.memory_space<vmem>>
    %dma_wait3A_1697 = arith.constant 0 : i32
    %dma_wait3A_1698 = tpu.memref_slice %arg5[%dma_wait3A_1693, %dma_wait3A_1697] : memref<80x128xi32, #tpu.memory_space<vmem>> -> memref<1x128xi32, #tpu.memory_space<vmem>>
    %dma_wait3A_1699 = tpu.memref_squeeze %dma_wait3A_1698 : memref<1x128xi32, #tpu.memory_space<vmem>> -> memref<128xi32, #tpu.memory_space<vmem>>
    %dma_wait3A_1700 = arith.constant 0 : i32
    %dma_wait3A_1701 = arith.constant 0 : i32
    %dma_wait3A_1702 = tpu.memref_slice %arg3[%dma_wait3A_1700, %dma_wait3A_1701] : memref<100000x16xf32, #tpu.memory_space<hbm>> -> memref<100000x16xf32, #tpu.memory_space<hbm>>
    tpu.wait_indirect_dma semaphore(%arg9 : memref<!tpu.dma_semaphore, #tpu.memory_space<semaphore_mem>>) src(%dma_wait3A_1702 : memref<100000x16xf32, #tpu.memory_space<hbm>>) dst(%dma_wait3A_1696 : memref<128x16xf32, #tpu.memory_space<vmem>>)
    %dma_wait3A_1703 = arith.constant 6 : i32
    %dma_wait3A_1704 = arith.constant 128 : i32
    %dma_wait3A_1705 = arith.constant 0 : i32
    %dma_wait3A_1706 = tpu.memref_slice %arg6[%dma_wait3A_1704, %dma_wait3A_1705] : memref<2560x16xf32, #tpu.memory_space<vmem>> -> memref<128x16xf32, #tpu.memory_space<vmem>>
    %dma_wait3A_1707 = arith.constant 0 : i32
    %dma_wait3A_1708 = tpu.memref_slice %arg5[%dma_wait3A_1703, %dma_wait3A_1707] : memref<80x128xi32, #tpu.memory_space<vmem>> -> memref<1x128xi32, #tpu.memory_space<vmem>>
    %dma_wait3A_1709 = tpu.memref_squeeze %dma_wait3A_1708 : memref<1x128xi32, #tpu.memory_space<vmem>> -> memref<128xi32, #tpu.memory_space<vmem>>
    %dma_wait3A_1710 = arith.constant 0 : i32
    %dma_wait3A_1711 = arith.constant 0 : i32
    %dma_wait3A_1712 = tpu.memref_slice %arg3[%dma_wait3A_1710, %dma_wait3A_1711] : memref<100000x16xf32, #tpu.memory_space<hbm>> -> memref<100000x16xf32, #tpu.memory_space<hbm>>
    tpu.wait_indirect_dma semaphore(%arg9 : memref<!tpu.dma_semaphore, #tpu.memory_space<semaphore_mem>>) src(%dma_wait3A_1712 : memref<100000x16xf32, #tpu.memory_space<hbm>>) dst(%dma_wait3A_1706 : memref<128x16xf32, #tpu.memory_space<vmem>>)
    %dma_wait3A_1713 = arith.constant 10 : i32
    %dma_wait3A_1714 = arith.constant 256 : i32
    %dma_wait3A_1715 = arith.constant 0 : i32
    %dma_wait3A_1716 = tpu.memref_slice %arg6[%dma_wait3A_1714, %dma_wait3A_1715] : memref<2560x16xf32, #tpu.memory_space<vmem>> -> memref<128x16xf32, #tpu.memory_space<vmem>>
    %dma_wait3A_1717 = arith.constant 0 : i32
    %dma_wait3A_1718 = tpu.memref_slice %arg5[%dma_wait3A_1713, %dma_wait3A_1717] : memref<80x128xi32, #tpu.memory_space<vmem>> -> memref<1x128xi32, #tpu.memory_space<vmem>>
    %dma_wait3A_1719 = tpu.memref_squeeze %dma_wait3A_1718 : memref<1x128xi32, #tpu.memory_space<vmem>> -> memref<128xi32, #tpu.memory_space<vmem>>
    %dma_wait3A_1720 = arith.constant 0 : i32
    %dma_wait3A_1721 = arith.constant 0 : i32
    %dma_wait3A_1722 = tpu.memref_slice %arg3[%dma_wait3A_1720, %dma_wait3A_1721] : memref<100000x16xf32, #tpu.memory_space<hbm>> -> memref<100000x16xf32, #tpu.memory_space<hbm>>
    tpu.wait_indirect_dma semaphore(%arg9 : memref<!tpu.dma_semaphore, #tpu.memory_space<semaphore_mem>>) src(%dma_wait3A_1722 : memref<100000x16xf32, #tpu.memory_space<hbm>>) dst(%dma_wait3A_1716 : memref<128x16xf32, #tpu.memory_space<vmem>>)
    %dma_wait3A_1723 = arith.constant 14 : i32
    %dma_wait3A_1724 = arith.constant 384 : i32
    %dma_wait3A_1725 = arith.constant 0 : i32
    %dma_wait3A_1726 = tpu.memref_slice %arg6[%dma_wait3A_1724, %dma_wait3A_1725] : memref<2560x16xf32, #tpu.memory_space<vmem>> -> memref<128x16xf32, #tpu.memory_space<vmem>>
    %dma_wait3A_1727 = arith.constant 0 : i32
    %dma_wait3A_1728 = tpu.memref_slice %arg5[%dma_wait3A_1723, %dma_wait3A_1727] : memref<80x128xi32, #tpu.memory_space<vmem>> -> memref<1x128xi32, #tpu.memory_space<vmem>>
    %dma_wait3A_1729 = tpu.memref_squeeze %dma_wait3A_1728 : memref<1x128xi32, #tpu.memory_space<vmem>> -> memref<128xi32, #tpu.memory_space<vmem>>
    %dma_wait3A_1730 = arith.constant 0 : i32
    %dma_wait3A_1731 = arith.constant 0 : i32
    %dma_wait3A_1732 = tpu.memref_slice %arg3[%dma_wait3A_1730, %dma_wait3A_1731] : memref<100000x16xf32, #tpu.memory_space<hbm>> -> memref<100000x16xf32, #tpu.memory_space<hbm>>
    tpu.wait_indirect_dma semaphore(%arg9 : memref<!tpu.dma_semaphore, #tpu.memory_space<semaphore_mem>>) src(%dma_wait3A_1732 : memref<100000x16xf32, #tpu.memory_space<hbm>>) dst(%dma_wait3A_1726 : memref<128x16xf32, #tpu.memory_space<vmem>>)
    %dma_wait3A_1733 = arith.constant 18 : i32
    %dma_wait3A_1734 = arith.constant 512 : i32
    %dma_wait3A_1735 = arith.constant 0 : i32
    %dma_wait3A_1736 = tpu.memref_slice %arg6[%dma_wait3A_1734, %dma_wait3A_1735] : memref<2560x16xf32, #tpu.memory_space<vmem>> -> memref<128x16xf32, #tpu.memory_space<vmem>>
    %dma_wait3A_1737 = arith.constant 0 : i32
    %dma_wait3A_1738 = tpu.memref_slice %arg5[%dma_wait3A_1733, %dma_wait3A_1737] : memref<80x128xi32, #tpu.memory_space<vmem>> -> memref<1x128xi32, #tpu.memory_space<vmem>>
    %dma_wait3A_1739 = tpu.memref_squeeze %dma_wait3A_1738 : memref<1x128xi32, #tpu.memory_space<vmem>> -> memref<128xi32, #tpu.memory_space<vmem>>
    %dma_wait3A_1740 = arith.constant 0 : i32
    %dma_wait3A_1741 = arith.constant 0 : i32
    %dma_wait3A_1742 = tpu.memref_slice %arg3[%dma_wait3A_1740, %dma_wait3A_1741] : memref<100000x16xf32, #tpu.memory_space<hbm>> -> memref<100000x16xf32, #tpu.memory_space<hbm>>
    tpu.wait_indirect_dma semaphore(%arg9 : memref<!tpu.dma_semaphore, #tpu.memory_space<semaphore_mem>>) src(%dma_wait3A_1742 : memref<100000x16xf32, #tpu.memory_space<hbm>>) dst(%dma_wait3A_1736 : memref<128x16xf32, #tpu.memory_space<vmem>>)
    %dma_wait3A_1743 = arith.constant 22 : i32
    %dma_wait3A_1744 = arith.constant 640 : i32
    %dma_wait3A_1745 = arith.constant 0 : i32
    %dma_wait3A_1746 = tpu.memref_slice %arg6[%dma_wait3A_1744, %dma_wait3A_1745] : memref<2560x16xf32, #tpu.memory_space<vmem>> -> memref<128x16xf32, #tpu.memory_space<vmem>>
    %dma_wait3A_1747 = arith.constant 0 : i32
    %dma_wait3A_1748 = tpu.memref_slice %arg5[%dma_wait3A_1743, %dma_wait3A_1747] : memref<80x128xi32, #tpu.memory_space<vmem>> -> memref<1x128xi32, #tpu.memory_space<vmem>>
    %dma_wait3A_1749 = tpu.memref_squeeze %dma_wait3A_1748 : memref<1x128xi32, #tpu.memory_space<vmem>> -> memref<128xi32, #tpu.memory_space<vmem>>
    %dma_wait3A_1750 = arith.constant 0 : i32
    %dma_wait3A_1751 = arith.constant 0 : i32
    %dma_wait3A_1752 = tpu.memref_slice %arg3[%dma_wait3A_1750, %dma_wait3A_1751] : memref<100000x16xf32, #tpu.memory_space<hbm>> -> memref<100000x16xf32, #tpu.memory_space<hbm>>
    tpu.wait_indirect_dma semaphore(%arg9 : memref<!tpu.dma_semaphore, #tpu.memory_space<semaphore_mem>>) src(%dma_wait3A_1752 : memref<100000x16xf32, #tpu.memory_space<hbm>>) dst(%dma_wait3A_1746 : memref<128x16xf32, #tpu.memory_space<vmem>>)
    %dma_wait3A_1753 = arith.constant 26 : i32
    %dma_wait3A_1754 = arith.constant 768 : i32
    %dma_wait3A_1755 = arith.constant 0 : i32
    %dma_wait3A_1756 = tpu.memref_slice %arg6[%dma_wait3A_1754, %dma_wait3A_1755] : memref<2560x16xf32, #tpu.memory_space<vmem>> -> memref<128x16xf32, #tpu.memory_space<vmem>>
    %dma_wait3A_1757 = arith.constant 0 : i32
    %dma_wait3A_1758 = tpu.memref_slice %arg5[%dma_wait3A_1753, %dma_wait3A_1757] : memref<80x128xi32, #tpu.memory_space<vmem>> -> memref<1x128xi32, #tpu.memory_space<vmem>>
    %dma_wait3A_1759 = tpu.memref_squeeze %dma_wait3A_1758 : memref<1x128xi32, #tpu.memory_space<vmem>> -> memref<128xi32, #tpu.memory_space<vmem>>
    %dma_wait3A_1760 = arith.constant 0 : i32
    %dma_wait3A_1761 = arith.constant 0 : i32
    %dma_wait3A_1762 = tpu.memref_slice %arg3[%dma_wait3A_1760, %dma_wait3A_1761] : memref<100000x16xf32, #tpu.memory_space<hbm>> -> memref<100000x16xf32, #tpu.memory_space<hbm>>
    tpu.wait_indirect_dma semaphore(%arg9 : memref<!tpu.dma_semaphore, #tpu.memory_space<semaphore_mem>>) src(%dma_wait3A_1762 : memref<100000x16xf32, #tpu.memory_space<hbm>>) dst(%dma_wait3A_1756 : memref<128x16xf32, #tpu.memory_space<vmem>>)
    %dma_wait3A_1763 = arith.constant 30 : i32
    %dma_wait3A_1764 = arith.constant 896 : i32
    %dma_wait3A_1765 = arith.constant 0 : i32
    %dma_wait3A_1766 = tpu.memref_slice %arg6[%dma_wait3A_1764, %dma_wait3A_1765] : memref<2560x16xf32, #tpu.memory_space<vmem>> -> memref<128x16xf32, #tpu.memory_space<vmem>>
    %dma_wait3A_1767 = arith.constant 0 : i32
    %dma_wait3A_1768 = tpu.memref_slice %arg5[%dma_wait3A_1763, %dma_wait3A_1767] : memref<80x128xi32, #tpu.memory_space<vmem>> -> memref<1x128xi32, #tpu.memory_space<vmem>>
    %dma_wait3A_1769 = tpu.memref_squeeze %dma_wait3A_1768 : memref<1x128xi32, #tpu.memory_space<vmem>> -> memref<128xi32, #tpu.memory_space<vmem>>
    %dma_wait3A_1770 = arith.constant 0 : i32
    %dma_wait3A_1771 = arith.constant 0 : i32
    %dma_wait3A_1772 = tpu.memref_slice %arg3[%dma_wait3A_1770, %dma_wait3A_1771] : memref<100000x16xf32, #tpu.memory_space<hbm>> -> memref<100000x16xf32, #tpu.memory_space<hbm>>
    tpu.wait_indirect_dma semaphore(%arg9 : memref<!tpu.dma_semaphore, #tpu.memory_space<semaphore_mem>>) src(%dma_wait3A_1772 : memref<100000x16xf32, #tpu.memory_space<hbm>>) dst(%dma_wait3A_1766 : memref<128x16xf32, #tpu.memory_space<vmem>>)
    %dma_wait3A_1773 = arith.constant 34 : i32
    %dma_wait3A_1774 = arith.constant 1024 : i32
    %dma_wait3A_1775 = arith.constant 0 : i32
    %dma_wait3A_1776 = tpu.memref_slice %arg6[%dma_wait3A_1774, %dma_wait3A_1775] : memref<2560x16xf32, #tpu.memory_space<vmem>> -> memref<128x16xf32, #tpu.memory_space<vmem>>
    %dma_wait3A_1777 = arith.constant 0 : i32
    %dma_wait3A_1778 = tpu.memref_slice %arg5[%dma_wait3A_1773, %dma_wait3A_1777] : memref<80x128xi32, #tpu.memory_space<vmem>> -> memref<1x128xi32, #tpu.memory_space<vmem>>
    %dma_wait3A_1779 = tpu.memref_squeeze %dma_wait3A_1778 : memref<1x128xi32, #tpu.memory_space<vmem>> -> memref<128xi32, #tpu.memory_space<vmem>>
    %dma_wait3A_1780 = arith.constant 0 : i32
    %dma_wait3A_1781 = arith.constant 0 : i32
    %dma_wait3A_1782 = tpu.memref_slice %arg3[%dma_wait3A_1780, %dma_wait3A_1781] : memref<100000x16xf32, #tpu.memory_space<hbm>> -> memref<100000x16xf32, #tpu.memory_space<hbm>>
    tpu.wait_indirect_dma semaphore(%arg9 : memref<!tpu.dma_semaphore, #tpu.memory_space<semaphore_mem>>) src(%dma_wait3A_1782 : memref<100000x16xf32, #tpu.memory_space<hbm>>) dst(%dma_wait3A_1776 : memref<128x16xf32, #tpu.memory_space<vmem>>)
    %dma_wait3A_1783 = arith.constant 38 : i32
    %dma_wait3A_1784 = arith.constant 1152 : i32
    %dma_wait3A_1785 = arith.constant 0 : i32
    %dma_wait3A_1786 = tpu.memref_slice %arg6[%dma_wait3A_1784, %dma_wait3A_1785] : memref<2560x16xf32, #tpu.memory_space<vmem>> -> memref<128x16xf32, #tpu.memory_space<vmem>>
    %dma_wait3A_1787 = arith.constant 0 : i32
    %dma_wait3A_1788 = tpu.memref_slice %arg5[%dma_wait3A_1783, %dma_wait3A_1787] : memref<80x128xi32, #tpu.memory_space<vmem>> -> memref<1x128xi32, #tpu.memory_space<vmem>>
    %dma_wait3A_1789 = tpu.memref_squeeze %dma_wait3A_1788 : memref<1x128xi32, #tpu.memory_space<vmem>> -> memref<128xi32, #tpu.memory_space<vmem>>
    %dma_wait3A_1790 = arith.constant 0 : i32
    %dma_wait3A_1791 = arith.constant 0 : i32
    %dma_wait3A_1792 = tpu.memref_slice %arg3[%dma_wait3A_1790, %dma_wait3A_1791] : memref<100000x16xf32, #tpu.memory_space<hbm>> -> memref<100000x16xf32, #tpu.memory_space<hbm>>
    tpu.wait_indirect_dma semaphore(%arg9 : memref<!tpu.dma_semaphore, #tpu.memory_space<semaphore_mem>>) src(%dma_wait3A_1792 : memref<100000x16xf32, #tpu.memory_space<hbm>>) dst(%dma_wait3A_1786 : memref<128x16xf32, #tpu.memory_space<vmem>>)
    %dma_wait3A_1793 = arith.constant 42 : i32
    %dma_wait3A_1794 = arith.constant 1280 : i32
    %dma_wait3A_1795 = arith.constant 0 : i32
    %dma_wait3A_1796 = tpu.memref_slice %arg6[%dma_wait3A_1794, %dma_wait3A_1795] : memref<2560x16xf32, #tpu.memory_space<vmem>> -> memref<128x16xf32, #tpu.memory_space<vmem>>
    %dma_wait3A_1797 = arith.constant 0 : i32
    %dma_wait3A_1798 = tpu.memref_slice %arg5[%dma_wait3A_1793, %dma_wait3A_1797] : memref<80x128xi32, #tpu.memory_space<vmem>> -> memref<1x128xi32, #tpu.memory_space<vmem>>
    %dma_wait3A_1799 = tpu.memref_squeeze %dma_wait3A_1798 : memref<1x128xi32, #tpu.memory_space<vmem>> -> memref<128xi32, #tpu.memory_space<vmem>>
    %dma_wait3A_1800 = arith.constant 0 : i32
    %dma_wait3A_1801 = arith.constant 0 : i32
    %dma_wait3A_1802 = tpu.memref_slice %arg3[%dma_wait3A_1800, %dma_wait3A_1801] : memref<100000x16xf32, #tpu.memory_space<hbm>> -> memref<100000x16xf32, #tpu.memory_space<hbm>>
    tpu.wait_indirect_dma semaphore(%arg9 : memref<!tpu.dma_semaphore, #tpu.memory_space<semaphore_mem>>) src(%dma_wait3A_1802 : memref<100000x16xf32, #tpu.memory_space<hbm>>) dst(%dma_wait3A_1796 : memref<128x16xf32, #tpu.memory_space<vmem>>)
    %dma_wait3A_1803 = arith.constant 46 : i32
    %dma_wait3A_1804 = arith.constant 1408 : i32
    %dma_wait3A_1805 = arith.constant 0 : i32
    %dma_wait3A_1806 = tpu.memref_slice %arg6[%dma_wait3A_1804, %dma_wait3A_1805] : memref<2560x16xf32, #tpu.memory_space<vmem>> -> memref<128x16xf32, #tpu.memory_space<vmem>>
    %dma_wait3A_1807 = arith.constant 0 : i32
    %dma_wait3A_1808 = tpu.memref_slice %arg5[%dma_wait3A_1803, %dma_wait3A_1807] : memref<80x128xi32, #tpu.memory_space<vmem>> -> memref<1x128xi32, #tpu.memory_space<vmem>>
    %dma_wait3A_1809 = tpu.memref_squeeze %dma_wait3A_1808 : memref<1x128xi32, #tpu.memory_space<vmem>> -> memref<128xi32, #tpu.memory_space<vmem>>
    %dma_wait3A_1810 = arith.constant 0 : i32
    %dma_wait3A_1811 = arith.constant 0 : i32
    %dma_wait3A_1812 = tpu.memref_slice %arg3[%dma_wait3A_1810, %dma_wait3A_1811] : memref<100000x16xf32, #tpu.memory_space<hbm>> -> memref<100000x16xf32, #tpu.memory_space<hbm>>
    tpu.wait_indirect_dma semaphore(%arg9 : memref<!tpu.dma_semaphore, #tpu.memory_space<semaphore_mem>>) src(%dma_wait3A_1812 : memref<100000x16xf32, #tpu.memory_space<hbm>>) dst(%dma_wait3A_1806 : memref<128x16xf32, #tpu.memory_space<vmem>>)
    %dma_wait3A_1813 = arith.constant 50 : i32
    %dma_wait3A_1814 = arith.constant 1536 : i32
    %dma_wait3A_1815 = arith.constant 0 : i32
    %dma_wait3A_1816 = tpu.memref_slice %arg6[%dma_wait3A_1814, %dma_wait3A_1815] : memref<2560x16xf32, #tpu.memory_space<vmem>> -> memref<128x16xf32, #tpu.memory_space<vmem>>
    %dma_wait3A_1817 = arith.constant 0 : i32
    %dma_wait3A_1818 = tpu.memref_slice %arg5[%dma_wait3A_1813, %dma_wait3A_1817] : memref<80x128xi32, #tpu.memory_space<vmem>> -> memref<1x128xi32, #tpu.memory_space<vmem>>
    %dma_wait3A_1819 = tpu.memref_squeeze %dma_wait3A_1818 : memref<1x128xi32, #tpu.memory_space<vmem>> -> memref<128xi32, #tpu.memory_space<vmem>>
    %dma_wait3A_1820 = arith.constant 0 : i32
    %dma_wait3A_1821 = arith.constant 0 : i32
    %dma_wait3A_1822 = tpu.memref_slice %arg3[%dma_wait3A_1820, %dma_wait3A_1821] : memref<100000x16xf32, #tpu.memory_space<hbm>> -> memref<100000x16xf32, #tpu.memory_space<hbm>>
    tpu.wait_indirect_dma semaphore(%arg9 : memref<!tpu.dma_semaphore, #tpu.memory_space<semaphore_mem>>) src(%dma_wait3A_1822 : memref<100000x16xf32, #tpu.memory_space<hbm>>) dst(%dma_wait3A_1816 : memref<128x16xf32, #tpu.memory_space<vmem>>)
    %dma_wait3A_1823 = arith.constant 54 : i32
    %dma_wait3A_1824 = arith.constant 1664 : i32
    %dma_wait3A_1825 = arith.constant 0 : i32
    %dma_wait3A_1826 = tpu.memref_slice %arg6[%dma_wait3A_1824, %dma_wait3A_1825] : memref<2560x16xf32, #tpu.memory_space<vmem>> -> memref<128x16xf32, #tpu.memory_space<vmem>>
    %dma_wait3A_1827 = arith.constant 0 : i32
    %dma_wait3A_1828 = tpu.memref_slice %arg5[%dma_wait3A_1823, %dma_wait3A_1827] : memref<80x128xi32, #tpu.memory_space<vmem>> -> memref<1x128xi32, #tpu.memory_space<vmem>>
    %dma_wait3A_1829 = tpu.memref_squeeze %dma_wait3A_1828 : memref<1x128xi32, #tpu.memory_space<vmem>> -> memref<128xi32, #tpu.memory_space<vmem>>
    %dma_wait3A_1830 = arith.constant 0 : i32
    %dma_wait3A_1831 = arith.constant 0 : i32
    %dma_wait3A_1832 = tpu.memref_slice %arg3[%dma_wait3A_1830, %dma_wait3A_1831] : memref<100000x16xf32, #tpu.memory_space<hbm>> -> memref<100000x16xf32, #tpu.memory_space<hbm>>
    tpu.wait_indirect_dma semaphore(%arg9 : memref<!tpu.dma_semaphore, #tpu.memory_space<semaphore_mem>>) src(%dma_wait3A_1832 : memref<100000x16xf32, #tpu.memory_space<hbm>>) dst(%dma_wait3A_1826 : memref<128x16xf32, #tpu.memory_space<vmem>>)
    %dma_wait3A_1833 = arith.constant 58 : i32
    %dma_wait3A_1834 = arith.constant 1792 : i32
    %dma_wait3A_1835 = arith.constant 0 : i32
    %dma_wait3A_1836 = tpu.memref_slice %arg6[%dma_wait3A_1834, %dma_wait3A_1835] : memref<2560x16xf32, #tpu.memory_space<vmem>> -> memref<128x16xf32, #tpu.memory_space<vmem>>
    %dma_wait3A_1837 = arith.constant 0 : i32
    %dma_wait3A_1838 = tpu.memref_slice %arg5[%dma_wait3A_1833, %dma_wait3A_1837] : memref<80x128xi32, #tpu.memory_space<vmem>> -> memref<1x128xi32, #tpu.memory_space<vmem>>
    %dma_wait3A_1839 = tpu.memref_squeeze %dma_wait3A_1838 : memref<1x128xi32, #tpu.memory_space<vmem>> -> memref<128xi32, #tpu.memory_space<vmem>>
    %dma_wait3A_1840 = arith.constant 0 : i32
    %dma_wait3A_1841 = arith.constant 0 : i32
    %dma_wait3A_1842 = tpu.memref_slice %arg3[%dma_wait3A_1840, %dma_wait3A_1841] : memref<100000x16xf32, #tpu.memory_space<hbm>> -> memref<100000x16xf32, #tpu.memory_space<hbm>>
    tpu.wait_indirect_dma semaphore(%arg9 : memref<!tpu.dma_semaphore, #tpu.memory_space<semaphore_mem>>) src(%dma_wait3A_1842 : memref<100000x16xf32, #tpu.memory_space<hbm>>) dst(%dma_wait3A_1836 : memref<128x16xf32, #tpu.memory_space<vmem>>)
    %dma_wait3A_1843 = arith.constant 62 : i32
    %dma_wait3A_1844 = arith.constant 1920 : i32
    %dma_wait3A_1845 = arith.constant 0 : i32
    %dma_wait3A_1846 = tpu.memref_slice %arg6[%dma_wait3A_1844, %dma_wait3A_1845] : memref<2560x16xf32, #tpu.memory_space<vmem>> -> memref<128x16xf32, #tpu.memory_space<vmem>>
    %dma_wait3A_1847 = arith.constant 0 : i32
    %dma_wait3A_1848 = tpu.memref_slice %arg5[%dma_wait3A_1843, %dma_wait3A_1847] : memref<80x128xi32, #tpu.memory_space<vmem>> -> memref<1x128xi32, #tpu.memory_space<vmem>>
    %dma_wait3A_1849 = tpu.memref_squeeze %dma_wait3A_1848 : memref<1x128xi32, #tpu.memory_space<vmem>> -> memref<128xi32, #tpu.memory_space<vmem>>
    %dma_wait3A_1850 = arith.constant 0 : i32
    %dma_wait3A_1851 = arith.constant 0 : i32
    %dma_wait3A_1852 = tpu.memref_slice %arg3[%dma_wait3A_1850, %dma_wait3A_1851] : memref<100000x16xf32, #tpu.memory_space<hbm>> -> memref<100000x16xf32, #tpu.memory_space<hbm>>
    tpu.wait_indirect_dma semaphore(%arg9 : memref<!tpu.dma_semaphore, #tpu.memory_space<semaphore_mem>>) src(%dma_wait3A_1852 : memref<100000x16xf32, #tpu.memory_space<hbm>>) dst(%dma_wait3A_1846 : memref<128x16xf32, #tpu.memory_space<vmem>>)
    %dma_wait3A_1853 = arith.constant 66 : i32
    %dma_wait3A_1854 = arith.constant 2048 : i32
    %dma_wait3A_1855 = arith.constant 0 : i32
    %dma_wait3A_1856 = tpu.memref_slice %arg6[%dma_wait3A_1854, %dma_wait3A_1855] : memref<2560x16xf32, #tpu.memory_space<vmem>> -> memref<128x16xf32, #tpu.memory_space<vmem>>
    %dma_wait3A_1857 = arith.constant 0 : i32
    %dma_wait3A_1858 = tpu.memref_slice %arg5[%dma_wait3A_1853, %dma_wait3A_1857] : memref<80x128xi32, #tpu.memory_space<vmem>> -> memref<1x128xi32, #tpu.memory_space<vmem>>
    %dma_wait3A_1859 = tpu.memref_squeeze %dma_wait3A_1858 : memref<1x128xi32, #tpu.memory_space<vmem>> -> memref<128xi32, #tpu.memory_space<vmem>>
    %dma_wait3A_1860 = arith.constant 0 : i32
    %dma_wait3A_1861 = arith.constant 0 : i32
    %dma_wait3A_1862 = tpu.memref_slice %arg3[%dma_wait3A_1860, %dma_wait3A_1861] : memref<100000x16xf32, #tpu.memory_space<hbm>> -> memref<100000x16xf32, #tpu.memory_space<hbm>>
    tpu.wait_indirect_dma semaphore(%arg9 : memref<!tpu.dma_semaphore, #tpu.memory_space<semaphore_mem>>) src(%dma_wait3A_1862 : memref<100000x16xf32, #tpu.memory_space<hbm>>) dst(%dma_wait3A_1856 : memref<128x16xf32, #tpu.memory_space<vmem>>)
    %dma_wait3A_1863 = arith.constant 70 : i32
    %dma_wait3A_1864 = arith.constant 2176 : i32
    %dma_wait3A_1865 = arith.constant 0 : i32
    %dma_wait3A_1866 = tpu.memref_slice %arg6[%dma_wait3A_1864, %dma_wait3A_1865] : memref<2560x16xf32, #tpu.memory_space<vmem>> -> memref<128x16xf32, #tpu.memory_space<vmem>>
    %dma_wait3A_1867 = arith.constant 0 : i32
    %dma_wait3A_1868 = tpu.memref_slice %arg5[%dma_wait3A_1863, %dma_wait3A_1867] : memref<80x128xi32, #tpu.memory_space<vmem>> -> memref<1x128xi32, #tpu.memory_space<vmem>>
    %dma_wait3A_1869 = tpu.memref_squeeze %dma_wait3A_1868 : memref<1x128xi32, #tpu.memory_space<vmem>> -> memref<128xi32, #tpu.memory_space<vmem>>
    %dma_wait3A_1870 = arith.constant 0 : i32
    %dma_wait3A_1871 = arith.constant 0 : i32
    %dma_wait3A_1872 = tpu.memref_slice %arg3[%dma_wait3A_1870, %dma_wait3A_1871] : memref<100000x16xf32, #tpu.memory_space<hbm>> -> memref<100000x16xf32, #tpu.memory_space<hbm>>
    tpu.wait_indirect_dma semaphore(%arg9 : memref<!tpu.dma_semaphore, #tpu.memory_space<semaphore_mem>>) src(%dma_wait3A_1872 : memref<100000x16xf32, #tpu.memory_space<hbm>>) dst(%dma_wait3A_1866 : memref<128x16xf32, #tpu.memory_space<vmem>>)
    %dma_wait3A_1873 = arith.constant 74 : i32
    %dma_wait3A_1874 = arith.constant 2304 : i32
    %dma_wait3A_1875 = arith.constant 0 : i32
    %dma_wait3A_1876 = tpu.memref_slice %arg6[%dma_wait3A_1874, %dma_wait3A_1875] : memref<2560x16xf32, #tpu.memory_space<vmem>> -> memref<128x16xf32, #tpu.memory_space<vmem>>
    %dma_wait3A_1877 = arith.constant 0 : i32
    %dma_wait3A_1878 = tpu.memref_slice %arg5[%dma_wait3A_1873, %dma_wait3A_1877] : memref<80x128xi32, #tpu.memory_space<vmem>> -> memref<1x128xi32, #tpu.memory_space<vmem>>
    %dma_wait3A_1879 = tpu.memref_squeeze %dma_wait3A_1878 : memref<1x128xi32, #tpu.memory_space<vmem>> -> memref<128xi32, #tpu.memory_space<vmem>>
    %dma_wait3A_1880 = arith.constant 0 : i32
    %dma_wait3A_1881 = arith.constant 0 : i32
    %dma_wait3A_1882 = tpu.memref_slice %arg3[%dma_wait3A_1880, %dma_wait3A_1881] : memref<100000x16xf32, #tpu.memory_space<hbm>> -> memref<100000x16xf32, #tpu.memory_space<hbm>>
    tpu.wait_indirect_dma semaphore(%arg9 : memref<!tpu.dma_semaphore, #tpu.memory_space<semaphore_mem>>) src(%dma_wait3A_1882 : memref<100000x16xf32, #tpu.memory_space<hbm>>) dst(%dma_wait3A_1876 : memref<128x16xf32, #tpu.memory_space<vmem>>)
    %dma_wait3A_1883 = arith.constant 78 : i32
    %dma_wait3A_1884 = arith.constant 2432 : i32
    %dma_wait3A_1885 = arith.constant 0 : i32
    %dma_wait3A_1886 = tpu.memref_slice %arg6[%dma_wait3A_1884, %dma_wait3A_1885] : memref<2560x16xf32, #tpu.memory_space<vmem>> -> memref<128x16xf32, #tpu.memory_space<vmem>>
    %dma_wait3A_1887 = arith.constant 0 : i32
    %dma_wait3A_1888 = tpu.memref_slice %arg5[%dma_wait3A_1883, %dma_wait3A_1887] : memref<80x128xi32, #tpu.memory_space<vmem>> -> memref<1x128xi32, #tpu.memory_space<vmem>>
    %dma_wait3A_1889 = tpu.memref_squeeze %dma_wait3A_1888 : memref<1x128xi32, #tpu.memory_space<vmem>> -> memref<128xi32, #tpu.memory_space<vmem>>
    %dma_wait3A_1890 = arith.constant 0 : i32
    %dma_wait3A_1891 = arith.constant 0 : i32
    %dma_wait3A_1892 = tpu.memref_slice %arg3[%dma_wait3A_1890, %dma_wait3A_1891] : memref<100000x16xf32, #tpu.memory_space<hbm>> -> memref<100000x16xf32, #tpu.memory_space<hbm>>
    tpu.wait_indirect_dma semaphore(%arg9 : memref<!tpu.dma_semaphore, #tpu.memory_space<semaphore_mem>>) src(%dma_wait3A_1892 : memref<100000x16xf32, #tpu.memory_space<hbm>>) dst(%dma_wait3A_1886 : memref<128x16xf32, #tpu.memory_space<vmem>>)
    %iota3A_1893 = tpu.iota {dimensions = array<i32: 0>} : vector<16xi32>
    %scan3A_1894 = arith.constant 0 : i32
    %scan3A_1895 = arith.constant 0 : i32
    %scan3A_1896 = arith.constant 128 : i32
    %scan3A_1897 = arith.addi %scan3A_1895, %scan3A_1896 : i32
    %scan3A_1898 = arith.constant 1 : i32
    %scan3A_1899 = scf.for %scan3A_2111 = %scan3A_1895 to %scan3A_1897 step %scan3A_1898 iter_args(%scan3A_2112 = %scan3A_1894) -> (i32)  : i32 {
      %add3A_2113 = arith.constant 0 : i32
      %add3A_2114 = arith.addi %add3A_2113, %scan3A_2111 : i32
      %get3A = arith.index_cast %add3A_2114 : i32 to index
      %get3A_2115 = arith.constant 0 : index
      %get3A_2116 = tpu.vector_load %arg6[%get3A, %get3A_2115] {strides = array<i32>} : memref<2560x16xf32, #tpu.memory_space<vmem>>, vector<1x16xf32>,
      %get3A_2117 = vector.shape_cast %get3A_2116 : vector<1x16xf32> to vector<16xf32>
      %add3A_2118 = arith.constant 128 : i32
      %add3A_2119 = arith.addi %add3A_2118, %scan3A_2111 : i32
      %get3A_2120 = arith.index_cast %add3A_2119 : i32 to index
      %get3A_2121 = arith.constant 0 : index
      %get3A_2122 = tpu.vector_load %arg6[%get3A_2120, %get3A_2121] {strides = array<i32>} : memref<2560x16xf32, #tpu.memory_space<vmem>>, vector<1x16xf32>,
      %get3A_2123 = vector.shape_cast %get3A_2122 : vector<1x16xf32> to vector<16xf32>
      %add3A_2124 = arith.constant 256 : i32
      %add3A_2125 = arith.addi %add3A_2124, %scan3A_2111 : i32
      %get3A_2126 = arith.index_cast %add3A_2125 : i32 to index
      %get3A_2127 = arith.constant 0 : index
      %get3A_2128 = tpu.vector_load %arg6[%get3A_2126, %get3A_2127] {strides = array<i32>} : memref<2560x16xf32, #tpu.memory_space<vmem>>, vector<1x16xf32>,
      %get3A_2129 = vector.shape_cast %get3A_2128 : vector<1x16xf32> to vector<16xf32>
      %add3A_2130 = arith.constant 384 : i32
      %add3A_2131 = arith.addi %add3A_2130, %scan3A_2111 : i32
      %get3A_2132 = arith.index_cast %add3A_2131 : i32 to index
      %get3A_2133 = arith.constant 0 : index
      %get3A_2134 = tpu.vector_load %arg6[%get3A_2132, %get3A_2133] {strides = array<i32>} : memref<2560x16xf32, #tpu.memory_space<vmem>>, vector<1x16xf32>,
      %get3A_2135 = vector.shape_cast %get3A_2134 : vector<1x16xf32> to vector<16xf32>
      %add3A_2136 = arith.constant 512 : i32
      %add3A_2137 = arith.addi %add3A_2136, %scan3A_2111 : i32
      %get3A_2138 = arith.index_cast %add3A_2137 : i32 to index
      %get3A_2139 = arith.constant 0 : index
      %get3A_2140 = tpu.vector_load %arg6[%get3A_2138, %get3A_2139] {strides = array<i32>} : memref<2560x16xf32, #tpu.memory_space<vmem>>, vector<1x16xf32>,
      %get3A_2141 = vector.shape_cast %get3A_2140 : vector<1x16xf32> to vector<16xf32>
      %add3A_2142 = arith.constant 640 : i32
      %add3A_2143 = arith.addi %add3A_2142, %scan3A_2111 : i32
      %get3A_2144 = arith.index_cast %add3A_2143 : i32 to index
      %get3A_2145 = arith.constant 0 : index
      %get3A_2146 = tpu.vector_load %arg6[%get3A_2144, %get3A_2145] {strides = array<i32>} : memref<2560x16xf32, #tpu.memory_space<vmem>>, vector<1x16xf32>,
      %get3A_2147 = vector.shape_cast %get3A_2146 : vector<1x16xf32> to vector<16xf32>
      %add3A_2148 = arith.constant 768 : i32
      %add3A_2149 = arith.addi %add3A_2148, %scan3A_2111 : i32
      %get3A_2150 = arith.index_cast %add3A_2149 : i32 to index
      %get3A_2151 = arith.constant 0 : index
      %get3A_2152 = tpu.vector_load %arg6[%get3A_2150, %get3A_2151] {strides = array<i32>} : memref<2560x16xf32, #tpu.memory_space<vmem>>, vector<1x16xf32>,
      %get3A_2153 = vector.shape_cast %get3A_2152 : vector<1x16xf32> to vector<16xf32>
      %add3A_2154 = arith.constant 896 : i32
      %add3A_2155 = arith.addi %add3A_2154, %scan3A_2111 : i32
      %get3A_2156 = arith.index_cast %add3A_2155 : i32 to index
      %get3A_2157 = arith.constant 0 : index
      %get3A_2158 = tpu.vector_load %arg6[%get3A_2156, %get3A_2157] {strides = array<i32>} : memref<2560x16xf32, #tpu.memory_space<vmem>>, vector<1x16xf32>,
      %get3A_2159 = vector.shape_cast %get3A_2158 : vector<1x16xf32> to vector<16xf32>
      %add3A_2160 = arith.constant 1024 : i32
      %add3A_2161 = arith.addi %add3A_2160, %scan3A_2111 : i32
      %get3A_2162 = arith.index_cast %add3A_2161 : i32 to index
      %get3A_2163 = arith.constant 0 : index
      %get3A_2164 = tpu.vector_load %arg6[%get3A_2162, %get3A_2163] {strides = array<i32>} : memref<2560x16xf32, #tpu.memory_space<vmem>>, vector<1x16xf32>,
      %get3A_2165 = vector.shape_cast %get3A_2164 : vector<1x16xf32> to vector<16xf32>
      %add3A_2166 = arith.constant 1152 : i32
      %add3A_2167 = arith.addi %add3A_2166, %scan3A_2111 : i32
      %get3A_2168 = arith.index_cast %add3A_2167 : i32 to index
      %get3A_2169 = arith.constant 0 : index
      %get3A_2170 = tpu.vector_load %arg6[%get3A_2168, %get3A_2169] {strides = array<i32>} : memref<2560x16xf32, #tpu.memory_space<vmem>>, vector<1x16xf32>,
      %get3A_2171 = vector.shape_cast %get3A_2170 : vector<1x16xf32> to vector<16xf32>
      %add3A_2172 = arith.constant 1280 : i32
      %add3A_2173 = arith.addi %add3A_2172, %scan3A_2111 : i32
      %get3A_2174 = arith.index_cast %add3A_2173 : i32 to index
      %get3A_2175 = arith.constant 0 : index
      %get3A_2176 = tpu.vector_load %arg6[%get3A_2174, %get3A_2175] {strides = array<i32>} : memref<2560x16xf32, #tpu.memory_space<vmem>>, vector<1x16xf32>,
      %get3A_2177 = vector.shape_cast %get3A_2176 : vector<1x16xf32> to vector<16xf32>
      %add3A_2178 = arith.constant 1408 : i32
      %add3A_2179 = arith.addi %add3A_2178, %scan3A_2111 : i32
      %get3A_2180 = arith.index_cast %add3A_2179 : i32 to index
      %get3A_2181 = arith.constant 0 : index
      %get3A_2182 = tpu.vector_load %arg6[%get3A_2180, %get3A_2181] {strides = array<i32>} : memref<2560x16xf32, #tpu.memory_space<vmem>>, vector<1x16xf32>,
      %get3A_2183 = vector.shape_cast %get3A_2182 : vector<1x16xf32> to vector<16xf32>
      %add3A_2184 = arith.constant 1536 : i32
      %add3A_2185 = arith.addi %add3A_2184, %scan3A_2111 : i32
      %get3A_2186 = arith.index_cast %add3A_2185 : i32 to index
      %get3A_2187 = arith.constant 0 : index
      %get3A_2188 = tpu.vector_load %arg6[%get3A_2186, %get3A_2187] {strides = array<i32>} : memref<2560x16xf32, #tpu.memory_space<vmem>>, vector<1x16xf32>,
      %get3A_2189 = vector.shape_cast %get3A_2188 : vector<1x16xf32> to vector<16xf32>
      %add3A_2190 = arith.constant 1664 : i32
      %add3A_2191 = arith.addi %add3A_2190, %scan3A_2111 : i32
      %get3A_2192 = arith.index_cast %add3A_2191 : i32 to index
      %get3A_2193 = arith.constant 0 : index
      %get3A_2194 = tpu.vector_load %arg6[%get3A_2192, %get3A_2193] {strides = array<i32>} : memref<2560x16xf32, #tpu.memory_space<vmem>>, vector<1x16xf32>,
      %get3A_2195 = vector.shape_cast %get3A_2194 : vector<1x16xf32> to vector<16xf32>
      %add3A_2196 = arith.constant 1792 : i32
      %add3A_2197 = arith.addi %add3A_2196, %scan3A_2111 : i32
      %get3A_2198 = arith.index_cast %add3A_2197 : i32 to index
      %get3A_2199 = arith.constant 0 : index
      %get3A_2200 = tpu.vector_load %arg6[%get3A_2198, %get3A_2199] {strides = array<i32>} : memref<2560x16xf32, #tpu.memory_space<vmem>>, vector<1x16xf32>,
      %get3A_2201 = vector.shape_cast %get3A_2200 : vector<1x16xf32> to vector<16xf32>
      %add3A_2202 = arith.constant 1920 : i32
      %add3A_2203 = arith.addi %add3A_2202, %scan3A_2111 : i32
      %get3A_2204 = arith.index_cast %add3A_2203 : i32 to index
      %get3A_2205 = arith.constant 0 : index
      %get3A_2206 = tpu.vector_load %arg6[%get3A_2204, %get3A_2205] {strides = array<i32>} : memref<2560x16xf32, #tpu.memory_space<vmem>>, vector<1x16xf32>,
      %get3A_2207 = vector.shape_cast %get3A_2206 : vector<1x16xf32> to vector<16xf32>
      %add3A_2208 = arith.constant 2048 : i32
      %add3A_2209 = arith.addi %add3A_2208, %scan3A_2111 : i32
      %get3A_2210 = arith.index_cast %add3A_2209 : i32 to index
      %get3A_2211 = arith.constant 0 : index
      %get3A_2212 = tpu.vector_load %arg6[%get3A_2210, %get3A_2211] {strides = array<i32>} : memref<2560x16xf32, #tpu.memory_space<vmem>>, vector<1x16xf32>,
      %get3A_2213 = vector.shape_cast %get3A_2212 : vector<1x16xf32> to vector<16xf32>
      %add3A_2214 = arith.constant 2176 : i32
      %add3A_2215 = arith.addi %add3A_2214, %scan3A_2111 : i32
      %get3A_2216 = arith.index_cast %add3A_2215 : i32 to index
      %get3A_2217 = arith.constant 0 : index
      %get3A_2218 = tpu.vector_load %arg6[%get3A_2216, %get3A_2217] {strides = array<i32>} : memref<2560x16xf32, #tpu.memory_space<vmem>>, vector<1x16xf32>,
      %get3A_2219 = vector.shape_cast %get3A_2218 : vector<1x16xf32> to vector<16xf32>
      %add3A_2220 = arith.constant 2304 : i32
      %add3A_2221 = arith.addi %add3A_2220, %scan3A_2111 : i32
      %get3A_2222 = arith.index_cast %add3A_2221 : i32 to index
      %get3A_2223 = arith.constant 0 : index
      %get3A_2224 = tpu.vector_load %arg6[%get3A_2222, %get3A_2223] {strides = array<i32>} : memref<2560x16xf32, #tpu.memory_space<vmem>>, vector<1x16xf32>,
      %get3A_2225 = vector.shape_cast %get3A_2224 : vector<1x16xf32> to vector<16xf32>
      %add3A_2226 = arith.constant 2432 : i32
      %add3A_2227 = arith.addi %add3A_2226, %scan3A_2111 : i32
      %get3A_2228 = arith.index_cast %add3A_2227 : i32 to index
      %get3A_2229 = arith.constant 0 : index
      %get3A_2230 = tpu.vector_load %arg6[%get3A_2228, %get3A_2229] {strides = array<i32>} : memref<2560x16xf32, #tpu.memory_space<vmem>>, vector<1x16xf32>,
      %get3A_2231 = vector.shape_cast %get3A_2230 : vector<1x16xf32> to vector<16xf32>
      %add3A_2232 = arith.addf %get3A_2117, %get3A_2123 : vector<16xf32>
      %add3A_2233 = arith.addf %get3A_2129, %get3A_2135 : vector<16xf32>
      %add3A_2234 = arith.addf %get3A_2141, %get3A_2147 : vector<16xf32>
      %add3A_2235 = arith.addf %get3A_2153, %get3A_2159 : vector<16xf32>
      %add3A_2236 = arith.addf %get3A_2165, %get3A_2171 : vector<16xf32>
      %add3A_2237 = arith.addf %get3A_2177, %get3A_2183 : vector<16xf32>
      %add3A_2238 = arith.addf %get3A_2189, %get3A_2195 : vector<16xf32>
      %add3A_2239 = arith.addf %get3A_2201, %get3A_2207 : vector<16xf32>
      %add3A_2240 = arith.addf %get3A_2213, %get3A_2219 : vector<16xf32>
      %add3A_2241 = arith.addf %get3A_2225, %get3A_2231 : vector<16xf32>
      %add3A_2242 = arith.addf %add3A_2232, %add3A_2233 : vector<16xf32>
      %add3A_2243 = arith.addf %add3A_2234, %add3A_2235 : vector<16xf32>
      %add3A_2244 = arith.addf %add3A_2236, %add3A_2237 : vector<16xf32>
      %add3A_2245 = arith.addf %add3A_2238, %add3A_2239 : vector<16xf32>
      %add3A_2246 = arith.addf %add3A_2240, %add3A_2241 : vector<16xf32>
      %add3A_2247 = arith.addf %add3A_2242, %add3A_2243 : vector<16xf32>
      %add3A_2248 = arith.addf %add3A_2244, %add3A_2245 : vector<16xf32>
      %add3A_2249 = arith.addf %add3A_2247, %add3A_2248 : vector<16xf32>
      %add3A_2250 = arith.addf %add3A_2249, %add3A_2246 : vector<16xf32>
      %mul3A_2251 = arith.mulf %add3A_2250, %add3A_2250 : vector<16xf32>
      %xor3A = arith.constant 1 : i32
      %xor3A_2252 = vector.broadcast %xor3A : i32 to vector<16xi32>
      %xor3A_2253 = arith.xori %iota3A_1893, %xor3A_2252 : vector<16xi32>
      %broadcast_in_dim3A = vector.shape_cast %xor3A_2253 : vector<16xi32> to vector<16x1xi32>
      %gather3A = vector.shape_cast %broadcast_in_dim3A : vector<16x1xi32> to vector<16xi32>
      %gather3A_2254 = tpu.dynamic_gather %mul3A_2251[%gather3A] in [0] : vector<16xf32>, vector<16xi32> -> vector<16xf32>
      %add3A_2255 = arith.addf %mul3A_2251, %gather3A_2254 : vector<16xf32>
      %xor3A_2256 = arith.constant 2 : i32
      %xor3A_2257 = vector.broadcast %xor3A_2256 : i32 to vector<16xi32>
      %xor3A_2258 = arith.xori %iota3A_1893, %xor3A_2257 : vector<16xi32>
      %broadcast_in_dim3A_2259 = vector.shape_cast %xor3A_2258 : vector<16xi32> to vector<16x1xi32>
      %gather3A_2260 = vector.shape_cast %broadcast_in_dim3A_2259 : vector<16x1xi32> to vector<16xi32>
      %gather3A_2261 = tpu.dynamic_gather %add3A_2255[%gather3A_2260] in [0] : vector<16xf32>, vector<16xi32> -> vector<16xf32>
      %add3A_2262 = arith.addf %add3A_2255, %gather3A_2261 : vector<16xf32>
      %xor3A_2263 = arith.constant 4 : i32
      %xor3A_2264 = vector.broadcast %xor3A_2263 : i32 to vector<16xi32>
      %xor3A_2265 = arith.xori %iota3A_1893, %xor3A_2264 : vector<16xi32>
      %broadcast_in_dim3A_2266 = vector.shape_cast %xor3A_2265 : vector<16xi32> to vector<16x1xi32>
      %gather3A_2267 = vector.shape_cast %broadcast_in_dim3A_2266 : vector<16x1xi32> to vector<16xi32>
      %gather3A_2268 = tpu.dynamic_gather %add3A_2262[%gather3A_2267] in [0] : vector<16xf32>, vector<16xi32> -> vector<16xf32>
      %add3A_2269 = arith.addf %add3A_2262, %gather3A_2268 : vector<16xf32>
      %xor3A_2270 = arith.constant 8 : i32
      %xor3A_2271 = vector.broadcast %xor3A_2270 : i32 to vector<16xi32>
      %xor3A_2272 = arith.xori %iota3A_1893, %xor3A_2271 : vector<16xi32>
      %broadcast_in_dim3A_2273 = vector.shape_cast %xor3A_2272 : vector<16xi32> to vector<16x1xi32>
      %gather3A_2274 = vector.shape_cast %broadcast_in_dim3A_2273 : vector<16x1xi32> to vector<16xi32>
      %gather3A_2275 = tpu.dynamic_gather %add3A_2269[%gather3A_2274] in [0] : vector<16xf32>, vector<16xi32> -> vector<16xf32>
      %add3A_2276 = arith.addf %add3A_2269, %gather3A_2275 : vector<16xf32>
      %bitcast_convert_type3A = tpu.bitcast %add3A_2276 : vector<16xf32> -> vector<16xi32>
      %shift_right_arithmetic3A = arith.constant 1 : i32
      %shift_right_arithmetic3A_2277 = vector.broadcast %shift_right_arithmetic3A : i32 to vector<16xi32>
      %shift_right_arithmetic3A_2278 = arith.shrsi %bitcast_convert_type3A, %shift_right_arithmetic3A_2277 : vector<16xi32>
      %sub3A = arith.constant 1597463007 : i32
      %sub3A_2279 = vector.broadcast %sub3A : i32 to vector<16xi32>
      %sub3A_2280 = arith.subi %sub3A_2279, %shift_right_arithmetic3A_2278 : vector<16xi32>
      %bitcast_convert_type3A_2281 = tpu.bitcast %sub3A_2280 : vector<16xi32> -> vector<16xf32>
      %mul3A_2282 = arith.constant 5.000000e-01 : f32
      %mul3A_2283 = vector.broadcast %mul3A_2282 : f32 to vector<16xf32>
      %mul3A_2284 = arith.mulf %add3A_2276, %mul3A_2283 : vector<16xf32>
      %mul3A_2285 = arith.mulf %mul3A_2284, %bitcast_convert_type3A_2281 : vector<16xf32>
      %mul3A_2286 = arith.mulf %mul3A_2285, %bitcast_convert_type3A_2281 : vector<16xf32>
      %sub3A_2287 = arith.constant 1.500000e+00 : f32
      %sub3A_2288 = vector.broadcast %sub3A_2287 : f32 to vector<16xf32>
      %sub3A_2289 = arith.subf %sub3A_2288, %mul3A_2286 : vector<16xf32>
      %mul3A_2290 = arith.mulf %bitcast_convert_type3A_2281, %sub3A_2289 : vector<16xf32>
      %mul3A_2291 = arith.mulf %mul3A_2284, %mul3A_2290 : vector<16xf32>
      %mul3A_2292 = arith.mulf %mul3A_2291, %mul3A_2290 : vector<16xf32>
      %sub3A_2293 = arith.constant 1.500000e+00 : f32
      %sub3A_2294 = vector.broadcast %sub3A_2293 : f32 to vector<16xf32>
      %sub3A_2295 = arith.subf %sub3A_2294, %mul3A_2292 : vector<16xf32>
      %mul3A_2296 = arith.mulf %mul3A_2290, %sub3A_2295 : vector<16xf32>
      %mul3A_2297 = arith.mulf %mul3A_2284, %mul3A_2296 : vector<16xf32>
      %mul3A_2298 = arith.mulf %mul3A_2297, %mul3A_2296 : vector<16xf32>
      %sub3A_2299 = arith.constant 1.500000e+00 : f32
      %sub3A_2300 = vector.broadcast %sub3A_2299 : f32 to vector<16xf32>
      %sub3A_2301 = arith.subf %sub3A_2300, %mul3A_2298 : vector<16xf32>
      %mul3A_2302 = arith.mulf %mul3A_2296, %sub3A_2301 : vector<16xf32>
      %mul3A_2303 = arith.mulf %add3A_2250, %mul3A_2302 : vector<16xf32>
      %add3A_2304 = arith.constant 256 : i32
      %add3A_2305 = arith.addi %add3A_2304, %scan3A_2111 : i32
      %swap3A = arith.index_cast %add3A_2305 : i32 to index
      %swap3A_2306 = arith.constant 0 : index
      %swap3A_2307 = tpu.vector_load %arg8[%swap3A, %swap3A_2306] {strides = array<i32>} : memref<512x16xf32, #tpu.memory_space<vmem>>, vector<1x16xf32>,
      %swap3A_2308 = vector.shape_cast %swap3A_2307 : vector<1x16xf32> to vector<16xf32>
      %swap3A_2309 = vector.shape_cast %mul3A_2303 : vector<16xf32> to vector<1x16xf32>
      tpu.vector_store %arg8[%swap3A, %swap3A_2306], %swap3A_2309 {strides = array<i32>} : memref<512x16xf32, #tpu.memory_space<vmem>>, vector<1x16xf32>,
      %scan3A_2310 = arith.constant 0 : i32
      scf.yield %scan3A_2310 : i32
    }
    %scan3A_1900 = arith.constant 128 : i32
    %dma_wait3A_1901 = arith.constant 3 : i32
    %dma_wait3A_1902 = arith.constant 0 : i32
    %dma_wait3A_1903 = arith.constant 0 : i32
    %dma_wait3A_1904 = tpu.memref_slice %arg7[%dma_wait3A_1902, %dma_wait3A_1903] : memref<2560x16xf32, #tpu.memory_space<vmem>> -> memref<128x16xf32, #tpu.memory_space<vmem>>
    %dma_wait3A_1905 = arith.constant 0 : i32
    %dma_wait3A_1906 = tpu.memref_slice %arg5[%dma_wait3A_1901, %dma_wait3A_1905] : memref<80x128xi32, #tpu.memory_space<vmem>> -> memref<1x128xi32, #tpu.memory_space<vmem>>
    %dma_wait3A_1907 = tpu.memref_squeeze %dma_wait3A_1906 : memref<1x128xi32, #tpu.memory_space<vmem>> -> memref<128xi32, #tpu.memory_space<vmem>>
    %dma_wait3A_1908 = arith.constant 0 : i32
    %dma_wait3A_1909 = arith.constant 0 : i32
    %dma_wait3A_1910 = tpu.memref_slice %arg3[%dma_wait3A_1908, %dma_wait3A_1909] : memref<100000x16xf32, #tpu.memory_space<hbm>> -> memref<100000x16xf32, #tpu.memory_space<hbm>>
    tpu.wait_indirect_dma semaphore(%arg10 : memref<!tpu.dma_semaphore, #tpu.memory_space<semaphore_mem>>) src(%dma_wait3A_1910 : memref<100000x16xf32, #tpu.memory_space<hbm>>) dst(%dma_wait3A_1904 : memref<128x16xf32, #tpu.memory_space<vmem>>)
    %dma_wait3A_1911 = arith.constant 7 : i32
    %dma_wait3A_1912 = arith.constant 128 : i32
    %dma_wait3A_1913 = arith.constant 0 : i32
    %dma_wait3A_1914 = tpu.memref_slice %arg7[%dma_wait3A_1912, %dma_wait3A_1913] : memref<2560x16xf32, #tpu.memory_space<vmem>> -> memref<128x16xf32, #tpu.memory_space<vmem>>
    %dma_wait3A_1915 = arith.constant 0 : i32
    %dma_wait3A_1916 = tpu.memref_slice %arg5[%dma_wait3A_1911, %dma_wait3A_1915] : memref<80x128xi32, #tpu.memory_space<vmem>> -> memref<1x128xi32, #tpu.memory_space<vmem>>
    %dma_wait3A_1917 = tpu.memref_squeeze %dma_wait3A_1916 : memref<1x128xi32, #tpu.memory_space<vmem>> -> memref<128xi32, #tpu.memory_space<vmem>>
    %dma_wait3A_1918 = arith.constant 0 : i32
    %dma_wait3A_1919 = arith.constant 0 : i32
    %dma_wait3A_1920 = tpu.memref_slice %arg3[%dma_wait3A_1918, %dma_wait3A_1919] : memref<100000x16xf32, #tpu.memory_space<hbm>> -> memref<100000x16xf32, #tpu.memory_space<hbm>>
    tpu.wait_indirect_dma semaphore(%arg10 : memref<!tpu.dma_semaphore, #tpu.memory_space<semaphore_mem>>) src(%dma_wait3A_1920 : memref<100000x16xf32, #tpu.memory_space<hbm>>) dst(%dma_wait3A_1914 : memref<128x16xf32, #tpu.memory_space<vmem>>)
    %dma_wait3A_1921 = arith.constant 11 : i32
    %dma_wait3A_1922 = arith.constant 256 : i32
    %dma_wait3A_1923 = arith.constant 0 : i32
    %dma_wait3A_1924 = tpu.memref_slice %arg7[%dma_wait3A_1922, %dma_wait3A_1923] : memref<2560x16xf32, #tpu.memory_space<vmem>> -> memref<128x16xf32, #tpu.memory_space<vmem>>
    %dma_wait3A_1925 = arith.constant 0 : i32
    %dma_wait3A_1926 = tpu.memref_slice %arg5[%dma_wait3A_1921, %dma_wait3A_1925] : memref<80x128xi32, #tpu.memory_space<vmem>> -> memref<1x128xi32, #tpu.memory_space<vmem>>
    %dma_wait3A_1927 = tpu.memref_squeeze %dma_wait3A_1926 : memref<1x128xi32, #tpu.memory_space<vmem>> -> memref<128xi32, #tpu.memory_space<vmem>>
    %dma_wait3A_1928 = arith.constant 0 : i32
    %dma_wait3A_1929 = arith.constant 0 : i32
    %dma_wait3A_1930 = tpu.memref_slice %arg3[%dma_wait3A_1928, %dma_wait3A_1929] : memref<100000x16xf32, #tpu.memory_space<hbm>> -> memref<100000x16xf32, #tpu.memory_space<hbm>>
    tpu.wait_indirect_dma semaphore(%arg10 : memref<!tpu.dma_semaphore, #tpu.memory_space<semaphore_mem>>) src(%dma_wait3A_1930 : memref<100000x16xf32, #tpu.memory_space<hbm>>) dst(%dma_wait3A_1924 : memref<128x16xf32, #tpu.memory_space<vmem>>)
    %dma_wait3A_1931 = arith.constant 15 : i32
    %dma_wait3A_1932 = arith.constant 384 : i32
    %dma_wait3A_1933 = arith.constant 0 : i32
    %dma_wait3A_1934 = tpu.memref_slice %arg7[%dma_wait3A_1932, %dma_wait3A_1933] : memref<2560x16xf32, #tpu.memory_space<vmem>> -> memref<128x16xf32, #tpu.memory_space<vmem>>
    %dma_wait3A_1935 = arith.constant 0 : i32
    %dma_wait3A_1936 = tpu.memref_slice %arg5[%dma_wait3A_1931, %dma_wait3A_1935] : memref<80x128xi32, #tpu.memory_space<vmem>> -> memref<1x128xi32, #tpu.memory_space<vmem>>
    %dma_wait3A_1937 = tpu.memref_squeeze %dma_wait3A_1936 : memref<1x128xi32, #tpu.memory_space<vmem>> -> memref<128xi32, #tpu.memory_space<vmem>>
    %dma_wait3A_1938 = arith.constant 0 : i32
    %dma_wait3A_1939 = arith.constant 0 : i32
    %dma_wait3A_1940 = tpu.memref_slice %arg3[%dma_wait3A_1938, %dma_wait3A_1939] : memref<100000x16xf32, #tpu.memory_space<hbm>> -> memref<100000x16xf32, #tpu.memory_space<hbm>>
    tpu.wait_indirect_dma semaphore(%arg10 : memref<!tpu.dma_semaphore, #tpu.memory_space<semaphore_mem>>) src(%dma_wait3A_1940 : memref<100000x16xf32, #tpu.memory_space<hbm>>) dst(%dma_wait3A_1934 : memref<128x16xf32, #tpu.memory_space<vmem>>)
    %dma_wait3A_1941 = arith.constant 19 : i32
    %dma_wait3A_1942 = arith.constant 512 : i32
    %dma_wait3A_1943 = arith.constant 0 : i32
    %dma_wait3A_1944 = tpu.memref_slice %arg7[%dma_wait3A_1942, %dma_wait3A_1943] : memref<2560x16xf32, #tpu.memory_space<vmem>> -> memref<128x16xf32, #tpu.memory_space<vmem>>
    %dma_wait3A_1945 = arith.constant 0 : i32
    %dma_wait3A_1946 = tpu.memref_slice %arg5[%dma_wait3A_1941, %dma_wait3A_1945] : memref<80x128xi32, #tpu.memory_space<vmem>> -> memref<1x128xi32, #tpu.memory_space<vmem>>
    %dma_wait3A_1947 = tpu.memref_squeeze %dma_wait3A_1946 : memref<1x128xi32, #tpu.memory_space<vmem>> -> memref<128xi32, #tpu.memory_space<vmem>>
    %dma_wait3A_1948 = arith.constant 0 : i32
    %dma_wait3A_1949 = arith.constant 0 : i32
    %dma_wait3A_1950 = tpu.memref_slice %arg3[%dma_wait3A_1948, %dma_wait3A_1949] : memref<100000x16xf32, #tpu.memory_space<hbm>> -> memref<100000x16xf32, #tpu.memory_space<hbm>>
    tpu.wait_indirect_dma semaphore(%arg10 : memref<!tpu.dma_semaphore, #tpu.memory_space<semaphore_mem>>) src(%dma_wait3A_1950 : memref<100000x16xf32, #tpu.memory_space<hbm>>) dst(%dma_wait3A_1944 : memref<128x16xf32, #tpu.memory_space<vmem>>)
    %dma_wait3A_1951 = arith.constant 23 : i32
    %dma_wait3A_1952 = arith.constant 640 : i32
    %dma_wait3A_1953 = arith.constant 0 : i32
    %dma_wait3A_1954 = tpu.memref_slice %arg7[%dma_wait3A_1952, %dma_wait3A_1953] : memref<2560x16xf32, #tpu.memory_space<vmem>> -> memref<128x16xf32, #tpu.memory_space<vmem>>
    %dma_wait3A_1955 = arith.constant 0 : i32
    %dma_wait3A_1956 = tpu.memref_slice %arg5[%dma_wait3A_1951, %dma_wait3A_1955] : memref<80x128xi32, #tpu.memory_space<vmem>> -> memref<1x128xi32, #tpu.memory_space<vmem>>
    %dma_wait3A_1957 = tpu.memref_squeeze %dma_wait3A_1956 : memref<1x128xi32, #tpu.memory_space<vmem>> -> memref<128xi32, #tpu.memory_space<vmem>>
    %dma_wait3A_1958 = arith.constant 0 : i32
    %dma_wait3A_1959 = arith.constant 0 : i32
    %dma_wait3A_1960 = tpu.memref_slice %arg3[%dma_wait3A_1958, %dma_wait3A_1959] : memref<100000x16xf32, #tpu.memory_space<hbm>> -> memref<100000x16xf32, #tpu.memory_space<hbm>>
    tpu.wait_indirect_dma semaphore(%arg10 : memref<!tpu.dma_semaphore, #tpu.memory_space<semaphore_mem>>) src(%dma_wait3A_1960 : memref<100000x16xf32, #tpu.memory_space<hbm>>) dst(%dma_wait3A_1954 : memref<128x16xf32, #tpu.memory_space<vmem>>)
    %dma_wait3A_1961 = arith.constant 27 : i32
    %dma_wait3A_1962 = arith.constant 768 : i32
    %dma_wait3A_1963 = arith.constant 0 : i32
    %dma_wait3A_1964 = tpu.memref_slice %arg7[%dma_wait3A_1962, %dma_wait3A_1963] : memref<2560x16xf32, #tpu.memory_space<vmem>> -> memref<128x16xf32, #tpu.memory_space<vmem>>
    %dma_wait3A_1965 = arith.constant 0 : i32
    %dma_wait3A_1966 = tpu.memref_slice %arg5[%dma_wait3A_1961, %dma_wait3A_1965] : memref<80x128xi32, #tpu.memory_space<vmem>> -> memref<1x128xi32, #tpu.memory_space<vmem>>
    %dma_wait3A_1967 = tpu.memref_squeeze %dma_wait3A_1966 : memref<1x128xi32, #tpu.memory_space<vmem>> -> memref<128xi32, #tpu.memory_space<vmem>>
    %dma_wait3A_1968 = arith.constant 0 : i32
    %dma_wait3A_1969 = arith.constant 0 : i32
    %dma_wait3A_1970 = tpu.memref_slice %arg3[%dma_wait3A_1968, %dma_wait3A_1969] : memref<100000x16xf32, #tpu.memory_space<hbm>> -> memref<100000x16xf32, #tpu.memory_space<hbm>>
    tpu.wait_indirect_dma semaphore(%arg10 : memref<!tpu.dma_semaphore, #tpu.memory_space<semaphore_mem>>) src(%dma_wait3A_1970 : memref<100000x16xf32, #tpu.memory_space<hbm>>) dst(%dma_wait3A_1964 : memref<128x16xf32, #tpu.memory_space<vmem>>)
    %dma_wait3A_1971 = arith.constant 31 : i32
    %dma_wait3A_1972 = arith.constant 896 : i32
    %dma_wait3A_1973 = arith.constant 0 : i32
    %dma_wait3A_1974 = tpu.memref_slice %arg7[%dma_wait3A_1972, %dma_wait3A_1973] : memref<2560x16xf32, #tpu.memory_space<vmem>> -> memref<128x16xf32, #tpu.memory_space<vmem>>
    %dma_wait3A_1975 = arith.constant 0 : i32
    %dma_wait3A_1976 = tpu.memref_slice %arg5[%dma_wait3A_1971, %dma_wait3A_1975] : memref<80x128xi32, #tpu.memory_space<vmem>> -> memref<1x128xi32, #tpu.memory_space<vmem>>
    %dma_wait3A_1977 = tpu.memref_squeeze %dma_wait3A_1976 : memref<1x128xi32, #tpu.memory_space<vmem>> -> memref<128xi32, #tpu.memory_space<vmem>>
    %dma_wait3A_1978 = arith.constant 0 : i32
    %dma_wait3A_1979 = arith.constant 0 : i32
    %dma_wait3A_1980 = tpu.memref_slice %arg3[%dma_wait3A_1978, %dma_wait3A_1979] : memref<100000x16xf32, #tpu.memory_space<hbm>> -> memref<100000x16xf32, #tpu.memory_space<hbm>>
    tpu.wait_indirect_dma semaphore(%arg10 : memref<!tpu.dma_semaphore, #tpu.memory_space<semaphore_mem>>) src(%dma_wait3A_1980 : memref<100000x16xf32, #tpu.memory_space<hbm>>) dst(%dma_wait3A_1974 : memref<128x16xf32, #tpu.memory_space<vmem>>)
    %dma_wait3A_1981 = arith.constant 35 : i32
    %dma_wait3A_1982 = arith.constant 1024 : i32
    %dma_wait3A_1983 = arith.constant 0 : i32
    %dma_wait3A_1984 = tpu.memref_slice %arg7[%dma_wait3A_1982, %dma_wait3A_1983] : memref<2560x16xf32, #tpu.memory_space<vmem>> -> memref<128x16xf32, #tpu.memory_space<vmem>>
    %dma_wait3A_1985 = arith.constant 0 : i32
    %dma_wait3A_1986 = tpu.memref_slice %arg5[%dma_wait3A_1981, %dma_wait3A_1985] : memref<80x128xi32, #tpu.memory_space<vmem>> -> memref<1x128xi32, #tpu.memory_space<vmem>>
    %dma_wait3A_1987 = tpu.memref_squeeze %dma_wait3A_1986 : memref<1x128xi32, #tpu.memory_space<vmem>> -> memref<128xi32, #tpu.memory_space<vmem>>
    %dma_wait3A_1988 = arith.constant 0 : i32
    %dma_wait3A_1989 = arith.constant 0 : i32
    %dma_wait3A_1990 = tpu.memref_slice %arg3[%dma_wait3A_1988, %dma_wait3A_1989] : memref<100000x16xf32, #tpu.memory_space<hbm>> -> memref<100000x16xf32, #tpu.memory_space<hbm>>
    tpu.wait_indirect_dma semaphore(%arg10 : memref<!tpu.dma_semaphore, #tpu.memory_space<semaphore_mem>>) src(%dma_wait3A_1990 : memref<100000x16xf32, #tpu.memory_space<hbm>>) dst(%dma_wait3A_1984 : memref<128x16xf32, #tpu.memory_space<vmem>>)
    %dma_wait3A_1991 = arith.constant 39 : i32
    %dma_wait3A_1992 = arith.constant 1152 : i32
    %dma_wait3A_1993 = arith.constant 0 : i32
    %dma_wait3A_1994 = tpu.memref_slice %arg7[%dma_wait3A_1992, %dma_wait3A_1993] : memref<2560x16xf32, #tpu.memory_space<vmem>> -> memref<128x16xf32, #tpu.memory_space<vmem>>
    %dma_wait3A_1995 = arith.constant 0 : i32
    %dma_wait3A_1996 = tpu.memref_slice %arg5[%dma_wait3A_1991, %dma_wait3A_1995] : memref<80x128xi32, #tpu.memory_space<vmem>> -> memref<1x128xi32, #tpu.memory_space<vmem>>
    %dma_wait3A_1997 = tpu.memref_squeeze %dma_wait3A_1996 : memref<1x128xi32, #tpu.memory_space<vmem>> -> memref<128xi32, #tpu.memory_space<vmem>>
    %dma_wait3A_1998 = arith.constant 0 : i32
    %dma_wait3A_1999 = arith.constant 0 : i32
    %dma_wait3A_2000 = tpu.memref_slice %arg3[%dma_wait3A_1998, %dma_wait3A_1999] : memref<100000x16xf32, #tpu.memory_space<hbm>> -> memref<100000x16xf32, #tpu.memory_space<hbm>>
    tpu.wait_indirect_dma semaphore(%arg10 : memref<!tpu.dma_semaphore, #tpu.memory_space<semaphore_mem>>) src(%dma_wait3A_2000 : memref<100000x16xf32, #tpu.memory_space<hbm>>) dst(%dma_wait3A_1994 : memref<128x16xf32, #tpu.memory_space<vmem>>)
    %dma_wait3A_2001 = arith.constant 43 : i32
    %dma_wait3A_2002 = arith.constant 1280 : i32
    %dma_wait3A_2003 = arith.constant 0 : i32
    %dma_wait3A_2004 = tpu.memref_slice %arg7[%dma_wait3A_2002, %dma_wait3A_2003] : memref<2560x16xf32, #tpu.memory_space<vmem>> -> memref<128x16xf32, #tpu.memory_space<vmem>>
    %dma_wait3A_2005 = arith.constant 0 : i32
    %dma_wait3A_2006 = tpu.memref_slice %arg5[%dma_wait3A_2001, %dma_wait3A_2005] : memref<80x128xi32, #tpu.memory_space<vmem>> -> memref<1x128xi32, #tpu.memory_space<vmem>>
    %dma_wait3A_2007 = tpu.memref_squeeze %dma_wait3A_2006 : memref<1x128xi32, #tpu.memory_space<vmem>> -> memref<128xi32, #tpu.memory_space<vmem>>
    %dma_wait3A_2008 = arith.constant 0 : i32
    %dma_wait3A_2009 = arith.constant 0 : i32
    %dma_wait3A_2010 = tpu.memref_slice %arg3[%dma_wait3A_2008, %dma_wait3A_2009] : memref<100000x16xf32, #tpu.memory_space<hbm>> -> memref<100000x16xf32, #tpu.memory_space<hbm>>
    tpu.wait_indirect_dma semaphore(%arg10 : memref<!tpu.dma_semaphore, #tpu.memory_space<semaphore_mem>>) src(%dma_wait3A_2010 : memref<100000x16xf32, #tpu.memory_space<hbm>>) dst(%dma_wait3A_2004 : memref<128x16xf32, #tpu.memory_space<vmem>>)
    %dma_wait3A_2011 = arith.constant 47 : i32
    %dma_wait3A_2012 = arith.constant 1408 : i32
    %dma_wait3A_2013 = arith.constant 0 : i32
    %dma_wait3A_2014 = tpu.memref_slice %arg7[%dma_wait3A_2012, %dma_wait3A_2013] : memref<2560x16xf32, #tpu.memory_space<vmem>> -> memref<128x16xf32, #tpu.memory_space<vmem>>
    %dma_wait3A_2015 = arith.constant 0 : i32
    %dma_wait3A_2016 = tpu.memref_slice %arg5[%dma_wait3A_2011, %dma_wait3A_2015] : memref<80x128xi32, #tpu.memory_space<vmem>> -> memref<1x128xi32, #tpu.memory_space<vmem>>
    %dma_wait3A_2017 = tpu.memref_squeeze %dma_wait3A_2016 : memref<1x128xi32, #tpu.memory_space<vmem>> -> memref<128xi32, #tpu.memory_space<vmem>>
    %dma_wait3A_2018 = arith.constant 0 : i32
    %dma_wait3A_2019 = arith.constant 0 : i32
    %dma_wait3A_2020 = tpu.memref_slice %arg3[%dma_wait3A_2018, %dma_wait3A_2019] : memref<100000x16xf32, #tpu.memory_space<hbm>> -> memref<100000x16xf32, #tpu.memory_space<hbm>>
    tpu.wait_indirect_dma semaphore(%arg10 : memref<!tpu.dma_semaphore, #tpu.memory_space<semaphore_mem>>) src(%dma_wait3A_2020 : memref<100000x16xf32, #tpu.memory_space<hbm>>) dst(%dma_wait3A_2014 : memref<128x16xf32, #tpu.memory_space<vmem>>)
    %dma_wait3A_2021 = arith.constant 51 : i32
    %dma_wait3A_2022 = arith.constant 1536 : i32
    %dma_wait3A_2023 = arith.constant 0 : i32
    %dma_wait3A_2024 = tpu.memref_slice %arg7[%dma_wait3A_2022, %dma_wait3A_2023] : memref<2560x16xf32, #tpu.memory_space<vmem>> -> memref<128x16xf32, #tpu.memory_space<vmem>>
    %dma_wait3A_2025 = arith.constant 0 : i32
    %dma_wait3A_2026 = tpu.memref_slice %arg5[%dma_wait3A_2021, %dma_wait3A_2025] : memref<80x128xi32, #tpu.memory_space<vmem>> -> memref<1x128xi32, #tpu.memory_space<vmem>>
    %dma_wait3A_2027 = tpu.memref_squeeze %dma_wait3A_2026 : memref<1x128xi32, #tpu.memory_space<vmem>> -> memref<128xi32, #tpu.memory_space<vmem>>
    %dma_wait3A_2028 = arith.constant 0 : i32
    %dma_wait3A_2029 = arith.constant 0 : i32
    %dma_wait3A_2030 = tpu.memref_slice %arg3[%dma_wait3A_2028, %dma_wait3A_2029] : memref<100000x16xf32, #tpu.memory_space<hbm>> -> memref<100000x16xf32, #tpu.memory_space<hbm>>
    tpu.wait_indirect_dma semaphore(%arg10 : memref<!tpu.dma_semaphore, #tpu.memory_space<semaphore_mem>>) src(%dma_wait3A_2030 : memref<100000x16xf32, #tpu.memory_space<hbm>>) dst(%dma_wait3A_2024 : memref<128x16xf32, #tpu.memory_space<vmem>>)
    %dma_wait3A_2031 = arith.constant 55 : i32
    %dma_wait3A_2032 = arith.constant 1664 : i32
    %dma_wait3A_2033 = arith.constant 0 : i32
    %dma_wait3A_2034 = tpu.memref_slice %arg7[%dma_wait3A_2032, %dma_wait3A_2033] : memref<2560x16xf32, #tpu.memory_space<vmem>> -> memref<128x16xf32, #tpu.memory_space<vmem>>
    %dma_wait3A_2035 = arith.constant 0 : i32
    %dma_wait3A_2036 = tpu.memref_slice %arg5[%dma_wait3A_2031, %dma_wait3A_2035] : memref<80x128xi32, #tpu.memory_space<vmem>> -> memref<1x128xi32, #tpu.memory_space<vmem>>
    %dma_wait3A_2037 = tpu.memref_squeeze %dma_wait3A_2036 : memref<1x128xi32, #tpu.memory_space<vmem>> -> memref<128xi32, #tpu.memory_space<vmem>>
    %dma_wait3A_2038 = arith.constant 0 : i32
    %dma_wait3A_2039 = arith.constant 0 : i32
    %dma_wait3A_2040 = tpu.memref_slice %arg3[%dma_wait3A_2038, %dma_wait3A_2039] : memref<100000x16xf32, #tpu.memory_space<hbm>> -> memref<100000x16xf32, #tpu.memory_space<hbm>>
    tpu.wait_indirect_dma semaphore(%arg10 : memref<!tpu.dma_semaphore, #tpu.memory_space<semaphore_mem>>) src(%dma_wait3A_2040 : memref<100000x16xf32, #tpu.memory_space<hbm>>) dst(%dma_wait3A_2034 : memref<128x16xf32, #tpu.memory_space<vmem>>)
    %dma_wait3A_2041 = arith.constant 59 : i32
    %dma_wait3A_2042 = arith.constant 1792 : i32
    %dma_wait3A_2043 = arith.constant 0 : i32
    %dma_wait3A_2044 = tpu.memref_slice %arg7[%dma_wait3A_2042, %dma_wait3A_2043] : memref<2560x16xf32, #tpu.memory_space<vmem>> -> memref<128x16xf32, #tpu.memory_space<vmem>>
    %dma_wait3A_2045 = arith.constant 0 : i32
    %dma_wait3A_2046 = tpu.memref_slice %arg5[%dma_wait3A_2041, %dma_wait3A_2045] : memref<80x128xi32, #tpu.memory_space<vmem>> -> memref<1x128xi32, #tpu.memory_space<vmem>>
    %dma_wait3A_2047 = tpu.memref_squeeze %dma_wait3A_2046 : memref<1x128xi32, #tpu.memory_space<vmem>> -> memref<128xi32, #tpu.memory_space<vmem>>
    %dma_wait3A_2048 = arith.constant 0 : i32
    %dma_wait3A_2049 = arith.constant 0 : i32
    %dma_wait3A_2050 = tpu.memref_slice %arg3[%dma_wait3A_2048, %dma_wait3A_2049] : memref<100000x16xf32, #tpu.memory_space<hbm>> -> memref<100000x16xf32, #tpu.memory_space<hbm>>
    tpu.wait_indirect_dma semaphore(%arg10 : memref<!tpu.dma_semaphore, #tpu.memory_space<semaphore_mem>>) src(%dma_wait3A_2050 : memref<100000x16xf32, #tpu.memory_space<hbm>>) dst(%dma_wait3A_2044 : memref<128x16xf32, #tpu.memory_space<vmem>>)
    %dma_wait3A_2051 = arith.constant 63 : i32
    %dma_wait3A_2052 = arith.constant 1920 : i32
    %dma_wait3A_2053 = arith.constant 0 : i32
    %dma_wait3A_2054 = tpu.memref_slice %arg7[%dma_wait3A_2052, %dma_wait3A_2053] : memref<2560x16xf32, #tpu.memory_space<vmem>> -> memref<128x16xf32, #tpu.memory_space<vmem>>
    %dma_wait3A_2055 = arith.constant 0 : i32
    %dma_wait3A_2056 = tpu.memref_slice %arg5[%dma_wait3A_2051, %dma_wait3A_2055] : memref<80x128xi32, #tpu.memory_space<vmem>> -> memref<1x128xi32, #tpu.memory_space<vmem>>
    %dma_wait3A_2057 = tpu.memref_squeeze %dma_wait3A_2056 : memref<1x128xi32, #tpu.memory_space<vmem>> -> memref<128xi32, #tpu.memory_space<vmem>>
    %dma_wait3A_2058 = arith.constant 0 : i32
    %dma_wait3A_2059 = arith.constant 0 : i32
    %dma_wait3A_2060 = tpu.memref_slice %arg3[%dma_wait3A_2058, %dma_wait3A_2059] : memref<100000x16xf32, #tpu.memory_space<hbm>> -> memref<100000x16xf32, #tpu.memory_space<hbm>>
    tpu.wait_indirect_dma semaphore(%arg10 : memref<!tpu.dma_semaphore, #tpu.memory_space<semaphore_mem>>) src(%dma_wait3A_2060 : memref<100000x16xf32, #tpu.memory_space<hbm>>) dst(%dma_wait3A_2054 : memref<128x16xf32, #tpu.memory_space<vmem>>)
    %dma_wait3A_2061 = arith.constant 67 : i32
    %dma_wait3A_2062 = arith.constant 2048 : i32
    %dma_wait3A_2063 = arith.constant 0 : i32
    %dma_wait3A_2064 = tpu.memref_slice %arg7[%dma_wait3A_2062, %dma_wait3A_2063] : memref<2560x16xf32, #tpu.memory_space<vmem>> -> memref<128x16xf32, #tpu.memory_space<vmem>>
    %dma_wait3A_2065 = arith.constant 0 : i32
    %dma_wait3A_2066 = tpu.memref_slice %arg5[%dma_wait3A_2061, %dma_wait3A_2065] : memref<80x128xi32, #tpu.memory_space<vmem>> -> memref<1x128xi32, #tpu.memory_space<vmem>>
    %dma_wait3A_2067 = tpu.memref_squeeze %dma_wait3A_2066 : memref<1x128xi32, #tpu.memory_space<vmem>> -> memref<128xi32, #tpu.memory_space<vmem>>
    %dma_wait3A_2068 = arith.constant 0 : i32
    %dma_wait3A_2069 = arith.constant 0 : i32
    %dma_wait3A_2070 = tpu.memref_slice %arg3[%dma_wait3A_2068, %dma_wait3A_2069] : memref<100000x16xf32, #tpu.memory_space<hbm>> -> memref<100000x16xf32, #tpu.memory_space<hbm>>
    tpu.wait_indirect_dma semaphore(%arg10 : memref<!tpu.dma_semaphore, #tpu.memory_space<semaphore_mem>>) src(%dma_wait3A_2070 : memref<100000x16xf32, #tpu.memory_space<hbm>>) dst(%dma_wait3A_2064 : memref<128x16xf32, #tpu.memory_space<vmem>>)
    %dma_wait3A_2071 = arith.constant 71 : i32
    %dma_wait3A_2072 = arith.constant 2176 : i32
    %dma_wait3A_2073 = arith.constant 0 : i32
    %dma_wait3A_2074 = tpu.memref_slice %arg7[%dma_wait3A_2072, %dma_wait3A_2073] : memref<2560x16xf32, #tpu.memory_space<vmem>> -> memref<128x16xf32, #tpu.memory_space<vmem>>
    %dma_wait3A_2075 = arith.constant 0 : i32
    %dma_wait3A_2076 = tpu.memref_slice %arg5[%dma_wait3A_2071, %dma_wait3A_2075] : memref<80x128xi32, #tpu.memory_space<vmem>> -> memref<1x128xi32, #tpu.memory_space<vmem>>
    %dma_wait3A_2077 = tpu.memref_squeeze %dma_wait3A_2076 : memref<1x128xi32, #tpu.memory_space<vmem>> -> memref<128xi32, #tpu.memory_space<vmem>>
    %dma_wait3A_2078 = arith.constant 0 : i32
    %dma_wait3A_2079 = arith.constant 0 : i32
    %dma_wait3A_2080 = tpu.memref_slice %arg3[%dma_wait3A_2078, %dma_wait3A_2079] : memref<100000x16xf32, #tpu.memory_space<hbm>> -> memref<100000x16xf32, #tpu.memory_space<hbm>>
    tpu.wait_indirect_dma semaphore(%arg10 : memref<!tpu.dma_semaphore, #tpu.memory_space<semaphore_mem>>) src(%dma_wait3A_2080 : memref<100000x16xf32, #tpu.memory_space<hbm>>) dst(%dma_wait3A_2074 : memref<128x16xf32, #tpu.memory_space<vmem>>)
    %dma_wait3A_2081 = arith.constant 75 : i32
    %dma_wait3A_2082 = arith.constant 2304 : i32
    %dma_wait3A_2083 = arith.constant 0 : i32
    %dma_wait3A_2084 = tpu.memref_slice %arg7[%dma_wait3A_2082, %dma_wait3A_2083] : memref<2560x16xf32, #tpu.memory_space<vmem>> -> memref<128x16xf32, #tpu.memory_space<vmem>>
    %dma_wait3A_2085 = arith.constant 0 : i32
    %dma_wait3A_2086 = tpu.memref_slice %arg5[%dma_wait3A_2081, %dma_wait3A_2085] : memref<80x128xi32, #tpu.memory_space<vmem>> -> memref<1x128xi32, #tpu.memory_space<vmem>>
    %dma_wait3A_2087 = tpu.memref_squeeze %dma_wait3A_2086 : memref<1x128xi32, #tpu.memory_space<vmem>> -> memref<128xi32, #tpu.memory_space<vmem>>
    %dma_wait3A_2088 = arith.constant 0 : i32
    %dma_wait3A_2089 = arith.constant 0 : i32
    %dma_wait3A_2090 = tpu.memref_slice %arg3[%dma_wait3A_2088, %dma_wait3A_2089] : memref<100000x16xf32, #tpu.memory_space<hbm>> -> memref<100000x16xf32, #tpu.memory_space<hbm>>
    tpu.wait_indirect_dma semaphore(%arg10 : memref<!tpu.dma_semaphore, #tpu.memory_space<semaphore_mem>>) src(%dma_wait3A_2090 : memref<100000x16xf32, #tpu.memory_space<hbm>>) dst(%dma_wait3A_2084 : memref<128x16xf32, #tpu.memory_space<vmem>>)
    %dma_wait3A_2091 = arith.constant 79 : i32
    %dma_wait3A_2092 = arith.constant 2432 : i32
    %dma_wait3A_2093 = arith.constant 0 : i32
    %dma_wait3A_2094 = tpu.memref_slice %arg7[%dma_wait3A_2092, %dma_wait3A_2093] : memref<2560x16xf32, #tpu.memory_space<vmem>> -> memref<128x16xf32, #tpu.memory_space<vmem>>
    %dma_wait3A_2095 = arith.constant 0 : i32
    %dma_wait3A_2096 = tpu.memref_slice %arg5[%dma_wait3A_2091, %dma_wait3A_2095] : memref<80x128xi32, #tpu.memory_space<vmem>> -> memref<1x128xi32, #tpu.memory_space<vmem>>
    %dma_wait3A_2097 = tpu.memref_squeeze %dma_wait3A_2096 : memref<1x128xi32, #tpu.memory_space<vmem>> -> memref<128xi32, #tpu.memory_space<vmem>>
    %dma_wait3A_2098 = arith.constant 0 : i32
    %dma_wait3A_2099 = arith.constant 0 : i32
    %dma_wait3A_2100 = tpu.memref_slice %arg3[%dma_wait3A_2098, %dma_wait3A_2099] : memref<100000x16xf32, #tpu.memory_space<hbm>> -> memref<100000x16xf32, #tpu.memory_space<hbm>>
    tpu.wait_indirect_dma semaphore(%arg10 : memref<!tpu.dma_semaphore, #tpu.memory_space<semaphore_mem>>) src(%dma_wait3A_2100 : memref<100000x16xf32, #tpu.memory_space<hbm>>) dst(%dma_wait3A_2094 : memref<128x16xf32, #tpu.memory_space<vmem>>)
    %iota3A_2101 = tpu.iota {dimensions = array<i32: 0>} : vector<16xi32>
    %scan3A_2102 = arith.constant 0 : i32
    %scan3A_2103 = arith.constant 0 : i32
    %scan3A_2104 = arith.constant 128 : i32
    %scan3A_2105 = arith.addi %scan3A_2103, %scan3A_2104 : i32
    %scan3A_2106 = arith.constant 1 : i32
    %scan3A_2107 = scf.for %scan3A_2111 = %scan3A_2103 to %scan3A_2105 step %scan3A_2106 iter_args(%scan3A_2112 = %scan3A_2102) -> (i32)  : i32 {
      %add3A_2113 = arith.constant 0 : i32
      %add3A_2114 = arith.addi %add3A_2113, %scan3A_2111 : i32
      %get3A = arith.index_cast %add3A_2114 : i32 to index
      %get3A_2115 = arith.constant 0 : index
      %get3A_2116 = tpu.vector_load %arg7[%get3A, %get3A_2115] {strides = array<i32>} : memref<2560x16xf32, #tpu.memory_space<vmem>>, vector<1x16xf32>,
      %get3A_2117 = vector.shape_cast %get3A_2116 : vector<1x16xf32> to vector<16xf32>
      %add3A_2118 = arith.constant 128 : i32
      %add3A_2119 = arith.addi %add3A_2118, %scan3A_2111 : i32
      %get3A_2120 = arith.index_cast %add3A_2119 : i32 to index
      %get3A_2121 = arith.constant 0 : index
      %get3A_2122 = tpu.vector_load %arg7[%get3A_2120, %get3A_2121] {strides = array<i32>} : memref<2560x16xf32, #tpu.memory_space<vmem>>, vector<1x16xf32>,
      %get3A_2123 = vector.shape_cast %get3A_2122 : vector<1x16xf32> to vector<16xf32>
      %add3A_2124 = arith.constant 256 : i32
      %add3A_2125 = arith.addi %add3A_2124, %scan3A_2111 : i32
      %get3A_2126 = arith.index_cast %add3A_2125 : i32 to index
      %get3A_2127 = arith.constant 0 : index
      %get3A_2128 = tpu.vector_load %arg7[%get3A_2126, %get3A_2127] {strides = array<i32>} : memref<2560x16xf32, #tpu.memory_space<vmem>>, vector<1x16xf32>,
      %get3A_2129 = vector.shape_cast %get3A_2128 : vector<1x16xf32> to vector<16xf32>
      %add3A_2130 = arith.constant 384 : i32
      %add3A_2131 = arith.addi %add3A_2130, %scan3A_2111 : i32
      %get3A_2132 = arith.index_cast %add3A_2131 : i32 to index
      %get3A_2133 = arith.constant 0 : index
      %get3A_2134 = tpu.vector_load %arg7[%get3A_2132, %get3A_2133] {strides = array<i32>} : memref<2560x16xf32, #tpu.memory_space<vmem>>, vector<1x16xf32>,
      %get3A_2135 = vector.shape_cast %get3A_2134 : vector<1x16xf32> to vector<16xf32>
      %add3A_2136 = arith.constant 512 : i32
      %add3A_2137 = arith.addi %add3A_2136, %scan3A_2111 : i32
      %get3A_2138 = arith.index_cast %add3A_2137 : i32 to index
      %get3A_2139 = arith.constant 0 : index
      %get3A_2140 = tpu.vector_load %arg7[%get3A_2138, %get3A_2139] {strides = array<i32>} : memref<2560x16xf32, #tpu.memory_space<vmem>>, vector<1x16xf32>,
      %get3A_2141 = vector.shape_cast %get3A_2140 : vector<1x16xf32> to vector<16xf32>
      %add3A_2142 = arith.constant 640 : i32
      %add3A_2143 = arith.addi %add3A_2142, %scan3A_2111 : i32
      %get3A_2144 = arith.index_cast %add3A_2143 : i32 to index
      %get3A_2145 = arith.constant 0 : index
      %get3A_2146 = tpu.vector_load %arg7[%get3A_2144, %get3A_2145] {strides = array<i32>} : memref<2560x16xf32, #tpu.memory_space<vmem>>, vector<1x16xf32>,
      %get3A_2147 = vector.shape_cast %get3A_2146 : vector<1x16xf32> to vector<16xf32>
      %add3A_2148 = arith.constant 768 : i32
      %add3A_2149 = arith.addi %add3A_2148, %scan3A_2111 : i32
      %get3A_2150 = arith.index_cast %add3A_2149 : i32 to index
      %get3A_2151 = arith.constant 0 : index
      %get3A_2152 = tpu.vector_load %arg7[%get3A_2150, %get3A_2151] {strides = array<i32>} : memref<2560x16xf32, #tpu.memory_space<vmem>>, vector<1x16xf32>,
      %get3A_2153 = vector.shape_cast %get3A_2152 : vector<1x16xf32> to vector<16xf32>
      %add3A_2154 = arith.constant 896 : i32
      %add3A_2155 = arith.addi %add3A_2154, %scan3A_2111 : i32
      %get3A_2156 = arith.index_cast %add3A_2155 : i32 to index
      %get3A_2157 = arith.constant 0 : index
      %get3A_2158 = tpu.vector_load %arg7[%get3A_2156, %get3A_2157] {strides = array<i32>} : memref<2560x16xf32, #tpu.memory_space<vmem>>, vector<1x16xf32>,
      %get3A_2159 = vector.shape_cast %get3A_2158 : vector<1x16xf32> to vector<16xf32>
      %add3A_2160 = arith.constant 1024 : i32
      %add3A_2161 = arith.addi %add3A_2160, %scan3A_2111 : i32
      %get3A_2162 = arith.index_cast %add3A_2161 : i32 to index
      %get3A_2163 = arith.constant 0 : index
      %get3A_2164 = tpu.vector_load %arg7[%get3A_2162, %get3A_2163] {strides = array<i32>} : memref<2560x16xf32, #tpu.memory_space<vmem>>, vector<1x16xf32>,
      %get3A_2165 = vector.shape_cast %get3A_2164 : vector<1x16xf32> to vector<16xf32>
      %add3A_2166 = arith.constant 1152 : i32
      %add3A_2167 = arith.addi %add3A_2166, %scan3A_2111 : i32
      %get3A_2168 = arith.index_cast %add3A_2167 : i32 to index
      %get3A_2169 = arith.constant 0 : index
      %get3A_2170 = tpu.vector_load %arg7[%get3A_2168, %get3A_2169] {strides = array<i32>} : memref<2560x16xf32, #tpu.memory_space<vmem>>, vector<1x16xf32>,
      %get3A_2171 = vector.shape_cast %get3A_2170 : vector<1x16xf32> to vector<16xf32>
      %add3A_2172 = arith.constant 1280 : i32
      %add3A_2173 = arith.addi %add3A_2172, %scan3A_2111 : i32
      %get3A_2174 = arith.index_cast %add3A_2173 : i32 to index
      %get3A_2175 = arith.constant 0 : index
      %get3A_2176 = tpu.vector_load %arg7[%get3A_2174, %get3A_2175] {strides = array<i32>} : memref<2560x16xf32, #tpu.memory_space<vmem>>, vector<1x16xf32>,
      %get3A_2177 = vector.shape_cast %get3A_2176 : vector<1x16xf32> to vector<16xf32>
      %add3A_2178 = arith.constant 1408 : i32
      %add3A_2179 = arith.addi %add3A_2178, %scan3A_2111 : i32
      %get3A_2180 = arith.index_cast %add3A_2179 : i32 to index
      %get3A_2181 = arith.constant 0 : index
      %get3A_2182 = tpu.vector_load %arg7[%get3A_2180, %get3A_2181] {strides = array<i32>} : memref<2560x16xf32, #tpu.memory_space<vmem>>, vector<1x16xf32>,
      %get3A_2183 = vector.shape_cast %get3A_2182 : vector<1x16xf32> to vector<16xf32>
      %add3A_2184 = arith.constant 1536 : i32
      %add3A_2185 = arith.addi %add3A_2184, %scan3A_2111 : i32
      %get3A_2186 = arith.index_cast %add3A_2185 : i32 to index
      %get3A_2187 = arith.constant 0 : index
      %get3A_2188 = tpu.vector_load %arg7[%get3A_2186, %get3A_2187] {strides = array<i32>} : memref<2560x16xf32, #tpu.memory_space<vmem>>, vector<1x16xf32>,
      %get3A_2189 = vector.shape_cast %get3A_2188 : vector<1x16xf32> to vector<16xf32>
      %add3A_2190 = arith.constant 1664 : i32
      %add3A_2191 = arith.addi %add3A_2190, %scan3A_2111 : i32
      %get3A_2192 = arith.index_cast %add3A_2191 : i32 to index
      %get3A_2193 = arith.constant 0 : index
      %get3A_2194 = tpu.vector_load %arg7[%get3A_2192, %get3A_2193] {strides = array<i32>} : memref<2560x16xf32, #tpu.memory_space<vmem>>, vector<1x16xf32>,
      %get3A_2195 = vector.shape_cast %get3A_2194 : vector<1x16xf32> to vector<16xf32>
      %add3A_2196 = arith.constant 1792 : i32
      %add3A_2197 = arith.addi %add3A_2196, %scan3A_2111 : i32
      %get3A_2198 = arith.index_cast %add3A_2197 : i32 to index
      %get3A_2199 = arith.constant 0 : index
      %get3A_2200 = tpu.vector_load %arg7[%get3A_2198, %get3A_2199] {strides = array<i32>} : memref<2560x16xf32, #tpu.memory_space<vmem>>, vector<1x16xf32>,
      %get3A_2201 = vector.shape_cast %get3A_2200 : vector<1x16xf32> to vector<16xf32>
      %add3A_2202 = arith.constant 1920 : i32
      %add3A_2203 = arith.addi %add3A_2202, %scan3A_2111 : i32
      %get3A_2204 = arith.index_cast %add3A_2203 : i32 to index
      %get3A_2205 = arith.constant 0 : index
      %get3A_2206 = tpu.vector_load %arg7[%get3A_2204, %get3A_2205] {strides = array<i32>} : memref<2560x16xf32, #tpu.memory_space<vmem>>, vector<1x16xf32>,
      %get3A_2207 = vector.shape_cast %get3A_2206 : vector<1x16xf32> to vector<16xf32>
      %add3A_2208 = arith.constant 2048 : i32
      %add3A_2209 = arith.addi %add3A_2208, %scan3A_2111 : i32
      %get3A_2210 = arith.index_cast %add3A_2209 : i32 to index
      %get3A_2211 = arith.constant 0 : index
      %get3A_2212 = tpu.vector_load %arg7[%get3A_2210, %get3A_2211] {strides = array<i32>} : memref<2560x16xf32, #tpu.memory_space<vmem>>, vector<1x16xf32>,
      %get3A_2213 = vector.shape_cast %get3A_2212 : vector<1x16xf32> to vector<16xf32>
      %add3A_2214 = arith.constant 2176 : i32
      %add3A_2215 = arith.addi %add3A_2214, %scan3A_2111 : i32
      %get3A_2216 = arith.index_cast %add3A_2215 : i32 to index
      %get3A_2217 = arith.constant 0 : index
      %get3A_2218 = tpu.vector_load %arg7[%get3A_2216, %get3A_2217] {strides = array<i32>} : memref<2560x16xf32, #tpu.memory_space<vmem>>, vector<1x16xf32>,
      %get3A_2219 = vector.shape_cast %get3A_2218 : vector<1x16xf32> to vector<16xf32>
      %add3A_2220 = arith.constant 2304 : i32
      %add3A_2221 = arith.addi %add3A_2220, %scan3A_2111 : i32
      %get3A_2222 = arith.index_cast %add3A_2221 : i32 to index
      %get3A_2223 = arith.constant 0 : index
      %get3A_2224 = tpu.vector_load %arg7[%get3A_2222, %get3A_2223] {strides = array<i32>} : memref<2560x16xf32, #tpu.memory_space<vmem>>, vector<1x16xf32>,
      %get3A_2225 = vector.shape_cast %get3A_2224 : vector<1x16xf32> to vector<16xf32>
      %add3A_2226 = arith.constant 2432 : i32
      %add3A_2227 = arith.addi %add3A_2226, %scan3A_2111 : i32
      %get3A_2228 = arith.index_cast %add3A_2227 : i32 to index
      %get3A_2229 = arith.constant 0 : index
      %get3A_2230 = tpu.vector_load %arg7[%get3A_2228, %get3A_2229] {strides = array<i32>} : memref<2560x16xf32, #tpu.memory_space<vmem>>, vector<1x16xf32>,
      %get3A_2231 = vector.shape_cast %get3A_2230 : vector<1x16xf32> to vector<16xf32>
      %add3A_2232 = arith.addf %get3A_2117, %get3A_2123 : vector<16xf32>
      %add3A_2233 = arith.addf %get3A_2129, %get3A_2135 : vector<16xf32>
      %add3A_2234 = arith.addf %get3A_2141, %get3A_2147 : vector<16xf32>
      %add3A_2235 = arith.addf %get3A_2153, %get3A_2159 : vector<16xf32>
      %add3A_2236 = arith.addf %get3A_2165, %get3A_2171 : vector<16xf32>
      %add3A_2237 = arith.addf %get3A_2177, %get3A_2183 : vector<16xf32>
      %add3A_2238 = arith.addf %get3A_2189, %get3A_2195 : vector<16xf32>
      %add3A_2239 = arith.addf %get3A_2201, %get3A_2207 : vector<16xf32>
      %add3A_2240 = arith.addf %get3A_2213, %get3A_2219 : vector<16xf32>
      %add3A_2241 = arith.addf %get3A_2225, %get3A_2231 : vector<16xf32>
      %add3A_2242 = arith.addf %add3A_2232, %add3A_2233 : vector<16xf32>
      %add3A_2243 = arith.addf %add3A_2234, %add3A_2235 : vector<16xf32>
      %add3A_2244 = arith.addf %add3A_2236, %add3A_2237 : vector<16xf32>
      %add3A_2245 = arith.addf %add3A_2238, %add3A_2239 : vector<16xf32>
      %add3A_2246 = arith.addf %add3A_2240, %add3A_2241 : vector<16xf32>
      %add3A_2247 = arith.addf %add3A_2242, %add3A_2243 : vector<16xf32>
      %add3A_2248 = arith.addf %add3A_2244, %add3A_2245 : vector<16xf32>
      %add3A_2249 = arith.addf %add3A_2247, %add3A_2248 : vector<16xf32>
      %add3A_2250 = arith.addf %add3A_2249, %add3A_2246 : vector<16xf32>
      %mul3A_2251 = arith.mulf %add3A_2250, %add3A_2250 : vector<16xf32>
      %xor3A = arith.constant 1 : i32
      %xor3A_2252 = vector.broadcast %xor3A : i32 to vector<16xi32>
      %xor3A_2253 = arith.xori %iota3A_2101, %xor3A_2252 : vector<16xi32>
      %broadcast_in_dim3A = vector.shape_cast %xor3A_2253 : vector<16xi32> to vector<16x1xi32>
      %gather3A = vector.shape_cast %broadcast_in_dim3A : vector<16x1xi32> to vector<16xi32>
      %gather3A_2254 = tpu.dynamic_gather %mul3A_2251[%gather3A] in [0] : vector<16xf32>, vector<16xi32> -> vector<16xf32>
      %add3A_2255 = arith.addf %mul3A_2251, %gather3A_2254 : vector<16xf32>
      %xor3A_2256 = arith.constant 2 : i32
      %xor3A_2257 = vector.broadcast %xor3A_2256 : i32 to vector<16xi32>
      %xor3A_2258 = arith.xori %iota3A_2101, %xor3A_2257 : vector<16xi32>
      %broadcast_in_dim3A_2259 = vector.shape_cast %xor3A_2258 : vector<16xi32> to vector<16x1xi32>
      %gather3A_2260 = vector.shape_cast %broadcast_in_dim3A_2259 : vector<16x1xi32> to vector<16xi32>
      %gather3A_2261 = tpu.dynamic_gather %add3A_2255[%gather3A_2260] in [0] : vector<16xf32>, vector<16xi32> -> vector<16xf32>
      %add3A_2262 = arith.addf %add3A_2255, %gather3A_2261 : vector<16xf32>
      %xor3A_2263 = arith.constant 4 : i32
      %xor3A_2264 = vector.broadcast %xor3A_2263 : i32 to vector<16xi32>
      %xor3A_2265 = arith.xori %iota3A_2101, %xor3A_2264 : vector<16xi32>
      %broadcast_in_dim3A_2266 = vector.shape_cast %xor3A_2265 : vector<16xi32> to vector<16x1xi32>
      %gather3A_2267 = vector.shape_cast %broadcast_in_dim3A_2266 : vector<16x1xi32> to vector<16xi32>
      %gather3A_2268 = tpu.dynamic_gather %add3A_2262[%gather3A_2267] in [0] : vector<16xf32>, vector<16xi32> -> vector<16xf32>
      %add3A_2269 = arith.addf %add3A_2262, %gather3A_2268 : vector<16xf32>
      %xor3A_2270 = arith.constant 8 : i32
      %xor3A_2271 = vector.broadcast %xor3A_2270 : i32 to vector<16xi32>
      %xor3A_2272 = arith.xori %iota3A_2101, %xor3A_2271 : vector<16xi32>
      %broadcast_in_dim3A_2273 = vector.shape_cast %xor3A_2272 : vector<16xi32> to vector<16x1xi32>
      %gather3A_2274 = vector.shape_cast %broadcast_in_dim3A_2273 : vector<16x1xi32> to vector<16xi32>
      %gather3A_2275 = tpu.dynamic_gather %add3A_2269[%gather3A_2274] in [0] : vector<16xf32>, vector<16xi32> -> vector<16xf32>
      %add3A_2276 = arith.addf %add3A_2269, %gather3A_2275 : vector<16xf32>
      %bitcast_convert_type3A = tpu.bitcast %add3A_2276 : vector<16xf32> -> vector<16xi32>
      %shift_right_arithmetic3A = arith.constant 1 : i32
      %shift_right_arithmetic3A_2277 = vector.broadcast %shift_right_arithmetic3A : i32 to vector<16xi32>
      %shift_right_arithmetic3A_2278 = arith.shrsi %bitcast_convert_type3A, %shift_right_arithmetic3A_2277 : vector<16xi32>
      %sub3A = arith.constant 1597463007 : i32
      %sub3A_2279 = vector.broadcast %sub3A : i32 to vector<16xi32>
      %sub3A_2280 = arith.subi %sub3A_2279, %shift_right_arithmetic3A_2278 : vector<16xi32>
      %bitcast_convert_type3A_2281 = tpu.bitcast %sub3A_2280 : vector<16xi32> -> vector<16xf32>
      %mul3A_2282 = arith.constant 5.000000e-01 : f32
      %mul3A_2283 = vector.broadcast %mul3A_2282 : f32 to vector<16xf32>
      %mul3A_2284 = arith.mulf %add3A_2276, %mul3A_2283 : vector<16xf32>
      %mul3A_2285 = arith.mulf %mul3A_2284, %bitcast_convert_type3A_2281 : vector<16xf32>
      %mul3A_2286 = arith.mulf %mul3A_2285, %bitcast_convert_type3A_2281 : vector<16xf32>
      %sub3A_2287 = arith.constant 1.500000e+00 : f32
      %sub3A_2288 = vector.broadcast %sub3A_2287 : f32 to vector<16xf32>
      %sub3A_2289 = arith.subf %sub3A_2288, %mul3A_2286 : vector<16xf32>
      %mul3A_2290 = arith.mulf %bitcast_convert_type3A_2281, %sub3A_2289 : vector<16xf32>
      %mul3A_2291 = arith.mulf %mul3A_2284, %mul3A_2290 : vector<16xf32>
      %mul3A_2292 = arith.mulf %mul3A_2291, %mul3A_2290 : vector<16xf32>
      %sub3A_2293 = arith.constant 1.500000e+00 : f32
      %sub3A_2294 = vector.broadcast %sub3A_2293 : f32 to vector<16xf32>
      %sub3A_2295 = arith.subf %sub3A_2294, %mul3A_2292 : vector<16xf32>
      %mul3A_2296 = arith.mulf %mul3A_2290, %sub3A_2295 : vector<16xf32>
      %mul3A_2297 = arith.mulf %mul3A_2284, %mul3A_2296 : vector<16xf32>
      %mul3A_2298 = arith.mulf %mul3A_2297, %mul3A_2296 : vector<16xf32>
      %sub3A_2299 = arith.constant 1.500000e+00 : f32
      %sub3A_2300 = vector.broadcast %sub3A_2299 : f32 to vector<16xf32>
      %sub3A_2301 = arith.subf %sub3A_2300, %mul3A_2298 : vector<16xf32>
      %mul3A_2302 = arith.mulf %mul3A_2296, %sub3A_2301 : vector<16xf32>
      %mul3A_2303 = arith.mulf %add3A_2250, %mul3A_2302 : vector<16xf32>
      %add3A_2304 = arith.constant 384 : i32
      %add3A_2305 = arith.addi %add3A_2304, %scan3A_2111 : i32
      %swap3A = arith.index_cast %add3A_2305 : i32 to index
      %swap3A_2306 = arith.constant 0 : index
      %swap3A_2307 = tpu.vector_load %arg8[%swap3A, %swap3A_2306] {strides = array<i32>} : memref<512x16xf32, #tpu.memory_space<vmem>>, vector<1x16xf32>,
      %swap3A_2308 = vector.shape_cast %swap3A_2307 : vector<1x16xf32> to vector<16xf32>
      %swap3A_2309 = vector.shape_cast %mul3A_2303 : vector<16xf32> to vector<1x16xf32>
      tpu.vector_store %arg8[%swap3A, %swap3A_2306], %swap3A_2309 {strides = array<i32>} : memref<512x16xf32, #tpu.memory_space<vmem>>, vector<1x16xf32>,
      %scan3A_2310 = arith.constant 0 : i32
      scf.yield %scan3A_2310 : i32
    }
    %scan3A_2108 = arith.constant 128 : i32
    %mul3A_2109 = arith.constant 512 : i32
    %mul3A_2110 = arith.muli %add3A, %mul3A_2109 : i32
    "tpu.region"() ({
      %run_scoped3A = tpu.sem_alloc : memref<!tpu.dma_semaphore, #tpu.memory_space<semaphore_mem>>
      %dma_start3A_2111 = arith.constant 0 : i32
      %dma_start3A_2112 = tpu.memref_slice %arg4[%mul3A_2110, %dma_start3A_2111] : memref<16384x16xf32, #tpu.memory_space<hbm>> -> memref<512x16xf32, #tpu.memory_space<hbm>>
      %dma_start3A_2113 = arith.constant 0 : i32
      %dma_start3A_2114 = tpu.memref_slice %arg4[%mul3A_2110, %dma_start3A_2113] : memref<16384x16xf32, #tpu.memory_space<hbm>> -> memref<512x16xf32, #tpu.memory_space<hbm>>
      tpu.enqueue_dma source(%arg8 : memref<512x16xf32, #tpu.memory_space<vmem>>) target(%dma_start3A_2114 : memref<512x16xf32, #tpu.memory_space<hbm>>) target_semaphore(%run_scoped3A : memref<!tpu.dma_semaphore, #tpu.memory_space<semaphore_mem>>)
      %dma_wait3A_2115 = arith.constant 0 : i32
      %dma_wait3A_2116 = tpu.memref_slice %arg4[%mul3A_2110, %dma_wait3A_2115] : memref<16384x16xf32, #tpu.memory_space<hbm>> -> memref<512x16xf32, #tpu.memory_space<hbm>>
      %dma_wait3A_2117 = arith.constant 0 : i32
      %dma_wait3A_2118 = tpu.memref_slice %arg4[%mul3A_2110, %dma_wait3A_2117] : memref<16384x16xf32, #tpu.memory_space<hbm>> -> memref<512x16xf32, #tpu.memory_space<hbm>>
      tpu.wait_dma2 semaphore(%run_scoped3A : memref<!tpu.dma_semaphore, #tpu.memory_space<semaphore_mem>>) src(%arg8 : memref<512x16xf32, #tpu.memory_space<vmem>>) dst(%dma_wait3A_2118 : memref<512x16xf32, #tpu.memory_space<hbm>>)
      tpu.yield
    }) : () -> ()
    return
  }
}

</mosaic_0001>

<sc_bundles>
// kernel: kernel.3.cloned.1.call-start
scs
__scs_entry_jumppad:
0x0: {  	(pc) =	sbr.rel $0x88, $3  }
0x1: {  	(tag) =	ssettag $0x0;
	lr =	simm.s32 $0x1  }
0x2: {  	[smem:$0x3F9F] =	sst lr;
	_ =	strace $0xD0000000  }
0x3: {  	_ = 	snop  }
0x4: {  	_ = 	snop  }
0x5: {  	_ = 	snop  }
0x6: {  	_ = 	snop  }
0x7: {  	_ = 	snop  }
__scs_overlays_trampoline_lowered:
0x8: {  	[smem:$0x3FAE] =	sst s0  }
0x9: {  	[smem:$0x3FAF] =	sst s1  }
0xa: {  	[smem:$0x3FB0] =	sst s2  }
0xb: {  	[smem:$0x3FB1] =	sst s3  }
0xc: {  	[smem:$0x3FB2] =	sst s4  }
0xd: {  	[smem:$0x3FB3] =	sst s5  }
0xe: {  	[smem:$0x3FB4] =	sst s6  }
0xf: {  	[smem:$0x3FB5] =	sst s7  }
0x10: {  	[smem:$0x3FB6] =	sst s8  }
0x11: {  	[smem:$0x3FB7] =	sst s9;
	s0 =	simm.s32 @!p0 $0x0  }
0x12: {  	s1 =	sld [smem:$0x3F9D];
	s0 =	simm.s32 @p0 $0x1  }
0x13: {  	[smem:$0x3FB8] =	sst s0;
	s0 =	simm.s32 @!p1 $0x0  }
0x14: {  	s2 =	sld [smem:$0x3F9C];
	s0 =	simm.s32 @p1 $0x1  }
0x15: {  	[smem:$0x3FB9] =	sst s0;
	s0 =	simm.s32 @!p2 $0x0  }
0x16: {  	s3 =	sld [smem:$0x3FDB];
	s0 =	simm.s32 @p2 $0x1  }
0x17: {  	s4 =	simm.s32 $0x1BF5;
	[smem:$0x3FBB] =	sst s0  }
0x18: {  	s0 =	sld [smem:$0x3F9E];
	_ =	swait.ge [sflag:s4], $0x0  }
0x19: {  	s7 =	sld [smem:$0x3F9F]  }
0x1a: {  	s8 =	sadd.s32 $0xFFFFE003, lr  }
0x1b: {  	s9 =	sadd.s32 $0xFFFFFEF7, lr;
	s5 =	simm.s32 $0xFFFFFFFF;
	p2 =	slt.u32 s8, $0xFFFFF086  }
0x1c: {  	p1 =	slt.u32 s9, $0xF7A;
	s5 =	simm.s32 @!p2 $0x0  }
0x1d: {  	s5 =	simm.s32 @p1 $0x1;
	p0 =	seq.s32 s7, s2  }
0x1e: {  	s7 =	smul.u32 @!p0 $0xF7A, s2;
	p2 =	seq.s32 @!p0 s5, $0x0  }
0x1f: {  	s9 =	smul.u32 $0xF7A, s1;
	s8 =	simm.s32 @!p0 $0x1BF5;
	p2 =	por !p2, p0  }
0x20: {  	[sflag:s8] =	ssyncset.s32 @!p0 $0xFFFFF086;
	s6 =	sadd.s32 @!p0 s3, s7;
	s7 =	simm.s32 @!p0 $0x108  }
0x21: {  	s3 =	sadd.s32 s3, s9;
	s6 =	sadd.s32 @!p0 $0x88, s6;
	s7 =	simm.s32 @p2 $0x1082  }
0x22: {  	[simem:s7], [sflag:s8] =	dma.local @!p0 [hbm:s6], $0xF7A  }
0x23: {  	s9 =	sor.u32 $0xD0000000, s2;
	s6 =	simm.s32 $0x108;
	_ =	swait.ge @!p0 [sflag:s8], $0x0  }
0x24: {  	s3 =	sadd.s32 $0x88, s3;
	s6 =	simm.s32 @!p1 $0x1082;
	[sflag:s4] =	ssyncset.s32 $0xFFFFF086  }
0x25: {  	[simem:s6], [sflag:s4] =	dma.local [hbm:s3], $0xF7A  }
0x26: {  	[smem:$0x3F9F] =	sst s1;
	(tag) =	ssettag s2;
	_ =	strace s9  }
0x27: {  	s1 =	sld [smem:$0x3FAF]  }
0x28: {  	s2 =	sld [smem:$0x3FB0]  }
0x29: {  	s4 =	sld [smem:$0x3FB2]  }
0x2a: {  	p0 =	seq.s32 s5, $0x0;
	s5 =	sld [smem:$0x3FB3]  }
0x2b: {  	s6 =	sld [smem:$0x3FB4]  }
0x2c: {  	s7 =	sld [smem:$0x3FB5]  }
0x2d: {  	s3 =	simm.s32 $0x108;
	s8 =	sld [smem:$0x3FB6]  }
0x2e: {  	s3 =	simm.s32 @!p0 $0x1082;
	s9 =	sld [smem:$0x3FB7]  }
0x2f: {  	lr =	sadd.s32 s0, s3;
	s0 =	sld [smem:$0x3FAE]  }
0x30: {  	s3 =	sld [smem:$0x3FB1]  }
0x31: {  	[smem:$0x3FBA] =	sst s10  }
0x32: {  	s10 =	sld [smem:$0x3FB8];
	_ =	sdelay $0x3  }
0x33: {  	p0 =	seq.s32 s10, $0x1;
	s10 =	sld [smem:$0x3FBA];
	_ =	sdelay $0x3  }
0x34: {  	[smem:$0x3FBA] =	sst s10  }
0x35: {  	s10 =	sld [smem:$0x3FB9];
	_ =	sdelay $0x3  }
0x36: {  	p1 =	seq.s32 s10, $0x1;
	s10 =	sld [smem:$0x3FBA];
	_ =	sdelay $0x3  }
0x37: {  	[smem:$0x3FBA] =	sst s10  }
0x38: {  	s10 =	sld [smem:$0x3FBB]  }
0x39: {  	_ = 	snop;
	(pc) =	sbr.ind lr, $3  }
0x3a: {  	_ = 	snop  }
0x3b: {  	_ = 	snop  }
0x3c: {  	p2 =	seq.s32 s10, $0x1;
	s10 =	sld [smem:$0x3FBA]  }
0x3d: {  	_ =	shalt  }
0x3e: {  	_ =	shalt  }
0x3f: {  	_ =	shalt  }
0x40: {  	_ =	shalt  }
0x41: {  	_ =	shalt  }
0x42: {  	_ =	shalt  }
0x43: {  	_ =	shalt  }
0x44: {  	_ =	shalt  }
0x45: {  	_ =	shalt  }
0x46: {  	_ =	shalt  }
0x47: {  	_ =	shalt  }
0x48: {  	_ =	shalt  }
0x49: {  	_ =	shalt  }
0x4a: {  	_ =	shalt  }
0x4b: {  	_ =	shalt  }
0x4c: {  	_ =	shalt  }
0x4d: {  	_ =	shalt  }
0x4e: {  	_ =	shalt  }
0x4f: {  	_ =	shalt  }
0x50: {  	_ =	shalt  }
0x51: {  	_ =	shalt  }
0x52: {  	_ =	shalt  }
0x53: {  	_ =	shalt  }
0x54: {  	_ =	shalt  }
0x55: {  	_ =	shalt  }
0x56: {  	_ =	shalt  }
0x57: {  	_ =	shalt  }
0x58: {  	_ =	shalt  }
0x59: {  	_ =	shalt  }
0x5a: {  	_ =	shalt  }
0x5b: {  	_ =	shalt  }
0x5c: {  	_ =	shalt  }
0x5d: {  	_ =	shalt  }
0x5e: {  	_ =	shalt  }
0x5f: {  	_ =	shalt  }
0x60: {  	_ =	shalt  }
0x61: {  	_ =	shalt  }
0x62: {  	_ =	shalt  }
0x63: {  	_ =	shalt  }
0x64: {  	_ =	shalt  }
0x65: {  	_ =	shalt  }
0x66: {  	_ =	shalt  }
0x67: {  	_ =	shalt  }
0x68: {  	_ =	shalt  }
0x69: {  	_ =	shalt  }
0x6a: {  	_ =	shalt  }
0x6b: {  	_ =	shalt  }
0x6c: {  	_ =	shalt  }
0x6d: {  	_ =	shalt  }
0x6e: {  	_ =	shalt  }
0x6f: {  	_ =	shalt  }
0x70: {  	_ =	shalt  }
0x71: {  	_ =	shalt  }
0x72: {  	_ =	shalt  }
0x73: {  	_ =	shalt  }
0x74: {  	_ =	shalt  }
0x75: {  	_ =	shalt  }
0x76: {  	_ =	shalt  }
0x77: {  	_ =	shalt  }
0x78: {  	_ =	shalt  }
0x79: {  	_ =	shalt  }
0x7a: {  	_ =	shalt  }
0x7b: {  	_ =	shalt  }
0x7c: {  	_ =	shalt  }
0x7d: {  	_ =	shalt  }
0x7e: {  	_ =	shalt  }
0x7f: {  	_ =	shalt  }
0x80: {  	_ =	shalt  }
0x81: {  	_ =	shalt  }
0x82: {  	_ =	shalt  }
0x83: {  	_ =	shalt  }
0x84: {  	_ =	shalt  }
0x85: {  	_ =	shalt  }
0x86: {  	_ =	shalt  }
0x87: {  	_ =	shalt  }
.Lfunc_end0:
.L_simem_size_0:
called_computation_lowered:
.L_overlay_start_0:
0x88: {  	s2 =	sld [smem:$0x3FD9]  }
0x89: {  	s3 =	sld [smem:$0x3FFE];
	_ =	sdelay $0x1  }
0x8a: {  	s1 =	srdreg.scid  }
0x8b: {  	s0 =	sand.u32 $0x1, s1  }
0x8c: {  	s17 =	sshll.u32 s0, $0xA;
	s2 =	sadd.s32 s3, s2  }
0x8d: {  	s2 =	sadd.s32 s2, s17  }
0x8e: {  	[smem:$0x3FC6] =	sst s2  }
0x8f: {  	_ = 	snop  }
0x90: {  	s2 =	sld [smem:$0x3FD0];
	(tm) =	ssettm $0x1  }
0x91: {  	s18 =	sld [smem:$0x3FFB];
	_ =	sdelay $0x3  }
0x92: {  	_ =	strace s18  }
0x93: {  	s3 =	sld [smem:$0x3FFC];
	_ =	sdelay $0x3  }
0x94: {  	_ =	strace s3  }
0x95: {  	s3 =	sld [smem:$0x3FFD];
	_ =	sdelay $0x3  }
0x96: {  	_ =	strace s3  }
0x97: {  	_ =	strace $0x8FFFFFFF  }
0x98: {  	s19 =	sld [smem:$0x3FDB];
	_ =	sdelay $0x1  }
0x99: {  	s4 =	simm.s32 $_scs_section_size  }
0x9a: {  	s5 =	simm.s32 $_size__tile_overlayer_lowered;
	s6 =	simm.s32 $_tile_overlayer_lowered  }
0x9b: {  	s22 =	simm.s32 $0x1BFF;
	s21 =	sshll.u32 s6, $0x1;
	s3 =	sadd.s32 s4, s19  }
0x9c: {  	s7 =	simm.s32 $0x0;
	s20 =	sshll.u32 s5, $0x1;
	s5 =	sadd.s32 s21, s3  }
0x9d: {  	[timem:s7], [sflag:s22] =	dma.local [hbm:s5], s20  }
0x9e: {  	_ =	swait.ge [sflag:s22], s20  }
0x9f: {  	s4 =	ssub.s32 $0x0, s20;
	[sflag:s22] =	ssyncset.done $0x0  }
0xa0: {  	[sflag:s22] =	ssyncadd.s32 s4;
	_ =	sdelay $0x1  }
0xa1: {  	s23 =	simm.s32 $0x1B8B  }
0xa2: {  	_ =	swait.ge [sflag:s23], $0x1  }
0xa3: {  	[sflag:s23] =	ssyncset.done $0x0  }
0xa4: {  	s25 =	simm.s32 $0x1B8E;
	s24 =	sld [smem:$0x3FFE];
	[sflag:s23] =	ssyncadd.s32 $0xFFFFFFFF  }
0xa5: {  	s26 =	simm.s32 $execute0_lowered;
	[smem:$0x3FD2] =	sst s25  }
0xa6: {  	s5 =	sshll.u32 s26, $0x1;
	_ =	strace $0x80000046;
	[dreg:$0x1] =	wrdreg $0xFFFFFFFF  }
0xa7: {  	s28 =	simm.s32 $_size_execute0_lowered;
	s3 =	sadd.s32 s3, s5;
	[dreg:$0x0] =	wrdreg $0x0  }
0xa8: {  	s5 =	sshll.u32 s28, $0x1;
	[dreg:$0x2] =	wrdreg s3  }
0xa9: {  	[dreg:$0x3] =	wrdreg s5  }
0xaa: {  	[dreg:$0x4] =	wrdreg $0xC0  }
0xab: {  	_ =	task [dreg:s7], $0x5FFFF  }
0xac: {  	[dreg:$0x1] =	wrdreg $0xFFFFFFFF  }
0xad: {  	[dreg:$0x0] =	wrdreg $0x60  }
0xae: {  	[dreg:$0x2] =	wrdreg s24  }
0xaf: {  	[dreg:$0x3] =	wrdreg s2  }
0xb0: {  	[dreg:$0x4] =	wrdreg $0x9  }
0xb1: {  	_ =	task.clear_ibuf [dreg:s7], $0x5FFFF;
	_ =	strace $0x90000046  }
0xb2: {  	s29 =	simm.s32 $0x9;
	_ =	strace $0x80000048  }
0xb3: {  	_ =	swait.ge [sflag:s29], $0x1  }
0xb4: {  	[sflag:s29] =	ssyncadd.s32 $0xFFFFFFFF  }
0xb5: {  	_ =	strace $0x90000048  }
0xb6: {  	_ =	sfence  }
0xb7: {  	s30 =	sld [smem:$0x0];
	_ =	sdelay $0x2  }
0xb8: {  	s31 =	sshll.u32 s1, $0xD;
	s1 =	sshrl.u32 s1, $0x2  }
0xb9: {  	s3 =	sand.u32 $0x4000, s31;
	s1 =	sadd.s32 s1, s30  }
0xba: {  	s0 =	sor.u32 s3, s0;
	s1 =	sshll.u32 s1, $0x11  }
0xbb: {  	s0 =	sor.u32 s1, s0  }
0xbc: {  	s0 =	sadd.s32 $0x8F2B, s0  }
0xbd: {  	[sflag:s0] =	ssyncadd.remote.s32 $0x1  }
0xbe: {  	_ =	sfence.sel $0xFFFF  }
0xbf: {  	[dreg:$0x0] =	wrdreg $0xFFFFFFFF;
	(pc) =	sbr.abs _section_cstart, $3  }
0xc0: {  	[dreg:$0x1] =	wrdreg $0xFFFFFFFF  }
0xc1: {  	_ =	task.clear_ibuf [dreg:s7], $0x2FFFF;
	_ =	strace $0x9FFFFFFF  }
0xc2: {  	(tm) =	ssettm $0x7FFFFFFF  }
0xc3: {  	_ =	shalt  }
tec
execute0_lowered:
.L_overlay_start_1:
0x0: {  	(tag) =	ssettag $0x1  }
0x1: {  	s3 =	srdreg.scid;
	s4 =	stileid.u32  }
0x2: {  	s0 =	rddreg [dreg:$0x0];
	s3 =	sand.u32 $0x1, s3;
	s4 =	sshll.u32 s4, $0x1  }
0x3: {  	s1 =	rddreg [dreg:$0x1];
	s4 =	sor.u32 s3, s4  }
0x4: {  	s2 =	simm.s32 $0x0;
	s8 =	sshll.u32 s4, $0x6;
	s4 =	sshll.u32 s4, $0xA  }
0x5: {  	[smem:$0x7FF] =	sst s2;
	s7 =	sadd.s32 s8, s0;
	s1 =	sadd.s32 s1, s4  }
0x6: {  	_ =	strace $0x80000047;
	s10 =	sadd.s32 $0x600, s7;
	[dreg:$0x15] =	wrdreg s1  }
0x7: {  	s11 =	sadd.s32 $0xE00, s7;
	[dreg:$0x3] =	wrdreg s10  }
0x8: {  	s12 =	sadd.s32 $0x1600, s7;
	[dreg:$0x4] =	wrdreg s11  }
0x9: {  	s13 =	sadd.s32 $0x1E00, s7;
	[dreg:$0x5] =	wrdreg s12  }
0xa: {  	s14 =	sadd.s32 $0x2600, s7;
	[dreg:$0x6] =	wrdreg s13  }
0xb: {  	s15 =	sadd.s32 $0x2E00, s7;
	[dreg:$0x7] =	wrdreg s14  }
0xc: {  	s16 =	sadd.s32 $0x3600, s7;
	[dreg:$0x8] =	wrdreg s15  }
0xd: {  	s17 =	sadd.s32 $0x3E00, s7;
	[dreg:$0x9] =	wrdreg s16  }
0xe: {  	s18 =	sadd.s32 $0x4600, s7;
	[dreg:$0xa] =	wrdreg s17  }
0xf: {  	s19 =	sadd.s32 $0x4E00, s7;
	[dreg:$0xb] =	wrdreg s18  }
0x10: {  	s20 =	sadd.s32 $0x5600, s7;
	[dreg:$0xc] =	wrdreg s19  }
0x11: {  	v0 =	vimm.s32 $0xEFCDAB89;
	v1 =	vimm.s32 $0x67452301;
	s21 =	sadd.s32 $0x5E00, s7;
	[dreg:$0xd] =	wrdreg s20  }
0x12: {  	v2 =	vimm.s32 $0xDCFE98BA;
	v3 =	vimm.s32 $0x54761032;
	s22 =	sadd.s32 $0x6600, s7;
	[dreg:$0xe] =	wrdreg s21  }
0x13: {  	v4 =	vimm.s32 $0xBA98FEDC;
	v5 =	vimm.s32 $0x32107654;
	s23 =	sadd.s32 $0x6E00, s7;
	[dreg:$0xf] =	wrdreg s22  }
0x14: {  	v6 =	vimm.s32 $0xFEDCBA98;
	v7 =	vimm.s32 $0x76543210;
	v0 =	vunpack.c.l.s4.s8 v0;
	s24 =	sadd.s32 $0x7600, s7;
	[dreg:$0x10] =	wrdreg s23  }
0x15: {  	s30 =	simm.s32 $0x1;
	v1 =	vunpack.c.l.s4.s8 v1;
	v2 =	vunpack.c.l.s4.s8 v2;
	v3 =	vunpack.c.l.s4.s8 v3;
	s25 =	sadd.s32 $0x7E00, s7;
	[dreg:$0x11] =	wrdreg s24  }
0x16: {  	v6 =	vunpack.c.l.s4.s8 v6;
	v4 =	vunpack.c.l.s4.s8 v4;
	v5 =	vunpack.c.l.s4.s8 v5;
	s5 =	ssub.s32 $0x2, s3;
	s26 =	sadd.s32 $0x8600, s7;
	[dreg:$0x12] =	wrdreg s25  }
0x17: {  	v7 =	vunpack.c.l.s4.s8 v7;
	s3 =	sadd.s32 $0x187000, s0;
	v0 =	vunpack.c.0.s8.s32 v0;
	v1 =	vunpack.c.0.s8.s32 v1;
	s28 =	sadd.s32 $0x8E00, s7;
	[dreg:$0x13] =	wrdreg s26  }
0x18: {  	s6 =	sshrl.u32 s5, $0x1;
	v2 =	vunpack.c.0.s8.s32 v2;
	v3 =	vunpack.c.0.s8.s32 v3;
	v6 =	vunpack.c.0.s8.s32 v6;
	s29 =	sadd.s32 $0x9600, s7;
	[dreg:$0x14] =	wrdreg s28  }
0x19: {  	v4 =	vunpack.c.0.s8.s32 v4;
	v5 =	vunpack.c.0.s8.s32 v5;
	v7 =	vunpack.c.0.s8.s32 v7;
	s9 =	ssub.s32 s5, s6;
	s31 =	sadd.s32 $0x9E00, s7;
	[dreg:$0x16] =	wrdreg s29  }
0x1a: {  	s6 =	simm.s32 $0x80;
	s0 =	smax.u32 s9, $0x1;
	v0 =	vcombine.low v1, v0;
	v1 =	vcombine.low v3, v2;
	v3 =	vand.u32 $0xF, v6;
	[dreg:$0x17] =	wrdreg s31  }
0x1b: {  	v2 =	vcombine.low v5, v4;
	[dreg:$0x18] =	wrdreg s0;
	s13 =	simm.s32 $0x2;
	v3 =	vcombine.low v3, v7;
	s14 =	simm.s32 $0x0  }
.LBB2_1:
0x1c: {  	s7 =	rddreg [dreg:$0x3]  }
0x1d: {  	[tilespmem:s2], [sflag:$0x1] =	stream.linear.gather [hbm4b:s7+s2], $0x200, $0x38;
	[tilespmem:$0x18800] =	vst v63  }
0x1e: {  	s4 =	rddreg [dreg:$0x4];
	s15 =	simm.s32 $0x200  }
0x1f: {  	[tilespmem:s15], [sflag:$0x1] =	stream.linear.gather [hbm4b:s4+s2], $0x200, $0x38;
	[tilespmem:$0x18800] =	vst v63  }
0x20: {  	s5 =	rddreg [dreg:$0x5];
	s16 =	simm.s32 $0x400  }
0x21: {  	[tilespmem:s16], [sflag:$0x1] =	stream.linear.gather [hbm4b:s5+s2], $0x200, $0x38;
	[tilespmem:$0x18800] =	vst v63  }
0x22: {  	s8 =	rddreg [dreg:$0x6];
	s17 =	simm.s32 $0x600  }
0x23: {  	[tilespmem:s17], [sflag:$0x1] =	stream.linear.gather [hbm4b:s8+s2], $0x200, $0x38;
	[tilespmem:$0x18800] =	vst v63  }
0x24: {  	s9 =	rddreg [dreg:$0x7];
	s18 =	simm.s32 $0x800  }
0x25: {  	[tilespmem:s18], [sflag:$0x1] =	stream.linear.gather [hbm4b:s9+s2], $0x200, $0x38;
	[tilespmem:$0x18800] =	vst v63  }
0x26: {  	s10 =	rddreg [dreg:$0x8];
	s31 =	simm.s32 $0xA00  }
0x27: {  	[tilespmem:s31], [sflag:$0x1] =	stream.linear.gather [hbm4b:s10+s2], $0x200, $0x38;
	[tilespmem:$0x18800] =	vst v63  }
0x28: {  	s11 =	rddreg [dreg:$0x9];
	s0 =	simm.s32 $0xC00  }
0x29: {  	[tilespmem:s0], [sflag:$0x1] =	stream.linear.gather [hbm4b:s11+s2], $0x200, $0x38;
	[tilespmem:$0x18800] =	vst v63  }
0x2a: {  	s12 =	rddreg [dreg:$0xa];
	s19 =	simm.s32 $0xE00  }
0x2b: {  	[tilespmem:s19], [sflag:$0x1] =	stream.linear.gather [hbm4b:s12+s2], $0x200, $0x38;
	[tilespmem:$0x18800] =	vst v63  }
0x2c: {  	s20 =	rddreg [dreg:$0xb];
	s8 =	simm.s32 $0x1000  }
0x2d: {  	[tilespmem:s8], [sflag:$0x1] =	stream.linear.gather [hbm4b:s20+s2], $0x200, $0x38;
	[tilespmem:$0x18800] =	vst v63  }
0x2e: {  	s21 =	rddreg [dreg:$0xc];
	s20 =	simm.s32 $0x1200  }
0x2f: {  	[tilespmem:s20], [sflag:$0x1] =	stream.linear.gather [hbm4b:s21+s2], $0x200, $0x38;
	[tilespmem:$0x18800] =	vst v63  }
0x30: {  	s22 =	rddreg [dreg:$0xd];
	s1 =	simm.s32 $0x1400  }
0x31: {  	[tilespmem:s1], [sflag:$0x1] =	stream.linear.gather [hbm4b:s22+s2], $0x200, $0x38;
	[tilespmem:$0x18800] =	vst v63  }
0x32: {  	s23 =	rddreg [dreg:$0xe];
	s9 =	simm.s32 $0x1600  }
0x33: {  	[tilespmem:s9], [sflag:$0x1] =	stream.linear.gather [hbm4b:s23+s2], $0x200, $0x38;
	[tilespmem:$0x18800] =	vst v63  }
0x34: {  	s24 =	rddreg [dreg:$0xf];
	s21 =	simm.s32 $0x1800  }
0x35: {  	[tilespmem:s21], [sflag:$0x1] =	stream.linear.gather [hbm4b:s24+s2], $0x200, $0x38;
	[tilespmem:$0x18800] =	vst v63  }
0x36: {  	s25 =	rddreg [dreg:$0x10];
	s26 =	simm.s32 $0x1A00  }
0x37: {  	[tilespmem:s26], [sflag:$0x1] =	stream.linear.gather [hbm4b:s25+s2], $0x200, $0x38;
	[tilespmem:$0x18800] =	vst v63  }
0x38: {  	s5 =	rddreg [dreg:$0x11];
	s22 =	simm.s32 $0x1C00  }
0x39: {  	[tilespmem:s22], [sflag:$0x1] =	stream.linear.gather [hbm4b:s5+s2], $0x200, $0x38;
	[tilespmem:$0x18800] =	vst v63  }
0x3a: {  	s10 =	rddreg [dreg:$0x12];
	s23 =	simm.s32 $0x1E00  }
0x3b: {  	[tilespmem:s23], [sflag:$0x1] =	stream.linear.gather [hbm4b:s10+s2], $0x200, $0x38;
	[tilespmem:$0x18800] =	vst v63  }
0x3c: {  	s24 =	rddreg [dreg:$0x13];
	s10 =	simm.s32 $0x2000  }
0x3d: {  	[tilespmem:s10], [sflag:$0x1] =	stream.linear.gather [hbm4b:s24+s2], $0x200, $0x38;
	[tilespmem:$0x18800] =	vst v63  }
0x3e: {  	s25 =	rddreg [dreg:$0x14];
	s24 =	simm.s32 $0x2200  }
0x3f: {  	[tilespmem:s24], [sflag:$0x1] =	stream.linear.gather [hbm4b:s25+s2], $0x200, $0x38;
	[tilespmem:$0x18800] =	vst v63  }
0x40: {  	s28 =	simm.s32 $0x2400;
	s25 =	rddreg [dreg:$0x16]  }
0x41: {  	[tilespmem:s28], [sflag:$0x1] =	stream.linear.gather [hbm4b:s25+s2], $0x200, $0x38;
	[tilespmem:$0x18800] =	vst v63  }
0x42: {  	s7 =	rddreg [dreg:$0x17];
	s25 =	simm.s32 $0x2600  }
0x43: {  	[tilespmem:s25], [sflag:$0x1] =	stream.linear.gather [hbm4b:s7+s2], $0x200, $0x38;
	[tilespmem:$0x18800] =	vst v63  }
0x44: {  	_ =	swait.ge [sflag:s30], $0x200  }
0x45: {  	[sflag:s30] =	ssyncset.done $0x0  }
0x46: {  	[sflag:s30] =	ssyncadd.s32 $0xFFFFFE00  }
0x47: {  	_ =	swait.ge [sflag:s30], $0x200  }
0x48: {  	[sflag:s30] =	ssyncset.done $0x0  }
0x49: {  	[sflag:s30] =	ssyncadd.s32 $0xFFFFFE00  }
0x4a: {  	_ =	swait.ge [sflag:s30], $0x200  }
0x4b: {  	[sflag:s30] =	ssyncset.done $0x0  }
0x4c: {  	[sflag:s30] =	ssyncadd.s32 $0xFFFFFE00  }
0x4d: {  	_ =	swait.ge [sflag:s30], $0x200  }
0x4e: {  	[sflag:s30] =	ssyncset.done $0x0  }
0x4f: {  	[sflag:s30] =	ssyncadd.s32 $0xFFFFFE00  }
0x50: {  	_ =	swait.ge [sflag:s30], $0x200  }
0x51: {  	[sflag:s30] =	ssyncset.done $0x0  }
0x52: {  	[sflag:s30] =	ssyncadd.s32 $0xFFFFFE00  }
0x53: {  	_ =	swait.ge [sflag:s30], $0x200  }
0x54: {  	[sflag:s30] =	ssyncset.done $0x0  }
0x55: {  	[sflag:s30] =	ssyncadd.s32 $0xFFFFFE00  }
0x56: {  	_ =	swait.ge [sflag:s30], $0x200  }
0x57: {  	[sflag:s30] =	ssyncset.done $0x0  }
0x58: {  	[sflag:s30] =	ssyncadd.s32 $0xFFFFFE00  }
0x59: {  	_ =	swait.ge [sflag:s30], $0x200  }
0x5a: {  	[sflag:s30] =	ssyncset.done $0x0  }
0x5b: {  	[sflag:s30] =	ssyncadd.s32 $0xFFFFFE00  }
0x5c: {  	_ =	swait.ge [sflag:s30], $0x200  }
0x5d: {  	[sflag:s30] =	ssyncset.done $0x0  }
0x5e: {  	[sflag:s30] =	ssyncadd.s32 $0xFFFFFE00  }
0x5f: {  	_ =	swait.ge [sflag:s30], $0x200  }
0x60: {  	[sflag:s30] =	ssyncset.done $0x0  }
0x61: {  	[sflag:s30] =	ssyncadd.s32 $0xFFFFFE00  }
0x62: {  	_ =	swait.ge [sflag:s30], $0x200  }
0x63: {  	[sflag:s30] =	ssyncset.done $0x0  }
0x64: {  	[sflag:s30] =	ssyncadd.s32 $0xFFFFFE00  }
0x65: {  	_ =	swait.ge [sflag:s30], $0x200  }
0x66: {  	[sflag:s30] =	ssyncset.done $0x0  }
0x67: {  	[sflag:s30] =	ssyncadd.s32 $0xFFFFFE00  }
0x68: {  	_ =	swait.ge [sflag:s30], $0x200  }
0x69: {  	[sflag:s30] =	ssyncset.done $0x0  }
0x6a: {  	[sflag:s30] =	ssyncadd.s32 $0xFFFFFE00  }
0x6b: {  	_ =	swait.ge [sflag:s30], $0x200  }
0x6c: {  	[sflag:s30] =	ssyncset.done $0x0  }
0x6d: {  	[sflag:s30] =	ssyncadd.s32 $0xFFFFFE00  }
0x6e: {  	_ =	swait.ge [sflag:s30], $0x200  }
0x6f: {  	[sflag:s30] =	ssyncset.done $0x0  }
0x70: {  	[sflag:s30] =	ssyncadd.s32 $0xFFFFFE00  }
0x71: {  	_ =	swait.ge [sflag:s30], $0x200  }
0x72: {  	[sflag:s30] =	ssyncset.done $0x0  }
0x73: {  	[sflag:s30] =	ssyncadd.s32 $0xFFFFFE00  }
0x74: {  	_ =	swait.ge [sflag:s30], $0x200  }
0x75: {  	[sflag:s30] =	ssyncset.done $0x0  }
0x76: {  	[sflag:s30] =	ssyncadd.s32 $0xFFFFFE00  }
0x77: {  	_ =	swait.ge [sflag:s30], $0x200  }
0x78: {  	[sflag:s30] =	ssyncset.done $0x0  }
0x79: {  	[sflag:s30] =	ssyncadd.s32 $0xFFFFFE00  }
0x7a: {  	_ =	swait.ge [sflag:s30], $0x200  }
0x7b: {  	[sflag:s30] =	ssyncset.done $0x0  }
0x7c: {  	[sflag:s30] =	ssyncadd.s32 $0xFFFFFE00  }
0x7d: {  	_ =	swait.ge [sflag:s30], $0x200  }
0x7e: {  	[sflag:s30] =	ssyncset.done $0x0  }
0x7f: {  	s7 =	simm.s32 $0x2800;
	[sflag:s30] =	ssyncadd.s32 $0xFFFFFE00  }
0x80: {  	[tilespmem:s7], [sflag:$0x1] =	stream.indirect.gather [hbm4b:s3+s6], $0x10, s2, s6, $0xb8;
	[tilespmem:$0x18800] =	vst v63  }
0x81: {  	s7 =	simm.s32 $0x3000  }
0x82: {  	[tilespmem:s7], [sflag:$0x1] =	stream.indirect.gather [hbm4b:s3+s6], $0x10, s15, s6, $0xb8;
	[tilespmem:$0x18800] =	vst v63  }
0x83: {  	s15 =	simm.s32 $0x3800  }
0x84: {  	[tilespmem:s15], [sflag:$0x1] =	stream.indirect.gather [hbm4b:s3+s6], $0x10, s16, s6, $0xb8;
	[tilespmem:$0x18800] =	vst v63  }
0x85: {  	s16 =	simm.s32 $0x4000  }
0x86: {  	[tilespmem:s16], [sflag:$0x1] =	stream.indirect.gather [hbm4b:s3+s6], $0x10, s17, s6, $0xb8;
	[tilespmem:$0x18800] =	vst v63  }
0x87: {  	s15 =	simm.s32 $0x4800  }
0x88: {  	[tilespmem:s15], [sflag:$0x1] =	stream.indirect.gather [hbm4b:s3+s6], $0x10, s18, s6, $0xb8;
	[tilespmem:$0x18800] =	vst v63  }
0x89: {  	s16 =	simm.s32 $0x5000  }
0x8a: {  	[tilespmem:s16], [sflag:$0x1] =	stream.indirect.gather [hbm4b:s3+s6], $0x10, s31, s6, $0xb8;
	[tilespmem:$0x18800] =	vst v63  }
0x8b: {  	s17 =	simm.s32 $0x5800  }
0x8c: {  	[tilespmem:s17], [sflag:$0x1] =	stream.indirect.gather [hbm4b:s3+s6], $0x10, s0, s6, $0xb8;
	[tilespmem:$0x18800] =	vst v63  }
0x8d: {  	s11 =	simm.s32 $0x6000  }
0x8e: {  	[tilespmem:s11], [sflag:$0x1] =	stream.indirect.gather [hbm4b:s3+s6], $0x10, s19, s6, $0xb8;
	[tilespmem:$0x18800] =	vst v63  }
0x8f: {  	s4 =	simm.s32 $0x6800  }
0x90: {  	[tilespmem:s4], [sflag:$0x1] =	stream.indirect.gather [hbm4b:s3+s6], $0x10, s8, s6, $0xb8;
	[tilespmem:$0x18800] =	vst v63  }
0x91: {  	s4 =	simm.s32 $0x7000  }
0x92: {  	[tilespmem:s4], [sflag:$0x1] =	stream.indirect.gather [hbm4b:s3+s6], $0x10, s20, s6, $0xb8;
	[tilespmem:$0x18800] =	vst v63  }
0x93: {  	s12 =	simm.s32 $0x7800  }
0x94: {  	[tilespmem:s12], [sflag:$0x1] =	stream.indirect.gather [hbm4b:s3+s6], $0x10, s1, s6, $0xb8;
	[tilespmem:$0x18800] =	vst v63  }
0x95: {  	s29 =	simm.s32 $0x8000  }
0x96: {  	[tilespmem:s29], [sflag:$0x1] =	stream.indirect.gather [hbm4b:s3+s6], $0x10, s9, s6, $0xb8;
	[tilespmem:$0x18800] =	vst v63  }
0x97: {  	s11 =	simm.s32 $0x8800  }
0x98: {  	[tilespmem:s11], [sflag:$0x1] =	stream.indirect.gather [hbm4b:s3+s6], $0x10, s21, s6, $0xb8;
	[tilespmem:$0x18800] =	vst v63  }
0x99: {  	s12 =	simm.s32 $0x9000  }
0x9a: {  	[tilespmem:s12], [sflag:$0x1] =	stream.indirect.gather [hbm4b:s3+s6], $0x10, s26, s6, $0xb8;
	[tilespmem:$0x18800] =	vst v63  }
0x9b: {  	s20 =	simm.s32 $0x9800  }
0x9c: {  	[tilespmem:s20], [sflag:$0x1] =	stream.indirect.gather [hbm4b:s3+s6], $0x10, s22, s6, $0xb8;
	[tilespmem:$0x18800] =	vst v63  }
0x9d: {  	s21 =	simm.s32 $0xA000  }
0x9e: {  	[tilespmem:s21], [sflag:$0x1] =	stream.indirect.gather [hbm4b:s3+s6], $0x10, s23, s6, $0xb8;
	[tilespmem:$0x18800] =	vst v63  }
0x9f: {  	s5 =	simm.s32 $0xA800  }
0xa0: {  	[tilespmem:s5], [sflag:$0x1] =	stream.indirect.gather [hbm4b:s3+s6], $0x10, s10, s6, $0xb8;
	[tilespmem:$0x18800] =	vst v63  }
0xa1: {  	s5 =	simm.s32 $0xB000  }
0xa2: {  	[tilespmem:s5], [sflag:$0x1] =	stream.indirect.gather [hbm4b:s3+s6], $0x10, s24, s6, $0xb8;
	[tilespmem:$0x18800] =	vst v63  }
0xa3: {  	s22 =	simm.s32 $0xB800  }
0xa4: {  	[tilespmem:s22], [sflag:$0x1] =	stream.indirect.gather [hbm4b:s3+s6], $0x10, s28, s6, $0xb8;
	[tilespmem:$0x18800] =	vst v63  }
0xa5: {  	s23 =	simm.s32 $0xC000  }
0xa6: {  	[tilespmem:s23], [sflag:$0x1] =	stream.indirect.gather [hbm4b:s3+s6], $0x10, s25, s6, $0xb8;
	[tilespmem:$0x18800] =	vst v63  }
0xa7: {  	s24 =	simm.s32 $0xC800  }
0xa8: {  	[tilespmem:s24], [sflag:$0x2] =	stream.indirect.gather [hbm4b:s3+s6], $0x10, s6, s6, $0xb8;
	[tilespmem:$0x18800] =	vst v63  }
0xa9: {  	s18 =	simm.s32 $0x280;
	s25 =	simm.s32 $0xD000  }
0xaa: {  	[tilespmem:s25], [sflag:$0x2] =	stream.indirect.gather [hbm4b:s3+s6], $0x10, s18, s6, $0xb8;
	[tilespmem:$0x18800] =	vst v63  }
0xab: {  	s7 =	simm.s32 $0x480;
	s26 =	simm.s32 $0xD800  }
0xac: {  	[tilespmem:s26], [sflag:$0x2] =	stream.indirect.gather [hbm4b:s3+s6], $0x10, s7, s6, $0xb8;
	[tilespmem:$0x18800] =	vst v63  }
0xad: {  	s15 =	simm.s32 $0x680;
	s28 =	simm.s32 $0xE000  }
0xae: {  	[tilespmem:s28], [sflag:$0x2] =	stream.indirect.gather [hbm4b:s3+s6], $0x10, s15, s6, $0xb8;
	[tilespmem:$0x18800] =	vst v63  }
0xaf: {  	s16 =	simm.s32 $0x880;
	s29 =	simm.s32 $0xE800  }
0xb0: {  	[tilespmem:s29], [sflag:$0x2] =	stream.indirect.gather [hbm4b:s3+s6], $0x10, s16, s6, $0xb8;
	[tilespmem:$0x18800] =	vst v63  }
0xb1: {  	s17 =	simm.s32 $0xA80;
	s18 =	simm.s32 $0xF000  }
0xb2: {  	[tilespmem:s18], [sflag:$0x2] =	stream.indirect.gather [hbm4b:s3+s6], $0x10, s17, s6, $0xb8;
	[tilespmem:$0x18800] =	vst v63  }
0xb3: {  	s15 =	simm.s32 $0xC80;
	s16 =	simm.s32 $0xF800  }
0xb4: {  	[tilespmem:s16], [sflag:$0x2] =	stream.indirect.gather [hbm4b:s3+s6], $0x10, s15, s6, $0xb8;
	[tilespmem:$0x18800] =	vst v63  }
0xb5: {  	s17 =	simm.s32 $0xE80;
	s18 =	simm.s32 $0x10000  }
0xb6: {  	[tilespmem:s18], [sflag:$0x2] =	stream.indirect.gather [hbm4b:s3+s6], $0x10, s17, s6, $0xb8;
	[tilespmem:$0x18800] =	vst v63  }
0xb7: {  	s15 =	simm.s32 $0x1080;
	s16 =	simm.s32 $0x10800  }
0xb8: {  	[tilespmem:s16], [sflag:$0x2] =	stream.indirect.gather [hbm4b:s3+s6], $0x10, s15, s6, $0xb8;
	[tilespmem:$0x18800] =	vst v63  }
0xb9: {  	s17 =	simm.s32 $0x1280;
	s18 =	simm.s32 $0x11000  }
0xba: {  	[tilespmem:s18], [sflag:$0x2] =	stream.indirect.gather [hbm4b:s3+s6], $0x10, s17, s6, $0xb8;
	[tilespmem:$0x18800] =	vst v63  }
0xbb: {  	s15 =	simm.s32 $0x1480;
	s16 =	simm.s32 $0x11800  }
0xbc: {  	[tilespmem:s16], [sflag:$0x2] =	stream.indirect.gather [hbm4b:s3+s6], $0x10, s15, s6, $0xb8;
	[tilespmem:$0x18800] =	vst v63  }
0xbd: {  	s17 =	simm.s32 $0x1680;
	s18 =	simm.s32 $0x12000  }
0xbe: {  	[tilespmem:s18], [sflag:$0x2] =	stream.indirect.gather [hbm4b:s3+s6], $0x10, s17, s6, $0xb8;
	[tilespmem:$0x18800] =	vst v63  }
0xbf: {  	s15 =	simm.s32 $0x1880;
	s16 =	simm.s32 $0x12800  }
0xc0: {  	[tilespmem:s16], [sflag:$0x2] =	stream.indirect.gather [hbm4b:s3+s6], $0x10, s15, s6, $0xb8;
	[tilespmem:$0x18800] =	vst v63  }
0xc1: {  	s17 =	simm.s32 $0x1A80;
	s18 =	simm.s32 $0x13000  }
0xc2: {  	[tilespmem:s18], [sflag:$0x2] =	stream.indirect.gather [hbm4b:s3+s6], $0x10, s17, s6, $0xb8;
	[tilespmem:$0x18800] =	vst v63  }
0xc3: {  	s15 =	simm.s32 $0x1C80;
	s16 =	simm.s32 $0x13800  }
0xc4: {  	[tilespmem:s16], [sflag:$0x2] =	stream.indirect.gather [hbm4b:s3+s6], $0x10, s15, s6, $0xb8;
	[tilespmem:$0x18800] =	vst v63  }
0xc5: {  	s17 =	simm.s32 $0x1E80;
	s18 =	simm.s32 $0x14000  }
0xc6: {  	[tilespmem:s18], [sflag:$0x2] =	stream.indirect.gather [hbm4b:s3+s6], $0x10, s17, s6, $0xb8;
	[tilespmem:$0x18800] =	vst v63  }
0xc7: {  	s15 =	simm.s32 $0x2080;
	s16 =	simm.s32 $0x14800  }
0xc8: {  	[tilespmem:s16], [sflag:$0x2] =	stream.indirect.gather [hbm4b:s3+s6], $0x10, s15, s6, $0xb8;
	[tilespmem:$0x18800] =	vst v63  }
0xc9: {  	s17 =	simm.s32 $0x2280;
	s18 =	simm.s32 $0x15000  }
0xca: {  	[tilespmem:s18], [sflag:$0x2] =	stream.indirect.gather [hbm4b:s3+s6], $0x10, s17, s6, $0xb8;
	[tilespmem:$0x18800] =	vst v63  }
0xcb: {  	s15 =	simm.s32 $0x2480;
	s16 =	simm.s32 $0x15800  }
0xcc: {  	[tilespmem:s16], [sflag:$0x2] =	stream.indirect.gather [hbm4b:s3+s6], $0x10, s15, s6, $0xb8;
	[tilespmem:$0x18800] =	vst v63  }
0xcd: {  	s17 =	simm.s32 $0x2680;
	s18 =	simm.s32 $0x16000  }
0xce: {  	[tilespmem:s18], [sflag:$0x2] =	stream.indirect.gather [hbm4b:s3+s6], $0x10, s17, s6, $0xb8;
	[tilespmem:$0x18800] =	vst v63  }
0xcf: {  	_ =	swait.ge [sflag:s30], $0x800  }
0xd0: {  	[sflag:s30] =	ssyncset.done $0x0  }
0xd1: {  	[sflag:s30] =	ssyncadd.s32 $0xFFFFF800  }
0xd2: {  	_ =	swait.ge [sflag:s30], $0x800  }
0xd3: {  	[sflag:s30] =	ssyncset.done $0x0  }
0xd4: {  	[sflag:s30] =	ssyncadd.s32 $0xFFFFF800  }
0xd5: {  	_ =	swait.ge [sflag:s30], $0x800  }
0xd6: {  	[sflag:s30] =	ssyncset.done $0x0  }
0xd7: {  	[sflag:s30] =	ssyncadd.s32 $0xFFFFF800  }
0xd8: {  	_ =	swait.ge [sflag:s30], $0x800  }
0xd9: {  	[sflag:s30] =	ssyncset.done $0x0  }
0xda: {  	[sflag:s30] =	ssyncadd.s32 $0xFFFFF800  }
0xdb: {  	_ =	swait.ge [sflag:s30], $0x800  }
0xdc: {  	[sflag:s30] =	ssyncset.done $0x0  }
0xdd: {  	[sflag:s30] =	ssyncadd.s32 $0xFFFFF800  }
0xde: {  	_ =	swait.ge [sflag:s30], $0x800  }
0xdf: {  	[sflag:s30] =	ssyncset.done $0x0  }
0xe0: {  	[sflag:s30] =	ssyncadd.s32 $0xFFFFF800  }
0xe1: {  	_ =	swait.ge [sflag:s30], $0x800  }
0xe2: {  	[sflag:s30] =	ssyncset.done $0x0  }
0xe3: {  	[sflag:s30] =	ssyncadd.s32 $0xFFFFF800  }
0xe4: {  	_ =	swait.ge [sflag:s30], $0x800  }
0xe5: {  	[sflag:s30] =	ssyncset.done $0x0  }
0xe6: {  	[sflag:s30] =	ssyncadd.s32 $0xFFFFF800  }
0xe7: {  	_ =	swait.ge [sflag:s30], $0x800  }
0xe8: {  	[sflag:s30] =	ssyncset.done $0x0  }
0xe9: {  	[sflag:s30] =	ssyncadd.s32 $0xFFFFF800  }
0xea: {  	_ =	swait.ge [sflag:s30], $0x800  }
0xeb: {  	[sflag:s30] =	ssyncset.done $0x0  }
0xec: {  	[sflag:s30] =	ssyncadd.s32 $0xFFFFF800  }
0xed: {  	_ =	swait.ge [sflag:s30], $0x800  }
0xee: {  	[sflag:s30] =	ssyncset.done $0x0  }
0xef: {  	[sflag:s30] =	ssyncadd.s32 $0xFFFFF800  }
0xf0: {  	_ =	swait.ge [sflag:s30], $0x800  }
0xf1: {  	[sflag:s30] =	ssyncset.done $0x0  }
0xf2: {  	[sflag:s30] =	ssyncadd.s32 $0xFFFFF800  }
0xf3: {  	_ =	swait.ge [sflag:s30], $0x800  }
0xf4: {  	[sflag:s30] =	ssyncset.done $0x0  }
0xf5: {  	[sflag:s30] =	ssyncadd.s32 $0xFFFFF800  }
0xf6: {  	_ =	swait.ge [sflag:s30], $0x800  }
0xf7: {  	[sflag:s30] =	ssyncset.done $0x0  }
0xf8: {  	[sflag:s30] =	ssyncadd.s32 $0xFFFFF800  }
0xf9: {  	_ =	swait.ge [sflag:s30], $0x800  }
0xfa: {  	[sflag:s30] =	ssyncset.done $0x0  }
0xfb: {  	[sflag:s30] =	ssyncadd.s32 $0xFFFFF800  }
0xfc: {  	_ =	swait.ge [sflag:s30], $0x800  }
0xfd: {  	[sflag:s30] =	ssyncset.done $0x0  }
0xfe: {  	[sflag:s30] =	ssyncadd.s32 $0xFFFFF800  }
0xff: {  	_ =	swait.ge [sflag:s30], $0x800  }
0x100: {  	[sflag:s30] =	ssyncset.done $0x0  }
0x101: {  	[sflag:s30] =	ssyncadd.s32 $0xFFFFF800  }
0x102: {  	_ =	swait.ge [sflag:s30], $0x800  }
0x103: {  	[sflag:s30] =	ssyncset.done $0x0  }
0x104: {  	[sflag:s30] =	ssyncadd.s32 $0xFFFFF800  }
0x105: {  	_ =	swait.ge [sflag:s30], $0x800  }
0x106: {  	[sflag:s30] =	ssyncset.done $0x0  }
0x107: {  	[sflag:s30] =	ssyncadd.s32 $0xFFFFF800  }
0x108: {  	_ =	swait.ge [sflag:s30], $0x800  }
0x109: {  	[sflag:s30] =	ssyncset.done $0x0  }
0x10a: {  	s15 =	simm.s32 $0x0;
	[sflag:s30] =	ssyncadd.s32 $0xFFFFF800  }
0x10b: {  	v4 =	vld [tilespmem:s15+$0x7800]  }
0x10c: {  	v5 =	vld [tilespmem:s15+$0x7000]  }
0x10d: {  	v6 =	vld [tilespmem:s15+$0xC000]  }
0x10e: {  	v7 =	vld [tilespmem:s15+$0x6800]  }
0x10f: {  	v8 =	vld [tilespmem:s15+$0x2800]  }
0x110: {  	v9 =	vld [tilespmem:s15+$0x6000]  }
0x111: {  	v10 =	vld [tilespmem:s15+$0x5800]  }
0x112: {  	v11 =	vld [tilespmem:s15+$0x9800]  }
0x113: {  	v12 =	vld [tilespmem:s15+$0x9000]  }
0x114: {  	v13 =	vld [tilespmem:s15+$0x8800]  }
0x115: {  	v14 =	vld [tilespmem:s15+$0x4800]  }
0x116: {  	v15 =	vld [tilespmem:s15+$0x8000]  }
0x117: {  	v16 =	vld [tilespmem:s15+$0x3000]  }
0x118: {  	v17 =	vld [tilespmem:s15+$0x3800]  }
0x119: {  	v18 =	vld [tilespmem:s15+$0x4000]  }
0x11a: {  	v19 =	vld [tilespmem:s15+$0x5000]  }
0x11b: {  	v20 =	vld [tilespmem:s15+$0xA800]  }
0x11c: {  	v21 =	vld [tilespmem:s15+$0xB000]  }
0x11d: {  	v22 =	vld [tilespmem:s15+$0xB800]  }
0x11e: {  	s16 =	simm.s32 $0x10;
	v23 =	vld [tilespmem:s15+$0xA000]  }
0x11f: {  	v24 =	vld [tilespmem:s16+$0x7800]  }
0x120: {  	v25 =	vld [tilespmem:s16+$0x7000]  }
0x121: {  	s31 =	simm.s32 $0x20;
	v26 =	vld [tilespmem:s16+$0xC000]  }
0x122: {  	v27 =	vld [tilespmem:s31+$0x7000];
	v9 =	vadd.f32 v9, v10;
	v5 =	vadd.f32 v5, v7  }
0x123: {  	s17 =	simm.s32 $0x30;
	v28 =	vld [tilespmem:s31+$0xB800];
	v10 =	vadd.f32 v12, v13;
	v4 =	vadd.f32 v15, v4  }
0x124: {  	v29 =	vld [tilespmem:s17+$0x7000];
	v8 =	vadd.f32 v16, v8;
	v13 =	vadd.f32 v19, v14  }
0x125: {  	v30 =	vld [tilespmem:s17+$0x2800];
	v15 =	vadd.f32 v18, v17;
	v11 =	vadd.f32 v23, v11  }
0x126: {  	v7 =	vld [tilespmem:s16+$0x6800];
	v4 =	vadd.f32 v4, v5;
	v5 =	vadd.f32 v9, v13  }
0x127: {  	v12 =	vld [tilespmem:s16+$0x2800];
	v8 =	vadd.f32 v15, v8;
	v10 =	vadd.f32 v11, v10  }
0x128: {  	v14 =	vld [tilespmem:s16+$0x6000];
	v6 =	vadd.f32 v6, v22;
	v13 =	vadd.f32 v21, v20  }
0x129: {  	v16 =	vld [tilespmem:s16+$0x5800];
	v5 =	vadd.f32 v5, v8;
	v4 =	vadd.f32 v10, v4  }
0x12a: {  	v17 =	vld [tilespmem:s16+$0x5000]  }
0x12b: {  	v23 =	vld [tilespmem:s16+$0xA000];
	v6 =	vadd.f32 v6, v13;
	v4 =	vadd.f32 v4, v5  }
0x12c: {  	v9 =	vld [tilespmem:s16+$0x9800]  }
0x12d: {  	v11 =	vld [tilespmem:s16+$0x9000];
	v4 =	vadd.f32 v6, v4  }
0x12e: {  	v15 =	vld [tilespmem:s16+$0x8800]  }
0x12f: {  	v8 =	vld [tilespmem:s16+$0x4800];
	v18 =	vmul.f32 v4, v4  }
0x130: {  	v10 =	vld [tilespmem:s16+$0x8000]  }
0x131: {  	v13 =	vld [tilespmem:s16+$0x3800];
	v21 =	vperm.xlane v18, v0  }
0x132: {  	v5 =	vld [tilespmem:s16+$0x3000]  }
0x133: {  	v6 =	vld [tilespmem:s16+$0x4000];
	v18 =	vadd.f32 v18, v21  }
0x134: {  	v62 =	vld [tilespmem:s17+$0x3000];
	v14 =	vadd.f32 v14, v16  }
0x135: {  	v19 =	vld [tilespmem:s16+$0xA800];
	v7 =	vadd.f32 v25, v7;
	v11 =	vadd.f32 v11, v15;
	v16 =	vperm.xlane v18, v1  }
0x136: {  	v22 =	vld [tilespmem:s16+$0xB800];
	v9 =	vadd.f32 v23, v9;
	v10 =	vadd.f32 v10, v24  }
0x137: {  	v20 =	vld [tilespmem:s16+$0xB000];
	v5 =	vadd.f32 v5, v12;
	v12 =	vadd.f32 v18, v16  }
0x138: {  	v25 =	vld [tilespmem:s31+$0xC000];
	v8 =	vadd.f32 v17, v8;
	v6 =	vadd.f32 v6, v13  }
0x139: {  	v15 =	vld [tilespmem:s31+$0x6800];
	v9 =	vadd.f32 v9, v11;
	v7 =	vadd.f32 v10, v7;
	v10 =	vperm.xlane v12, v2  }
0x13a: {  	v17 =	vld [tilespmem:s31+$0x5800];
	v8 =	vadd.f32 v14, v8;
	v5 =	vadd.f32 v6, v5  }
0x13b: {  	v11 =	vld [tilespmem:s31+$0x9000];
	v14 =	vadd.f32 v26, v22;
	v10 =	vadd.f32 v12, v10  }
0x13c: {  	v22 =	vld [tilespmem:s31+$0x5000];
	v7 =	vadd.f32 v9, v7;
	v5 =	vadd.f32 v8, v5  }
0x13d: {  	v13 =	vld [tilespmem:s31+$0x6000];
	v12 =	vadd.f32 v20, v19;
	v8 =	vperm.xlane v10, v3  }
0x13e: {  	v9 =	vld [tilespmem:s31+$0x4800];
	v5 =	vadd.f32 v7, v5  }
0x13f: {  	v21 =	vld [tilespmem:s31+$0x7800];
	v12 =	vadd.f32 v14, v12;
	v7 =	vadd.f32 v10, v8  }
0x140: {  	v6 =	vld [tilespmem:s31+$0x9800]  }
0x141: {  	v14 =	vld [tilespmem:s31+$0x8000];
	v5 =	vadd.f32 v12, v5;
	v12 =	vshra.s32 v7, $0x1;
	v19 =	vmul.f32 $5.000000000e-01, v7  }
0x142: {  	v16 =	vld [tilespmem:s31+$0x2800];
	v12 =	vsub.s32 $0x5F3759DF, v12  }
0x143: {  	v20 =	vld [tilespmem:s31+$0x4000];
	v7 =	vmul.f32 v5, v5;
	v23 =	vmul.f32 v12, v19  }
0x144: {  	v15 =	vadd.f32 v27, v15;
	v8 =	vld [tilespmem:s31+$0x3000]  }
0x145: {  	v13 =	vadd.f32 v13, v17;
	v10 =	vld [tilespmem:s31+$0x3800];
	v17 =	vperm.xlane v7, v0;
	v23 =	vmul.f32 v12, v23  }
0x146: {  	v18 =	vld [tilespmem:s31+$0x8800];
	v9 =	vadd.f32 v22, v9;
	v14 =	vadd.f32 v14, v21  }
0x147: {  	v21 =	vld [tilespmem:s31+$0xA000];
	v17 =	vadd.f32 v7, v17;
	v23 =	vsub.f32 $1.500000000e+00, v23  }
0x148: {  	v24 =	vld [tilespmem:s31+$0xA800];
	v13 =	vadd.f32 v13, v9  }
0x149: {  	v26 =	vld [tilespmem:s31+$0xB000];
	v14 =	vadd.f32 v14, v15;
	v15 =	vperm.xlane v17, v1;
	v12 =	vmul.f32 v12, v23  }
0x14a: {  	v27 =	vld [tilespmem:s17+$0x7800];
	v8 =	vadd.f32 v8, v16;
	v10 =	vadd.f32 v20, v10  }
0x14b: {  	v22 =	vld [tilespmem:s17+$0x6800];
	v11 =	vadd.f32 v11, v18;
	v15 =	vadd.f32 v17, v15;
	v17 =	vmul.f32 v12, v19  }
0x14c: {  	v9 =	vld [tilespmem:s17+$0x9800];
	v8 =	vadd.f32 v10, v8;
	v6 =	vadd.f32 v21, v6  }
0x14d: {  	v18 =	vadd.f32 v25, v28;
	v20 =	vld [tilespmem:s17+$0x6000];
	v21 =	vperm.xlane v15, v2;
	v17 =	vmul.f32 v17, v12  }
0x14e: {  	v7 =	vld [tilespmem:s17+$0xC000];
	v8 =	vadd.f32 v13, v8;
	v6 =	vadd.f32 v6, v11  }
0x14f: {  	v13 =	vld [tilespmem:s17+$0x4800];
	v10 =	vadd.f32 v15, v21;
	v11 =	vsub.f32 $1.500000000e+00, v17  }
0x150: {  	v16 =	vadd.f32 v26, v24;
	v23 =	vld [tilespmem:s17+$0x5800];
	v6 =	vadd.f32 v6, v14  }
0x151: {  	v15 =	vld [tilespmem:s17+$0x9000];
	v14 =	vperm.xlane v10, v3;
	v12 =	vmul.f32 v11, v12  }
0x152: {  	v21 =	vld [tilespmem:s17+$0x8000];
	v6 =	vadd.f32 v6, v8;
	v11 =	vadd.f32 v18, v16  }
0x153: {  	v17 =	vld [tilespmem:s17+$0x8800];
	v10 =	vadd.f32 v10, v14;
	v18 =	vmul.f32 v12, v19  }
0x154: {  	v14 =	vld [tilespmem:s17+$0x3800];
	v8 =	vadd.f32 v11, v6  }
0x155: {  	v16 =	vld [tilespmem:s17+$0x4000];
	v19 =	vshra.s32 v10, $0x1;
	v6 =	vmul.f32 $5.000000000e-01, v10;
	v24 =	vmul.f32 v18, v12  }
0x156: {  	v11 =	vadd.f32 v20, v23;
	v23 =	vld [tilespmem:s17+$0x5000];
	v10 =	vsub.s32 $0x5F3759DF, v19;
	v18 =	vmul.f32 v8, v8  }
0x157: {  	v22 =	vadd.f32 v29, v22;
	v20 =	vld [tilespmem:s17+$0xA800];
	v19 =	vmul.f32 v10, v6;
	v63 =	vsub.f32 $1.500000000e+00, v24  }
0x158: {  	s19 =	simm.s32 $0x6000;
	s8 =	simm.s32 $0x6800;
	s1 =	simm.s32 $0x7800;
	v26 =	vadd.f32 v21, v27;
	v15 =	vadd.f32 v15, v17;
	v24 =	vld [tilespmem:s17+$0xB000];
	v25 =	vperm.xlane v18, v0  }
0x159: {  	s9 =	simm.s32 $0x8000;
	s10 =	simm.s32 $0xA800;
	s7 =	simm.s32 $0x100;
	v21 =	vld [tilespmem:s17+$0xB800];
	v17 =	vmul.f32 v10, v19;
	v19 =	vadd.f32 v62, v30;
	v12 =	vmul.f32 v63, v12  }
.LBB2_2:
0x15a: {  	s18 =	sshra.s32 s7, $0x2;
	p0 =	sne.s32 s7, $0x1FC0;
	s7 =	sadd.s32 $0x40, s7;
	v27 =	vld [tilespmem:s17+$0xA000];
	v22 =	vadd.f32 v26, v22;
	v18 =	vadd.f32 v18, v25  }
0x15b: {  	v17 =	vsub.f32 $1.500000000e+00, v17;
	v25 =	vld [tilespmem:s18+$0x7800];
	v13 =	vadd.f32 v23, v13;
	v12 =	vmul.f32 v12, v4;
	v4 =	vmovc v5;
	v5 =	vmovc v8  }
0x15c: {  	v23 =	vld [tilespmem:s18+$0x7000];
	v8 =	vperm.xlane v18, v1  }
0x15d: {  	v10 =	vmul.f32 v10, v17;
	v26 =	vld [tilespmem:s18+$0xC000];
	v20 =	vadd.f32 v24, v20;
	[tilespmem:s15+$0x16800] =	vst v12;
	s15 =	smov.u32 s16;
	s16 =	smov.u32 s31;
	s31 =	smov.u32 s17  }
0x15e: {  	v14 =	vadd.f32 v16, v14;
	s17 =	smov.u32 s18;
	v12 =	vld [tilespmem:s18+$0x6800];
	v8 =	vadd.f32 v18, v8  }
0x15f: {  	v17 =	vadd.f32 v7, v21;
	v24 =	vmul.f32 v10, v6;
	v28 =	vld [tilespmem:s17+$0x2800];
	v16 =	vadd.f32 v27, v9  }
0x160: {  	v11 =	vadd.f32 v11, v13;
	v18 =	vld [tilespmem:s17+$0x6000];
	v13 =	vperm.xlane v8, v2  }
0x161: {  	v14 =	vadd.f32 v14, v19;
	v19 =	vmul.f32 v24, v10;
	v21 =	vld [tilespmem:s17+$0x5800]  }
0x162: {  	v15 =	vadd.f32 v16, v15;
	v9 =	vld [tilespmem:s17+$0x9800];
	v8 =	vadd.f32 v8, v13;
	v7 =	vmov v26  }
0x163: {  	v11 =	vadd.f32 v11, v14;
	v14 =	vsub.f32 $1.500000000e+00, v19;
	v24 =	vld [tilespmem:s17+$0x9000]  }
0x164: {  	v16 =	vadd.f32 v17, v20;
	v15 =	vadd.f32 v15, v22;
	v19 =	vld [tilespmem:s17+$0x8800];
	v17 =	vperm.xlane v8, v3  }
0x165: {  	v27 =	vmul.f32 v14, v10;
	v13 =	vld [tilespmem:s17+$0x4800]  }
0x166: {  	v10 =	vadd.f32 v15, v11;
	v26 =	vld [tilespmem:s17+$0x8000];
	v15 =	vadd.f32 v8, v17  }
0x167: {  	v11 =	vadd.f32 v18, v21;
	v17 =	vmul.f32 v27, v6;
	v29 =	vld [tilespmem:s17+$0x3000]  }
0x168: {  	v8 =	vadd.f32 v16, v10;
	v14 =	vld [tilespmem:s17+$0x3800];
	v10 =	vshra.s32 v15, $0x1;
	v6 =	vmul.f32 $5.000000000e-01, v15  }
.Ltmp0:
0x169: {  	v22 =	vadd.f32 v23, v12;
	v12 =	vmul.f32 v17, v27;
	v16 =	vld [tilespmem:s17+$0x4000];
	v10 =	vsub.s32 $0x5F3759DF, v10;
	(pc) =	sbr.rel @p0 .LBB2_2-.Ltmp0, $4  }
0x16a: {  	v15 =	vadd.f32 v24, v19;
	v18 =	vmul.f32 v8, v8;
	v23 =	vld [tilespmem:s17+$0x5000];
	v17 =	vmul.f32 v10, v6  }
0x16b: {  	v12 =	vsub.f32 $1.500000000e+00, v12;
	v20 =	vld [tilespmem:s17+$0xA800];
	v26 =	vadd.f32 v26, v25  }
0x16c: {  	v25 =	vperm.xlane v18, v0;
	v24 =	vld [tilespmem:s17+$0xB000];
	v17 =	vmul.f32 v10, v17  }
0x16d: {  	v19 =	vadd.f32 v29, v28;
	v12 =	vmul.f32 v12, v27;
	v21 =	vld [tilespmem:s17+$0xB800]  }
0x16e: {  	v27 =	vld [tilespmem:s17+$0xA000];
	_ =	sdelay $0x3  }
0x16f: {  	v13 =	vadd.f32 v23, v13  }
0x170: {  	v14 =	vadd.f32 v16, v14;
	v9 =	vadd.f32 v27, v9  }
0x171: {  	v16 =	vadd.f32 v26, v22;
	v11 =	vadd.f32 v11, v13  }
0x172: {  	v13 =	vadd.f32 v14, v19;
	v9 =	vadd.f32 v9, v15  }
0x173: {  	v14 =	vadd.f32 v24, v20;
	v7 =	vadd.f32 v7, v21  }
0x174: {  	v11 =	vadd.f32 v11, v13;
	v9 =	vadd.f32 v9, v16;
	_ =	sdelay $0x1  }
0x175: {  	v7 =	vadd.f32 v7, v14;
	v9 =	vadd.f32 v9, v11;
	_ =	sdelay $0x1  }
0x176: {  	v7 =	vadd.f32 v7, v9;
	_ =	sdelay $0x1  }
0x177: {  	v9 =	vmul.f32 v7, v7;
	_ =	sdelay $0x1  }
0x178: {  	v11 =	vperm.xlane v9, v0  }
0x179: {  	v13 =	vadd.f32 v18, v25  }
0x17a: {  	v9 =	vadd.f32 v9, v11  }
0x17b: {  	v11 =	vperm.xlane v13, v1  }
0x17c: {  	v14 =	vperm.xlane v9, v1  }
0x17d: {  	v11 =	vadd.f32 v13, v11  }
0x17e: {  	v9 =	vadd.f32 v9, v14  }
0x17f: {  	v13 =	vperm.xlane v11, v2  }
0x180: {  	v14 =	vperm.xlane v9, v2  }
0x181: {  	v11 =	vadd.f32 v11, v13  }
0x182: {  	v9 =	vadd.f32 v9, v14  }
0x183: {  	v13 =	vperm.xlane v11, v3  }
0x184: {  	v14 =	vperm.xlane v9, v3  }
0x185: {  	v11 =	vadd.f32 v11, v13  }
0x186: {  	v9 =	vadd.f32 v9, v14  }
0x187: {  	v13 =	vshra.s32 v11, $0x1;
	v11 =	vmul.f32 $5.000000000e-01, v11  }
0x188: {  	v13 =	vsub.s32 $0x5F3759DF, v13;
	v14 =	vshra.s32 v9, $0x1;
	v9 =	vmul.f32 $5.000000000e-01, v9  }
0x189: {  	v15 =	vmul.f32 v13, v11;
	v14 =	vsub.s32 $0x5F3759DF, v14  }
0x18a: {  	v16 =	vmul.f32 v14, v9  }
0x18b: {  	v15 =	vmul.f32 v13, v15  }
0x18c: {  	v17 =	vsub.f32 $1.500000000e+00, v17;
	v16 =	vmul.f32 v14, v16  }
0x18d: {  	v15 =	vsub.f32 $1.500000000e+00, v15  }
0x18e: {  	v10 =	vmul.f32 v10, v17;
	v16 =	vsub.f32 $1.500000000e+00, v16  }
0x18f: {  	v13 =	vmul.f32 v13, v15  }
0x190: {  	v15 =	vmul.f32 v10, v6;
	v14 =	vmul.f32 v14, v16  }
0x191: {  	v16 =	vmul.f32 v13, v11  }
0x192: {  	v15 =	vmul.f32 v15, v10;
	v17 =	vmul.f32 v14, v9  }
0x193: {  	v16 =	vmul.f32 v16, v13  }
0x194: {  	v15 =	vsub.f32 $1.500000000e+00, v15;
	v17 =	vmul.f32 v17, v14  }
0x195: {  	v16 =	vsub.f32 $1.500000000e+00, v16  }
0x196: {  	v10 =	vmul.f32 v15, v10;
	v15 =	vsub.f32 $1.500000000e+00, v17  }
0x197: {  	v13 =	vmul.f32 v16, v13  }
0x198: {  	v6 =	vmul.f32 v10, v6;
	v14 =	vmul.f32 v15, v14  }
0x199: {  	v11 =	vmul.f32 v13, v11  }
0x19a: {  	v6 =	vmul.f32 v6, v10;
	v9 =	vmul.f32 v14, v9  }
0x19b: {  	v11 =	vmul.f32 v11, v13  }
0x19c: {  	v6 =	vsub.f32 $1.500000000e+00, v6;
	v9 =	vmul.f32 v9, v14  }
0x19d: {  	v11 =	vsub.f32 $1.500000000e+00, v11  }
0x19e: {  	v6 =	vmul.f32 v6, v10;
	v9 =	vsub.f32 $1.500000000e+00, v9  }
0x19f: {  	v4 =	vmul.f32 v12, v4;
	v10 =	vmul.f32 v11, v13  }
0x1a0: {  	v5 =	vmul.f32 v6, v5;
	v6 =	vmul.f32 v9, v14  }
0x1a1: {  	[tilespmem:s15+$0x16800] =	vst v4;
	v4 =	vmul.f32 v10, v8  }
0x1a2: {  	[tilespmem:s16+$0x16800] =	vst v5;
	v5 =	vmul.f32 v6, v7  }
0x1a3: {  	[tilespmem:s31+$0x16800] =	vst v4  }
0x1a4: {  	s0 =	simm.s32 $0x2800;
	s7 =	simm.s32 $0x100;
	[tilespmem:s17+$0x16800] =	vst v5  }
0x1a5: {  	[tilespmem:s0], [sflag:$0x1] =	stream.indirect.gather [hbm4b:s3+s6], $0x10, s7, s6, $0xb8;
	[tilespmem:$0x18800] =	vst v63  }
0x1a6: {  	s18 =	simm.s32 $0x300;
	s17 =	simm.s32 $0x3000  }
0x1a7: {  	[tilespmem:s17], [sflag:$0x1] =	stream.indirect.gather [hbm4b:s3+s6], $0x10, s18, s6, $0xb8;
	[tilespmem:$0x18800] =	vst v63  }
0x1a8: {  	s15 =	simm.s32 $0x3800;
	s16 =	simm.s32 $0x500  }
0x1a9: {  	[tilespmem:s15], [sflag:$0x1] =	stream.indirect.gather [hbm4b:s3+s6], $0x10, s16, s6, $0xb8;
	[tilespmem:$0x18800] =	vst v63  }
0x1aa: {  	s17 =	simm.s32 $0x4000;
	s18 =	simm.s32 $0x700  }
0x1ab: {  	[tilespmem:s17], [sflag:$0x1] =	stream.indirect.gather [hbm4b:s3+s6], $0x10, s18, s6, $0xb8;
	[tilespmem:$0x18800] =	vst v63  }
0x1ac: {  	s15 =	simm.s32 $0x4800;
	s16 =	simm.s32 $0x900  }
0x1ad: {  	[tilespmem:s15], [sflag:$0x1] =	stream.indirect.gather [hbm4b:s3+s6], $0x10, s16, s6, $0xb8;
	[tilespmem:$0x18800] =	vst v63  }
0x1ae: {  	s17 =	simm.s32 $0x5000;
	s18 =	simm.s32 $0xB00  }
0x1af: {  	[tilespmem:s17], [sflag:$0x1] =	stream.indirect.gather [hbm4b:s3+s6], $0x10, s18, s6, $0xb8;
	[tilespmem:$0x18800] =	vst v63  }
0x1b0: {  	s15 =	simm.s32 $0x5800;
	s16 =	simm.s32 $0xD00  }
0x1b1: {  	[tilespmem:s15], [sflag:$0x1] =	stream.indirect.gather [hbm4b:s3+s6], $0x10, s16, s6, $0xb8;
	[tilespmem:$0x18800] =	vst v63  }
0x1b2: {  	s17 =	simm.s32 $0xF00  }
0x1b3: {  	[tilespmem:s19], [sflag:$0x1] =	stream.indirect.gather [hbm4b:s3+s6], $0x10, s17, s6, $0xb8;
	[tilespmem:$0x18800] =	vst v63  }
0x1b4: {  	s18 =	simm.s32 $0x1100  }
0x1b5: {  	[tilespmem:s8], [sflag:$0x1] =	stream.indirect.gather [hbm4b:s3+s6], $0x10, s18, s6, $0xb8;
	[tilespmem:$0x18800] =	vst v63  }
0x1b6: {  	s19 =	simm.s32 $0x1300  }
0x1b7: {  	[tilespmem:s4], [sflag:$0x1] =	stream.indirect.gather [hbm4b:s3+s6], $0x10, s19, s6, $0xb8;
	[tilespmem:$0x18800] =	vst v63  }
0x1b8: {  	s7 =	simm.s32 $0x1500  }
0x1b9: {  	[tilespmem:s1], [sflag:$0x1] =	stream.indirect.gather [hbm4b:s3+s6], $0x10, s7, s6, $0xb8;
	[tilespmem:$0x18800] =	vst v63  }
0x1ba: {  	s8 =	simm.s32 $0x1700  }
0x1bb: {  	[tilespmem:s9], [sflag:$0x1] =	stream.indirect.gather [hbm4b:s3+s6], $0x10, s8, s6, $0xb8;
	[tilespmem:$0x18800] =	vst v63  }
0x1bc: {  	s15 =	simm.s32 $0x1900  }
0x1bd: {  	[tilespmem:s11], [sflag:$0x1] =	stream.indirect.gather [hbm4b:s3+s6], $0x10, s15, s6, $0xb8;
	[tilespmem:$0x18800] =	vst v63  }
0x1be: {  	s16 =	simm.s32 $0x1B00  }
0x1bf: {  	[tilespmem:s12], [sflag:$0x1] =	stream.indirect.gather [hbm4b:s3+s6], $0x10, s16, s6, $0xb8;
	[tilespmem:$0x18800] =	vst v63  }
0x1c0: {  	s17 =	simm.s32 $0x1D00  }
0x1c1: {  	[tilespmem:s20], [sflag:$0x1] =	stream.indirect.gather [hbm4b:s3+s6], $0x10, s17, s6, $0xb8;
	[tilespmem:$0x18800] =	vst v63  }
0x1c2: {  	s18 =	simm.s32 $0x1F00  }
0x1c3: {  	[tilespmem:s21], [sflag:$0x1] =	stream.indirect.gather [hbm4b:s3+s6], $0x10, s18, s6, $0xb8;
	[tilespmem:$0x18800] =	vst v63  }
0x1c4: {  	s19 =	simm.s32 $0x2100  }
0x1c5: {  	[tilespmem:s10], [sflag:$0x1] =	stream.indirect.gather [hbm4b:s3+s6], $0x10, s19, s6, $0xb8;
	[tilespmem:$0x18800] =	vst v63  }
0x1c6: {  	s20 =	simm.s32 $0x2300  }
0x1c7: {  	[tilespmem:s5], [sflag:$0x1] =	stream.indirect.gather [hbm4b:s3+s6], $0x10, s20, s6, $0xb8;
	[tilespmem:$0x18800] =	vst v63  }
0x1c8: {  	s21 =	simm.s32 $0x2500  }
0x1c9: {  	[tilespmem:s22], [sflag:$0x1] =	stream.indirect.gather [hbm4b:s3+s6], $0x10, s21, s6, $0xb8;
	[tilespmem:$0x18800] =	vst v63  }
0x1ca: {  	s22 =	simm.s32 $0x2700  }
0x1cb: {  	[tilespmem:s23], [sflag:$0x1] =	stream.indirect.gather [hbm4b:s3+s6], $0x10, s22, s6, $0xb8;
	[tilespmem:$0x18800] =	vst v63  }
0x1cc: {  	_ =	swait.ge [sflag:s13], $0x800  }
0x1cd: {  	[sflag:s13] =	ssyncset.done $0x0  }
0x1ce: {  	[sflag:s13] =	ssyncadd.s32 $0xFFFFF800  }
0x1cf: {  	_ =	swait.ge [sflag:s13], $0x800  }
0x1d0: {  	[sflag:s13] =	ssyncset.done $0x0  }
0x1d1: {  	[sflag:s13] =	ssyncadd.s32 $0xFFFFF800  }
0x1d2: {  	_ =	swait.ge [sflag:s13], $0x800  }
0x1d3: {  	[sflag:s13] =	ssyncset.done $0x0  }
0x1d4: {  	[sflag:s13] =	ssyncadd.s32 $0xFFFFF800  }
0x1d5: {  	_ =	swait.ge [sflag:s13], $0x800  }
0x1d6: {  	[sflag:s13] =	ssyncset.done $0x0  }
0x1d7: {  	[sflag:s13] =	ssyncadd.s32 $0xFFFFF800  }
0x1d8: {  	_ =	swait.ge [sflag:s13], $0x800  }
0x1d9: {  	[sflag:s13] =	ssyncset.done $0x0  }
0x1da: {  	[sflag:s13] =	ssyncadd.s32 $0xFFFFF800  }
0x1db: {  	_ =	swait.ge [sflag:s13], $0x800  }
0x1dc: {  	[sflag:s13] =	ssyncset.done $0x0  }
0x1dd: {  	[sflag:s13] =	ssyncadd.s32 $0xFFFFF800  }
0x1de: {  	_ =	swait.ge [sflag:s13], $0x800  }
0x1df: {  	[sflag:s13] =	ssyncset.done $0x0  }
0x1e0: {  	[sflag:s13] =	ssyncadd.s32 $0xFFFFF800  }
0x1e1: {  	_ =	swait.ge [sflag:s13], $0x800  }
0x1e2: {  	[sflag:s13] =	ssyncset.done $0x0  }
0x1e3: {  	[sflag:s13] =	ssyncadd.s32 $0xFFFFF800  }
0x1e4: {  	_ =	swait.ge [sflag:s13], $0x800  }
0x1e5: {  	[sflag:s13] =	ssyncset.done $0x0  }
0x1e6: {  	[sflag:s13] =	ssyncadd.s32 $0xFFFFF800  }
0x1e7: {  	_ =	swait.ge [sflag:s13], $0x800  }
0x1e8: {  	[sflag:s13] =	ssyncset.done $0x0  }
0x1e9: {  	[sflag:s13] =	ssyncadd.s32 $0xFFFFF800  }
0x1ea: {  	_ =	swait.ge [sflag:s13], $0x800  }
0x1eb: {  	[sflag:s13] =	ssyncset.done $0x0  }
0x1ec: {  	[sflag:s13] =	ssyncadd.s32 $0xFFFFF800  }
0x1ed: {  	_ =	swait.ge [sflag:s13], $0x800  }
0x1ee: {  	[sflag:s13] =	ssyncset.done $0x0  }
0x1ef: {  	[sflag:s13] =	ssyncadd.s32 $0xFFFFF800  }
0x1f0: {  	_ =	swait.ge [sflag:s13], $0x800  }
0x1f1: {  	[sflag:s13] =	ssyncset.done $0x0  }
0x1f2: {  	[sflag:s13] =	ssyncadd.s32 $0xFFFFF800  }
0x1f3: {  	_ =	swait.ge [sflag:s13], $0x800  }
0x1f4: {  	[sflag:s13] =	ssyncset.done $0x0  }
0x1f5: {  	[sflag:s13] =	ssyncadd.s32 $0xFFFFF800  }
0x1f6: {  	_ =	swait.ge [sflag:s13], $0x800  }
0x1f7: {  	[sflag:s13] =	ssyncset.done $0x0  }
0x1f8: {  	[sflag:s13] =	ssyncadd.s32 $0xFFFFF800  }
0x1f9: {  	_ =	swait.ge [sflag:s13], $0x800  }
0x1fa: {  	[sflag:s13] =	ssyncset.done $0x0  }
0x1fb: {  	[sflag:s13] =	ssyncadd.s32 $0xFFFFF800  }
0x1fc: {  	_ =	swait.ge [sflag:s13], $0x800  }
0x1fd: {  	[sflag:s13] =	ssyncset.done $0x0  }
0x1fe: {  	[sflag:s13] =	ssyncadd.s32 $0xFFFFF800  }
0x1ff: {  	_ =	swait.ge [sflag:s13], $0x800  }
0x200: {  	[sflag:s13] =	ssyncset.done $0x0  }
0x201: {  	[sflag:s13] =	ssyncadd.s32 $0xFFFFF800  }
0x202: {  	_ =	swait.ge [sflag:s13], $0x800  }
0x203: {  	[sflag:s13] =	ssyncset.done $0x0  }
0x204: {  	[sflag:s13] =	ssyncadd.s32 $0xFFFFF800  }
0x205: {  	_ =	swait.ge [sflag:s13], $0x800  }
0x206: {  	[sflag:s13] =	ssyncset.done $0x0  }
0x207: {  	s15 =	simm.s32 $0x0;
	[sflag:s13] =	ssyncadd.s32 $0xFFFFF800  }
0x208: {  	v4 =	vld [tilespmem:s15+$0x11800]  }
0x209: {  	v5 =	vld [tilespmem:s15+$0x11000]  }
0x20a: {  	v6 =	vld [tilespmem:s15+$0x16000]  }
0x20b: {  	v7 =	vld [tilespmem:s15+$0x10800]  }
0x20c: {  	v8 =	vld [tilespmem:s15+$0xC800]  }
0x20d: {  	v9 =	vld [tilespmem:s15+$0x10000]  }
0x20e: {  	v10 =	vld [tilespmem:s15+$0xF800]  }
0x20f: {  	v11 =	vld [tilespmem:s15+$0x13800]  }
0x210: {  	v12 =	vld [tilespmem:s15+$0x13000]  }
0x211: {  	v13 =	vld [tilespmem:s15+$0x12800]  }
0x212: {  	v14 =	vld [tilespmem:s15+$0xE800]  }
0x213: {  	v15 =	vld [tilespmem:s15+$0x12000]  }
0x214: {  	v16 =	vld [tilespmem:s15+$0xD000]  }
0x215: {  	v17 =	vld [tilespmem:s15+$0xD800]  }
0x216: {  	v18 =	vld [tilespmem:s15+$0xE000]  }
0x217: {  	v19 =	vld [tilespmem:s15+$0xF000]  }
0x218: {  	v20 =	vld [tilespmem:s15+$0x14800]  }
0x219: {  	v21 =	vld [tilespmem:s15+$0x15000]  }
0x21a: {  	v22 =	vld [tilespmem:s15+$0x15800]  }
0x21b: {  	s16 =	simm.s32 $0x10;
	v23 =	vld [tilespmem:s15+$0x14000]  }
0x21c: {  	v24 =	vld [tilespmem:s16+$0x11800]  }
0x21d: {  	v25 =	vld [tilespmem:s16+$0x11000]  }
0x21e: {  	s31 =	simm.s32 $0x20;
	v26 =	vld [tilespmem:s16+$0x16000]  }
0x21f: {  	v27 =	vld [tilespmem:s31+$0x11000];
	v9 =	vadd.f32 v9, v10;
	v5 =	vadd.f32 v5, v7  }
0x220: {  	s17 =	simm.s32 $0x30;
	v28 =	vld [tilespmem:s31+$0x15800];
	v10 =	vadd.f32 v12, v13;
	v4 =	vadd.f32 v15, v4  }
0x221: {  	v29 =	vld [tilespmem:s17+$0x11000];
	v8 =	vadd.f32 v16, v8;
	v13 =	vadd.f32 v19, v14  }
0x222: {  	v30 =	vld [tilespmem:s17+$0xC800];
	v15 =	vadd.f32 v18, v17;
	v11 =	vadd.f32 v23, v11  }
0x223: {  	v7 =	vld [tilespmem:s16+$0x10800];
	v4 =	vadd.f32 v4, v5;
	v5 =	vadd.f32 v9, v13  }
0x224: {  	v12 =	vld [tilespmem:s16+$0xC800];
	v8 =	vadd.f32 v15, v8;
	v10 =	vadd.f32 v11, v10  }
0x225: {  	v14 =	vld [tilespmem:s16+$0x10000];
	v6 =	vadd.f32 v6, v22;
	v13 =	vadd.f32 v21, v20  }
0x226: {  	v16 =	vld [tilespmem:s16+$0xF800];
	v5 =	vadd.f32 v5, v8;
	v4 =	vadd.f32 v10, v4  }
0x227: {  	v17 =	vld [tilespmem:s16+$0xF000]  }
0x228: {  	v23 =	vld [tilespmem:s16+$0x14000];
	v6 =	vadd.f32 v6, v13;
	v4 =	vadd.f32 v4, v5  }
0x229: {  	v9 =	vld [tilespmem:s16+$0x13800]  }
0x22a: {  	v11 =	vld [tilespmem:s16+$0x13000];
	v4 =	vadd.f32 v6, v4  }
0x22b: {  	v15 =	vld [tilespmem:s16+$0x12800]  }
0x22c: {  	v8 =	vld [tilespmem:s16+$0xE800];
	v18 =	vmul.f32 v4, v4  }
0x22d: {  	v10 =	vld [tilespmem:s16+$0x12000]  }
0x22e: {  	v13 =	vld [tilespmem:s16+$0xD800];
	v21 =	vperm.xlane v18, v0  }
0x22f: {  	v5 =	vld [tilespmem:s16+$0xD000]  }
0x230: {  	v6 =	vld [tilespmem:s16+$0xE000];
	v18 =	vadd.f32 v18, v21  }
0x231: {  	v62 =	vld [tilespmem:s17+$0xD000];
	v14 =	vadd.f32 v14, v16  }
0x232: {  	v19 =	vld [tilespmem:s16+$0x14800];
	v7 =	vadd.f32 v25, v7;
	v11 =	vadd.f32 v11, v15;
	v16 =	vperm.xlane v18, v1  }
0x233: {  	v22 =	vld [tilespmem:s16+$0x15800];
	v9 =	vadd.f32 v23, v9;
	v10 =	vadd.f32 v10, v24  }
0x234: {  	v20 =	vld [tilespmem:s16+$0x15000];
	v5 =	vadd.f32 v5, v12;
	v12 =	vadd.f32 v18, v16  }
0x235: {  	v25 =	vld [tilespmem:s31+$0x16000];
	v8 =	vadd.f32 v17, v8;
	v6 =	vadd.f32 v6, v13  }
0x236: {  	v15 =	vld [tilespmem:s31+$0x10800];
	v9 =	vadd.f32 v9, v11;
	v7 =	vadd.f32 v10, v7;
	v10 =	vperm.xlane v12, v2  }
0x237: {  	v17 =	vld [tilespmem:s31+$0xF800];
	v8 =	vadd.f32 v14, v8;
	v5 =	vadd.f32 v6, v5  }
0x238: {  	v11 =	vld [tilespmem:s31+$0x13000];
	v14 =	vadd.f32 v26, v22;
	v10 =	vadd.f32 v12, v10  }
0x239: {  	v22 =	vld [tilespmem:s31+$0xF000];
	v7 =	vadd.f32 v9, v7;
	v5 =	vadd.f32 v8, v5  }
0x23a: {  	v13 =	vld [tilespmem:s31+$0x10000];
	v12 =	vadd.f32 v20, v19;
	v8 =	vperm.xlane v10, v3  }
0x23b: {  	v9 =	vld [tilespmem:s31+$0xE800];
	v5 =	vadd.f32 v7, v5  }
0x23c: {  	v21 =	vld [tilespmem:s31+$0x11800];
	v12 =	vadd.f32 v14, v12;
	v7 =	vadd.f32 v10, v8  }
0x23d: {  	v6 =	vld [tilespmem:s31+$0x13800]  }
0x23e: {  	v14 =	vld [tilespmem:s31+$0x12000];
	v5 =	vadd.f32 v12, v5;
	v12 =	vshra.s32 v7, $0x1;
	v19 =	vmul.f32 $5.000000000e-01, v7  }
0x23f: {  	v16 =	vld [tilespmem:s31+$0xC800];
	v12 =	vsub.s32 $0x5F3759DF, v12  }
0x240: {  	v20 =	vld [tilespmem:s31+$0xE000];
	v7 =	vmul.f32 v5, v5;
	v23 =	vmul.f32 v12, v19  }
0x241: {  	v15 =	vadd.f32 v27, v15;
	v8 =	vld [tilespmem:s31+$0xD000]  }
0x242: {  	v13 =	vadd.f32 v13, v17;
	v10 =	vld [tilespmem:s31+$0xD800];
	v17 =	vperm.xlane v7, v0;
	v23 =	vmul.f32 v12, v23  }
0x243: {  	v18 =	vld [tilespmem:s31+$0x12800];
	v9 =	vadd.f32 v22, v9;
	v14 =	vadd.f32 v14, v21  }
0x244: {  	v21 =	vld [tilespmem:s31+$0x14000];
	v17 =	vadd.f32 v7, v17;
	v23 =	vsub.f32 $1.500000000e+00, v23  }
0x245: {  	v24 =	vld [tilespmem:s31+$0x14800];
	v13 =	vadd.f32 v13, v9  }
0x246: {  	v26 =	vld [tilespmem:s31+$0x15000];
	v14 =	vadd.f32 v14, v15;
	v15 =	vperm.xlane v17, v1;
	v12 =	vmul.f32 v12, v23  }
0x247: {  	v27 =	vld [tilespmem:s17+$0x11800];
	v8 =	vadd.f32 v8, v16;
	v10 =	vadd.f32 v20, v10  }
0x248: {  	v22 =	vld [tilespmem:s17+$0x10800];
	v11 =	vadd.f32 v11, v18;
	v15 =	vadd.f32 v17, v15;
	v17 =	vmul.f32 v12, v19  }
0x249: {  	v9 =	vld [tilespmem:s17+$0x13800];
	v8 =	vadd.f32 v10, v8;
	v6 =	vadd.f32 v21, v6  }
0x24a: {  	v18 =	vadd.f32 v25, v28;
	v20 =	vld [tilespmem:s17+$0x10000];
	v21 =	vperm.xlane v15, v2;
	v17 =	vmul.f32 v17, v12  }
0x24b: {  	v7 =	vld [tilespmem:s17+$0x16000];
	v8 =	vadd.f32 v13, v8;
	v6 =	vadd.f32 v6, v11  }
0x24c: {  	v13 =	vld [tilespmem:s17+$0xE800];
	v10 =	vadd.f32 v15, v21;
	v11 =	vsub.f32 $1.500000000e+00, v17  }
0x24d: {  	v16 =	vadd.f32 v26, v24;
	v23 =	vld [tilespmem:s17+$0xF800];
	v6 =	vadd.f32 v6, v14  }
0x24e: {  	v15 =	vld [tilespmem:s17+$0x13000];
	v14 =	vperm.xlane v10, v3;
	v12 =	vmul.f32 v11, v12  }
0x24f: {  	v21 =	vld [tilespmem:s17+$0x12000];
	v6 =	vadd.f32 v6, v8;
	v11 =	vadd.f32 v18, v16  }
0x250: {  	v17 =	vld [tilespmem:s17+$0x12800];
	v10 =	vadd.f32 v10, v14;
	v18 =	vmul.f32 v12, v19  }
0x251: {  	v14 =	vld [tilespmem:s17+$0xD800];
	v8 =	vadd.f32 v11, v6  }
0x252: {  	v16 =	vld [tilespmem:s17+$0xE000];
	v19 =	vshra.s32 v10, $0x1;
	v6 =	vmul.f32 $5.000000000e-01, v10;
	v24 =	vmul.f32 v18, v12  }
0x253: {  	v11 =	vadd.f32 v20, v23;
	v23 =	vld [tilespmem:s17+$0xF000];
	v10 =	vsub.s32 $0x5F3759DF, v19;
	v18 =	vmul.f32 v8, v8  }
0x254: {  	v22 =	vadd.f32 v29, v22;
	v20 =	vld [tilespmem:s17+$0x14800];
	v19 =	vmul.f32 v10, v6;
	v63 =	vsub.f32 $1.500000000e+00, v24  }
0x255: {  	v26 =	vadd.f32 v21, v27;
	v15 =	vadd.f32 v15, v17;
	v24 =	vld [tilespmem:s17+$0x15000];
	v25 =	vperm.xlane v18, v0  }
0x256: {  	s7 =	simm.s32 $0x100;
	v21 =	vld [tilespmem:s17+$0x15800];
	v17 =	vmul.f32 v10, v19;
	v19 =	vadd.f32 v62, v30;
	v12 =	vmul.f32 v63, v12  }
.LBB2_4:
0x257: {  	s18 =	sshra.s32 s7, $0x2;
	p0 =	sne.s32 s7, $0x1FC0;
	s7 =	sadd.s32 $0x40, s7;
	v27 =	vld [tilespmem:s17+$0x14000];
	v22 =	vadd.f32 v26, v22;
	v18 =	vadd.f32 v18, v25  }
0x258: {  	v17 =	vsub.f32 $1.500000000e+00, v17;
	v25 =	vld [tilespmem:s18+$0x11800];
	v13 =	vadd.f32 v23, v13;
	v12 =	vmul.f32 v12, v4;
	v4 =	vmovc v5;
	v5 =	vmovc v8  }
0x259: {  	v23 =	vld [tilespmem:s18+$0x11000];
	v8 =	vperm.xlane v18, v1  }
0x25a: {  	v10 =	vmul.f32 v10, v17;
	v26 =	vld [tilespmem:s18+$0x16000];
	v20 =	vadd.f32 v24, v20;
	[tilespmem:s15+$0x17000] =	vst v12;
	s15 =	smov.u32 s16;
	s16 =	smov.u32 s31;
	s31 =	smov.u32 s17  }
0x25b: {  	v14 =	vadd.f32 v16, v14;
	s17 =	smov.u32 s18;
	v12 =	vld [tilespmem:s18+$0x10800];
	v8 =	vadd.f32 v18, v8  }
0x25c: {  	v17 =	vadd.f32 v7, v21;
	v24 =	vmul.f32 v10, v6;
	v28 =	vld [tilespmem:s17+$0xC800];
	v16 =	vadd.f32 v27, v9  }
0x25d: {  	v11 =	vadd.f32 v11, v13;
	v18 =	vld [tilespmem:s17+$0x10000];
	v13 =	vperm.xlane v8, v2  }
0x25e: {  	v14 =	vadd.f32 v14, v19;
	v19 =	vmul.f32 v24, v10;
	v21 =	vld [tilespmem:s17+$0xF800]  }
0x25f: {  	v15 =	vadd.f32 v16, v15;
	v9 =	vld [tilespmem:s17+$0x13800];
	v8 =	vadd.f32 v8, v13;
	v7 =	vmov v26  }
0x260: {  	v11 =	vadd.f32 v11, v14;
	v14 =	vsub.f32 $1.500000000e+00, v19;
	v24 =	vld [tilespmem:s17+$0x13000]  }
0x261: {  	v16 =	vadd.f32 v17, v20;
	v15 =	vadd.f32 v15, v22;
	v19 =	vld [tilespmem:s17+$0x12800];
	v17 =	vperm.xlane v8, v3  }
0x262: {  	v27 =	vmul.f32 v14, v10;
	v13 =	vld [tilespmem:s17+$0xE800]  }
0x263: {  	v10 =	vadd.f32 v15, v11;
	v26 =	vld [tilespmem:s17+$0x12000];
	v15 =	vadd.f32 v8, v17  }
0x264: {  	v11 =	vadd.f32 v18, v21;
	v17 =	vmul.f32 v27, v6;
	v29 =	vld [tilespmem:s17+$0xD000]  }
0x265: {  	v8 =	vadd.f32 v16, v10;
	v14 =	vld [tilespmem:s17+$0xD800];
	v10 =	vshra.s32 v15, $0x1;
	v6 =	vmul.f32 $5.000000000e-01, v15  }
.Ltmp1:
0x266: {  	v22 =	vadd.f32 v23, v12;
	v12 =	vmul.f32 v17, v27;
	v16 =	vld [tilespmem:s17+$0xE000];
	v10 =	vsub.s32 $0x5F3759DF, v10;
	(pc) =	sbr.rel @p0 .LBB2_4-.Ltmp1, $4  }
0x267: {  	v15 =	vadd.f32 v24, v19;
	v18 =	vmul.f32 v8, v8;
	v23 =	vld [tilespmem:s17+$0xF000];
	v17 =	vmul.f32 v10, v6  }
0x268: {  	v12 =	vsub.f32 $1.500000000e+00, v12;
	v20 =	vld [tilespmem:s17+$0x14800];
	v26 =	vadd.f32 v26, v25  }
0x269: {  	v25 =	vperm.xlane v18, v0;
	v24 =	vld [tilespmem:s17+$0x15000];
	v17 =	vmul.f32 v10, v17  }
0x26a: {  	v19 =	vadd.f32 v29, v28;
	v12 =	vmul.f32 v12, v27;
	v21 =	vld [tilespmem:s17+$0x15800]  }
0x26b: {  	v27 =	vld [tilespmem:s17+$0x14000];
	_ =	sdelay $0x3  }
0x26c: {  	v13 =	vadd.f32 v23, v13  }
0x26d: {  	v14 =	vadd.f32 v16, v14;
	v9 =	vadd.f32 v27, v9  }
0x26e: {  	v16 =	vadd.f32 v26, v22;
	v11 =	vadd.f32 v11, v13  }
0x26f: {  	v13 =	vadd.f32 v14, v19;
	v9 =	vadd.f32 v9, v15  }
0x270: {  	v14 =	vadd.f32 v24, v20;
	v7 =	vadd.f32 v7, v21  }
0x271: {  	v11 =	vadd.f32 v11, v13;
	v9 =	vadd.f32 v9, v16;
	_ =	sdelay $0x1  }
0x272: {  	v7 =	vadd.f32 v7, v14;
	v9 =	vadd.f32 v9, v11;
	_ =	sdelay $0x1  }
0x273: {  	v7 =	vadd.f32 v7, v9;
	_ =	sdelay $0x1  }
0x274: {  	v9 =	vmul.f32 v7, v7;
	_ =	sdelay $0x1  }
0x275: {  	v11 =	vperm.xlane v9, v0  }
0x276: {  	v13 =	vadd.f32 v18, v25  }
0x277: {  	v9 =	vadd.f32 v9, v11  }
0x278: {  	v11 =	vperm.xlane v13, v1  }
0x279: {  	v14 =	vperm.xlane v9, v1  }
0x27a: {  	v11 =	vadd.f32 v13, v11  }
0x27b: {  	v9 =	vadd.f32 v9, v14  }
0x27c: {  	v13 =	vperm.xlane v11, v2  }
0x27d: {  	v14 =	vperm.xlane v9, v2  }
0x27e: {  	v11 =	vadd.f32 v11, v13  }
0x27f: {  	v9 =	vadd.f32 v9, v14  }
0x280: {  	v13 =	vperm.xlane v11, v3  }
0x281: {  	v14 =	vperm.xlane v9, v3  }
0x282: {  	v11 =	vadd.f32 v11, v13  }
0x283: {  	v9 =	vadd.f32 v9, v14  }
0x284: {  	v13 =	vshra.s32 v11, $0x1;
	v11 =	vmul.f32 $5.000000000e-01, v11  }
0x285: {  	v13 =	vsub.s32 $0x5F3759DF, v13;
	v14 =	vshra.s32 v9, $0x1;
	v9 =	vmul.f32 $5.000000000e-01, v9  }
0x286: {  	v15 =	vmul.f32 v13, v11;
	v14 =	vsub.s32 $0x5F3759DF, v14  }
0x287: {  	v16 =	vmul.f32 v14, v9  }
0x288: {  	v15 =	vmul.f32 v13, v15  }
0x289: {  	v17 =	vsub.f32 $1.500000000e+00, v17;
	v16 =	vmul.f32 v14, v16  }
0x28a: {  	v15 =	vsub.f32 $1.500000000e+00, v15  }
0x28b: {  	v10 =	vmul.f32 v10, v17;
	v16 =	vsub.f32 $1.500000000e+00, v16  }
0x28c: {  	v13 =	vmul.f32 v13, v15  }
0x28d: {  	v15 =	vmul.f32 v10, v6;
	v14 =	vmul.f32 v14, v16  }
0x28e: {  	v16 =	vmul.f32 v13, v11  }
0x28f: {  	v15 =	vmul.f32 v15, v10;
	v17 =	vmul.f32 v14, v9  }
0x290: {  	v16 =	vmul.f32 v16, v13  }
0x291: {  	v15 =	vsub.f32 $1.500000000e+00, v15;
	v17 =	vmul.f32 v17, v14  }
0x292: {  	v16 =	vsub.f32 $1.500000000e+00, v16  }
0x293: {  	v10 =	vmul.f32 v15, v10;
	v15 =	vsub.f32 $1.500000000e+00, v17  }
0x294: {  	v13 =	vmul.f32 v16, v13  }
0x295: {  	v6 =	vmul.f32 v10, v6;
	v14 =	vmul.f32 v15, v14  }
0x296: {  	v11 =	vmul.f32 v13, v11  }
0x297: {  	v6 =	vmul.f32 v6, v10;
	v9 =	vmul.f32 v14, v9  }
0x298: {  	v11 =	vmul.f32 v11, v13  }
0x299: {  	v6 =	vsub.f32 $1.500000000e+00, v6;
	v9 =	vmul.f32 v9, v14  }
0x29a: {  	v11 =	vsub.f32 $1.500000000e+00, v11  }
0x29b: {  	v6 =	vmul.f32 v6, v10;
	v9 =	vsub.f32 $1.500000000e+00, v9  }
0x29c: {  	v4 =	vmul.f32 v12, v4;
	v10 =	vmul.f32 v11, v13  }
0x29d: {  	v5 =	vmul.f32 v6, v5;
	v6 =	vmul.f32 v9, v14  }
0x29e: {  	[tilespmem:s15+$0x17000] =	vst v4;
	v4 =	vmul.f32 v10, v8  }
0x29f: {  	[tilespmem:s16+$0x17000] =	vst v5;
	v5 =	vmul.f32 v6, v7  }
0x2a0: {  	[tilespmem:s31+$0x17000] =	vst v4  }
0x2a1: {  	s0 =	simm.s32 $0x180;
	[tilespmem:s17+$0x17000] =	vst v5  }
0x2a2: {  	[tilespmem:s24], [sflag:$0x2] =	stream.indirect.gather [hbm4b:s3+s6], $0x10, s0, s6, $0xb8;
	[tilespmem:$0x18800] =	vst v63  }
0x2a3: {  	s18 =	simm.s32 $0x380  }
0x2a4: {  	[tilespmem:s25], [sflag:$0x2] =	stream.indirect.gather [hbm4b:s3+s6], $0x10, s18, s6, $0xb8;
	[tilespmem:$0x18800] =	vst v63  }
0x2a5: {  	s19 =	simm.s32 $0x580  }
0x2a6: {  	[tilespmem:s26], [sflag:$0x2] =	stream.indirect.gather [hbm4b:s3+s6], $0x10, s19, s6, $0xb8;
	[tilespmem:$0x18800] =	vst v63  }
0x2a7: {  	s20 =	simm.s32 $0x780  }
0x2a8: {  	[tilespmem:s28], [sflag:$0x2] =	stream.indirect.gather [hbm4b:s3+s6], $0x10, s20, s6, $0xb8;
	[tilespmem:$0x18800] =	vst v63  }
0x2a9: {  	s21 =	simm.s32 $0x980  }
0x2aa: {  	[tilespmem:s29], [sflag:$0x2] =	stream.indirect.gather [hbm4b:s3+s6], $0x10, s21, s6, $0xb8;
	[tilespmem:$0x18800] =	vst v63  }
0x2ab: {  	s22 =	simm.s32 $0xF000;
	s1 =	simm.s32 $0xB80  }
0x2ac: {  	[tilespmem:s22], [sflag:$0x2] =	stream.indirect.gather [hbm4b:s3+s6], $0x10, s1, s6, $0xb8;
	[tilespmem:$0x18800] =	vst v63  }
0x2ad: {  	s23 =	simm.s32 $0xF800;
	s24 =	simm.s32 $0xD80  }
0x2ae: {  	[tilespmem:s23], [sflag:$0x2] =	stream.indirect.gather [hbm4b:s3+s6], $0x10, s24, s6, $0xb8;
	[tilespmem:$0x18800] =	vst v63  }
0x2af: {  	s25 =	simm.s32 $0x10000;
	s26 =	simm.s32 $0xF80  }
0x2b0: {  	[tilespmem:s25], [sflag:$0x2] =	stream.indirect.gather [hbm4b:s3+s6], $0x10, s26, s6, $0xb8;
	[tilespmem:$0x18800] =	vst v63  }
0x2b1: {  	s28 =	simm.s32 $0x10800;
	s29 =	simm.s32 $0x1180  }
0x2b2: {  	[tilespmem:s28], [sflag:$0x2] =	stream.indirect.gather [hbm4b:s3+s6], $0x10, s29, s6, $0xb8;
	[tilespmem:$0x18800] =	vst v63  }
0x2b3: {  	s4 =	simm.s32 $0x11000;
	s5 =	simm.s32 $0x1380  }
0x2b4: {  	[tilespmem:s4], [sflag:$0x2] =	stream.indirect.gather [hbm4b:s3+s6], $0x10, s5, s6, $0xb8;
	[tilespmem:$0x18800] =	vst v63  }
0x2b5: {  	s7 =	simm.s32 $0x11800;
	s8 =	simm.s32 $0x1580  }
0x2b6: {  	[tilespmem:s7], [sflag:$0x2] =	stream.indirect.gather [hbm4b:s3+s6], $0x10, s8, s6, $0xb8;
	[tilespmem:$0x18800] =	vst v63  }
0x2b7: {  	s9 =	simm.s32 $0x12000;
	s10 =	simm.s32 $0x1780  }
0x2b8: {  	[tilespmem:s9], [sflag:$0x2] =	stream.indirect.gather [hbm4b:s3+s6], $0x10, s10, s6, $0xb8;
	[tilespmem:$0x18800] =	vst v63  }
0x2b9: {  	s11 =	simm.s32 $0x12800;
	s12 =	simm.s32 $0x1980  }
0x2ba: {  	[tilespmem:s11], [sflag:$0x2] =	stream.indirect.gather [hbm4b:s3+s6], $0x10, s12, s6, $0xb8;
	[tilespmem:$0x18800] =	vst v63  }
0x2bb: {  	s15 =	simm.s32 $0x13000;
	s16 =	simm.s32 $0x1B80  }
0x2bc: {  	[tilespmem:s15], [sflag:$0x2] =	stream.indirect.gather [hbm4b:s3+s6], $0x10, s16, s6, $0xb8;
	[tilespmem:$0x18800] =	vst v63  }
0x2bd: {  	s17 =	simm.s32 $0x13800;
	s18 =	simm.s32 $0x1D80  }
0x2be: {  	[tilespmem:s17], [sflag:$0x2] =	stream.indirect.gather [hbm4b:s3+s6], $0x10, s18, s6, $0xb8;
	[tilespmem:$0x18800] =	vst v63  }
0x2bf: {  	s19 =	simm.s32 $0x14000;
	s20 =	simm.s32 $0x1F80  }
0x2c0: {  	[tilespmem:s19], [sflag:$0x2] =	stream.indirect.gather [hbm4b:s3+s6], $0x10, s20, s6, $0xb8;
	[tilespmem:$0x18800] =	vst v63  }
0x2c1: {  	s21 =	simm.s32 $0x14800;
	s22 =	simm.s32 $0x2180  }
0x2c2: {  	[tilespmem:s21], [sflag:$0x2] =	stream.indirect.gather [hbm4b:s3+s6], $0x10, s22, s6, $0xb8;
	[tilespmem:$0x18800] =	vst v63  }
0x2c3: {  	s23 =	simm.s32 $0x15000;
	s24 =	simm.s32 $0x2380  }
0x2c4: {  	[tilespmem:s23], [sflag:$0x2] =	stream.indirect.gather [hbm4b:s3+s6], $0x10, s24, s6, $0xb8;
	[tilespmem:$0x18800] =	vst v63  }
0x2c5: {  	s25 =	simm.s32 $0x15800;
	s26 =	simm.s32 $0x2580  }
0x2c6: {  	[tilespmem:s25], [sflag:$0x2] =	stream.indirect.gather [hbm4b:s3+s6], $0x10, s26, s6, $0xb8;
	[tilespmem:$0x18800] =	vst v63  }
0x2c7: {  	s28 =	simm.s32 $0x16000;
	s29 =	simm.s32 $0x2780  }
0x2c8: {  	[tilespmem:s28], [sflag:$0x2] =	stream.indirect.gather [hbm4b:s3+s6], $0x10, s29, s6, $0xb8;
	[tilespmem:$0x18800] =	vst v63  }
0x2c9: {  	_ =	swait.ge [sflag:s30], $0x800  }
0x2ca: {  	[sflag:s30] =	ssyncset.done $0x0  }
0x2cb: {  	[sflag:s30] =	ssyncadd.s32 $0xFFFFF800  }
0x2cc: {  	_ =	swait.ge [sflag:s30], $0x800  }
0x2cd: {  	[sflag:s30] =	ssyncset.done $0x0  }
0x2ce: {  	[sflag:s30] =	ssyncadd.s32 $0xFFFFF800  }
0x2cf: {  	_ =	swait.ge [sflag:s30], $0x800  }
0x2d0: {  	[sflag:s30] =	ssyncset.done $0x0  }
0x2d1: {  	[sflag:s30] =	ssyncadd.s32 $0xFFFFF800  }
0x2d2: {  	_ =	swait.ge [sflag:s30], $0x800  }
0x2d3: {  	[sflag:s30] =	ssyncset.done $0x0  }
0x2d4: {  	[sflag:s30] =	ssyncadd.s32 $0xFFFFF800  }
0x2d5: {  	_ =	swait.ge [sflag:s30], $0x800  }
0x2d6: {  	[sflag:s30] =	ssyncset.done $0x0  }
0x2d7: {  	[sflag:s30] =	ssyncadd.s32 $0xFFFFF800  }
0x2d8: {  	_ =	swait.ge [sflag:s30], $0x800  }
0x2d9: {  	[sflag:s30] =	ssyncset.done $0x0  }
0x2da: {  	[sflag:s30] =	ssyncadd.s32 $0xFFFFF800  }
0x2db: {  	_ =	swait.ge [sflag:s30], $0x800  }
0x2dc: {  	[sflag:s30] =	ssyncset.done $0x0  }
0x2dd: {  	[sflag:s30] =	ssyncadd.s32 $0xFFFFF800  }
0x2de: {  	_ =	swait.ge [sflag:s30], $0x800  }
0x2df: {  	[sflag:s30] =	ssyncset.done $0x0  }
0x2e0: {  	[sflag:s30] =	ssyncadd.s32 $0xFFFFF800  }
0x2e1: {  	_ =	swait.ge [sflag:s30], $0x800  }
0x2e2: {  	[sflag:s30] =	ssyncset.done $0x0  }
0x2e3: {  	[sflag:s30] =	ssyncadd.s32 $0xFFFFF800  }
0x2e4: {  	_ =	swait.ge [sflag:s30], $0x800  }
0x2e5: {  	[sflag:s30] =	ssyncset.done $0x0  }
0x2e6: {  	[sflag:s30] =	ssyncadd.s32 $0xFFFFF800  }
0x2e7: {  	_ =	swait.ge [sflag:s30], $0x800  }
0x2e8: {  	[sflag:s30] =	ssyncset.done $0x0  }
0x2e9: {  	[sflag:s30] =	ssyncadd.s32 $0xFFFFF800  }
0x2ea: {  	_ =	swait.ge [sflag:s30], $0x800  }
0x2eb: {  	[sflag:s30] =	ssyncset.done $0x0  }
0x2ec: {  	[sflag:s30] =	ssyncadd.s32 $0xFFFFF800  }
0x2ed: {  	_ =	swait.ge [sflag:s30], $0x800  }
0x2ee: {  	[sflag:s30] =	ssyncset.done $0x0  }
0x2ef: {  	[sflag:s30] =	ssyncadd.s32 $0xFFFFF800  }
0x2f0: {  	_ =	swait.ge [sflag:s30], $0x800  }
0x2f1: {  	[sflag:s30] =	ssyncset.done $0x0  }
0x2f2: {  	[sflag:s30] =	ssyncadd.s32 $0xFFFFF800  }
0x2f3: {  	_ =	swait.ge [sflag:s30], $0x800  }
0x2f4: {  	[sflag:s30] =	ssyncset.done $0x0  }
0x2f5: {  	[sflag:s30] =	ssyncadd.s32 $0xFFFFF800  }
0x2f6: {  	_ =	swait.ge [sflag:s30], $0x800  }
0x2f7: {  	[sflag:s30] =	ssyncset.done $0x0  }
0x2f8: {  	[sflag:s30] =	ssyncadd.s32 $0xFFFFF800  }
0x2f9: {  	_ =	swait.ge [sflag:s30], $0x800  }
0x2fa: {  	[sflag:s30] =	ssyncset.done $0x0  }
0x2fb: {  	[sflag:s30] =	ssyncadd.s32 $0xFFFFF800  }
0x2fc: {  	_ =	swait.ge [sflag:s30], $0x800  }
0x2fd: {  	[sflag:s30] =	ssyncset.done $0x0  }
0x2fe: {  	[sflag:s30] =	ssyncadd.s32 $0xFFFFF800  }
0x2ff: {  	_ =	swait.ge [sflag:s30], $0x800  }
0x300: {  	[sflag:s30] =	ssyncset.done $0x0  }
0x301: {  	[sflag:s30] =	ssyncadd.s32 $0xFFFFF800  }
0x302: {  	_ =	swait.ge [sflag:s30], $0x800  }
0x303: {  	[sflag:s30] =	ssyncset.done $0x0  }
0x304: {  	s15 =	simm.s32 $0x0;
	[sflag:s30] =	ssyncadd.s32 $0xFFFFF800  }
0x305: {  	v4 =	vld [tilespmem:s15+$0x7800]  }
0x306: {  	v5 =	vld [tilespmem:s15+$0x7000]  }
0x307: {  	v6 =	vld [tilespmem:s15+$0xC000]  }
0x308: {  	v7 =	vld [tilespmem:s15+$0x6800]  }
0x309: {  	v8 =	vld [tilespmem:s15+$0x2800]  }
0x30a: {  	v9 =	vld [tilespmem:s15+$0x6000]  }
0x30b: {  	v10 =	vld [tilespmem:s15+$0x5800]  }
0x30c: {  	v11 =	vld [tilespmem:s15+$0x9800]  }
0x30d: {  	v12 =	vld [tilespmem:s15+$0x9000]  }
0x30e: {  	v13 =	vld [tilespmem:s15+$0x8800]  }
0x30f: {  	v14 =	vld [tilespmem:s15+$0x4800]  }
0x310: {  	v15 =	vld [tilespmem:s15+$0x8000]  }
0x311: {  	v16 =	vld [tilespmem:s15+$0x3000]  }
0x312: {  	v17 =	vld [tilespmem:s15+$0x3800]  }
0x313: {  	v18 =	vld [tilespmem:s15+$0x4000]  }
0x314: {  	v19 =	vld [tilespmem:s15+$0x5000]  }
0x315: {  	v20 =	vld [tilespmem:s15+$0xA800]  }
0x316: {  	v21 =	vld [tilespmem:s15+$0xB000]  }
0x317: {  	v22 =	vld [tilespmem:s15+$0xB800]  }
0x318: {  	s16 =	simm.s32 $0x10;
	v23 =	vld [tilespmem:s15+$0xA000]  }
0x319: {  	v24 =	vld [tilespmem:s16+$0x7800]  }
0x31a: {  	v25 =	vld [tilespmem:s16+$0x7000]  }
0x31b: {  	s31 =	simm.s32 $0x20;
	v26 =	vld [tilespmem:s16+$0xC000]  }
0x31c: {  	v27 =	vld [tilespmem:s31+$0x7000];
	v9 =	vadd.f32 v9, v10;
	v5 =	vadd.f32 v5, v7  }
0x31d: {  	s17 =	simm.s32 $0x30;
	v28 =	vld [tilespmem:s31+$0xB800];
	v10 =	vadd.f32 v12, v13;
	v4 =	vadd.f32 v15, v4  }
0x31e: {  	v29 =	vld [tilespmem:s17+$0x7000];
	v8 =	vadd.f32 v16, v8;
	v13 =	vadd.f32 v19, v14  }
0x31f: {  	v30 =	vld [tilespmem:s17+$0x2800];
	v15 =	vadd.f32 v18, v17;
	v11 =	vadd.f32 v23, v11  }
0x320: {  	v7 =	vld [tilespmem:s16+$0x6800];
	v4 =	vadd.f32 v4, v5;
	v5 =	vadd.f32 v9, v13  }
0x321: {  	v12 =	vld [tilespmem:s16+$0x2800];
	v8 =	vadd.f32 v15, v8;
	v10 =	vadd.f32 v11, v10  }
0x322: {  	v14 =	vld [tilespmem:s16+$0x6000];
	v6 =	vadd.f32 v6, v22;
	v13 =	vadd.f32 v21, v20  }
0x323: {  	v16 =	vld [tilespmem:s16+$0x5800];
	v5 =	vadd.f32 v5, v8;
	v4 =	vadd.f32 v10, v4  }
0x324: {  	v17 =	vld [tilespmem:s16+$0x5000]  }
0x325: {  	v23 =	vld [tilespmem:s16+$0xA000];
	v6 =	vadd.f32 v6, v13;
	v4 =	vadd.f32 v4, v5  }
0x326: {  	v9 =	vld [tilespmem:s16+$0x9800]  }
0x327: {  	v11 =	vld [tilespmem:s16+$0x9000];
	v4 =	vadd.f32 v6, v4  }
0x328: {  	v15 =	vld [tilespmem:s16+$0x8800]  }
0x329: {  	v8 =	vld [tilespmem:s16+$0x4800];
	v18 =	vmul.f32 v4, v4  }
0x32a: {  	v10 =	vld [tilespmem:s16+$0x8000]  }
0x32b: {  	v13 =	vld [tilespmem:s16+$0x3800];
	v21 =	vperm.xlane v18, v0  }
0x32c: {  	v5 =	vld [tilespmem:s16+$0x3000]  }
0x32d: {  	v6 =	vld [tilespmem:s16+$0x4000];
	v18 =	vadd.f32 v18, v21  }
0x32e: {  	v62 =	vld [tilespmem:s17+$0x3000];
	v14 =	vadd.f32 v14, v16  }
0x32f: {  	v19 =	vld [tilespmem:s16+$0xA800];
	v7 =	vadd.f32 v25, v7;
	v11 =	vadd.f32 v11, v15;
	v16 =	vperm.xlane v18, v1  }
0x330: {  	v22 =	vld [tilespmem:s16+$0xB800];
	v9 =	vadd.f32 v23, v9;
	v10 =	vadd.f32 v10, v24  }
0x331: {  	v20 =	vld [tilespmem:s16+$0xB000];
	v5 =	vadd.f32 v5, v12;
	v12 =	vadd.f32 v18, v16  }
0x332: {  	v25 =	vld [tilespmem:s31+$0xC000];
	v8 =	vadd.f32 v17, v8;
	v6 =	vadd.f32 v6, v13  }
0x333: {  	v15 =	vld [tilespmem:s31+$0x6800];
	v9 =	vadd.f32 v9, v11;
	v7 =	vadd.f32 v10, v7;
	v10 =	vperm.xlane v12, v2  }
0x334: {  	v17 =	vld [tilespmem:s31+$0x5800];
	v8 =	vadd.f32 v14, v8;
	v5 =	vadd.f32 v6, v5  }
0x335: {  	v11 =	vld [tilespmem:s31+$0x9000];
	v14 =	vadd.f32 v26, v22;
	v10 =	vadd.f32 v12, v10  }
0x336: {  	v22 =	vld [tilespmem:s31+$0x5000];
	v7 =	vadd.f32 v9, v7;
	v5 =	vadd.f32 v8, v5  }
0x337: {  	v13 =	vld [tilespmem:s31+$0x6000];
	v12 =	vadd.f32 v20, v19;
	v8 =	vperm.xlane v10, v3  }
0x338: {  	v9 =	vld [tilespmem:s31+$0x4800];
	v5 =	vadd.f32 v7, v5  }
0x339: {  	v21 =	vld [tilespmem:s31+$0x7800];
	v12 =	vadd.f32 v14, v12;
	v7 =	vadd.f32 v10, v8  }
0x33a: {  	v6 =	vld [tilespmem:s31+$0x9800]  }
0x33b: {  	v14 =	vld [tilespmem:s31+$0x8000];
	v5 =	vadd.f32 v12, v5;
	v12 =	vshra.s32 v7, $0x1;
	v19 =	vmul.f32 $5.000000000e-01, v7  }
0x33c: {  	v16 =	vld [tilespmem:s31+$0x2800];
	v12 =	vsub.s32 $0x5F3759DF, v12  }
0x33d: {  	v20 =	vld [tilespmem:s31+$0x4000];
	v7 =	vmul.f32 v5, v5;
	v23 =	vmul.f32 v12, v19  }
0x33e: {  	v15 =	vadd.f32 v27, v15;
	v8 =	vld [tilespmem:s31+$0x3000]  }
0x33f: {  	v13 =	vadd.f32 v13, v17;
	v10 =	vld [tilespmem:s31+$0x3800];
	v17 =	vperm.xlane v7, v0;
	v23 =	vmul.f32 v12, v23  }
0x340: {  	v18 =	vld [tilespmem:s31+$0x8800];
	v9 =	vadd.f32 v22, v9;
	v14 =	vadd.f32 v14, v21  }
0x341: {  	v21 =	vld [tilespmem:s31+$0xA000];
	v17 =	vadd.f32 v7, v17;
	v23 =	vsub.f32 $1.500000000e+00, v23  }
0x342: {  	v24 =	vld [tilespmem:s31+$0xA800];
	v13 =	vadd.f32 v13, v9  }
0x343: {  	v26 =	vld [tilespmem:s31+$0xB000];
	v14 =	vadd.f32 v14, v15;
	v15 =	vperm.xlane v17, v1;
	v12 =	vmul.f32 v12, v23  }
0x344: {  	v27 =	vld [tilespmem:s17+$0x7800];
	v8 =	vadd.f32 v8, v16;
	v10 =	vadd.f32 v20, v10  }
0x345: {  	v22 =	vld [tilespmem:s17+$0x6800];
	v11 =	vadd.f32 v11, v18;
	v15 =	vadd.f32 v17, v15;
	v17 =	vmul.f32 v12, v19  }
0x346: {  	v9 =	vld [tilespmem:s17+$0x9800];
	v8 =	vadd.f32 v10, v8;
	v6 =	vadd.f32 v21, v6  }
0x347: {  	v18 =	vadd.f32 v25, v28;
	v20 =	vld [tilespmem:s17+$0x6000];
	v21 =	vperm.xlane v15, v2;
	v17 =	vmul.f32 v17, v12  }
0x348: {  	v7 =	vld [tilespmem:s17+$0xC000];
	v8 =	vadd.f32 v13, v8;
	v6 =	vadd.f32 v6, v11  }
0x349: {  	v13 =	vld [tilespmem:s17+$0x4800];
	v10 =	vadd.f32 v15, v21;
	v11 =	vsub.f32 $1.500000000e+00, v17  }
0x34a: {  	v16 =	vadd.f32 v26, v24;
	v23 =	vld [tilespmem:s17+$0x5800];
	v6 =	vadd.f32 v6, v14  }
0x34b: {  	v15 =	vld [tilespmem:s17+$0x9000];
	v14 =	vperm.xlane v10, v3;
	v12 =	vmul.f32 v11, v12  }
0x34c: {  	v21 =	vld [tilespmem:s17+$0x8000];
	v6 =	vadd.f32 v6, v8;
	v11 =	vadd.f32 v18, v16  }
0x34d: {  	v17 =	vld [tilespmem:s17+$0x8800];
	v10 =	vadd.f32 v10, v14;
	v18 =	vmul.f32 v12, v19  }
0x34e: {  	v14 =	vld [tilespmem:s17+$0x3800];
	v8 =	vadd.f32 v11, v6  }
0x34f: {  	v16 =	vld [tilespmem:s17+$0x4000];
	v19 =	vshra.s32 v10, $0x1;
	v6 =	vmul.f32 $5.000000000e-01, v10;
	v24 =	vmul.f32 v18, v12  }
0x350: {  	v11 =	vadd.f32 v20, v23;
	v23 =	vld [tilespmem:s17+$0x5000];
	v10 =	vsub.s32 $0x5F3759DF, v19;
	v18 =	vmul.f32 v8, v8  }
0x351: {  	v22 =	vadd.f32 v29, v22;
	v20 =	vld [tilespmem:s17+$0xA800];
	v19 =	vmul.f32 v10, v6;
	v63 =	vsub.f32 $1.500000000e+00, v24  }
0x352: {  	v26 =	vadd.f32 v21, v27;
	v15 =	vadd.f32 v15, v17;
	v24 =	vld [tilespmem:s17+$0xB000];
	v25 =	vperm.xlane v18, v0  }
0x353: {  	s7 =	simm.s32 $0x100;
	v21 =	vld [tilespmem:s17+$0xB800];
	v17 =	vmul.f32 v10, v19;
	v19 =	vadd.f32 v62, v30;
	v12 =	vmul.f32 v63, v12  }
.LBB2_6:
0x354: {  	s18 =	sshra.s32 s7, $0x2;
	p0 =	sne.s32 s7, $0x1FC0;
	s7 =	sadd.s32 $0x40, s7;
	v27 =	vld [tilespmem:s17+$0xA000];
	v22 =	vadd.f32 v26, v22;
	v18 =	vadd.f32 v18, v25  }
0x355: {  	v17 =	vsub.f32 $1.500000000e+00, v17;
	v25 =	vld [tilespmem:s18+$0x7800];
	v13 =	vadd.f32 v23, v13;
	v12 =	vmul.f32 v12, v4;
	v4 =	vmovc v5;
	v5 =	vmovc v8  }
0x356: {  	v23 =	vld [tilespmem:s18+$0x7000];
	v8 =	vperm.xlane v18, v1  }
0x357: {  	v10 =	vmul.f32 v10, v17;
	v26 =	vld [tilespmem:s18+$0xC000];
	v20 =	vadd.f32 v24, v20;
	[tilespmem:s15+$0x17800] =	vst v12;
	s15 =	smov.u32 s16;
	s16 =	smov.u32 s31;
	s31 =	smov.u32 s17  }
0x358: {  	v14 =	vadd.f32 v16, v14;
	s17 =	smov.u32 s18;
	v12 =	vld [tilespmem:s18+$0x6800];
	v8 =	vadd.f32 v18, v8  }
0x359: {  	v17 =	vadd.f32 v7, v21;
	v24 =	vmul.f32 v10, v6;
	v28 =	vld [tilespmem:s17+$0x2800];
	v16 =	vadd.f32 v27, v9  }
0x35a: {  	v11 =	vadd.f32 v11, v13;
	v18 =	vld [tilespmem:s17+$0x6000];
	v13 =	vperm.xlane v8, v2  }
0x35b: {  	v14 =	vadd.f32 v14, v19;
	v19 =	vmul.f32 v24, v10;
	v21 =	vld [tilespmem:s17+$0x5800]  }
0x35c: {  	v15 =	vadd.f32 v16, v15;
	v9 =	vld [tilespmem:s17+$0x9800];
	v8 =	vadd.f32 v8, v13;
	v7 =	vmov v26  }
0x35d: {  	v11 =	vadd.f32 v11, v14;
	v14 =	vsub.f32 $1.500000000e+00, v19;
	v24 =	vld [tilespmem:s17+$0x9000]  }
0x35e: {  	v16 =	vadd.f32 v17, v20;
	v15 =	vadd.f32 v15, v22;
	v19 =	vld [tilespmem:s17+$0x8800];
	v17 =	vperm.xlane v8, v3  }
0x35f: {  	v27 =	vmul.f32 v14, v10;
	v13 =	vld [tilespmem:s17+$0x4800]  }
0x360: {  	v10 =	vadd.f32 v15, v11;
	v26 =	vld [tilespmem:s17+$0x8000];
	v15 =	vadd.f32 v8, v17  }
0x361: {  	v11 =	vadd.f32 v18, v21;
	v17 =	vmul.f32 v27, v6;
	v29 =	vld [tilespmem:s17+$0x3000]  }
0x362: {  	v8 =	vadd.f32 v16, v10;
	v14 =	vld [tilespmem:s17+$0x3800];
	v10 =	vshra.s32 v15, $0x1;
	v6 =	vmul.f32 $5.000000000e-01, v15  }
.Ltmp2:
0x363: {  	v22 =	vadd.f32 v23, v12;
	v12 =	vmul.f32 v17, v27;
	v16 =	vld [tilespmem:s17+$0x4000];
	v10 =	vsub.s32 $0x5F3759DF, v10;
	(pc) =	sbr.rel @p0 .LBB2_6-.Ltmp2, $4  }
0x364: {  	v15 =	vadd.f32 v24, v19;
	v18 =	vmul.f32 v8, v8;
	v23 =	vld [tilespmem:s17+$0x5000];
	v17 =	vmul.f32 v10, v6  }
0x365: {  	v12 =	vsub.f32 $1.500000000e+00, v12;
	v20 =	vld [tilespmem:s17+$0xA800];
	v26 =	vadd.f32 v26, v25  }
0x366: {  	v25 =	vperm.xlane v18, v0;
	v24 =	vld [tilespmem:s17+$0xB000];
	v17 =	vmul.f32 v10, v17  }
0x367: {  	v19 =	vadd.f32 v29, v28;
	v12 =	vmul.f32 v12, v27;
	v21 =	vld [tilespmem:s17+$0xB800]  }
0x368: {  	v27 =	vld [tilespmem:s17+$0xA000];
	_ =	sdelay $0x3  }
0x369: {  	v13 =	vadd.f32 v23, v13  }
0x36a: {  	v14 =	vadd.f32 v16, v14;
	v9 =	vadd.f32 v27, v9  }
0x36b: {  	v16 =	vadd.f32 v26, v22;
	v11 =	vadd.f32 v11, v13  }
0x36c: {  	v13 =	vadd.f32 v14, v19;
	v9 =	vadd.f32 v9, v15  }
0x36d: {  	v14 =	vadd.f32 v24, v20;
	v7 =	vadd.f32 v7, v21  }
0x36e: {  	v11 =	vadd.f32 v11, v13;
	v9 =	vadd.f32 v9, v16;
	_ =	sdelay $0x1  }
0x36f: {  	v7 =	vadd.f32 v7, v14;
	v9 =	vadd.f32 v9, v11;
	_ =	sdelay $0x1  }
0x370: {  	v7 =	vadd.f32 v7, v9;
	_ =	sdelay $0x1  }
0x371: {  	v9 =	vmul.f32 v7, v7;
	_ =	sdelay $0x1  }
0x372: {  	v11 =	vperm.xlane v9, v0  }
0x373: {  	v13 =	vadd.f32 v18, v25  }
0x374: {  	v9 =	vadd.f32 v9, v11  }
0x375: {  	v11 =	vperm.xlane v13, v1  }
0x376: {  	v14 =	vperm.xlane v9, v1  }
0x377: {  	v11 =	vadd.f32 v13, v11  }
0x378: {  	v9 =	vadd.f32 v9, v14  }
0x379: {  	v13 =	vperm.xlane v11, v2  }
0x37a: {  	v14 =	vperm.xlane v9, v2  }
0x37b: {  	v11 =	vadd.f32 v11, v13  }
0x37c: {  	v9 =	vadd.f32 v9, v14  }
0x37d: {  	v13 =	vperm.xlane v11, v3  }
0x37e: {  	v14 =	vperm.xlane v9, v3  }
0x37f: {  	v11 =	vadd.f32 v11, v13  }
0x380: {  	v9 =	vadd.f32 v9, v14  }
0x381: {  	v13 =	vshra.s32 v11, $0x1;
	v11 =	vmul.f32 $5.000000000e-01, v11  }
0x382: {  	v13 =	vsub.s32 $0x5F3759DF, v13;
	v14 =	vshra.s32 v9, $0x1;
	v9 =	vmul.f32 $5.000000000e-01, v9  }
0x383: {  	v15 =	vmul.f32 v13, v11;
	v14 =	vsub.s32 $0x5F3759DF, v14  }
0x384: {  	v16 =	vmul.f32 v14, v9  }
0x385: {  	v15 =	vmul.f32 v13, v15  }
0x386: {  	v17 =	vsub.f32 $1.500000000e+00, v17;
	v16 =	vmul.f32 v14, v16  }
0x387: {  	v15 =	vsub.f32 $1.500000000e+00, v15  }
0x388: {  	v10 =	vmul.f32 v10, v17;
	v16 =	vsub.f32 $1.500000000e+00, v16  }
0x389: {  	v13 =	vmul.f32 v13, v15  }
0x38a: {  	v15 =	vmul.f32 v10, v6;
	v14 =	vmul.f32 v14, v16  }
0x38b: {  	v16 =	vmul.f32 v13, v11  }
0x38c: {  	v15 =	vmul.f32 v15, v10;
	v17 =	vmul.f32 v14, v9  }
0x38d: {  	v16 =	vmul.f32 v16, v13  }
0x38e: {  	v15 =	vsub.f32 $1.500000000e+00, v15;
	v17 =	vmul.f32 v17, v14  }
0x38f: {  	v16 =	vsub.f32 $1.500000000e+00, v16  }
0x390: {  	v10 =	vmul.f32 v15, v10;
	v15 =	vsub.f32 $1.500000000e+00, v17  }
0x391: {  	v13 =	vmul.f32 v16, v13  }
0x392: {  	v6 =	vmul.f32 v10, v6;
	v14 =	vmul.f32 v15, v14  }
0x393: {  	v11 =	vmul.f32 v13, v11  }
0x394: {  	v6 =	vmul.f32 v6, v10;
	v9 =	vmul.f32 v14, v9  }
0x395: {  	v11 =	vmul.f32 v11, v13  }
0x396: {  	v6 =	vsub.f32 $1.500000000e+00, v6;
	v9 =	vmul.f32 v9, v14  }
0x397: {  	v11 =	vsub.f32 $1.500000000e+00, v11  }
0x398: {  	v6 =	vmul.f32 v6, v10;
	v9 =	vsub.f32 $1.500000000e+00, v9  }
0x399: {  	v4 =	vmul.f32 v12, v4;
	v10 =	vmul.f32 v11, v13  }
0x39a: {  	v5 =	vmul.f32 v6, v5;
	v6 =	vmul.f32 v9, v14  }
0x39b: {  	[tilespmem:s15+$0x17800] =	vst v4;
	v4 =	vmul.f32 v10, v8  }
0x39c: {  	[tilespmem:s16+$0x17800] =	vst v5;
	v5 =	vmul.f32 v6, v7  }
0x39d: {  	[tilespmem:s31+$0x17800] =	vst v4  }
0x39e: {  	[tilespmem:s17+$0x17800] =	vst v5  }
0x39f: {  	_ =	swait.ge [sflag:s13], $0x800  }
0x3a0: {  	[sflag:s13] =	ssyncset.done $0x0  }
0x3a1: {  	[sflag:s13] =	ssyncadd.s32 $0xFFFFF800  }
0x3a2: {  	_ =	swait.ge [sflag:s13], $0x800  }
0x3a3: {  	[sflag:s13] =	ssyncset.done $0x0  }
0x3a4: {  	[sflag:s13] =	ssyncadd.s32 $0xFFFFF800  }
0x3a5: {  	_ =	swait.ge [sflag:s13], $0x800  }
0x3a6: {  	[sflag:s13] =	ssyncset.done $0x0  }
0x3a7: {  	[sflag:s13] =	ssyncadd.s32 $0xFFFFF800  }
0x3a8: {  	_ =	swait.ge [sflag:s13], $0x800  }
0x3a9: {  	[sflag:s13] =	ssyncset.done $0x0  }
0x3aa: {  	[sflag:s13] =	ssyncadd.s32 $0xFFFFF800  }
0x3ab: {  	_ =	swait.ge [sflag:s13], $0x800  }
0x3ac: {  	[sflag:s13] =	ssyncset.done $0x0  }
0x3ad: {  	[sflag:s13] =	ssyncadd.s32 $0xFFFFF800  }
0x3ae: {  	_ =	swait.ge [sflag:s13], $0x800  }
0x3af: {  	[sflag:s13] =	ssyncset.done $0x0  }
0x3b0: {  	[sflag:s13] =	ssyncadd.s32 $0xFFFFF800  }
0x3b1: {  	_ =	swait.ge [sflag:s13], $0x800  }
0x3b2: {  	[sflag:s13] =	ssyncset.done $0x0  }
0x3b3: {  	[sflag:s13] =	ssyncadd.s32 $0xFFFFF800  }
0x3b4: {  	_ =	swait.ge [sflag:s13], $0x800  }
0x3b5: {  	[sflag:s13] =	ssyncset.done $0x0  }
0x3b6: {  	[sflag:s13] =	ssyncadd.s32 $0xFFFFF800  }
0x3b7: {  	_ =	swait.ge [sflag:s13], $0x800  }
0x3b8: {  	[sflag:s13] =	ssyncset.done $0x0  }
0x3b9: {  	[sflag:s13] =	ssyncadd.s32 $0xFFFFF800  }
0x3ba: {  	_ =	swait.ge [sflag:s13], $0x800  }
0x3bb: {  	[sflag:s13] =	ssyncset.done $0x0  }
0x3bc: {  	[sflag:s13] =	ssyncadd.s32 $0xFFFFF800  }
0x3bd: {  	_ =	swait.ge [sflag:s13], $0x800  }
0x3be: {  	[sflag:s13] =	ssyncset.done $0x0  }
0x3bf: {  	[sflag:s13] =	ssyncadd.s32 $0xFFFFF800  }
0x3c0: {  	_ =	swait.ge [sflag:s13], $0x800  }
0x3c1: {  	[sflag:s13] =	ssyncset.done $0x0  }
0x3c2: {  	[sflag:s13] =	ssyncadd.s32 $0xFFFFF800  }
0x3c3: {  	_ =	swait.ge [sflag:s13], $0x800  }
0x3c4: {  	[sflag:s13] =	ssyncset.done $0x0  }
0x3c5: {  	[sflag:s13] =	ssyncadd.s32 $0xFFFFF800  }
0x3c6: {  	_ =	swait.ge [sflag:s13], $0x800  }
0x3c7: {  	[sflag:s13] =	ssyncset.done $0x0  }
0x3c8: {  	[sflag:s13] =	ssyncadd.s32 $0xFFFFF800  }
0x3c9: {  	_ =	swait.ge [sflag:s13], $0x800  }
0x3ca: {  	[sflag:s13] =	ssyncset.done $0x0  }
0x3cb: {  	[sflag:s13] =	ssyncadd.s32 $0xFFFFF800  }
0x3cc: {  	_ =	swait.ge [sflag:s13], $0x800  }
0x3cd: {  	[sflag:s13] =	ssyncset.done $0x0  }
0x3ce: {  	[sflag:s13] =	ssyncadd.s32 $0xFFFFF800  }
0x3cf: {  	_ =	swait.ge [sflag:s13], $0x800  }
0x3d0: {  	[sflag:s13] =	ssyncset.done $0x0  }
0x3d1: {  	[sflag:s13] =	ssyncadd.s32 $0xFFFFF800  }
0x3d2: {  	_ =	swait.ge [sflag:s13], $0x800  }
0x3d3: {  	[sflag:s13] =	ssyncset.done $0x0  }
0x3d4: {  	[sflag:s13] =	ssyncadd.s32 $0xFFFFF800  }
0x3d5: {  	_ =	swait.ge [sflag:s13], $0x800  }
0x3d6: {  	[sflag:s13] =	ssyncset.done $0x0  }
0x3d7: {  	[sflag:s13] =	ssyncadd.s32 $0xFFFFF800  }
0x3d8: {  	_ =	swait.ge [sflag:s13], $0x800  }
0x3d9: {  	[sflag:s13] =	ssyncset.done $0x0  }
0x3da: {  	s15 =	simm.s32 $0x0;
	[sflag:s13] =	ssyncadd.s32 $0xFFFFF800  }
0x3db: {  	v4 =	vld [tilespmem:s15+$0x11800]  }
0x3dc: {  	v5 =	vld [tilespmem:s15+$0x11000]  }
0x3dd: {  	v6 =	vld [tilespmem:s15+$0x16000]  }
0x3de: {  	v7 =	vld [tilespmem:s15+$0x10800]  }
0x3df: {  	v8 =	vld [tilespmem:s15+$0xC800]  }
0x3e0: {  	v9 =	vld [tilespmem:s15+$0x10000]  }
0x3e1: {  	v10 =	vld [tilespmem:s15+$0xF800]  }
0x3e2: {  	v11 =	vld [tilespmem:s15+$0x13800]  }
0x3e3: {  	v12 =	vld [tilespmem:s15+$0x13000]  }
0x3e4: {  	v13 =	vld [tilespmem:s15+$0x12800]  }
0x3e5: {  	v14 =	vld [tilespmem:s15+$0xE800]  }
0x3e6: {  	v15 =	vld [tilespmem:s15+$0x12000]  }
0x3e7: {  	v16 =	vld [tilespmem:s15+$0xD000]  }
0x3e8: {  	v17 =	vld [tilespmem:s15+$0xD800]  }
0x3e9: {  	v18 =	vld [tilespmem:s15+$0xE000]  }
0x3ea: {  	v19 =	vld [tilespmem:s15+$0xF000]  }
0x3eb: {  	v20 =	vld [tilespmem:s15+$0x14800]  }
0x3ec: {  	v21 =	vld [tilespmem:s15+$0x15000]  }
0x3ed: {  	v22 =	vld [tilespmem:s15+$0x15800]  }
0x3ee: {  	s16 =	simm.s32 $0x10;
	v23 =	vld [tilespmem:s15+$0x14000]  }
0x3ef: {  	v24 =	vld [tilespmem:s16+$0x11800]  }
0x3f0: {  	v25 =	vld [tilespmem:s16+$0x11000]  }
0x3f1: {  	s31 =	simm.s32 $0x20;
	v26 =	vld [tilespmem:s16+$0x16000]  }
0x3f2: {  	v27 =	vld [tilespmem:s31+$0x11000];
	v9 =	vadd.f32 v9, v10;
	v5 =	vadd.f32 v5, v7  }
0x3f3: {  	s17 =	simm.s32 $0x30;
	v28 =	vld [tilespmem:s31+$0x15800];
	v10 =	vadd.f32 v12, v13;
	v4 =	vadd.f32 v15, v4  }
0x3f4: {  	v29 =	vld [tilespmem:s17+$0x11000];
	v8 =	vadd.f32 v16, v8;
	v13 =	vadd.f32 v19, v14  }
0x3f5: {  	v30 =	vld [tilespmem:s17+$0xC800];
	v15 =	vadd.f32 v18, v17;
	v11 =	vadd.f32 v23, v11  }
0x3f6: {  	v7 =	vld [tilespmem:s16+$0x10800];
	v4 =	vadd.f32 v4, v5;
	v5 =	vadd.f32 v9, v13  }
0x3f7: {  	v12 =	vld [tilespmem:s16+$0xC800];
	v8 =	vadd.f32 v15, v8;
	v10 =	vadd.f32 v11, v10  }
0x3f8: {  	v14 =	vld [tilespmem:s16+$0x10000];
	v6 =	vadd.f32 v6, v22;
	v13 =	vadd.f32 v21, v20  }
0x3f9: {  	v16 =	vld [tilespmem:s16+$0xF800];
	v5 =	vadd.f32 v5, v8;
	v4 =	vadd.f32 v10, v4  }
0x3fa: {  	v17 =	vld [tilespmem:s16+$0xF000]  }
0x3fb: {  	v23 =	vld [tilespmem:s16+$0x14000];
	v6 =	vadd.f32 v6, v13;
	v4 =	vadd.f32 v4, v5  }
0x3fc: {  	v9 =	vld [tilespmem:s16+$0x13800]  }
0x3fd: {  	v11 =	vld [tilespmem:s16+$0x13000];
	v4 =	vadd.f32 v6, v4  }
0x3fe: {  	v15 =	vld [tilespmem:s16+$0x12800]  }
0x3ff: {  	v8 =	vld [tilespmem:s16+$0xE800];
	v18 =	vmul.f32 v4, v4  }
0x400: {  	v10 =	vld [tilespmem:s16+$0x12000]  }
0x401: {  	v13 =	vld [tilespmem:s16+$0xD800];
	v21 =	vperm.xlane v18, v0  }
0x402: {  	v5 =	vld [tilespmem:s16+$0xD000]  }
0x403: {  	v6 =	vld [tilespmem:s16+$0xE000];
	v18 =	vadd.f32 v18, v21  }
0x404: {  	v62 =	vld [tilespmem:s17+$0xD000];
	v14 =	vadd.f32 v14, v16  }
0x405: {  	v19 =	vld [tilespmem:s16+$0x14800];
	v7 =	vadd.f32 v25, v7;
	v11 =	vadd.f32 v11, v15;
	v16 =	vperm.xlane v18, v1  }
0x406: {  	v22 =	vld [tilespmem:s16+$0x15800];
	v9 =	vadd.f32 v23, v9;
	v10 =	vadd.f32 v10, v24  }
0x407: {  	v20 =	vld [tilespmem:s16+$0x15000];
	v5 =	vadd.f32 v5, v12;
	v12 =	vadd.f32 v18, v16  }
0x408: {  	v25 =	vld [tilespmem:s31+$0x16000];
	v8 =	vadd.f32 v17, v8;
	v6 =	vadd.f32 v6, v13  }
0x409: {  	v15 =	vld [tilespmem:s31+$0x10800];
	v9 =	vadd.f32 v9, v11;
	v7 =	vadd.f32 v10, v7;
	v10 =	vperm.xlane v12, v2  }
0x40a: {  	v17 =	vld [tilespmem:s31+$0xF800];
	v8 =	vadd.f32 v14, v8;
	v5 =	vadd.f32 v6, v5  }
0x40b: {  	v11 =	vld [tilespmem:s31+$0x13000];
	v14 =	vadd.f32 v26, v22;
	v10 =	vadd.f32 v12, v10  }
0x40c: {  	v22 =	vld [tilespmem:s31+$0xF000];
	v7 =	vadd.f32 v9, v7;
	v5 =	vadd.f32 v8, v5  }
0x40d: {  	v13 =	vld [tilespmem:s31+$0x10000];
	v12 =	vadd.f32 v20, v19;
	v8 =	vperm.xlane v10, v3  }
0x40e: {  	v9 =	vld [tilespmem:s31+$0xE800];
	v5 =	vadd.f32 v7, v5  }
0x40f: {  	v21 =	vld [tilespmem:s31+$0x11800];
	v12 =	vadd.f32 v14, v12;
	v7 =	vadd.f32 v10, v8  }
0x410: {  	v6 =	vld [tilespmem:s31+$0x13800]  }
0x411: {  	v14 =	vld [tilespmem:s31+$0x12000];
	v5 =	vadd.f32 v12, v5;
	v12 =	vshra.s32 v7, $0x1;
	v19 =	vmul.f32 $5.000000000e-01, v7  }
0x412: {  	v16 =	vld [tilespmem:s31+$0xC800];
	v12 =	vsub.s32 $0x5F3759DF, v12  }
0x413: {  	v20 =	vld [tilespmem:s31+$0xE000];
	v7 =	vmul.f32 v5, v5;
	v23 =	vmul.f32 v12, v19  }
0x414: {  	v15 =	vadd.f32 v27, v15;
	v8 =	vld [tilespmem:s31+$0xD000]  }
0x415: {  	v13 =	vadd.f32 v13, v17;
	v10 =	vld [tilespmem:s31+$0xD800];
	v17 =	vperm.xlane v7, v0;
	v23 =	vmul.f32 v12, v23  }
0x416: {  	v18 =	vld [tilespmem:s31+$0x12800];
	v9 =	vadd.f32 v22, v9;
	v14 =	vadd.f32 v14, v21  }
0x417: {  	v21 =	vld [tilespmem:s31+$0x14000];
	v17 =	vadd.f32 v7, v17;
	v23 =	vsub.f32 $1.500000000e+00, v23  }
0x418: {  	v24 =	vld [tilespmem:s31+$0x14800];
	v13 =	vadd.f32 v13, v9  }
0x419: {  	v26 =	vld [tilespmem:s31+$0x15000];
	v14 =	vadd.f32 v14, v15;
	v15 =	vperm.xlane v17, v1;
	v12 =	vmul.f32 v12, v23  }
0x41a: {  	v27 =	vld [tilespmem:s17+$0x11800];
	v8 =	vadd.f32 v8, v16;
	v10 =	vadd.f32 v20, v10  }
0x41b: {  	v22 =	vld [tilespmem:s17+$0x10800];
	v11 =	vadd.f32 v11, v18;
	v15 =	vadd.f32 v17, v15;
	v17 =	vmul.f32 v12, v19  }
0x41c: {  	v9 =	vld [tilespmem:s17+$0x13800];
	v8 =	vadd.f32 v10, v8;
	v6 =	vadd.f32 v21, v6  }
0x41d: {  	v18 =	vadd.f32 v25, v28;
	v20 =	vld [tilespmem:s17+$0x10000];
	v21 =	vperm.xlane v15, v2;
	v17 =	vmul.f32 v17, v12  }
0x41e: {  	v7 =	vld [tilespmem:s17+$0x16000];
	v8 =	vadd.f32 v13, v8;
	v6 =	vadd.f32 v6, v11  }
0x41f: {  	v13 =	vld [tilespmem:s17+$0xE800];
	v10 =	vadd.f32 v15, v21;
	v11 =	vsub.f32 $1.500000000e+00, v17  }
0x420: {  	v16 =	vadd.f32 v26, v24;
	v23 =	vld [tilespmem:s17+$0xF800];
	v6 =	vadd.f32 v6, v14  }
0x421: {  	v15 =	vld [tilespmem:s17+$0x13000];
	v14 =	vperm.xlane v10, v3;
	v12 =	vmul.f32 v11, v12  }
0x422: {  	v21 =	vld [tilespmem:s17+$0x12000];
	v6 =	vadd.f32 v6, v8;
	v11 =	vadd.f32 v18, v16  }
0x423: {  	v17 =	vld [tilespmem:s17+$0x12800];
	v10 =	vadd.f32 v10, v14;
	v18 =	vmul.f32 v12, v19  }
0x424: {  	v14 =	vld [tilespmem:s17+$0xD800];
	v8 =	vadd.f32 v11, v6  }
0x425: {  	v16 =	vld [tilespmem:s17+$0xE000];
	v19 =	vshra.s32 v10, $0x1;
	v6 =	vmul.f32 $5.000000000e-01, v10;
	v24 =	vmul.f32 v18, v12  }
0x426: {  	v11 =	vadd.f32 v20, v23;
	v23 =	vld [tilespmem:s17+$0xF000];
	v10 =	vsub.s32 $0x5F3759DF, v19;
	v18 =	vmul.f32 v8, v8  }
0x427: {  	v22 =	vadd.f32 v29, v22;
	v20 =	vld [tilespmem:s17+$0x14800];
	v19 =	vmul.f32 v10, v6;
	v63 =	vsub.f32 $1.500000000e+00, v24  }
0x428: {  	v26 =	vadd.f32 v21, v27;
	v15 =	vadd.f32 v15, v17;
	v24 =	vld [tilespmem:s17+$0x15000];
	v25 =	vperm.xlane v18, v0  }
0x429: {  	s7 =	simm.s32 $0x100;
	v21 =	vld [tilespmem:s17+$0x15800];
	v17 =	vmul.f32 v10, v19;
	v19 =	vadd.f32 v62, v30;
	v12 =	vmul.f32 v63, v12  }
.LBB2_8:
0x42a: {  	s18 =	sshra.s32 s7, $0x2;
	p0 =	sne.s32 s7, $0x1FC0;
	s7 =	sadd.s32 $0x40, s7;
	v27 =	vld [tilespmem:s17+$0x14000];
	v22 =	vadd.f32 v26, v22;
	v18 =	vadd.f32 v18, v25  }
0x42b: {  	v17 =	vsub.f32 $1.500000000e+00, v17;
	v25 =	vld [tilespmem:s18+$0x11800];
	v13 =	vadd.f32 v23, v13;
	v12 =	vmul.f32 v12, v4;
	v4 =	vmovc v5;
	v5 =	vmovc v8  }
0x42c: {  	v23 =	vld [tilespmem:s18+$0x11000];
	v8 =	vperm.xlane v18, v1  }
0x42d: {  	v10 =	vmul.f32 v10, v17;
	v26 =	vld [tilespmem:s18+$0x16000];
	v20 =	vadd.f32 v24, v20;
	[tilespmem:s15+$0x18000] =	vst v12;
	s15 =	smov.u32 s16;
	s16 =	smov.u32 s31;
	s31 =	smov.u32 s17  }
0x42e: {  	v14 =	vadd.f32 v16, v14;
	s17 =	smov.u32 s18;
	v12 =	vld [tilespmem:s18+$0x10800];
	v8 =	vadd.f32 v18, v8  }
0x42f: {  	v17 =	vadd.f32 v7, v21;
	v24 =	vmul.f32 v10, v6;
	v28 =	vld [tilespmem:s17+$0xC800];
	v16 =	vadd.f32 v27, v9  }
0x430: {  	v11 =	vadd.f32 v11, v13;
	v18 =	vld [tilespmem:s17+$0x10000];
	v13 =	vperm.xlane v8, v2  }
0x431: {  	v14 =	vadd.f32 v14, v19;
	v19 =	vmul.f32 v24, v10;
	v21 =	vld [tilespmem:s17+$0xF800]  }
0x432: {  	v15 =	vadd.f32 v16, v15;
	v9 =	vld [tilespmem:s17+$0x13800];
	v8 =	vadd.f32 v8, v13;
	v7 =	vmov v26  }
0x433: {  	v11 =	vadd.f32 v11, v14;
	v14 =	vsub.f32 $1.500000000e+00, v19;
	v24 =	vld [tilespmem:s17+$0x13000]  }
0x434: {  	v16 =	vadd.f32 v17, v20;
	v15 =	vadd.f32 v15, v22;
	v19 =	vld [tilespmem:s17+$0x12800];
	v17 =	vperm.xlane v8, v3  }
0x435: {  	v27 =	vmul.f32 v14, v10;
	v13 =	vld [tilespmem:s17+$0xE800]  }
0x436: {  	v10 =	vadd.f32 v15, v11;
	v26 =	vld [tilespmem:s17+$0x12000];
	v15 =	vadd.f32 v8, v17  }
0x437: {  	v11 =	vadd.f32 v18, v21;
	v17 =	vmul.f32 v27, v6;
	v29 =	vld [tilespmem:s17+$0xD000]  }
0x438: {  	v8 =	vadd.f32 v16, v10;
	v14 =	vld [tilespmem:s17+$0xD800];
	v10 =	vshra.s32 v15, $0x1;
	v6 =	vmul.f32 $5.000000000e-01, v15  }
.Ltmp3:
0x439: {  	v22 =	vadd.f32 v23, v12;
	v12 =	vmul.f32 v17, v27;
	v16 =	vld [tilespmem:s17+$0xE000];
	v10 =	vsub.s32 $0x5F3759DF, v10;
	(pc) =	sbr.rel @p0 .LBB2_8-.Ltmp3, $4  }
0x43a: {  	v15 =	vadd.f32 v24, v19;
	v18 =	vmul.f32 v8, v8;
	v23 =	vld [tilespmem:s17+$0xF000];
	v17 =	vmul.f32 v10, v6  }
0x43b: {  	v12 =	vsub.f32 $1.500000000e+00, v12;
	v20 =	vld [tilespmem:s17+$0x14800];
	v26 =	vadd.f32 v26, v25  }
0x43c: {  	v25 =	vperm.xlane v18, v0;
	v24 =	vld [tilespmem:s17+$0x15000];
	v17 =	vmul.f32 v10, v17  }
0x43d: {  	v19 =	vadd.f32 v29, v28;
	v12 =	vmul.f32 v12, v27;
	v21 =	vld [tilespmem:s17+$0x15800]  }
0x43e: {  	v27 =	vld [tilespmem:s17+$0x14000];
	_ =	sdelay $0x3  }
0x43f: {  	v14 =	vadd.f32 v16, v14  }
0x440: {  	v13 =	vadd.f32 v23, v13;
	v9 =	vadd.f32 v27, v9  }
0x441: {  	v48 =	vadd.f32 v26, v22;
	v49 =	vadd.f32 v14, v19  }
0x442: {  	v11 =	vadd.f32 v11, v13;
	v9 =	vadd.f32 v9, v15  }
0x443: {  	v50 =	vadd.f32 v24, v20;
	v7 =	vadd.f32 v7, v21  }
0x444: {  	v11 =	vadd.f32 v11, v49;
	v9 =	vadd.f32 v9, v48;
	_ =	sdelay $0x1  }
0x445: {  	v7 =	vadd.f32 v7, v50;
	v9 =	vadd.f32 v9, v11;
	_ =	sdelay $0x1  }
0x446: {  	v7 =	vadd.f32 v7, v9;
	_ =	sdelay $0x1  }
0x447: {  	v9 =	vmul.f32 v7, v7;
	_ =	sdelay $0x1  }
0x448: {  	v51 =	vperm.xlane v9, v0  }
0x449: {  	v52 =	vadd.f32 v18, v25  }
0x44a: {  	v9 =	vadd.f32 v9, v51  }
0x44b: {  	v53 =	vperm.xlane v52, v1  }
0x44c: {  	v54 =	vperm.xlane v9, v1  }
0x44d: {  	v11 =	vadd.f32 v52, v53  }
0x44e: {  	v9 =	vadd.f32 v9, v54  }
0x44f: {  	v13 =	vperm.xlane v11, v2  }
0x450: {  	v14 =	vperm.xlane v9, v2  }
0x451: {  	v11 =	vadd.f32 v11, v13  }
0x452: {  	v9 =	vadd.f32 v9, v14  }
0x453: {  	v13 =	vperm.xlane v11, v3  }
0x454: {  	v14 =	vperm.xlane v9, v3  }
0x455: {  	v11 =	vadd.f32 v11, v13  }
0x456: {  	v9 =	vadd.f32 v9, v14  }
0x457: {  	v13 =	vshra.s32 v11, $0x1;
	v11 =	vmul.f32 $5.000000000e-01, v11  }
0x458: {  	v13 =	vsub.s32 $0x5F3759DF, v13;
	v14 =	vshra.s32 v9, $0x1;
	v9 =	vmul.f32 $5.000000000e-01, v9  }
0x459: {  	v55 =	vmul.f32 v13, v11;
	v14 =	vsub.s32 $0x5F3759DF, v14  }
0x45a: {  	v56 =	vmul.f32 v14, v9  }
0x45b: {  	v15 =	vmul.f32 v13, v55  }
0x45c: {  	v17 =	vsub.f32 $1.500000000e+00, v17;
	v16 =	vmul.f32 v14, v56  }
0x45d: {  	v15 =	vsub.f32 $1.500000000e+00, v15  }
0x45e: {  	v10 =	vmul.f32 v10, v17;
	v16 =	vsub.f32 $1.500000000e+00, v16  }
0x45f: {  	v13 =	vmul.f32 v13, v15  }
0x460: {  	v57 =	vmul.f32 v10, v6;
	v14 =	vmul.f32 v14, v16  }
0x461: {  	v58 =	vmul.f32 v13, v11  }
0x462: {  	v15 =	vmul.f32 v57, v10;
	v59 =	vmul.f32 v14, v9  }
0x463: {  	v16 =	vmul.f32 v58, v13  }
0x464: {  	v15 =	vsub.f32 $1.500000000e+00, v15;
	v17 =	vmul.f32 v59, v14  }
0x465: {  	v16 =	vsub.f32 $1.500000000e+00, v16  }
0x466: {  	v10 =	vmul.f32 v15, v10;
	v60 =	vsub.f32 $1.500000000e+00, v17  }
0x467: {  	v13 =	vmul.f32 v16, v13  }
0x468: {  	v61 =	vmul.f32 v10, v6;
	v14 =	vmul.f32 v60, v14  }
0x469: {  	v11 =	vmul.f32 v13, v11  }
0x46a: {  	v6 =	vmul.f32 v61, v10;
	v9 =	vmul.f32 v14, v9  }
0x46b: {  	v11 =	vmul.f32 v11, v13  }
0x46c: {  	v6 =	vsub.f32 $1.500000000e+00, v6;
	v9 =	vmul.f32 v9, v14  }
0x46d: {  	v11 =	vsub.f32 $1.500000000e+00, v11  }
0x46e: {  	v6 =	vmul.f32 v6, v10;
	v9 =	vsub.f32 $1.500000000e+00, v9  }
0x46f: {  	v4 =	vmul.f32 v12, v4;
	v62 =	vmul.f32 v11, v13  }
0x470: {  	v5 =	vmul.f32 v6, v5;
	v63 =	vmul.f32 v9, v14  }
0x471: {  	[tilespmem:s15+$0x18000] =	vst v4;
	v4 =	vmul.f32 v62, v8  }
0x472: {  	[tilespmem:s16+$0x18000] =	vst v5;
	v5 =	vmul.f32 v63, v7  }
0x473: {  	[tilespmem:s31+$0x18000] =	vst v4  }
0x474: {  	s7 =	rddreg [dreg:$0x15];
	s0 =	simm.s32 $0x16800;
	s29 =	simm.s32 $0x3;
	[tilespmem:s17+$0x18000] =	vst v5  }
0x475: {  	[hbm4b:s7+s2] =	stream.linear.scatter [tilespmem:s0], [sflag:$0x3], $0x2000, $0x38;
	[tilespmem:$0x18800] =	vst v63  }
0x476: {  	_ =	swait.ge [sflag:s29], $0x2000  }
0x477: {  	s14 =	sadd.s32 $0x1, s14;
	s31 =	rddreg [dreg:$0x18]  }
0x478: {  	p0 =	sne.s32 s14, s31  }
.Ltmp4:
0x479: {  	_ = 	snop;
	(pc) =	sbr.rel @p0 .LBB2_1-.Ltmp4, $3  }
0x47a: {  	_ =	sdelay $0x1  }
0x47b: {  	[sflag:s29] =	ssyncset.done $0x0  }
0x47c: {  	[sflag:s29] =	ssyncadd.s32 $0xFFFFE000  }
0x47d: {  	_ =	sfence.sel $0x180000  }
0x47e: {  	[bflag:$0x0] =	sbarrier.arrive $0xFFFF  }
0x47f: {  	_ =	strace $0x90000047  }
0x480: {  	s0 =	stileid.u32;
	[bflag:$0x2] =	sbarrier.arrive $0xFFFF  }
0x481: {  	p0 =	sne.s32 s0, $0x0;
	s0 =	rddreg [dreg:$0x2]  }
0x482: {  	s0 =	sadd.s32 @!p0 $0x100000, s0  }
0x483: {  	[sflag:s0] =	ssyncadd.tile.s32 @!p0 $0x1;
	_ =	shalt  }
.Lfunc_end2:
_tile_overlayer_lowered:
.L_overlay_start_2:
0x484: {  	(tag) =	ssettag $0x2  }
0x485: {  	s0 =	rddreg [dreg:$0x0];
	s2 =	stileid.u32  }
0x486: {  	s1 =	rddreg [dreg:$0x1];
	p0 =	sne.s32 s2, $0x0  }
0x487: {  	s3 =	rddreg [dreg:$0x2];
	[bflag:$0x3] =	sbarrier.arrive $0xFFFF;
	s2 =	simm.s32 @!p0 $0x1C03  }
0x488: {  	[timem:s3], [sflag:s2] =	dma.local @!p0 [hbm:s0], s1  }
0x489: {  	s0 =	simm.s32 @!p0 $0x3  }
0x48a: {  	_ =	swait.ge @!p0 [sflag:s0], s1  }
0x48b: {  	s1 =	ssub.s32 @!p0 $0x0, s1;
	[sflag:s0] =	ssyncset.done @!p0 $0x0  }
0x48c: {  	[sflag:s0] =	ssyncadd.s32 @!p0 s1  }
0x48d: {  	[bflag:$0x3] =	sbarrier.arrive $0xFFFF  }
0x48e: {  	_ =	shalt  }

</sc_bundles>
